<compile_context>
chip_gen: v7x
topology: tpu7x:2x2x1
jax: 0.10.2.dev20260603
libtpu: 0.0.44.dev20260713+nightly
codegen_flags: <defaults>
</compile_context>

<pallas_src>
import functools

import jax
import jax.numpy as jnp
from jax import lax
from jax.experimental import pallas as pl
from jax.experimental.pallas import tpu as pltpu
from jax.experimental.pallas import tpu_sc as plsc

N = 16384
C = 1000
GAMMA = 2.0
IGNORE_ID = -1

N_SC = 8192

NC = 2
NS = 16
NW = NC * NS
RPW = N_SC // NW
RBLK = 128
NRB = RPW // RBLK
NGR = RBLK // 16
CCH = 200
NCH = C // CCH
STEPS = NRB * NCH

BRT = 1024
NB_TC = (N - N_SC) // BRT

_LN2 = 0.6931471805599453
_NEG = -3.0e38


def _ln(s):
    bits = lax.bitcast_convert_type(s, jnp.int32)
    e = ((bits >> 23) & 0xFF) - 127
    mbits = (bits & 0x007FFFFF) | 0x3F800000
    m = lax.bitcast_convert_type(mbits, jnp.float32)
    big = m > 1.4142135381698608
    m = jnp.where(big, m * 0.5, m)
    e = e + jnp.where(big, 1, 0)
    z = (m - 1.0) / (m + 1.0)
    z2 = z * z
    poly = 1.0 + z2 * (0.3333333432674408 + z2 * (0.20000000298023224 + z2 * 0.14285714924335480))
    lnm = 2.0 * z * poly
    return e.astype(jnp.float32) * _LN2 + lnm


def _sc_body(xT_hbm, t_hbm, a_hbm, out_hbm, bufs, tgt, alo, ob, sem):
    wid = lax.axis_index("s") * NC + lax.axis_index("c")
    row0 = wid * RPW
    iota = lax.iota(jnp.int32, 16)

    pltpu.sync_copy(t_hbm.at[pl.ds(row0, RPW)], tgt)
    pltpu.sync_copy(a_hbm, alo)

    def step_slices(s):
        rblk = lax.div(s, NCH)
        ch = s - rblk * NCH
        cbase = ch * CCH
        rbase = row0 + rblk * RBLK
        return rblk, ch, cbase, rbase

    def start_step(s, par):
        _, _, cbase, rbase = step_slices(s)
        pltpu.async_copy(
            xT_hbm.at[pl.ds(cbase, CCH), pl.ds(rbase, RBLK)],
            bufs.at[par],
            sem.at[par],
        )

    def wait_step(s, par):
        _, _, cbase, rbase = step_slices(s)
        pltpu.make_async_copy(
            xT_hbm.at[pl.ds(cbase, CCH), pl.ds(rbase, RBLK)],
            bufs.at[par],
            sem.at[par],
        ).wait()

    def step_body(s, carry):
        ms, ss, xs, acc, cnt = carry
        par = lax.rem(s, 2)
        rblk, ch, cbase, _ = step_slices(s)
        wait_step(s, par)

        @pl.when(s + 1 < STEPS)
        def _():
            start_step(s + 1, 1 - par)

        buf = bufs.at[par]

        SLAB = 25
        NSLAB = CCH // SLAB

        def slab_body(j, carry):
            cms_c, css_c = carry
            base = j * SLAB
            cms_o, css_o = [], []
            for g in range(NGR):
                vals = [
                    buf[base + k, pl.ds(g * 16, 16)] for k in range(SLAB)
                ]
                parts = list(vals)
                while len(parts) > 1:
                    parts = [
                        jnp.maximum(parts[q], parts[q + 1])
                        for q in range(0, len(parts) - 1, 2)
                    ] + ([parts[-1]] if len(parts) % 2 else [])
                sm = parts[0]
                sacc = [None, None, None]
                for k, v in enumerate(vals):
                    e = jnp.exp(v - sm)
                    a = sacc[k % 3]
                    sacc[k % 3] = e if a is None else a + e
                ssum = (sacc[0] + sacc[1]) + sacc[2]
                nm = jnp.maximum(cms_c[g], sm)
                ns = css_c[g] * jnp.exp(cms_c[g] - nm) + ssum * jnp.exp(sm - nm)
                cms_o.append(nm)
                css_o.append(ns)
            return tuple(cms_o), tuple(css_o)

        cms, css = lax.fori_loop(
            0, NSLAB, slab_body,
            (
                tuple(jnp.full((16,), _NEG, jnp.float32) for _ in range(NGR)),
                tuple(jnp.zeros((16,), jnp.float32) for _ in range(NGR)),
            ),
        )

        ms_n, ss_n, xs_n = [], [], []
        for g in range(NGR):
            nm = jnp.maximum(ms[g], cms[g])
            ns = ss[g] * jnp.exp(ms[g] - nm) + css[g] * jnp.exp(cms[g] - nm)
            t = tgt[pl.ds(pl.multiple_of(rblk * RBLK + g * 16, 16), 16)]
            ts = jnp.where(t != IGNORE_ID, t, 0)
            inchunk = (ts >= cbase) & (ts < cbase + CCH)
            idx = jnp.clip(ts - cbase, 0, CCH - 1)
            gx = plsc.load_gather(buf, [idx, g * 16 + iota])
            nx = jnp.where(inchunk, gx, xs[g])
            ms_n.append(nm)
            ss_n.append(ns)
            xs_n.append(nx)

        def epilogue(args):
            ms_e, ss_e, xs_e, acc_e, cnt_e = args
            for g in range(NGR):
                t = tgt[pl.ds(pl.multiple_of(rblk * RBLK + g * 16, 16), 16)]
                valid = t != IGNORE_ID
                ts = jnp.where(valid, t, 0)
                logp = (xs_e[g] - ms_e[g]) - _ln(ss_e[g])
                p = jnp.exp(logp)
                av = plsc.load_gather(alo, [ts])
                om = 1.0 - p
                loss = -av * om * om * logp
                acc_e = acc_e + jnp.where(valid, loss, 0.0)
                cnt_e = cnt_e + jnp.where(valid, 1.0, 0.0)
            z = jnp.zeros((16,), jnp.float32)
            neg = jnp.full((16,), _NEG, jnp.float32)
            return (
                tuple(neg for _ in range(NGR)),
                tuple(z for _ in range(NGR)),
                tuple(z for _ in range(NGR)),
                acc_e,
                cnt_e,
            )

        return lax.cond(
            ch == NCH - 1,
            epilogue,
            lambda args: args,
            (tuple(ms_n), tuple(ss_n), tuple(xs_n), acc, cnt),
        )

    z16 = jnp.zeros((16,), jnp.float32)
    neg16 = jnp.full((16,), _NEG, jnp.float32)
    init = (
        tuple(neg16 for _ in range(NGR)),
        tuple(z16 for _ in range(NGR)),
        tuple(z16 for _ in range(NGR)),
        z16,
        z16,
    )
    start_step(0, 0)
    _, _, _, acc, cnt = lax.fori_loop(0, STEPS, step_body, init)
    ob[0, :] = acc
    ob[1, :] = cnt
    pltpu.sync_copy(ob, out_hbm.at[wid])


def _focal_sc(xT, targets, alpha_flat):
    mesh = plsc.VectorSubcoreMesh(core_axis_name="c", subcore_axis_name="s")
    f = pl.kernel(
        _sc_body,
        out_type=jax.ShapeDtypeStruct((NW, 2, 16), jnp.float32),
        mesh=mesh,
        compiler_params=pltpu.CompilerParams(needs_layout_passes=False),
        scratch_types=[
            pltpu.VMEM((2, CCH, RBLK), jnp.float32),
            pltpu.VMEM((RPW,), jnp.int32),
            pltpu.VMEM((C,), jnp.float32),
            pltpu.VMEM((2, 16), jnp.float32),
            pltpu.SemaphoreType.DMA((2,)),
        ],
    )
    return f(xT, targets, alpha_flat)


def _tc_body(x_ref, t_ref, a_ref, loss_ref, cnt_ref):
    xb = x_ref[...]
    t = t_ref[0, 0, :]
    valid = t != IGNORE_ID
    ts = jnp.where(valid, t, 0)
    cls = lax.broadcasted_iota(jnp.int32, (C, BRT), 0)
    onehot = cls == ts[None, :]
    rmax = jnp.max(xb, axis=0)
    ex = jnp.exp(xb - rmax[None, :])
    s = jnp.sum(ex, axis=0)
    xt = jnp.sum(jnp.where(onehot, xb, 0.0), axis=0)
    ab = jnp.broadcast_to(a_ref[:, 0:1], (C, BRT))
    at = jnp.sum(jnp.where(onehot, ab, 0.0), axis=0)
    logp = (xt - rmax) - jnp.log(s)
    p = jnp.exp(logp)
    om = 1.0 - p
    loss = -at * om * om * logp
    vf = valid.astype(jnp.float32)
    loss_ref[0, 0, 0] = jnp.sum(loss * vf)
    cnt_ref[0, 0, 0] = jnp.sum(vf)


def _focal_tc(xT, t3d, alpha_col):
    return pl.pallas_call(
        _tc_body,
        grid=(NB_TC,),
        in_specs=[
            pl.BlockSpec((C, BRT), lambda i: (0, i + N_SC // BRT)),
            pl.BlockSpec((1, 1, BRT), lambda i: (i, 0, 0)),
            pl.BlockSpec((C, 128), lambda i: (0, 0)),
        ],
        out_specs=[
            pl.BlockSpec((1, 1, 1), lambda i: (i, 0, 0), memory_space=pltpu.SMEM),
            pl.BlockSpec((1, 1, 1), lambda i: (i, 0, 0), memory_space=pltpu.SMEM),
        ],
        out_shape=[
            jax.ShapeDtypeStruct((NB_TC, 1, 1), jnp.float32),
            jax.ShapeDtypeStruct((NB_TC, 1, 1), jnp.float32),
        ],
    )(xT, t3d, alpha_col)


def _combine_body(osc_ref, ltc_ref, ctc_ref, out_ref):
    loss = jnp.sum(osc_ref[:, 0, :]) + jnp.sum(ltc_ref[...])
    cnt = jnp.sum(osc_ref[:, 1, :]) + jnp.sum(ctc_ref[...])
    out_ref[0, 0] = loss / jnp.maximum(cnt, 1.0)


def _combine(out_sc, loss_tc, cnt_tc):
    return pl.pallas_call(
        _combine_body,
        out_specs=pl.BlockSpec(memory_space=pltpu.SMEM),
        out_shape=jax.ShapeDtypeStruct((1, 1), jnp.float32),
    )(out_sc, loss_tc, cnt_tc)


@jax.jit
def kernel(inputs, targets, alpha):
    alpha_flat = alpha.reshape(C)
    xT = inputs.T
    t3d = targets[N_SC:].reshape(NB_TC, 1, BRT)
    alpha_col = jnp.broadcast_to(alpha_flat[:, None], (C, 128))
    out = _focal_sc(xT, targets, alpha_flat)
    loss_tc, cnt_tc = _focal_tc(xT, t3d, alpha_col)
    return _combine(out, loss_tc, cnt_tc)[0, 0]

# --- scband reference (transcript-rebuilt; emitter-appended) ---
"""Pipeline reference for scband-focal-loss-89653147336826 (READ-ONLY COPY).

The authoritative reference and input builder live on the scoring server;
editing this copy changes nothing except your own understanding.
"""

import jax, jax.numpy as jnp
import numpy as np

N = 16384
CLASS_NUM = 1000
GAMMA = 2.0
IGNORE_ID = -1


def setup_inputs(seed: int = 0) -> dict:
    key = jax.random.key(seed)
    k1, k2 = jax.random.split(key)
    inputs = jax.random.normal(k1, (N, CLASS_NUM), dtype=jnp.float32)
    targets = jax.random.randint(k2, (N,), 0, CLASS_NUM, dtype=jnp.int32)
    # learned/parameter tensor per __init__: alpha defaults to ones(class_num, 1)
    alpha = jnp.ones((CLASS_NUM, 1), dtype=jnp.float32)
    return {"inputs": inputs, "targets": targets, "alpha": alpha}


def reference(inputs, targets, alpha):
    n, c = inputs.shape
    P = jax.nn.softmax(inputs, axis=1)
    # targets.ne(IGNORE_ID).long() * targets
    non_pad_mask = targets != IGNORE_ID
    targets_for_scatter = jnp.where(non_pad_mask, targets, 0)
    ids = targets_for_scatter.reshape(-1)
    # class_mask.scatter_(1, ids, 1.0)  -> one-hot via scatter-set
    class_mask = jnp.zeros((n, c), dtype=inputs.dtype).at[jnp.arange(n), ids].set(1.0)
    # alpha = self.alpha[ids]
    a = jnp.take(alpha, ids, axis=0).astype(jnp.float32)  # [N, 1]
    probs = jnp.sum(P * class_mask, axis=1, keepdims=True)  # [N, 1]
    log_p = jnp.log(probs)
    batch_loss = -a * jnp.power(1.0 - probs, GAMMA) * log_p  # [N, 1]
    # masked_select(non_pad_mask) then mean; with mask all-True the broadcast
    # mean equals the mean over valid rows.
    m = non_pad_mask.astype(batch_loss.dtype)
    loss = jnp.sum(batch_loss[:, 0] * m) / jnp.maximum(jnp.sum(m), 1.0)
    return loss

if __name__ == "__main__":
    import jax
    _d = setup_inputs()
    print(jax.jit(kernel)(*tuple(_d.values())))

</pallas_src>

<mosaic_0001>
#map = affine_map<(d0, d1) -> (0, 0)>
#map1 = affine_map<(d0, d1) -> (0)>
#map2 = affine_map<(d0, d1) -> (0, 0, 0)>
module attributes {stable_mosaic.version = 14 : i64} {
  func.func @_sc_body(%arg0: i32, %arg1: i32, %arg2: memref<1000x16384xf32, #tpu.memory_space<hbm>>, %arg3: memref<16384xi32, #tpu.memory_space<hbm>>, %arg4: memref<1000xf32, #tpu.memory_space<hbm>>, %arg5: memref<32x2x16xf32, #tpu.memory_space<hbm>>, %arg6: memref<2x200x128xf32, #tpu.memory_space<vmem>>, %arg7: memref<256xi32, #tpu.memory_space<vmem>>, %arg8: memref<1000xf32, #tpu.memory_space<vmem>>, %arg9: memref<2x16xf32, #tpu.memory_space<vmem>>, %arg10: memref<2x!tpu.dma_semaphore, #tpu.memory_space<semaphore_mem>>) attributes {dimension_semantics = [#tpu.dimension_semantics<core_parallel>, #tpu.dimension_semantics<subcore_parallel>], iteration_bounds = array<i64: 2, 16>, scalar_prefetch = 0 : i64, scratch_operands = 5 : i64, tpu.core_type = #tpu.core_type<sc_vector_subcore>, window_params = [{transform_indices = #map}, {transform_indices = #map1}, {transform_indices = #map1}, {transform_indices = #map2}]} {
    %mul3A = arith.constant 2 : i32
    %mul3A_0 = arith.muli %arg1, %mul3A : i32
    %add3A = arith.addi %mul3A_0, %arg0 : i32
    %mul3A_1 = arith.constant 256 : i32
    %mul3A_2 = arith.muli %add3A, %mul3A_1 : i32
    %iota3A = tpu.iota {dimensions = array<i32: 0>} : vector<16xi32>
    "tpu.region"() ({
      %run_scoped3A = tpu.sem_alloc : memref<!tpu.dma_semaphore, #tpu.memory_space<semaphore_mem>>
      %dma_start3A_41 = tpu.memref_slice %arg3[%mul3A_2] : memref<16384xi32, #tpu.memory_space<hbm>> -> memref<256xi32, #tpu.memory_space<hbm>>
      %dma_start3A_42 = tpu.memref_slice %arg3[%mul3A_2] : memref<16384xi32, #tpu.memory_space<hbm>> -> memref<256xi32, #tpu.memory_space<hbm>>
      tpu.enqueue_dma source(%dma_start3A_42 : memref<256xi32, #tpu.memory_space<hbm>>) target(%arg7 : memref<256xi32, #tpu.memory_space<vmem>>) target_semaphore(%run_scoped3A : memref<!tpu.dma_semaphore, #tpu.memory_space<semaphore_mem>>)
      %dma_wait3A = tpu.memref_slice %arg3[%mul3A_2] : memref<16384xi32, #tpu.memory_space<hbm>> -> memref<256xi32, #tpu.memory_space<hbm>>
      %dma_wait3A_43 = tpu.memref_slice %arg3[%mul3A_2] : memref<16384xi32, #tpu.memory_space<hbm>> -> memref<256xi32, #tpu.memory_space<hbm>>
      tpu.wait_dma2 semaphore(%run_scoped3A : memref<!tpu.dma_semaphore, #tpu.memory_space<semaphore_mem>>) src(%dma_wait3A_43 : memref<256xi32, #tpu.memory_space<hbm>>) dst(%arg7 : memref<256xi32, #tpu.memory_space<vmem>>)
      tpu.yield
    }) : () -> ()
    "tpu.region"() ({
      %run_scoped3A = tpu.sem_alloc : memref<!tpu.dma_semaphore, #tpu.memory_space<semaphore_mem>>
      tpu.enqueue_dma source(%arg4 : memref<1000xf32, #tpu.memory_space<hbm>>) target(%arg8 : memref<1000xf32, #tpu.memory_space<vmem>>) target_semaphore(%run_scoped3A : memref<!tpu.dma_semaphore, #tpu.memory_space<semaphore_mem>>)
      tpu.wait_dma2 semaphore(%run_scoped3A : memref<!tpu.dma_semaphore, #tpu.memory_space<semaphore_mem>>) src(%arg4 : memref<1000xf32, #tpu.memory_space<hbm>>) dst(%arg8 : memref<1000xf32, #tpu.memory_space<vmem>>)
      tpu.yield
    }) : () -> ()
    %broadcast_in_dim3A = arith.constant 0.000000e+00 : f32
    %broadcast_in_dim3A_3 = vector.broadcast %broadcast_in_dim3A : f32 to vector<16xf32>
    %broadcast_in_dim3A_4 = arith.constant -3.000000e+38 : f32
    %broadcast_in_dim3A_5 = vector.broadcast %broadcast_in_dim3A_4 : f32 to vector<16xf32>
    %div3A = arith.constant 0 : i32
    %div3A_6 = arith.constant 5 : i32
    %div3A_7 = arith.divsi %div3A, %div3A_6 : i32
    %mul3A_8 = arith.constant 5 : i32
    %mul3A_9 = arith.muli %div3A_7, %mul3A_8 : i32
    %sub3A = arith.constant 0 : i32
    %sub3A_10 = arith.subi %sub3A, %mul3A_9 : i32
    %mul3A_11 = arith.constant 200 : i32
    %mul3A_12 = arith.muli %sub3A_10, %mul3A_11 : i32
    %mul3A_13 = arith.constant 128 : i32
    %mul3A_14 = arith.muli %div3A_7, %mul3A_13 : i32
    %add3A_15 = arith.addi %mul3A_2, %mul3A_14 : i32
    %dma_start3A = arith.constant 0 : i32
    %dma_start3A_16 = arith.constant 0 : i32
    %dma_start3A_17 = arith.constant 0 : i32
    %dma_start3A_18 = arith.constant 0 : i32
    %dma_start3A_19 = tpu.memref_slice %arg6[%dma_start3A, %dma_start3A_17, %dma_start3A_18] : memref<2x200x128xf32, #tpu.memory_space<vmem>> -> memref<1x200x128xf32, #tpu.memory_space<vmem>>
    %dma_start3A_20 = tpu.memref_squeeze %dma_start3A_19 : memref<1x200x128xf32, #tpu.memory_space<vmem>> -> memref<200x128xf32, #tpu.memory_space<vmem>>
    %dma_start3A_21 = tpu.memref_slice %arg2[%mul3A_12, %add3A_15] : memref<1000x16384xf32, #tpu.memory_space<hbm>> -> memref<200x128xf32, #tpu.memory_space<hbm>>
    %dma_start3A_22 = tpu.memref_slice %arg10[%dma_start3A_16] : memref<2x!tpu.dma_semaphore, #tpu.memory_space<semaphore_mem>> -> memref<1x!tpu.dma_semaphore, #tpu.memory_space<semaphore_mem>>
    %dma_start3A_23 = tpu.memref_squeeze %dma_start3A_22 : memref<1x!tpu.dma_semaphore, #tpu.memory_space<semaphore_mem>> -> memref<!tpu.dma_semaphore, #tpu.memory_space<semaphore_mem>>
    %dma_start3A_24 = arith.constant 0 : i32
    %dma_start3A_25 = arith.constant 0 : i32
    %dma_start3A_26 = tpu.memref_slice %arg6[%dma_start3A, %dma_start3A_24, %dma_start3A_25] : memref<2x200x128xf32, #tpu.memory_space<vmem>> -> memref<1x200x128xf32, #tpu.memory_space<vmem>>
    %dma_start3A_27 = tpu.memref_squeeze %dma_start3A_26 : memref<1x200x128xf32, #tpu.memory_space<vmem>> -> memref<200x128xf32, #tpu.memory_space<vmem>>
    %dma_start3A_28 = tpu.memref_slice %arg2[%mul3A_12, %add3A_15] : memref<1000x16384xf32, #tpu.memory_space<hbm>> -> memref<200x128xf32, #tpu.memory_space<hbm>>
    tpu.enqueue_dma source(%dma_start3A_28 : memref<200x128xf32, #tpu.memory_space<hbm>>) target(%dma_start3A_27 : memref<200x128xf32, #tpu.memory_space<vmem>>) target_semaphore(%dma_start3A_23 : memref<!tpu.dma_semaphore, #tpu.memory_space<semaphore_mem>>)
    %scan3A = arith.constant 0 : i32
    %scan3A_29 = arith.constant 10 : i32
    %scan3A_30 = arith.addi %scan3A, %scan3A_29 : i32
    %scan3A_31 = arith.constant 1 : i32
    %scan3A_32:26 = scf.for %scan3A_41 = %scan3A to %scan3A_30 step %scan3A_31 iter_args(%scan3A_42 = %broadcast_in_dim3A_5, %scan3A_43 = %broadcast_in_dim3A_5, %scan3A_44 = %broadcast_in_dim3A_5, %scan3A_45 = %broadcast_in_dim3A_5, %scan3A_46 = %broadcast_in_dim3A_5, %scan3A_47 = %broadcast_in_dim3A_5, %scan3A_48 = %broadcast_in_dim3A_5, %scan3A_49 = %broadcast_in_dim3A_5, %scan3A_50 = %broadcast_in_dim3A_3, %scan3A_51 = %broadcast_in_dim3A_3, %scan3A_52 = %broadcast_in_dim3A_3, %scan3A_53 = %broadcast_in_dim3A_3, %scan3A_54 = %broadcast_in_dim3A_3, %scan3A_55 = %broadcast_in_dim3A_3, %scan3A_56 = %broadcast_in_dim3A_3, %scan3A_57 = %broadcast_in_dim3A_3, %scan3A_58 = %broadcast_in_dim3A_3, %scan3A_59 = %broadcast_in_dim3A_3, %scan3A_60 = %broadcast_in_dim3A_3, %scan3A_61 = %broadcast_in_dim3A_3, %scan3A_62 = %broadcast_in_dim3A_3, %scan3A_63 = %broadcast_in_dim3A_3, %scan3A_64 = %broadcast_in_dim3A_3, %scan3A_65 = %broadcast_in_dim3A_3, %scan3A_66 = %broadcast_in_dim3A_3, %scan3A_67 = %broadcast_in_dim3A_3) -> (vector<16xf32>, vector<16xf32>, vector<16xf32>, vector<16xf32>, vector<16xf32>, vector<16xf32>, vector<16xf32>, vector<16xf32>, vector<16xf32>, vector<16xf32>, vector<16xf32>, vector<16xf32>, vector<16xf32>, vector<16xf32>, vector<16xf32>, vector<16xf32>, vector<16xf32>, vector<16xf32>, vector<16xf32>, vector<16xf32>, vector<16xf32>, vector<16xf32>, vector<16xf32>, vector<16xf32>, vector<16xf32>, vector<16xf32>)  : i32 {
      %rem3A = arith.constant 2 : i32
      %rem3A_68 = arith.remsi %scan3A_41, %rem3A : i32
      %div3A_69 = arith.constant 5 : i32
      %div3A_70 = arith.divsi %scan3A_41, %div3A_69 : i32
      %mul3A_71 = arith.constant 5 : i32
      %mul3A_72 = arith.muli %div3A_70, %mul3A_71 : i32
      %sub3A_73 = arith.subi %scan3A_41, %mul3A_72 : i32
      %mul3A_74 = arith.constant 200 : i32
      %mul3A_75 = arith.muli %sub3A_73, %mul3A_74 : i32
      %mul3A_76 = arith.constant 128 : i32
      %mul3A_77 = arith.muli %div3A_70, %mul3A_76 : i32
      %add3A_78 = arith.addi %mul3A_2, %mul3A_77 : i32
      %div3A_79 = arith.constant 5 : i32
      %div3A_80 = arith.divsi %scan3A_41, %div3A_79 : i32
      %mul3A_81 = arith.constant 5 : i32
      %mul3A_82 = arith.muli %div3A_80, %mul3A_81 : i32
      %sub3A_83 = arith.subi %scan3A_41, %mul3A_82 : i32
      %mul3A_84 = arith.constant 200 : i32
      %mul3A_85 = arith.muli %sub3A_83, %mul3A_84 : i32
      %mul3A_86 = arith.constant 128 : i32
      %mul3A_87 = arith.muli %div3A_80, %mul3A_86 : i32
      %add3A_88 = arith.addi %mul3A_2, %mul3A_87 : i32
      %dma_wait3A = arith.constant 0 : i32
      %dma_wait3A_89 = arith.constant 0 : i32
      %dma_wait3A_90 = tpu.memref_slice %arg6[%rem3A_68, %dma_wait3A, %dma_wait3A_89] : memref<2x200x128xf32, #tpu.memory_space<vmem>> -> memref<1x200x128xf32, #tpu.memory_space<vmem>>
      %dma_wait3A_91 = tpu.memref_squeeze %dma_wait3A_90 : memref<1x200x128xf32, #tpu.memory_space<vmem>> -> memref<200x128xf32, #tpu.memory_space<vmem>>
      %dma_wait3A_92 = tpu.memref_slice %arg2[%mul3A_85, %add3A_88] : memref<1000x16384xf32, #tpu.memory_space<hbm>> -> memref<200x128xf32, #tpu.memory_space<hbm>>
      %dma_wait3A_93 = tpu.memref_slice %arg10[%rem3A_68] : memref<2x!tpu.dma_semaphore, #tpu.memory_space<semaphore_mem>> -> memref<1x!tpu.dma_semaphore, #tpu.memory_space<semaphore_mem>>
      %dma_wait3A_94 = tpu.memref_squeeze %dma_wait3A_93 : memref<1x!tpu.dma_semaphore, #tpu.memory_space<semaphore_mem>> -> memref<!tpu.dma_semaphore, #tpu.memory_space<semaphore_mem>>
      %dma_wait3A_95 = arith.constant 0 : i32
      %dma_wait3A_96 = arith.constant 0 : i32
      %dma_wait3A_97 = tpu.memref_slice %arg6[%rem3A_68, %dma_wait3A_95, %dma_wait3A_96] : memref<2x200x128xf32, #tpu.memory_space<vmem>> -> memref<1x200x128xf32, #tpu.memory_space<vmem>>
      %dma_wait3A_98 = tpu.memref_squeeze %dma_wait3A_97 : memref<1x200x128xf32, #tpu.memory_space<vmem>> -> memref<200x128xf32, #tpu.memory_space<vmem>>
      %dma_wait3A_99 = tpu.memref_slice %arg2[%mul3A_85, %add3A_88] : memref<1000x16384xf32, #tpu.memory_space<hbm>> -> memref<200x128xf32, #tpu.memory_space<hbm>>
      tpu.wait_dma2 semaphore(%dma_wait3A_94 : memref<!tpu.dma_semaphore, #tpu.memory_space<semaphore_mem>>) src(%dma_wait3A_99 : memref<200x128xf32, #tpu.memory_space<hbm>>) dst(%dma_wait3A_98 : memref<200x128xf32, #tpu.memory_space<vmem>>)
      %add3A_100 = arith.constant 1 : i32
      %add3A_101 = arith.addi %scan3A_41, %add3A_100 : i32
      %lt3A = arith.constant 10 : i32
      %lt3A_102 = arith.cmpi slt, %add3A_101, %lt3A : i32
      %convert_element_type3A = arith.extui %lt3A_102 : i1 to i32
      %cond3A = arith.constant 0 : i32
      %cond3A_103 = arith.cmpi ne, %convert_element_type3A, %cond3A : i32
      scf.if %cond3A_103 {
        %add3A_496 = arith.constant 1 : i32
        %add3A_497 = arith.addi %scan3A_41, %add3A_496 : i32
        %sub3A_498 = arith.constant 1 : i32
        %sub3A_499 = arith.subi %sub3A_498, %rem3A_68 : i32
        %div3A_500 = arith.constant 5 : i32
        %div3A_501 = arith.divsi %add3A_497, %div3A_500 : i32
        %mul3A_502 = arith.constant 5 : i32
        %mul3A_503 = arith.muli %div3A_501, %mul3A_502 : i32
        %sub3A_504 = arith.subi %add3A_497, %mul3A_503 : i32
        %mul3A_505 = arith.constant 200 : i32
        %mul3A_506 = arith.muli %sub3A_504, %mul3A_505 : i32
        %mul3A_507 = arith.constant 128 : i32
        %mul3A_508 = arith.muli %div3A_501, %mul3A_507 : i32
        %add3A_509 = arith.addi %mul3A_2, %mul3A_508 : i32
        %dma_start3A_510 = arith.constant 0 : i32
        %dma_start3A_511 = arith.constant 0 : i32
        %dma_start3A_512 = tpu.memref_slice %arg6[%sub3A_499, %dma_start3A_510, %dma_start3A_511] : memref<2x200x128xf32, #tpu.memory_space<vmem>> -> memref<1x200x128xf32, #tpu.memory_space<vmem>>
        %dma_start3A_513 = tpu.memref_squeeze %dma_start3A_512 : memref<1x200x128xf32, #tpu.memory_space<vmem>> -> memref<200x128xf32, #tpu.memory_space<vmem>>
        %dma_start3A_514 = tpu.memref_slice %arg2[%mul3A_506, %add3A_509] : memref<1000x16384xf32, #tpu.memory_space<hbm>> -> memref<200x128xf32, #tpu.memory_space<hbm>>
        %dma_start3A_515 = tpu.memref_slice %arg10[%sub3A_499] : memref<2x!tpu.dma_semaphore, #tpu.memory_space<semaphore_mem>> -> memref<1x!tpu.dma_semaphore, #tpu.memory_space<semaphore_mem>>
        %dma_start3A_516 = tpu.memref_squeeze %dma_start3A_515 : memref<1x!tpu.dma_semaphore, #tpu.memory_space<semaphore_mem>> -> memref<!tpu.dma_semaphore, #tpu.memory_space<semaphore_mem>>
        %dma_start3A_517 = arith.constant 0 : i32
        %dma_start3A_518 = arith.constant 0 : i32
        %dma_start3A_519 = tpu.memref_slice %arg6[%sub3A_499, %dma_start3A_517, %dma_start3A_518] : memref<2x200x128xf32, #tpu.memory_space<vmem>> -> memref<1x200x128xf32, #tpu.memory_space<vmem>>
        %dma_start3A_520 = tpu.memref_squeeze %dma_start3A_519 : memref<1x200x128xf32, #tpu.memory_space<vmem>> -> memref<200x128xf32, #tpu.memory_space<vmem>>
        %dma_start3A_521 = tpu.memref_slice %arg2[%mul3A_506, %add3A_509] : memref<1000x16384xf32, #tpu.memory_space<hbm>> -> memref<200x128xf32, #tpu.memory_space<hbm>>
        tpu.enqueue_dma source(%dma_start3A_521 : memref<200x128xf32, #tpu.memory_space<hbm>>) target(%dma_start3A_520 : memref<200x128xf32, #tpu.memory_space<vmem>>) target_semaphore(%dma_start3A_516 : memref<!tpu.dma_semaphore, #tpu.memory_space<semaphore_mem>>)
      } else {
      }
      %broadcast_in_dim3A_104 = arith.constant -3.000000e+38 : f32
      %broadcast_in_dim3A_105 = vector.broadcast %broadcast_in_dim3A_104 : f32 to vector<16xf32>
      %broadcast_in_dim3A_106 = arith.constant -3.000000e+38 : f32
      %broadcast_in_dim3A_107 = vector.broadcast %broadcast_in_dim3A_106 : f32 to vector<16xf32>
      %broadcast_in_dim3A_108 = arith.constant -3.000000e+38 : f32
      %broadcast_in_dim3A_109 = vector.broadcast %broadcast_in_dim3A_108 : f32 to vector<16xf32>
      %broadcast_in_dim3A_110 = arith.constant -3.000000e+38 : f32
      %broadcast_in_dim3A_111 = vector.broadcast %broadcast_in_dim3A_110 : f32 to vector<16xf32>
      %broadcast_in_dim3A_112 = arith.constant -3.000000e+38 : f32
      %broadcast_in_dim3A_113 = vector.broadcast %broadcast_in_dim3A_112 : f32 to vector<16xf32>
      %broadcast_in_dim3A_114 = arith.constant -3.000000e+38 : f32
      %broadcast_in_dim3A_115 = vector.broadcast %broadcast_in_dim3A_114 : f32 to vector<16xf32>
      %broadcast_in_dim3A_116 = arith.constant -3.000000e+38 : f32
      %broadcast_in_dim3A_117 = vector.broadcast %broadcast_in_dim3A_116 : f32 to vector<16xf32>
      %broadcast_in_dim3A_118 = arith.constant -3.000000e+38 : f32
      %broadcast_in_dim3A_119 = vector.broadcast %broadcast_in_dim3A_118 : f32 to vector<16xf32>
      %broadcast_in_dim3A_120 = arith.constant 0.000000e+00 : f32
      %broadcast_in_dim3A_121 = vector.broadcast %broadcast_in_dim3A_120 : f32 to vector<16xf32>
      %broadcast_in_dim3A_122 = arith.constant 0.000000e+00 : f32
      %broadcast_in_dim3A_123 = vector.broadcast %broadcast_in_dim3A_122 : f32 to vector<16xf32>
      %broadcast_in_dim3A_124 = arith.constant 0.000000e+00 : f32
      %broadcast_in_dim3A_125 = vector.broadcast %broadcast_in_dim3A_124 : f32 to vector<16xf32>
      %broadcast_in_dim3A_126 = arith.constant 0.000000e+00 : f32
      %broadcast_in_dim3A_127 = vector.broadcast %broadcast_in_dim3A_126 : f32 to vector<16xf32>
      %broadcast_in_dim3A_128 = arith.constant 0.000000e+00 : f32
      %broadcast_in_dim3A_129 = vector.broadcast %broadcast_in_dim3A_128 : f32 to vector<16xf32>
      %broadcast_in_dim3A_130 = arith.constant 0.000000e+00 : f32
      %broadcast_in_dim3A_131 = vector.broadcast %broadcast_in_dim3A_130 : f32 to vector<16xf32>
      %broadcast_in_dim3A_132 = arith.constant 0.000000e+00 : f32
      %broadcast_in_dim3A_133 = vector.broadcast %broadcast_in_dim3A_132 : f32 to vector<16xf32>
      %broadcast_in_dim3A_134 = arith.constant 0.000000e+00 : f32
      %broadcast_in_dim3A_135 = vector.broadcast %broadcast_in_dim3A_134 : f32 to vector<16xf32>
      %scan3A_136 = arith.constant 0 : i32
      %scan3A_137 = arith.constant 8 : i32
      %scan3A_138 = arith.addi %scan3A_136, %scan3A_137 : i32
      %scan3A_139 = arith.constant 1 : i32
      %scan3A_140:16 = scf.for %scan3A_496 = %scan3A_136 to %scan3A_138 step %scan3A_139 iter_args(%scan3A_497 = %broadcast_in_dim3A_105, %scan3A_498 = %broadcast_in_dim3A_107, %scan3A_499 = %broadcast_in_dim3A_109, %scan3A_500 = %broadcast_in_dim3A_111, %scan3A_501 = %broadcast_in_dim3A_113, %scan3A_502 = %broadcast_in_dim3A_115, %scan3A_503 = %broadcast_in_dim3A_117, %scan3A_504 = %broadcast_in_dim3A_119, %scan3A_505 = %broadcast_in_dim3A_121, %scan3A_506 = %broadcast_in_dim3A_123, %scan3A_507 = %broadcast_in_dim3A_125, %scan3A_508 = %broadcast_in_dim3A_127, %scan3A_509 = %broadcast_in_dim3A_129, %scan3A_510 = %broadcast_in_dim3A_131, %scan3A_511 = %broadcast_in_dim3A_133, %scan3A_512 = %broadcast_in_dim3A_135) -> (vector<16xf32>, vector<16xf32>, vector<16xf32>, vector<16xf32>, vector<16xf32>, vector<16xf32>, vector<16xf32>, vector<16xf32>, vector<16xf32>, vector<16xf32>, vector<16xf32>, vector<16xf32>, vector<16xf32>, vector<16xf32>, vector<16xf32>, vector<16xf32>)  : i32 {
        %mul3A_513 = arith.constant 25 : i32
        %mul3A_514 = arith.muli %scan3A_496, %mul3A_513 : i32
        %add3A_515 = arith.constant 0 : i32
        %add3A_516 = arith.addi %mul3A_514, %add3A_515 : i32
        %get3A_517 = arith.constant 0 : i32
        %get3A_518 = arith.constant 0 : i32
        %get3A_519 = tpu.memref_slice %arg6[%rem3A_68, %get3A_517, %get3A_518] : memref<2x200x128xf32, #tpu.memory_space<vmem>> -> memref<1x200x128xf32, #tpu.memory_space<vmem>>
        %get3A_520 = tpu.memref_squeeze %get3A_519 : memref<1x200x128xf32, #tpu.memory_space<vmem>> -> memref<200x128xf32, #tpu.memory_space<vmem>>
        %get3A_521 = arith.index_cast %add3A_516 : i32 to index
        %get3A_522 = arith.constant 0 : index
        %get3A_523 = tpu.vector_load %get3A_520[%get3A_521, %get3A_522] {strides = array<i32>} : memref<200x128xf32, #tpu.memory_space<vmem>>, vector<16xf32>,
        %add3A_524 = arith.constant 1 : i32
        %add3A_525 = arith.addi %mul3A_514, %add3A_524 : i32
        %get3A_526 = arith.constant 0 : i32
        %get3A_527 = arith.constant 0 : i32
        %get3A_528 = tpu.memref_slice %arg6[%rem3A_68, %get3A_526, %get3A_527] : memref<2x200x128xf32, #tpu.memory_space<vmem>> -> memref<1x200x128xf32, #tpu.memory_space<vmem>>
        %get3A_529 = tpu.memref_squeeze %get3A_528 : memref<1x200x128xf32, #tpu.memory_space<vmem>> -> memref<200x128xf32, #tpu.memory_space<vmem>>
        %get3A_530 = arith.index_cast %add3A_525 : i32 to index
        %get3A_531 = arith.constant 0 : index
        %get3A_532 = tpu.vector_load %get3A_529[%get3A_530, %get3A_531] {strides = array<i32>} : memref<200x128xf32, #tpu.memory_space<vmem>>, vector<16xf32>,
        %add3A_533 = arith.constant 2 : i32
        %add3A_534 = arith.addi %mul3A_514, %add3A_533 : i32
        %get3A_535 = arith.constant 0 : i32
        %get3A_536 = arith.constant 0 : i32
        %get3A_537 = tpu.memref_slice %arg6[%rem3A_68, %get3A_535, %get3A_536] : memref<2x200x128xf32, #tpu.memory_space<vmem>> -> memref<1x200x128xf32, #tpu.memory_space<vmem>>
        %get3A_538 = tpu.memref_squeeze %get3A_537 : memref<1x200x128xf32, #tpu.memory_space<vmem>> -> memref<200x128xf32, #tpu.memory_space<vmem>>
        %get3A_539 = arith.index_cast %add3A_534 : i32 to index
        %get3A_540 = arith.constant 0 : index
        %get3A_541 = tpu.vector_load %get3A_538[%get3A_539, %get3A_540] {strides = array<i32>} : memref<200x128xf32, #tpu.memory_space<vmem>>, vector<16xf32>,
        %add3A_542 = arith.constant 3 : i32
        %add3A_543 = arith.addi %mul3A_514, %add3A_542 : i32
        %get3A_544 = arith.constant 0 : i32
        %get3A_545 = arith.constant 0 : i32
        %get3A_546 = tpu.memref_slice %arg6[%rem3A_68, %get3A_544, %get3A_545] : memref<2x200x128xf32, #tpu.memory_space<vmem>> -> memref<1x200x128xf32, #tpu.memory_space<vmem>>
        %get3A_547 = tpu.memref_squeeze %get3A_546 : memref<1x200x128xf32, #tpu.memory_space<vmem>> -> memref<200x128xf32, #tpu.memory_space<vmem>>
        %get3A_548 = arith.index_cast %add3A_543 : i32 to index
        %get3A_549 = arith.constant 0 : index
        %get3A_550 = tpu.vector_load %get3A_547[%get3A_548, %get3A_549] {strides = array<i32>} : memref<200x128xf32, #tpu.memory_space<vmem>>, vector<16xf32>,
        %add3A_551 = arith.constant 4 : i32
        %add3A_552 = arith.addi %mul3A_514, %add3A_551 : i32
        %get3A_553 = arith.constant 0 : i32
        %get3A_554 = arith.constant 0 : i32
        %get3A_555 = tpu.memref_slice %arg6[%rem3A_68, %get3A_553, %get3A_554] : memref<2x200x128xf32, #tpu.memory_space<vmem>> -> memref<1x200x128xf32, #tpu.memory_space<vmem>>
        %get3A_556 = tpu.memref_squeeze %get3A_555 : memref<1x200x128xf32, #tpu.memory_space<vmem>> -> memref<200x128xf32, #tpu.memory_space<vmem>>
        %get3A_557 = arith.index_cast %add3A_552 : i32 to index
        %get3A_558 = arith.constant 0 : index
        %get3A_559 = tpu.vector_load %get3A_556[%get3A_557, %get3A_558] {strides = array<i32>} : memref<200x128xf32, #tpu.memory_space<vmem>>, vector<16xf32>,
        %add3A_560 = arith.constant 5 : i32
        %add3A_561 = arith.addi %mul3A_514, %add3A_560 : i32
        %get3A_562 = arith.constant 0 : i32
        %get3A_563 = arith.constant 0 : i32
        %get3A_564 = tpu.memref_slice %arg6[%rem3A_68, %get3A_562, %get3A_563] : memref<2x200x128xf32, #tpu.memory_space<vmem>> -> memref<1x200x128xf32, #tpu.memory_space<vmem>>
        %get3A_565 = tpu.memref_squeeze %get3A_564 : memref<1x200x128xf32, #tpu.memory_space<vmem>> -> memref<200x128xf32, #tpu.memory_space<vmem>>
        %get3A_566 = arith.index_cast %add3A_561 : i32 to index
        %get3A_567 = arith.constant 0 : index
        %get3A_568 = tpu.vector_load %get3A_565[%get3A_566, %get3A_567] {strides = array<i32>} : memref<200x128xf32, #tpu.memory_space<vmem>>, vector<16xf32>,
        %add3A_569 = arith.constant 6 : i32
        %add3A_570 = arith.addi %mul3A_514, %add3A_569 : i32
        %get3A_571 = arith.constant 0 : i32
        %get3A_572 = arith.constant 0 : i32
        %get3A_573 = tpu.memref_slice %arg6[%rem3A_68, %get3A_571, %get3A_572] : memref<2x200x128xf32, #tpu.memory_space<vmem>> -> memref<1x200x128xf32, #tpu.memory_space<vmem>>
        %get3A_574 = tpu.memref_squeeze %get3A_573 : memref<1x200x128xf32, #tpu.memory_space<vmem>> -> memref<200x128xf32, #tpu.memory_space<vmem>>
        %get3A_575 = arith.index_cast %add3A_570 : i32 to index
        %get3A_576 = arith.constant 0 : index
        %get3A_577 = tpu.vector_load %get3A_574[%get3A_575, %get3A_576] {strides = array<i32>} : memref<200x128xf32, #tpu.memory_space<vmem>>, vector<16xf32>,
        %add3A_578 = arith.constant 7 : i32
        %add3A_579 = arith.addi %mul3A_514, %add3A_578 : i32
        %get3A_580 = arith.constant 0 : i32
        %get3A_581 = arith.constant 0 : i32
        %get3A_582 = tpu.memref_slice %arg6[%rem3A_68, %get3A_580, %get3A_581] : memref<2x200x128xf32, #tpu.memory_space<vmem>> -> memref<1x200x128xf32, #tpu.memory_space<vmem>>
        %get3A_583 = tpu.memref_squeeze %get3A_582 : memref<1x200x128xf32, #tpu.memory_space<vmem>> -> memref<200x128xf32, #tpu.memory_space<vmem>>
        %get3A_584 = arith.index_cast %add3A_579 : i32 to index
        %get3A_585 = arith.constant 0 : index
        %get3A_586 = tpu.vector_load %get3A_583[%get3A_584, %get3A_585] {strides = array<i32>} : memref<200x128xf32, #tpu.memory_space<vmem>>, vector<16xf32>,
        %add3A_587 = arith.constant 8 : i32
        %add3A_588 = arith.addi %mul3A_514, %add3A_587 : i32
        %get3A_589 = arith.constant 0 : i32
        %get3A_590 = arith.constant 0 : i32
        %get3A_591 = tpu.memref_slice %arg6[%rem3A_68, %get3A_589, %get3A_590] : memref<2x200x128xf32, #tpu.memory_space<vmem>> -> memref<1x200x128xf32, #tpu.memory_space<vmem>>
        %get3A_592 = tpu.memref_squeeze %get3A_591 : memref<1x200x128xf32, #tpu.memory_space<vmem>> -> memref<200x128xf32, #tpu.memory_space<vmem>>
        %get3A_593 = arith.index_cast %add3A_588 : i32 to index
        %get3A_594 = arith.constant 0 : index
        %get3A_595 = tpu.vector_load %get3A_592[%get3A_593, %get3A_594] {strides = array<i32>} : memref<200x128xf32, #tpu.memory_space<vmem>>, vector<16xf32>,
        %add3A_596 = arith.constant 9 : i32
        %add3A_597 = arith.addi %mul3A_514, %add3A_596 : i32
        %get3A_598 = arith.constant 0 : i32
        %get3A_599 = arith.constant 0 : i32
        %get3A_600 = tpu.memref_slice %arg6[%rem3A_68, %get3A_598, %get3A_599] : memref<2x200x128xf32, #tpu.memory_space<vmem>> -> memref<1x200x128xf32, #tpu.memory_space<vmem>>
        %get3A_601 = tpu.memref_squeeze %get3A_600 : memref<1x200x128xf32, #tpu.memory_space<vmem>> -> memref<200x128xf32, #tpu.memory_space<vmem>>
        %get3A_602 = arith.index_cast %add3A_597 : i32 to index
        %get3A_603 = arith.constant 0 : index
        %get3A_604 = tpu.vector_load %get3A_601[%get3A_602, %get3A_603] {strides = array<i32>} : memref<200x128xf32, #tpu.memory_space<vmem>>, vector<16xf32>,
        %add3A_605 = arith.constant 10 : i32
        %add3A_606 = arith.addi %mul3A_514, %add3A_605 : i32
        %get3A_607 = arith.constant 0 : i32
        %get3A_608 = arith.constant 0 : i32
        %get3A_609 = tpu.memref_slice %arg6[%rem3A_68, %get3A_607, %get3A_608] : memref<2x200x128xf32, #tpu.memory_space<vmem>> -> memref<1x200x128xf32, #tpu.memory_space<vmem>>
        %get3A_610 = tpu.memref_squeeze %get3A_609 : memref<1x200x128xf32, #tpu.memory_space<vmem>> -> memref<200x128xf32, #tpu.memory_space<vmem>>
        %get3A_611 = arith.index_cast %add3A_606 : i32 to index
        %get3A_612 = arith.constant 0 : index
        %get3A_613 = tpu.vector_load %get3A_610[%get3A_611, %get3A_612] {strides = array<i32>} : memref<200x128xf32, #tpu.memory_space<vmem>>, vector<16xf32>,
        %add3A_614 = arith.constant 11 : i32
        %add3A_615 = arith.addi %mul3A_514, %add3A_614 : i32
        %get3A_616 = arith.constant 0 : i32
        %get3A_617 = arith.constant 0 : i32
        %get3A_618 = tpu.memref_slice %arg6[%rem3A_68, %get3A_616, %get3A_617] : memref<2x200x128xf32, #tpu.memory_space<vmem>> -> memref<1x200x128xf32, #tpu.memory_space<vmem>>
        %get3A_619 = tpu.memref_squeeze %get3A_618 : memref<1x200x128xf32, #tpu.memory_space<vmem>> -> memref<200x128xf32, #tpu.memory_space<vmem>>
        %get3A_620 = arith.index_cast %add3A_615 : i32 to index
        %get3A_621 = arith.constant 0 : index
        %get3A_622 = tpu.vector_load %get3A_619[%get3A_620, %get3A_621] {strides = array<i32>} : memref<200x128xf32, #tpu.memory_space<vmem>>, vector<16xf32>,
        %add3A_623 = arith.constant 12 : i32
        %add3A_624 = arith.addi %mul3A_514, %add3A_623 : i32
        %get3A_625 = arith.constant 0 : i32
        %get3A_626 = arith.constant 0 : i32
        %get3A_627 = tpu.memref_slice %arg6[%rem3A_68, %get3A_625, %get3A_626] : memref<2x200x128xf32, #tpu.memory_space<vmem>> -> memref<1x200x128xf32, #tpu.memory_space<vmem>>
        %get3A_628 = tpu.memref_squeeze %get3A_627 : memref<1x200x128xf32, #tpu.memory_space<vmem>> -> memref<200x128xf32, #tpu.memory_space<vmem>>
        %get3A_629 = arith.index_cast %add3A_624 : i32 to index
        %get3A_630 = arith.constant 0 : index
        %get3A_631 = tpu.vector_load %get3A_628[%get3A_629, %get3A_630] {strides = array<i32>} : memref<200x128xf32, #tpu.memory_space<vmem>>, vector<16xf32>,
        %add3A_632 = arith.constant 13 : i32
        %add3A_633 = arith.addi %mul3A_514, %add3A_632 : i32
        %get3A_634 = arith.constant 0 : i32
        %get3A_635 = arith.constant 0 : i32
        %get3A_636 = tpu.memref_slice %arg6[%rem3A_68, %get3A_634, %get3A_635] : memref<2x200x128xf32, #tpu.memory_space<vmem>> -> memref<1x200x128xf32, #tpu.memory_space<vmem>>
        %get3A_637 = tpu.memref_squeeze %get3A_636 : memref<1x200x128xf32, #tpu.memory_space<vmem>> -> memref<200x128xf32, #tpu.memory_space<vmem>>
        %get3A_638 = arith.index_cast %add3A_633 : i32 to index
        %get3A_639 = arith.constant 0 : index
        %get3A_640 = tpu.vector_load %get3A_637[%get3A_638, %get3A_639] {strides = array<i32>} : memref<200x128xf32, #tpu.memory_space<vmem>>, vector<16xf32>,
        %add3A_641 = arith.constant 14 : i32
        %add3A_642 = arith.addi %mul3A_514, %add3A_641 : i32
        %get3A_643 = arith.constant 0 : i32
        %get3A_644 = arith.constant 0 : i32
        %get3A_645 = tpu.memref_slice %arg6[%rem3A_68, %get3A_643, %get3A_644] : memref<2x200x128xf32, #tpu.memory_space<vmem>> -> memref<1x200x128xf32, #tpu.memory_space<vmem>>
        %get3A_646 = tpu.memref_squeeze %get3A_645 : memref<1x200x128xf32, #tpu.memory_space<vmem>> -> memref<200x128xf32, #tpu.memory_space<vmem>>
        %get3A_647 = arith.index_cast %add3A_642 : i32 to index
        %get3A_648 = arith.constant 0 : index
        %get3A_649 = tpu.vector_load %get3A_646[%get3A_647, %get3A_648] {strides = array<i32>} : memref<200x128xf32, #tpu.memory_space<vmem>>, vector<16xf32>,
        %add3A_650 = arith.constant 15 : i32
        %add3A_651 = arith.addi %mul3A_514, %add3A_650 : i32
        %get3A_652 = arith.constant 0 : i32
        %get3A_653 = arith.constant 0 : i32
        %get3A_654 = tpu.memref_slice %arg6[%rem3A_68, %get3A_652, %get3A_653] : memref<2x200x128xf32, #tpu.memory_space<vmem>> -> memref<1x200x128xf32, #tpu.memory_space<vmem>>
        %get3A_655 = tpu.memref_squeeze %get3A_654 : memref<1x200x128xf32, #tpu.memory_space<vmem>> -> memref<200x128xf32, #tpu.memory_space<vmem>>
        %get3A_656 = arith.index_cast %add3A_651 : i32 to index
        %get3A_657 = arith.constant 0 : index
        %get3A_658 = tpu.vector_load %get3A_655[%get3A_656, %get3A_657] {strides = array<i32>} : memref<200x128xf32, #tpu.memory_space<vmem>>, vector<16xf32>,
        %add3A_659 = arith.constant 16 : i32
        %add3A_660 = arith.addi %mul3A_514, %add3A_659 : i32
        %get3A_661 = arith.constant 0 : i32
        %get3A_662 = arith.constant 0 : i32
        %get3A_663 = tpu.memref_slice %arg6[%rem3A_68, %get3A_661, %get3A_662] : memref<2x200x128xf32, #tpu.memory_space<vmem>> -> memref<1x200x128xf32, #tpu.memory_space<vmem>>
        %get3A_664 = tpu.memref_squeeze %get3A_663 : memref<1x200x128xf32, #tpu.memory_space<vmem>> -> memref<200x128xf32, #tpu.memory_space<vmem>>
        %get3A_665 = arith.index_cast %add3A_660 : i32 to index
        %get3A_666 = arith.constant 0 : index
        %get3A_667 = tpu.vector_load %get3A_664[%get3A_665, %get3A_666] {strides = array<i32>} : memref<200x128xf32, #tpu.memory_space<vmem>>, vector<16xf32>,
        %add3A_668 = arith.constant 17 : i32
        %add3A_669 = arith.addi %mul3A_514, %add3A_668 : i32
        %get3A_670 = arith.constant 0 : i32
        %get3A_671 = arith.constant 0 : i32
        %get3A_672 = tpu.memref_slice %arg6[%rem3A_68, %get3A_670, %get3A_671] : memref<2x200x128xf32, #tpu.memory_space<vmem>> -> memref<1x200x128xf32, #tpu.memory_space<vmem>>
        %get3A_673 = tpu.memref_squeeze %get3A_672 : memref<1x200x128xf32, #tpu.memory_space<vmem>> -> memref<200x128xf32, #tpu.memory_space<vmem>>
        %get3A_674 = arith.index_cast %add3A_669 : i32 to index
        %get3A_675 = arith.constant 0 : index
        %get3A_676 = tpu.vector_load %get3A_673[%get3A_674, %get3A_675] {strides = array<i32>} : memref<200x128xf32, #tpu.memory_space<vmem>>, vector<16xf32>,
        %add3A_677 = arith.constant 18 : i32
        %add3A_678 = arith.addi %mul3A_514, %add3A_677 : i32
        %get3A_679 = arith.constant 0 : i32
        %get3A_680 = arith.constant 0 : i32
        %get3A_681 = tpu.memref_slice %arg6[%rem3A_68, %get3A_679, %get3A_680] : memref<2x200x128xf32, #tpu.memory_space<vmem>> -> memref<1x200x128xf32, #tpu.memory_space<vmem>>
        %get3A_682 = tpu.memref_squeeze %get3A_681 : memref<1x200x128xf32, #tpu.memory_space<vmem>> -> memref<200x128xf32, #tpu.memory_space<vmem>>
        %get3A_683 = arith.index_cast %add3A_678 : i32 to index
        %get3A_684 = arith.constant 0 : index
        %get3A_685 = tpu.vector_load %get3A_682[%get3A_683, %get3A_684] {strides = array<i32>} : memref<200x128xf32, #tpu.memory_space<vmem>>, vector<16xf32>,
        %add3A_686 = arith.constant 19 : i32
        %add3A_687 = arith.addi %mul3A_514, %add3A_686 : i32
        %get3A_688 = arith.constant 0 : i32
        %get3A_689 = arith.constant 0 : i32
        %get3A_690 = tpu.memref_slice %arg6[%rem3A_68, %get3A_688, %get3A_689] : memref<2x200x128xf32, #tpu.memory_space<vmem>> -> memref<1x200x128xf32, #tpu.memory_space<vmem>>
        %get3A_691 = tpu.memref_squeeze %get3A_690 : memref<1x200x128xf32, #tpu.memory_space<vmem>> -> memref<200x128xf32, #tpu.memory_space<vmem>>
        %get3A_692 = arith.index_cast %add3A_687 : i32 to index
        %get3A_693 = arith.constant 0 : index
        %get3A_694 = tpu.vector_load %get3A_691[%get3A_692, %get3A_693] {strides = array<i32>} : memref<200x128xf32, #tpu.memory_space<vmem>>, vector<16xf32>,
        %add3A_695 = arith.constant 20 : i32
        %add3A_696 = arith.addi %mul3A_514, %add3A_695 : i32
        %get3A_697 = arith.constant 0 : i32
        %get3A_698 = arith.constant 0 : i32
        %get3A_699 = tpu.memref_slice %arg6[%rem3A_68, %get3A_697, %get3A_698] : memref<2x200x128xf32, #tpu.memory_space<vmem>> -> memref<1x200x128xf32, #tpu.memory_space<vmem>>
        %get3A_700 = tpu.memref_squeeze %get3A_699 : memref<1x200x128xf32, #tpu.memory_space<vmem>> -> memref<200x128xf32, #tpu.memory_space<vmem>>
        %get3A_701 = arith.index_cast %add3A_696 : i32 to index
        %get3A_702 = arith.constant 0 : index
        %get3A_703 = tpu.vector_load %get3A_700[%get3A_701, %get3A_702] {strides = array<i32>} : memref<200x128xf32, #tpu.memory_space<vmem>>, vector<16xf32>,
        %add3A_704 = arith.constant 21 : i32
        %add3A_705 = arith.addi %mul3A_514, %add3A_704 : i32
        %get3A_706 = arith.constant 0 : i32
        %get3A_707 = arith.constant 0 : i32
        %get3A_708 = tpu.memref_slice %arg6[%rem3A_68, %get3A_706, %get3A_707] : memref<2x200x128xf32, #tpu.memory_space<vmem>> -> memref<1x200x128xf32, #tpu.memory_space<vmem>>
        %get3A_709 = tpu.memref_squeeze %get3A_708 : memref<1x200x128xf32, #tpu.memory_space<vmem>> -> memref<200x128xf32, #tpu.memory_space<vmem>>
        %get3A_710 = arith.index_cast %add3A_705 : i32 to index
        %get3A_711 = arith.constant 0 : index
        %get3A_712 = tpu.vector_load %get3A_709[%get3A_710, %get3A_711] {strides = array<i32>} : memref<200x128xf32, #tpu.memory_space<vmem>>, vector<16xf32>,
        %add3A_713 = arith.constant 22 : i32
        %add3A_714 = arith.addi %mul3A_514, %add3A_713 : i32
        %get3A_715 = arith.constant 0 : i32
        %get3A_716 = arith.constant 0 : i32
        %get3A_717 = tpu.memref_slice %arg6[%rem3A_68, %get3A_715, %get3A_716] : memref<2x200x128xf32, #tpu.memory_space<vmem>> -> memref<1x200x128xf32, #tpu.memory_space<vmem>>
        %get3A_718 = tpu.memref_squeeze %get3A_717 : memref<1x200x128xf32, #tpu.memory_space<vmem>> -> memref<200x128xf32, #tpu.memory_space<vmem>>
        %get3A_719 = arith.index_cast %add3A_714 : i32 to index
        %get3A_720 = arith.constant 0 : index
        %get3A_721 = tpu.vector_load %get3A_718[%get3A_719, %get3A_720] {strides = array<i32>} : memref<200x128xf32, #tpu.memory_space<vmem>>, vector<16xf32>,
        %add3A_722 = arith.constant 23 : i32
        %add3A_723 = arith.addi %mul3A_514, %add3A_722 : i32
        %get3A_724 = arith.constant 0 : i32
        %get3A_725 = arith.constant 0 : i32
        %get3A_726 = tpu.memref_slice %arg6[%rem3A_68, %get3A_724, %get3A_725] : memref<2x200x128xf32, #tpu.memory_space<vmem>> -> memref<1x200x128xf32, #tpu.memory_space<vmem>>
        %get3A_727 = tpu.memref_squeeze %get3A_726 : memref<1x200x128xf32, #tpu.memory_space<vmem>> -> memref<200x128xf32, #tpu.memory_space<vmem>>
        %get3A_728 = arith.index_cast %add3A_723 : i32 to index
        %get3A_729 = arith.constant 0 : index
        %get3A_730 = tpu.vector_load %get3A_727[%get3A_728, %get3A_729] {strides = array<i32>} : memref<200x128xf32, #tpu.memory_space<vmem>>, vector<16xf32>,
        %add3A_731 = arith.constant 24 : i32
        %add3A_732 = arith.addi %mul3A_514, %add3A_731 : i32
        %get3A_733 = arith.constant 0 : i32
        %get3A_734 = arith.constant 0 : i32
        %get3A_735 = tpu.memref_slice %arg6[%rem3A_68, %get3A_733, %get3A_734] : memref<2x200x128xf32, #tpu.memory_space<vmem>> -> memref<1x200x128xf32, #tpu.memory_space<vmem>>
        %get3A_736 = tpu.memref_squeeze %get3A_735 : memref<1x200x128xf32, #tpu.memory_space<vmem>> -> memref<200x128xf32, #tpu.memory_space<vmem>>
        %get3A_737 = arith.index_cast %add3A_732 : i32 to index
        %get3A_738 = arith.constant 0 : index
        %get3A_739 = tpu.vector_load %get3A_736[%get3A_737, %get3A_738] {strides = array<i32>} : memref<200x128xf32, #tpu.memory_space<vmem>>, vector<16xf32>,
        %max3A_740 = arith.maximumf %get3A_523, %get3A_532 : vector<16xf32>
        %max3A_741 = arith.maximumf %get3A_541, %get3A_550 : vector<16xf32>
        %max3A_742 = arith.maximumf %get3A_559, %get3A_568 : vector<16xf32>
        %max3A_743 = arith.maximumf %get3A_577, %get3A_586 : vector<16xf32>
        %max3A_744 = arith.maximumf %get3A_595, %get3A_604 : vector<16xf32>
        %max3A_745 = arith.maximumf %get3A_613, %get3A_622 : vector<16xf32>
        %max3A_746 = arith.maximumf %get3A_631, %get3A_640 : vector<16xf32>
        %max3A_747 = arith.maximumf %get3A_649, %get3A_658 : vector<16xf32>
        %max3A_748 = arith.maximumf %get3A_667, %get3A_676 : vector<16xf32>
        %max3A_749 = arith.maximumf %get3A_685, %get3A_694 : vector<16xf32>
        %max3A_750 = arith.maximumf %get3A_703, %get3A_712 : vector<16xf32>
        %max3A_751 = arith.maximumf %get3A_721, %get3A_730 : vector<16xf32>
        %max3A_752 = arith.maximumf %max3A_740, %max3A_741 : vector<16xf32>
        %max3A_753 = arith.maximumf %max3A_742, %max3A_743 : vector<16xf32>
        %max3A_754 = arith.maximumf %max3A_744, %max3A_745 : vector<16xf32>
        %max3A_755 = arith.maximumf %max3A_746, %max3A_747 : vector<16xf32>
        %max3A_756 = arith.maximumf %max3A_748, %max3A_749 : vector<16xf32>
        %max3A_757 = arith.maximumf %max3A_750, %max3A_751 : vector<16xf32>
        %max3A_758 = arith.maximumf %max3A_752, %max3A_753 : vector<16xf32>
        %max3A_759 = arith.maximumf %max3A_754, %max3A_755 : vector<16xf32>
        %max3A_760 = arith.maximumf %max3A_756, %max3A_757 : vector<16xf32>
        %max3A_761 = arith.maximumf %max3A_758, %max3A_759 : vector<16xf32>
        %max3A_762 = arith.maximumf %max3A_760, %get3A_739 : vector<16xf32>
        %max3A_763 = arith.maximumf %max3A_761, %max3A_762 : vector<16xf32>
        %sub3A_764 = arith.subf %get3A_523, %max3A_763 : vector<16xf32>
        %exp3A_765 = math.exp %sub3A_764 : vector<16xf32>
        %sub3A_766 = arith.subf %get3A_532, %max3A_763 : vector<16xf32>
        %exp3A_767 = math.exp %sub3A_766 : vector<16xf32>
        %sub3A_768 = arith.subf %get3A_541, %max3A_763 : vector<16xf32>
        %exp3A_769 = math.exp %sub3A_768 : vector<16xf32>
        %sub3A_770 = arith.subf %get3A_550, %max3A_763 : vector<16xf32>
        %exp3A_771 = math.exp %sub3A_770 : vector<16xf32>
        %add3A_772 = arith.addf %exp3A_765, %exp3A_771 : vector<16xf32>
        %sub3A_773 = arith.subf %get3A_559, %max3A_763 : vector<16xf32>
        %exp3A_774 = math.exp %sub3A_773 : vector<16xf32>
        %add3A_775 = arith.addf %exp3A_767, %exp3A_774 : vector<16xf32>
        %sub3A_776 = arith.subf %get3A_568, %max3A_763 : vector<16xf32>
        %exp3A_777 = math.exp %sub3A_776 : vector<16xf32>
        %add3A_778 = arith.addf %exp3A_769, %exp3A_777 : vector<16xf32>
        %sub3A_779 = arith.subf %get3A_577, %max3A_763 : vector<16xf32>
        %exp3A_780 = math.exp %sub3A_779 : vector<16xf32>
        %add3A_781 = arith.addf %add3A_772, %exp3A_780 : vector<16xf32>
        %sub3A_782 = arith.subf %get3A_586, %max3A_763 : vector<16xf32>
        %exp3A_783 = math.exp %sub3A_782 : vector<16xf32>
        %add3A_784 = arith.addf %add3A_775, %exp3A_783 : vector<16xf32>
        %sub3A_785 = arith.subf %get3A_595, %max3A_763 : vector<16xf32>
        %exp3A_786 = math.exp %sub3A_785 : vector<16xf32>
        %add3A_787 = arith.addf %add3A_778, %exp3A_786 : vector<16xf32>
        %sub3A_788 = arith.subf %get3A_604, %max3A_763 : vector<16xf32>
        %exp3A_789 = math.exp %sub3A_788 : vector<16xf32>
        %add3A_790 = arith.addf %add3A_781, %exp3A_789 : vector<16xf32>
        %sub3A_791 = arith.subf %get3A_613, %max3A_763 : vector<16xf32>
        %exp3A_792 = math.exp %sub3A_791 : vector<16xf32>
        %add3A_793 = arith.addf %add3A_784, %exp3A_792 : vector<16xf32>
        %sub3A_794 = arith.subf %get3A_622, %max3A_763 : vector<16xf32>
        %exp3A_795 = math.exp %sub3A_794 : vector<16xf32>
        %add3A_796 = arith.addf %add3A_787, %exp3A_795 : vector<16xf32>
        %sub3A_797 = arith.subf %get3A_631, %max3A_763 : vector<16xf32>
        %exp3A_798 = math.exp %sub3A_797 : vector<16xf32>
        %add3A_799 = arith.addf %add3A_790, %exp3A_798 : vector<16xf32>
        %sub3A_800 = arith.subf %get3A_640, %max3A_763 : vector<16xf32>
        %exp3A_801 = math.exp %sub3A_800 : vector<16xf32>
        %add3A_802 = arith.addf %add3A_793, %exp3A_801 : vector<16xf32>
        %sub3A_803 = arith.subf %get3A_649, %max3A_763 : vector<16xf32>
        %exp3A_804 = math.exp %sub3A_803 : vector<16xf32>
        %add3A_805 = arith.addf %add3A_796, %exp3A_804 : vector<16xf32>
        %sub3A_806 = arith.subf %get3A_658, %max3A_763 : vector<16xf32>
        %exp3A_807 = math.exp %sub3A_806 : vector<16xf32>
        %add3A_808 = arith.addf %add3A_799, %exp3A_807 : vector<16xf32>
        %sub3A_809 = arith.subf %get3A_667, %max3A_763 : vector<16xf32>
        %exp3A_810 = math.exp %sub3A_809 : vector<16xf32>
        %add3A_811 = arith.addf %add3A_802, %exp3A_810 : vector<16xf32>
        %sub3A_812 = arith.subf %get3A_676, %max3A_763 : vector<16xf32>
        %exp3A_813 = math.exp %sub3A_812 : vector<16xf32>
        %add3A_814 = arith.addf %add3A_805, %exp3A_813 : vector<16xf32>
        %sub3A_815 = arith.subf %get3A_685, %max3A_763 : vector<16xf32>
        %exp3A_816 = math.exp %sub3A_815 : vector<16xf32>
        %add3A_817 = arith.addf %add3A_808, %exp3A_816 : vector<16xf32>
        %sub3A_818 = arith.subf %get3A_694, %max3A_763 : vector<16xf32>
        %exp3A_819 = math.exp %sub3A_818 : vector<16xf32>
        %add3A_820 = arith.addf %add3A_811, %exp3A_819 : vector<16xf32>
        %sub3A_821 = arith.subf %get3A_703, %max3A_763 : vector<16xf32>
        %exp3A_822 = math.exp %sub3A_821 : vector<16xf32>
        %add3A_823 = arith.addf %add3A_814, %exp3A_822 : vector<16xf32>
        %sub3A_824 = arith.subf %get3A_712, %max3A_763 : vector<16xf32>
        %exp3A_825 = math.exp %sub3A_824 : vector<16xf32>
        %add3A_826 = arith.addf %add3A_817, %exp3A_825 : vector<16xf32>
        %sub3A_827 = arith.subf %get3A_721, %max3A_763 : vector<16xf32>
        %exp3A_828 = math.exp %sub3A_827 : vector<16xf32>
        %add3A_829 = arith.addf %add3A_820, %exp3A_828 : vector<16xf32>
        %sub3A_830 = arith.subf %get3A_730, %max3A_763 : vector<16xf32>
        %exp3A_831 = math.exp %sub3A_830 : vector<16xf32>
        %add3A_832 = arith.addf %add3A_823, %exp3A_831 : vector<16xf32>
        %sub3A_833 = arith.subf %get3A_739, %max3A_763 : vector<16xf32>
        %exp3A_834 = math.exp %sub3A_833 : vector<16xf32>
        %add3A_835 = arith.addf %add3A_826, %exp3A_834 : vector<16xf32>
        %add3A_836 = arith.addf %add3A_835, %add3A_829 : vector<16xf32>
        %add3A_837 = arith.addf %add3A_836, %add3A_832 : vector<16xf32>
        %max3A_838 = arith.maximumf %scan3A_497, %max3A_763 : vector<16xf32>
        %sub3A_839 = arith.subf %scan3A_497, %max3A_838 : vector<16xf32>
        %exp3A_840 = math.exp %sub3A_839 : vector<16xf32>
        %mul3A_841 = arith.mulf %scan3A_505, %exp3A_840 : vector<16xf32>
        %sub3A_842 = arith.subf %max3A_763, %max3A_838 : vector<16xf32>
        %exp3A_843 = math.exp %sub3A_842 : vector<16xf32>
        %mul3A_844 = arith.mulf %add3A_837, %exp3A_843 : vector<16xf32>
        %add3A_845 = arith.addf %mul3A_841, %mul3A_844 : vector<16xf32>
        %add3A_846 = arith.constant 0 : i32
        %add3A_847 = arith.addi %mul3A_514, %add3A_846 : i32
        %get3A_848 = arith.constant 0 : i32
        %get3A_849 = arith.constant 0 : i32
        %get3A_850 = tpu.memref_slice %arg6[%rem3A_68, %get3A_848, %get3A_849] : memref<2x200x128xf32, #tpu.memory_space<vmem>> -> memref<1x200x128xf32, #tpu.memory_space<vmem>>
        %get3A_851 = tpu.memref_squeeze %get3A_850 : memref<1x200x128xf32, #tpu.memory_space<vmem>> -> memref<200x128xf32, #tpu.memory_space<vmem>>
        %get3A_852 = arith.index_cast %add3A_847 : i32 to index
        %get3A_853 = arith.constant 16 : index
        %get3A_854 = tpu.vector_load %get3A_851[%get3A_852, %get3A_853] {strides = array<i32>} : memref<200x128xf32, #tpu.memory_space<vmem>>, vector<16xf32>,
        %add3A_855 = arith.constant 1 : i32
        %add3A_856 = arith.addi %mul3A_514, %add3A_855 : i32
        %get3A_857 = arith.constant 0 : i32
        %get3A_858 = arith.constant 0 : i32
        %get3A_859 = tpu.memref_slice %arg6[%rem3A_68, %get3A_857, %get3A_858] : memref<2x200x128xf32, #tpu.memory_space<vmem>> -> memref<1x200x128xf32, #tpu.memory_space<vmem>>
        %get3A_860 = tpu.memref_squeeze %get3A_859 : memref<1x200x128xf32, #tpu.memory_space<vmem>> -> memref<200x128xf32, #tpu.memory_space<vmem>>
        %get3A_861 = arith.index_cast %add3A_856 : i32 to index
        %get3A_862 = arith.constant 16 : index
        %get3A_863 = tpu.vector_load %get3A_860[%get3A_861, %get3A_862] {strides = array<i32>} : memref<200x128xf32, #tpu.memory_space<vmem>>, vector<16xf32>,
        %add3A_864 = arith.constant 2 : i32
        %add3A_865 = arith.addi %mul3A_514, %add3A_864 : i32
        %get3A_866 = arith.constant 0 : i32
        %get3A_867 = arith.constant 0 : i32
        %get3A_868 = tpu.memref_slice %arg6[%rem3A_68, %get3A_866, %get3A_867] : memref<2x200x128xf32, #tpu.memory_space<vmem>> -> memref<1x200x128xf32, #tpu.memory_space<vmem>>
        %get3A_869 = tpu.memref_squeeze %get3A_868 : memref<1x200x128xf32, #tpu.memory_space<vmem>> -> memref<200x128xf32, #tpu.memory_space<vmem>>
        %get3A_870 = arith.index_cast %add3A_865 : i32 to index
        %get3A_871 = arith.constant 16 : index
        %get3A_872 = tpu.vector_load %get3A_869[%get3A_870, %get3A_871] {strides = array<i32>} : memref<200x128xf32, #tpu.memory_space<vmem>>, vector<16xf32>,
        %add3A_873 = arith.constant 3 : i32
        %add3A_874 = arith.addi %mul3A_514, %add3A_873 : i32
        %get3A_875 = arith.constant 0 : i32
        %get3A_876 = arith.constant 0 : i32
        %get3A_877 = tpu.memref_slice %arg6[%rem3A_68, %get3A_875, %get3A_876] : memref<2x200x128xf32, #tpu.memory_space<vmem>> -> memref<1x200x128xf32, #tpu.memory_space<vmem>>
        %get3A_878 = tpu.memref_squeeze %get3A_877 : memref<1x200x128xf32, #tpu.memory_space<vmem>> -> memref<200x128xf32, #tpu.memory_space<vmem>>
        %get3A_879 = arith.index_cast %add3A_874 : i32 to index
        %get3A_880 = arith.constant 16 : index
        %get3A_881 = tpu.vector_load %get3A_878[%get3A_879, %get3A_880] {strides = array<i32>} : memref<200x128xf32, #tpu.memory_space<vmem>>, vector<16xf32>,
        %add3A_882 = arith.constant 4 : i32
        %add3A_883 = arith.addi %mul3A_514, %add3A_882 : i32
        %get3A_884 = arith.constant 0 : i32
        %get3A_885 = arith.constant 0 : i32
        %get3A_886 = tpu.memref_slice %arg6[%rem3A_68, %get3A_884, %get3A_885] : memref<2x200x128xf32, #tpu.memory_space<vmem>> -> memref<1x200x128xf32, #tpu.memory_space<vmem>>
        %get3A_887 = tpu.memref_squeeze %get3A_886 : memref<1x200x128xf32, #tpu.memory_space<vmem>> -> memref<200x128xf32, #tpu.memory_space<vmem>>
        %get3A_888 = arith.index_cast %add3A_883 : i32 to index
        %get3A_889 = arith.constant 16 : index
        %get3A_890 = tpu.vector_load %get3A_887[%get3A_888, %get3A_889] {strides = array<i32>} : memref<200x128xf32, #tpu.memory_space<vmem>>, vector<16xf32>,
        %add3A_891 = arith.constant 5 : i32
        %add3A_892 = arith.addi %mul3A_514, %add3A_891 : i32
        %get3A_893 = arith.constant 0 : i32
        %get3A_894 = arith.constant 0 : i32
        %get3A_895 = tpu.memref_slice %arg6[%rem3A_68, %get3A_893, %get3A_894] : memref<2x200x128xf32, #tpu.memory_space<vmem>> -> memref<1x200x128xf32, #tpu.memory_space<vmem>>
        %get3A_896 = tpu.memref_squeeze %get3A_895 : memref<1x200x128xf32, #tpu.memory_space<vmem>> -> memref<200x128xf32, #tpu.memory_space<vmem>>
        %get3A_897 = arith.index_cast %add3A_892 : i32 to index
        %get3A_898 = arith.constant 16 : index
        %get3A_899 = tpu.vector_load %get3A_896[%get3A_897, %get3A_898] {strides = array<i32>} : memref<200x128xf32, #tpu.memory_space<vmem>>, vector<16xf32>,
        %add3A_900 = arith.constant 6 : i32
        %add3A_901 = arith.addi %mul3A_514, %add3A_900 : i32
        %get3A_902 = arith.constant 0 : i32
        %get3A_903 = arith.constant 0 : i32
        %get3A_904 = tpu.memref_slice %arg6[%rem3A_68, %get3A_902, %get3A_903] : memref<2x200x128xf32, #tpu.memory_space<vmem>> -> memref<1x200x128xf32, #tpu.memory_space<vmem>>
        %get3A_905 = tpu.memref_squeeze %get3A_904 : memref<1x200x128xf32, #tpu.memory_space<vmem>> -> memref<200x128xf32, #tpu.memory_space<vmem>>
        %get3A_906 = arith.index_cast %add3A_901 : i32 to index
        %get3A_907 = arith.constant 16 : index
        %get3A_908 = tpu.vector_load %get3A_905[%get3A_906, %get3A_907] {strides = array<i32>} : memref<200x128xf32, #tpu.memory_space<vmem>>, vector<16xf32>,
        %add3A_909 = arith.constant 7 : i32
        %add3A_910 = arith.addi %mul3A_514, %add3A_909 : i32
        %get3A_911 = arith.constant 0 : i32
        %get3A_912 = arith.constant 0 : i32
        %get3A_913 = tpu.memref_slice %arg6[%rem3A_68, %get3A_911, %get3A_912] : memref<2x200x128xf32, #tpu.memory_space<vmem>> -> memref<1x200x128xf32, #tpu.memory_space<vmem>>
        %get3A_914 = tpu.memref_squeeze %get3A_913 : memref<1x200x128xf32, #tpu.memory_space<vmem>> -> memref<200x128xf32, #tpu.memory_space<vmem>>
        %get3A_915 = arith.index_cast %add3A_910 : i32 to index
        %get3A_916 = arith.constant 16 : index
        %get3A_917 = tpu.vector_load %get3A_914[%get3A_915, %get3A_916] {strides = array<i32>} : memref<200x128xf32, #tpu.memory_space<vmem>>, vector<16xf32>,
        %add3A_918 = arith.constant 8 : i32
        %add3A_919 = arith.addi %mul3A_514, %add3A_918 : i32
        %get3A_920 = arith.constant 0 : i32
        %get3A_921 = arith.constant 0 : i32
        %get3A_922 = tpu.memref_slice %arg6[%rem3A_68, %get3A_920, %get3A_921] : memref<2x200x128xf32, #tpu.memory_space<vmem>> -> memref<1x200x128xf32, #tpu.memory_space<vmem>>
        %get3A_923 = tpu.memref_squeeze %get3A_922 : memref<1x200x128xf32, #tpu.memory_space<vmem>> -> memref<200x128xf32, #tpu.memory_space<vmem>>
        %get3A_924 = arith.index_cast %add3A_919 : i32 to index
        %get3A_925 = arith.constant 16 : index
        %get3A_926 = tpu.vector_load %get3A_923[%get3A_924, %get3A_925] {strides = array<i32>} : memref<200x128xf32, #tpu.memory_space<vmem>>, vector<16xf32>,
        %add3A_927 = arith.constant 9 : i32
        %add3A_928 = arith.addi %mul3A_514, %add3A_927 : i32
        %get3A_929 = arith.constant 0 : i32
        %get3A_930 = arith.constant 0 : i32
        %get3A_931 = tpu.memref_slice %arg6[%rem3A_68, %get3A_929, %get3A_930] : memref<2x200x128xf32, #tpu.memory_space<vmem>> -> memref<1x200x128xf32, #tpu.memory_space<vmem>>
        %get3A_932 = tpu.memref_squeeze %get3A_931 : memref<1x200x128xf32, #tpu.memory_space<vmem>> -> memref<200x128xf32, #tpu.memory_space<vmem>>
        %get3A_933 = arith.index_cast %add3A_928 : i32 to index
        %get3A_934 = arith.constant 16 : index
        %get3A_935 = tpu.vector_load %get3A_932[%get3A_933, %get3A_934] {strides = array<i32>} : memref<200x128xf32, #tpu.memory_space<vmem>>, vector<16xf32>,
        %add3A_936 = arith.constant 10 : i32
        %add3A_937 = arith.addi %mul3A_514, %add3A_936 : i32
        %get3A_938 = arith.constant 0 : i32
        %get3A_939 = arith.constant 0 : i32
        %get3A_940 = tpu.memref_slice %arg6[%rem3A_68, %get3A_938, %get3A_939] : memref<2x200x128xf32, #tpu.memory_space<vmem>> -> memref<1x200x128xf32, #tpu.memory_space<vmem>>
        %get3A_941 = tpu.memref_squeeze %get3A_940 : memref<1x200x128xf32, #tpu.memory_space<vmem>> -> memref<200x128xf32, #tpu.memory_space<vmem>>
        %get3A_942 = arith.index_cast %add3A_937 : i32 to index
        %get3A_943 = arith.constant 16 : index
        %get3A_944 = tpu.vector_load %get3A_941[%get3A_942, %get3A_943] {strides = array<i32>} : memref<200x128xf32, #tpu.memory_space<vmem>>, vector<16xf32>,
        %add3A_945 = arith.constant 11 : i32
        %add3A_946 = arith.addi %mul3A_514, %add3A_945 : i32
        %get3A_947 = arith.constant 0 : i32
        %get3A_948 = arith.constant 0 : i32
        %get3A_949 = tpu.memref_slice %arg6[%rem3A_68, %get3A_947, %get3A_948] : memref<2x200x128xf32, #tpu.memory_space<vmem>> -> memref<1x200x128xf32, #tpu.memory_space<vmem>>
        %get3A_950 = tpu.memref_squeeze %get3A_949 : memref<1x200x128xf32, #tpu.memory_space<vmem>> -> memref<200x128xf32, #tpu.memory_space<vmem>>
        %get3A_951 = arith.index_cast %add3A_946 : i32 to index
        %get3A_952 = arith.constant 16 : index
        %get3A_953 = tpu.vector_load %get3A_950[%get3A_951, %get3A_952] {strides = array<i32>} : memref<200x128xf32, #tpu.memory_space<vmem>>, vector<16xf32>,
        %add3A_954 = arith.constant 12 : i32
        %add3A_955 = arith.addi %mul3A_514, %add3A_954 : i32
        %get3A_956 = arith.constant 0 : i32
        %get3A_957 = arith.constant 0 : i32
        %get3A_958 = tpu.memref_slice %arg6[%rem3A_68, %get3A_956, %get3A_957] : memref<2x200x128xf32, #tpu.memory_space<vmem>> -> memref<1x200x128xf32, #tpu.memory_space<vmem>>
        %get3A_959 = tpu.memref_squeeze %get3A_958 : memref<1x200x128xf32, #tpu.memory_space<vmem>> -> memref<200x128xf32, #tpu.memory_space<vmem>>
        %get3A_960 = arith.index_cast %add3A_955 : i32 to index
        %get3A_961 = arith.constant 16 : index
        %get3A_962 = tpu.vector_load %get3A_959[%get3A_960, %get3A_961] {strides = array<i32>} : memref<200x128xf32, #tpu.memory_space<vmem>>, vector<16xf32>,
        %add3A_963 = arith.constant 13 : i32
        %add3A_964 = arith.addi %mul3A_514, %add3A_963 : i32
        %get3A_965 = arith.constant 0 : i32
        %get3A_966 = arith.constant 0 : i32
        %get3A_967 = tpu.memref_slice %arg6[%rem3A_68, %get3A_965, %get3A_966] : memref<2x200x128xf32, #tpu.memory_space<vmem>> -> memref<1x200x128xf32, #tpu.memory_space<vmem>>
        %get3A_968 = tpu.memref_squeeze %get3A_967 : memref<1x200x128xf32, #tpu.memory_space<vmem>> -> memref<200x128xf32, #tpu.memory_space<vmem>>
        %get3A_969 = arith.index_cast %add3A_964 : i32 to index
        %get3A_970 = arith.constant 16 : index
        %get3A_971 = tpu.vector_load %get3A_968[%get3A_969, %get3A_970] {strides = array<i32>} : memref<200x128xf32, #tpu.memory_space<vmem>>, vector<16xf32>,
        %add3A_972 = arith.constant 14 : i32
        %add3A_973 = arith.addi %mul3A_514, %add3A_972 : i32
        %get3A_974 = arith.constant 0 : i32
        %get3A_975 = arith.constant 0 : i32
        %get3A_976 = tpu.memref_slice %arg6[%rem3A_68, %get3A_974, %get3A_975] : memref<2x200x128xf32, #tpu.memory_space<vmem>> -> memref<1x200x128xf32, #tpu.memory_space<vmem>>
        %get3A_977 = tpu.memref_squeeze %get3A_976 : memref<1x200x128xf32, #tpu.memory_space<vmem>> -> memref<200x128xf32, #tpu.memory_space<vmem>>
        %get3A_978 = arith.index_cast %add3A_973 : i32 to index
        %get3A_979 = arith.constant 16 : index
        %get3A_980 = tpu.vector_load %get3A_977[%get3A_978, %get3A_979] {strides = array<i32>} : memref<200x128xf32, #tpu.memory_space<vmem>>, vector<16xf32>,
        %add3A_981 = arith.constant 15 : i32
        %add3A_982 = arith.addi %mul3A_514, %add3A_981 : i32
        %get3A_983 = arith.constant 0 : i32
        %get3A_984 = arith.constant 0 : i32
        %get3A_985 = tpu.memref_slice %arg6[%rem3A_68, %get3A_983, %get3A_984] : memref<2x200x128xf32, #tpu.memory_space<vmem>> -> memref<1x200x128xf32, #tpu.memory_space<vmem>>
        %get3A_986 = tpu.memref_squeeze %get3A_985 : memref<1x200x128xf32, #tpu.memory_space<vmem>> -> memref<200x128xf32, #tpu.memory_space<vmem>>
        %get3A_987 = arith.index_cast %add3A_982 : i32 to index
        %get3A_988 = arith.constant 16 : index
        %get3A_989 = tpu.vector_load %get3A_986[%get3A_987, %get3A_988] {strides = array<i32>} : memref<200x128xf32, #tpu.memory_space<vmem>>, vector<16xf32>,
        %add3A_990 = arith.constant 16 : i32
        %add3A_991 = arith.addi %mul3A_514, %add3A_990 : i32
        %get3A_992 = arith.constant 0 : i32
        %get3A_993 = arith.constant 0 : i32
        %get3A_994 = tpu.memref_slice %arg6[%rem3A_68, %get3A_992, %get3A_993] : memref<2x200x128xf32, #tpu.memory_space<vmem>> -> memref<1x200x128xf32, #tpu.memory_space<vmem>>
        %get3A_995 = tpu.memref_squeeze %get3A_994 : memref<1x200x128xf32, #tpu.memory_space<vmem>> -> memref<200x128xf32, #tpu.memory_space<vmem>>
        %get3A_996 = arith.index_cast %add3A_991 : i32 to index
        %get3A_997 = arith.constant 16 : index
        %get3A_998 = tpu.vector_load %get3A_995[%get3A_996, %get3A_997] {strides = array<i32>} : memref<200x128xf32, #tpu.memory_space<vmem>>, vector<16xf32>,
        %add3A_999 = arith.constant 17 : i32
        %add3A_1000 = arith.addi %mul3A_514, %add3A_999 : i32
        %get3A_1001 = arith.constant 0 : i32
        %get3A_1002 = arith.constant 0 : i32
        %get3A_1003 = tpu.memref_slice %arg6[%rem3A_68, %get3A_1001, %get3A_1002] : memref<2x200x128xf32, #tpu.memory_space<vmem>> -> memref<1x200x128xf32, #tpu.memory_space<vmem>>
        %get3A_1004 = tpu.memref_squeeze %get3A_1003 : memref<1x200x128xf32, #tpu.memory_space<vmem>> -> memref<200x128xf32, #tpu.memory_space<vmem>>
        %get3A_1005 = arith.index_cast %add3A_1000 : i32 to index
        %get3A_1006 = arith.constant 16 : index
        %get3A_1007 = tpu.vector_load %get3A_1004[%get3A_1005, %get3A_1006] {strides = array<i32>} : memref<200x128xf32, #tpu.memory_space<vmem>>, vector<16xf32>,
        %add3A_1008 = arith.constant 18 : i32
        %add3A_1009 = arith.addi %mul3A_514, %add3A_1008 : i32
        %get3A_1010 = arith.constant 0 : i32
        %get3A_1011 = arith.constant 0 : i32
        %get3A_1012 = tpu.memref_slice %arg6[%rem3A_68, %get3A_1010, %get3A_1011] : memref<2x200x128xf32, #tpu.memory_space<vmem>> -> memref<1x200x128xf32, #tpu.memory_space<vmem>>
        %get3A_1013 = tpu.memref_squeeze %get3A_1012 : memref<1x200x128xf32, #tpu.memory_space<vmem>> -> memref<200x128xf32, #tpu.memory_space<vmem>>
        %get3A_1014 = arith.index_cast %add3A_1009 : i32 to index
        %get3A_1015 = arith.constant 16 : index
        %get3A_1016 = tpu.vector_load %get3A_1013[%get3A_1014, %get3A_1015] {strides = array<i32>} : memref<200x128xf32, #tpu.memory_space<vmem>>, vector<16xf32>,
        %add3A_1017 = arith.constant 19 : i32
        %add3A_1018 = arith.addi %mul3A_514, %add3A_1017 : i32
        %get3A_1019 = arith.constant 0 : i32
        %get3A_1020 = arith.constant 0 : i32
        %get3A_1021 = tpu.memref_slice %arg6[%rem3A_68, %get3A_1019, %get3A_1020] : memref<2x200x128xf32, #tpu.memory_space<vmem>> -> memref<1x200x128xf32, #tpu.memory_space<vmem>>
        %get3A_1022 = tpu.memref_squeeze %get3A_1021 : memref<1x200x128xf32, #tpu.memory_space<vmem>> -> memref<200x128xf32, #tpu.memory_space<vmem>>
        %get3A_1023 = arith.index_cast %add3A_1018 : i32 to index
        %get3A_1024 = arith.constant 16 : index
        %get3A_1025 = tpu.vector_load %get3A_1022[%get3A_1023, %get3A_1024] {strides = array<i32>} : memref<200x128xf32, #tpu.memory_space<vmem>>, vector<16xf32>,
        %add3A_1026 = arith.constant 20 : i32
        %add3A_1027 = arith.addi %mul3A_514, %add3A_1026 : i32
        %get3A_1028 = arith.constant 0 : i32
        %get3A_1029 = arith.constant 0 : i32
        %get3A_1030 = tpu.memref_slice %arg6[%rem3A_68, %get3A_1028, %get3A_1029] : memref<2x200x128xf32, #tpu.memory_space<vmem>> -> memref<1x200x128xf32, #tpu.memory_space<vmem>>
        %get3A_1031 = tpu.memref_squeeze %get3A_1030 : memref<1x200x128xf32, #tpu.memory_space<vmem>> -> memref<200x128xf32, #tpu.memory_space<vmem>>
        %get3A_1032 = arith.index_cast %add3A_1027 : i32 to index
        %get3A_1033 = arith.constant 16 : index
        %get3A_1034 = tpu.vector_load %get3A_1031[%get3A_1032, %get3A_1033] {strides = array<i32>} : memref<200x128xf32, #tpu.memory_space<vmem>>, vector<16xf32>,
        %add3A_1035 = arith.constant 21 : i32
        %add3A_1036 = arith.addi %mul3A_514, %add3A_1035 : i32
        %get3A_1037 = arith.constant 0 : i32
        %get3A_1038 = arith.constant 0 : i32
        %get3A_1039 = tpu.memref_slice %arg6[%rem3A_68, %get3A_1037, %get3A_1038] : memref<2x200x128xf32, #tpu.memory_space<vmem>> -> memref<1x200x128xf32, #tpu.memory_space<vmem>>
        %get3A_1040 = tpu.memref_squeeze %get3A_1039 : memref<1x200x128xf32, #tpu.memory_space<vmem>> -> memref<200x128xf32, #tpu.memory_space<vmem>>
        %get3A_1041 = arith.index_cast %add3A_1036 : i32 to index
        %get3A_1042 = arith.constant 16 : index
        %get3A_1043 = tpu.vector_load %get3A_1040[%get3A_1041, %get3A_1042] {strides = array<i32>} : memref<200x128xf32, #tpu.memory_space<vmem>>, vector<16xf32>,
        %add3A_1044 = arith.constant 22 : i32
        %add3A_1045 = arith.addi %mul3A_514, %add3A_1044 : i32
        %get3A_1046 = arith.constant 0 : i32
        %get3A_1047 = arith.constant 0 : i32
        %get3A_1048 = tpu.memref_slice %arg6[%rem3A_68, %get3A_1046, %get3A_1047] : memref<2x200x128xf32, #tpu.memory_space<vmem>> -> memref<1x200x128xf32, #tpu.memory_space<vmem>>
        %get3A_1049 = tpu.memref_squeeze %get3A_1048 : memref<1x200x128xf32, #tpu.memory_space<vmem>> -> memref<200x128xf32, #tpu.memory_space<vmem>>
        %get3A_1050 = arith.index_cast %add3A_1045 : i32 to index
        %get3A_1051 = arith.constant 16 : index
        %get3A_1052 = tpu.vector_load %get3A_1049[%get3A_1050, %get3A_1051] {strides = array<i32>} : memref<200x128xf32, #tpu.memory_space<vmem>>, vector<16xf32>,
        %add3A_1053 = arith.constant 23 : i32
        %add3A_1054 = arith.addi %mul3A_514, %add3A_1053 : i32
        %get3A_1055 = arith.constant 0 : i32
        %get3A_1056 = arith.constant 0 : i32
        %get3A_1057 = tpu.memref_slice %arg6[%rem3A_68, %get3A_1055, %get3A_1056] : memref<2x200x128xf32, #tpu.memory_space<vmem>> -> memref<1x200x128xf32, #tpu.memory_space<vmem>>
        %get3A_1058 = tpu.memref_squeeze %get3A_1057 : memref<1x200x128xf32, #tpu.memory_space<vmem>> -> memref<200x128xf32, #tpu.memory_space<vmem>>
        %get3A_1059 = arith.index_cast %add3A_1054 : i32 to index
        %get3A_1060 = arith.constant 16 : index
        %get3A_1061 = tpu.vector_load %get3A_1058[%get3A_1059, %get3A_1060] {strides = array<i32>} : memref<200x128xf32, #tpu.memory_space<vmem>>, vector<16xf32>,
        %add3A_1062 = arith.constant 24 : i32
        %add3A_1063 = arith.addi %mul3A_514, %add3A_1062 : i32
        %get3A_1064 = arith.constant 0 : i32
        %get3A_1065 = arith.constant 0 : i32
        %get3A_1066 = tpu.memref_slice %arg6[%rem3A_68, %get3A_1064, %get3A_1065] : memref<2x200x128xf32, #tpu.memory_space<vmem>> -> memref<1x200x128xf32, #tpu.memory_space<vmem>>
        %get3A_1067 = tpu.memref_squeeze %get3A_1066 : memref<1x200x128xf32, #tpu.memory_space<vmem>> -> memref<200x128xf32, #tpu.memory_space<vmem>>
        %get3A_1068 = arith.index_cast %add3A_1063 : i32 to index
        %get3A_1069 = arith.constant 16 : index
        %get3A_1070 = tpu.vector_load %get3A_1067[%get3A_1068, %get3A_1069] {strides = array<i32>} : memref<200x128xf32, #tpu.memory_space<vmem>>, vector<16xf32>,
        %max3A_1071 = arith.maximumf %get3A_854, %get3A_863 : vector<16xf32>
        %max3A_1072 = arith.maximumf %get3A_872, %get3A_881 : vector<16xf32>
        %max3A_1073 = arith.maximumf %get3A_890, %get3A_899 : vector<16xf32>
        %max3A_1074 = arith.maximumf %get3A_908, %get3A_917 : vector<16xf32>
        %max3A_1075 = arith.maximumf %get3A_926, %get3A_935 : vector<16xf32>
        %max3A_1076 = arith.maximumf %get3A_944, %get3A_953 : vector<16xf32>
        %max3A_1077 = arith.maximumf %get3A_962, %get3A_971 : vector<16xf32>
        %max3A_1078 = arith.maximumf %get3A_980, %get3A_989 : vector<16xf32>
        %max3A_1079 = arith.maximumf %get3A_998, %get3A_1007 : vector<16xf32>
        %max3A_1080 = arith.maximumf %get3A_1016, %get3A_1025 : vector<16xf32>
        %max3A_1081 = arith.maximumf %get3A_1034, %get3A_1043 : vector<16xf32>
        %max3A_1082 = arith.maximumf %get3A_1052, %get3A_1061 : vector<16xf32>
        %max3A_1083 = arith.maximumf %max3A_1071, %max3A_1072 : vector<16xf32>
        %max3A_1084 = arith.maximumf %max3A_1073, %max3A_1074 : vector<16xf32>
        %max3A_1085 = arith.maximumf %max3A_1075, %max3A_1076 : vector<16xf32>
        %max3A_1086 = arith.maximumf %max3A_1077, %max3A_1078 : vector<16xf32>
        %max3A_1087 = arith.maximumf %max3A_1079, %max3A_1080 : vector<16xf32>
        %max3A_1088 = arith.maximumf %max3A_1081, %max3A_1082 : vector<16xf32>
        %max3A_1089 = arith.maximumf %max3A_1083, %max3A_1084 : vector<16xf32>
        %max3A_1090 = arith.maximumf %max3A_1085, %max3A_1086 : vector<16xf32>
        %max3A_1091 = arith.maximumf %max3A_1087, %max3A_1088 : vector<16xf32>
        %max3A_1092 = arith.maximumf %max3A_1089, %max3A_1090 : vector<16xf32>
        %max3A_1093 = arith.maximumf %max3A_1091, %get3A_1070 : vector<16xf32>
        %max3A_1094 = arith.maximumf %max3A_1092, %max3A_1093 : vector<16xf32>
        %sub3A_1095 = arith.subf %get3A_854, %max3A_1094 : vector<16xf32>
        %exp3A_1096 = math.exp %sub3A_1095 : vector<16xf32>
        %sub3A_1097 = arith.subf %get3A_863, %max3A_1094 : vector<16xf32>
        %exp3A_1098 = math.exp %sub3A_1097 : vector<16xf32>
        %sub3A_1099 = arith.subf %get3A_872, %max3A_1094 : vector<16xf32>
        %exp3A_1100 = math.exp %sub3A_1099 : vector<16xf32>
        %sub3A_1101 = arith.subf %get3A_881, %max3A_1094 : vector<16xf32>
        %exp3A_1102 = math.exp %sub3A_1101 : vector<16xf32>
        %add3A_1103 = arith.addf %exp3A_1096, %exp3A_1102 : vector<16xf32>
        %sub3A_1104 = arith.subf %get3A_890, %max3A_1094 : vector<16xf32>
        %exp3A_1105 = math.exp %sub3A_1104 : vector<16xf32>
        %add3A_1106 = arith.addf %exp3A_1098, %exp3A_1105 : vector<16xf32>
        %sub3A_1107 = arith.subf %get3A_899, %max3A_1094 : vector<16xf32>
        %exp3A_1108 = math.exp %sub3A_1107 : vector<16xf32>
        %add3A_1109 = arith.addf %exp3A_1100, %exp3A_1108 : vector<16xf32>
        %sub3A_1110 = arith.subf %get3A_908, %max3A_1094 : vector<16xf32>
        %exp3A_1111 = math.exp %sub3A_1110 : vector<16xf32>
        %add3A_1112 = arith.addf %add3A_1103, %exp3A_1111 : vector<16xf32>
        %sub3A_1113 = arith.subf %get3A_917, %max3A_1094 : vector<16xf32>
        %exp3A_1114 = math.exp %sub3A_1113 : vector<16xf32>
        %add3A_1115 = arith.addf %add3A_1106, %exp3A_1114 : vector<16xf32>
        %sub3A_1116 = arith.subf %get3A_926, %max3A_1094 : vector<16xf32>
        %exp3A_1117 = math.exp %sub3A_1116 : vector<16xf32>
        %add3A_1118 = arith.addf %add3A_1109, %exp3A_1117 : vector<16xf32>
        %sub3A_1119 = arith.subf %get3A_935, %max3A_1094 : vector<16xf32>
        %exp3A_1120 = math.exp %sub3A_1119 : vector<16xf32>
        %add3A_1121 = arith.addf %add3A_1112, %exp3A_1120 : vector<16xf32>
        %sub3A_1122 = arith.subf %get3A_944, %max3A_1094 : vector<16xf32>
        %exp3A_1123 = math.exp %sub3A_1122 : vector<16xf32>
        %add3A_1124 = arith.addf %add3A_1115, %exp3A_1123 : vector<16xf32>
        %sub3A_1125 = arith.subf %get3A_953, %max3A_1094 : vector<16xf32>
        %exp3A_1126 = math.exp %sub3A_1125 : vector<16xf32>
        %add3A_1127 = arith.addf %add3A_1118, %exp3A_1126 : vector<16xf32>
        %sub3A_1128 = arith.subf %get3A_962, %max3A_1094 : vector<16xf32>
        %exp3A_1129 = math.exp %sub3A_1128 : vector<16xf32>
        %add3A_1130 = arith.addf %add3A_1121, %exp3A_1129 : vector<16xf32>
        %sub3A_1131 = arith.subf %get3A_971, %max3A_1094 : vector<16xf32>
        %exp3A_1132 = math.exp %sub3A_1131 : vector<16xf32>
        %add3A_1133 = arith.addf %add3A_1124, %exp3A_1132 : vector<16xf32>
        %sub3A_1134 = arith.subf %get3A_980, %max3A_1094 : vector<16xf32>
        %exp3A_1135 = math.exp %sub3A_1134 : vector<16xf32>
        %add3A_1136 = arith.addf %add3A_1127, %exp3A_1135 : vector<16xf32>
        %sub3A_1137 = arith.subf %get3A_989, %max3A_1094 : vector<16xf32>
        %exp3A_1138 = math.exp %sub3A_1137 : vector<16xf32>
        %add3A_1139 = arith.addf %add3A_1130, %exp3A_1138 : vector<16xf32>
        %sub3A_1140 = arith.subf %get3A_998, %max3A_1094 : vector<16xf32>
        %exp3A_1141 = math.exp %sub3A_1140 : vector<16xf32>
        %add3A_1142 = arith.addf %add3A_1133, %exp3A_1141 : vector<16xf32>
        %sub3A_1143 = arith.subf %get3A_1007, %max3A_1094 : vector<16xf32>
        %exp3A_1144 = math.exp %sub3A_1143 : vector<16xf32>
        %add3A_1145 = arith.addf %add3A_1136, %exp3A_1144 : vector<16xf32>
        %sub3A_1146 = arith.subf %get3A_1016, %max3A_1094 : vector<16xf32>
        %exp3A_1147 = math.exp %sub3A_1146 : vector<16xf32>
        %add3A_1148 = arith.addf %add3A_1139, %exp3A_1147 : vector<16xf32>
        %sub3A_1149 = arith.subf %get3A_1025, %max3A_1094 : vector<16xf32>
        %exp3A_1150 = math.exp %sub3A_1149 : vector<16xf32>
        %add3A_1151 = arith.addf %add3A_1142, %exp3A_1150 : vector<16xf32>
        %sub3A_1152 = arith.subf %get3A_1034, %max3A_1094 : vector<16xf32>
        %exp3A_1153 = math.exp %sub3A_1152 : vector<16xf32>
        %add3A_1154 = arith.addf %add3A_1145, %exp3A_1153 : vector<16xf32>
        %sub3A_1155 = arith.subf %get3A_1043, %max3A_1094 : vector<16xf32>
        %exp3A_1156 = math.exp %sub3A_1155 : vector<16xf32>
        %add3A_1157 = arith.addf %add3A_1148, %exp3A_1156 : vector<16xf32>
        %sub3A_1158 = arith.subf %get3A_1052, %max3A_1094 : vector<16xf32>
        %exp3A_1159 = math.exp %sub3A_1158 : vector<16xf32>
        %add3A_1160 = arith.addf %add3A_1151, %exp3A_1159 : vector<16xf32>
        %sub3A_1161 = arith.subf %get3A_1061, %max3A_1094 : vector<16xf32>
        %exp3A_1162 = math.exp %sub3A_1161 : vector<16xf32>
        %add3A_1163 = arith.addf %add3A_1154, %exp3A_1162 : vector<16xf32>
        %sub3A_1164 = arith.subf %get3A_1070, %max3A_1094 : vector<16xf32>
        %exp3A_1165 = math.exp %sub3A_1164 : vector<16xf32>
        %add3A_1166 = arith.addf %add3A_1157, %exp3A_1165 : vector<16xf32>
        %add3A_1167 = arith.addf %add3A_1166, %add3A_1160 : vector<16xf32>
        %add3A_1168 = arith.addf %add3A_1167, %add3A_1163 : vector<16xf32>
        %max3A_1169 = arith.maximumf %scan3A_498, %max3A_1094 : vector<16xf32>
        %sub3A_1170 = arith.subf %scan3A_498, %max3A_1169 : vector<16xf32>
        %exp3A_1171 = math.exp %sub3A_1170 : vector<16xf32>
        %mul3A_1172 = arith.mulf %scan3A_506, %exp3A_1171 : vector<16xf32>
        %sub3A_1173 = arith.subf %max3A_1094, %max3A_1169 : vector<16xf32>
        %exp3A_1174 = math.exp %sub3A_1173 : vector<16xf32>
        %mul3A_1175 = arith.mulf %add3A_1168, %exp3A_1174 : vector<16xf32>
        %add3A_1176 = arith.addf %mul3A_1172, %mul3A_1175 : vector<16xf32>
        %add3A_1177 = arith.constant 0 : i32
        %add3A_1178 = arith.addi %mul3A_514, %add3A_1177 : i32
        %get3A_1179 = arith.constant 0 : i32
        %get3A_1180 = arith.constant 0 : i32
        %get3A_1181 = tpu.memref_slice %arg6[%rem3A_68, %get3A_1179, %get3A_1180] : memref<2x200x128xf32, #tpu.memory_space<vmem>> -> memref<1x200x128xf32, #tpu.memory_space<vmem>>
        %get3A_1182 = tpu.memref_squeeze %get3A_1181 : memref<1x200x128xf32, #tpu.memory_space<vmem>> -> memref<200x128xf32, #tpu.memory_space<vmem>>
        %get3A_1183 = arith.index_cast %add3A_1178 : i32 to index
        %get3A_1184 = arith.constant 32 : index
        %get3A_1185 = tpu.vector_load %get3A_1182[%get3A_1183, %get3A_1184] {strides = array<i32>} : memref<200x128xf32, #tpu.memory_space<vmem>>, vector<16xf32>,
        %add3A_1186 = arith.constant 1 : i32
        %add3A_1187 = arith.addi %mul3A_514, %add3A_1186 : i32
        %get3A_1188 = arith.constant 0 : i32
        %get3A_1189 = arith.constant 0 : i32
        %get3A_1190 = tpu.memref_slice %arg6[%rem3A_68, %get3A_1188, %get3A_1189] : memref<2x200x128xf32, #tpu.memory_space<vmem>> -> memref<1x200x128xf32, #tpu.memory_space<vmem>>
        %get3A_1191 = tpu.memref_squeeze %get3A_1190 : memref<1x200x128xf32, #tpu.memory_space<vmem>> -> memref<200x128xf32, #tpu.memory_space<vmem>>
        %get3A_1192 = arith.index_cast %add3A_1187 : i32 to index
        %get3A_1193 = arith.constant 32 : index
        %get3A_1194 = tpu.vector_load %get3A_1191[%get3A_1192, %get3A_1193] {strides = array<i32>} : memref<200x128xf32, #tpu.memory_space<vmem>>, vector<16xf32>,
        %add3A_1195 = arith.constant 2 : i32
        %add3A_1196 = arith.addi %mul3A_514, %add3A_1195 : i32
        %get3A_1197 = arith.constant 0 : i32
        %get3A_1198 = arith.constant 0 : i32
        %get3A_1199 = tpu.memref_slice %arg6[%rem3A_68, %get3A_1197, %get3A_1198] : memref<2x200x128xf32, #tpu.memory_space<vmem>> -> memref<1x200x128xf32, #tpu.memory_space<vmem>>
        %get3A_1200 = tpu.memref_squeeze %get3A_1199 : memref<1x200x128xf32, #tpu.memory_space<vmem>> -> memref<200x128xf32, #tpu.memory_space<vmem>>
        %get3A_1201 = arith.index_cast %add3A_1196 : i32 to index
        %get3A_1202 = arith.constant 32 : index
        %get3A_1203 = tpu.vector_load %get3A_1200[%get3A_1201, %get3A_1202] {strides = array<i32>} : memref<200x128xf32, #tpu.memory_space<vmem>>, vector<16xf32>,
        %add3A_1204 = arith.constant 3 : i32
        %add3A_1205 = arith.addi %mul3A_514, %add3A_1204 : i32
        %get3A_1206 = arith.constant 0 : i32
        %get3A_1207 = arith.constant 0 : i32
        %get3A_1208 = tpu.memref_slice %arg6[%rem3A_68, %get3A_1206, %get3A_1207] : memref<2x200x128xf32, #tpu.memory_space<vmem>> -> memref<1x200x128xf32, #tpu.memory_space<vmem>>
        %get3A_1209 = tpu.memref_squeeze %get3A_1208 : memref<1x200x128xf32, #tpu.memory_space<vmem>> -> memref<200x128xf32, #tpu.memory_space<vmem>>
        %get3A_1210 = arith.index_cast %add3A_1205 : i32 to index
        %get3A_1211 = arith.constant 32 : index
        %get3A_1212 = tpu.vector_load %get3A_1209[%get3A_1210, %get3A_1211] {strides = array<i32>} : memref<200x128xf32, #tpu.memory_space<vmem>>, vector<16xf32>,
        %add3A_1213 = arith.constant 4 : i32
        %add3A_1214 = arith.addi %mul3A_514, %add3A_1213 : i32
        %get3A_1215 = arith.constant 0 : i32
        %get3A_1216 = arith.constant 0 : i32
        %get3A_1217 = tpu.memref_slice %arg6[%rem3A_68, %get3A_1215, %get3A_1216] : memref<2x200x128xf32, #tpu.memory_space<vmem>> -> memref<1x200x128xf32, #tpu.memory_space<vmem>>
        %get3A_1218 = tpu.memref_squeeze %get3A_1217 : memref<1x200x128xf32, #tpu.memory_space<vmem>> -> memref<200x128xf32, #tpu.memory_space<vmem>>
        %get3A_1219 = arith.index_cast %add3A_1214 : i32 to index
        %get3A_1220 = arith.constant 32 : index
        %get3A_1221 = tpu.vector_load %get3A_1218[%get3A_1219, %get3A_1220] {strides = array<i32>} : memref<200x128xf32, #tpu.memory_space<vmem>>, vector<16xf32>,
        %add3A_1222 = arith.constant 5 : i32
        %add3A_1223 = arith.addi %mul3A_514, %add3A_1222 : i32
        %get3A_1224 = arith.constant 0 : i32
        %get3A_1225 = arith.constant 0 : i32
        %get3A_1226 = tpu.memref_slice %arg6[%rem3A_68, %get3A_1224, %get3A_1225] : memref<2x200x128xf32, #tpu.memory_space<vmem>> -> memref<1x200x128xf32, #tpu.memory_space<vmem>>
        %get3A_1227 = tpu.memref_squeeze %get3A_1226 : memref<1x200x128xf32, #tpu.memory_space<vmem>> -> memref<200x128xf32, #tpu.memory_space<vmem>>
        %get3A_1228 = arith.index_cast %add3A_1223 : i32 to index
        %get3A_1229 = arith.constant 32 : index
        %get3A_1230 = tpu.vector_load %get3A_1227[%get3A_1228, %get3A_1229] {strides = array<i32>} : memref<200x128xf32, #tpu.memory_space<vmem>>, vector<16xf32>,
        %add3A_1231 = arith.constant 6 : i32
        %add3A_1232 = arith.addi %mul3A_514, %add3A_1231 : i32
        %get3A_1233 = arith.constant 0 : i32
        %get3A_1234 = arith.constant 0 : i32
        %get3A_1235 = tpu.memref_slice %arg6[%rem3A_68, %get3A_1233, %get3A_1234] : memref<2x200x128xf32, #tpu.memory_space<vmem>> -> memref<1x200x128xf32, #tpu.memory_space<vmem>>
        %get3A_1236 = tpu.memref_squeeze %get3A_1235 : memref<1x200x128xf32, #tpu.memory_space<vmem>> -> memref<200x128xf32, #tpu.memory_space<vmem>>
        %get3A_1237 = arith.index_cast %add3A_1232 : i32 to index
        %get3A_1238 = arith.constant 32 : index
        %get3A_1239 = tpu.vector_load %get3A_1236[%get3A_1237, %get3A_1238] {strides = array<i32>} : memref<200x128xf32, #tpu.memory_space<vmem>>, vector<16xf32>,
        %add3A_1240 = arith.constant 7 : i32
        %add3A_1241 = arith.addi %mul3A_514, %add3A_1240 : i32
        %get3A_1242 = arith.constant 0 : i32
        %get3A_1243 = arith.constant 0 : i32
        %get3A_1244 = tpu.memref_slice %arg6[%rem3A_68, %get3A_1242, %get3A_1243] : memref<2x200x128xf32, #tpu.memory_space<vmem>> -> memref<1x200x128xf32, #tpu.memory_space<vmem>>
        %get3A_1245 = tpu.memref_squeeze %get3A_1244 : memref<1x200x128xf32, #tpu.memory_space<vmem>> -> memref<200x128xf32, #tpu.memory_space<vmem>>
        %get3A_1246 = arith.index_cast %add3A_1241 : i32 to index
        %get3A_1247 = arith.constant 32 : index
        %get3A_1248 = tpu.vector_load %get3A_1245[%get3A_1246, %get3A_1247] {strides = array<i32>} : memref<200x128xf32, #tpu.memory_space<vmem>>, vector<16xf32>,
        %add3A_1249 = arith.constant 8 : i32
        %add3A_1250 = arith.addi %mul3A_514, %add3A_1249 : i32
        %get3A_1251 = arith.constant 0 : i32
        %get3A_1252 = arith.constant 0 : i32
        %get3A_1253 = tpu.memref_slice %arg6[%rem3A_68, %get3A_1251, %get3A_1252] : memref<2x200x128xf32, #tpu.memory_space<vmem>> -> memref<1x200x128xf32, #tpu.memory_space<vmem>>
        %get3A_1254 = tpu.memref_squeeze %get3A_1253 : memref<1x200x128xf32, #tpu.memory_space<vmem>> -> memref<200x128xf32, #tpu.memory_space<vmem>>
        %get3A_1255 = arith.index_cast %add3A_1250 : i32 to index
        %get3A_1256 = arith.constant 32 : index
        %get3A_1257 = tpu.vector_load %get3A_1254[%get3A_1255, %get3A_1256] {strides = array<i32>} : memref<200x128xf32, #tpu.memory_space<vmem>>, vector<16xf32>,
        %add3A_1258 = arith.constant 9 : i32
        %add3A_1259 = arith.addi %mul3A_514, %add3A_1258 : i32
        %get3A_1260 = arith.constant 0 : i32
        %get3A_1261 = arith.constant 0 : i32
        %get3A_1262 = tpu.memref_slice %arg6[%rem3A_68, %get3A_1260, %get3A_1261] : memref<2x200x128xf32, #tpu.memory_space<vmem>> -> memref<1x200x128xf32, #tpu.memory_space<vmem>>
        %get3A_1263 = tpu.memref_squeeze %get3A_1262 : memref<1x200x128xf32, #tpu.memory_space<vmem>> -> memref<200x128xf32, #tpu.memory_space<vmem>>
        %get3A_1264 = arith.index_cast %add3A_1259 : i32 to index
        %get3A_1265 = arith.constant 32 : index
        %get3A_1266 = tpu.vector_load %get3A_1263[%get3A_1264, %get3A_1265] {strides = array<i32>} : memref<200x128xf32, #tpu.memory_space<vmem>>, vector<16xf32>,
        %add3A_1267 = arith.constant 10 : i32
        %add3A_1268 = arith.addi %mul3A_514, %add3A_1267 : i32
        %get3A_1269 = arith.constant 0 : i32
        %get3A_1270 = arith.constant 0 : i32
        %get3A_1271 = tpu.memref_slice %arg6[%rem3A_68, %get3A_1269, %get3A_1270] : memref<2x200x128xf32, #tpu.memory_space<vmem>> -> memref<1x200x128xf32, #tpu.memory_space<vmem>>
        %get3A_1272 = tpu.memref_squeeze %get3A_1271 : memref<1x200x128xf32, #tpu.memory_space<vmem>> -> memref<200x128xf32, #tpu.memory_space<vmem>>
        %get3A_1273 = arith.index_cast %add3A_1268 : i32 to index
        %get3A_1274 = arith.constant 32 : index
        %get3A_1275 = tpu.vector_load %get3A_1272[%get3A_1273, %get3A_1274] {strides = array<i32>} : memref<200x128xf32, #tpu.memory_space<vmem>>, vector<16xf32>,
        %add3A_1276 = arith.constant 11 : i32
        %add3A_1277 = arith.addi %mul3A_514, %add3A_1276 : i32
        %get3A_1278 = arith.constant 0 : i32
        %get3A_1279 = arith.constant 0 : i32
        %get3A_1280 = tpu.memref_slice %arg6[%rem3A_68, %get3A_1278, %get3A_1279] : memref<2x200x128xf32, #tpu.memory_space<vmem>> -> memref<1x200x128xf32, #tpu.memory_space<vmem>>
        %get3A_1281 = tpu.memref_squeeze %get3A_1280 : memref<1x200x128xf32, #tpu.memory_space<vmem>> -> memref<200x128xf32, #tpu.memory_space<vmem>>
        %get3A_1282 = arith.index_cast %add3A_1277 : i32 to index
        %get3A_1283 = arith.constant 32 : index
        %get3A_1284 = tpu.vector_load %get3A_1281[%get3A_1282, %get3A_1283] {strides = array<i32>} : memref<200x128xf32, #tpu.memory_space<vmem>>, vector<16xf32>,
        %add3A_1285 = arith.constant 12 : i32
        %add3A_1286 = arith.addi %mul3A_514, %add3A_1285 : i32
        %get3A_1287 = arith.constant 0 : i32
        %get3A_1288 = arith.constant 0 : i32
        %get3A_1289 = tpu.memref_slice %arg6[%rem3A_68, %get3A_1287, %get3A_1288] : memref<2x200x128xf32, #tpu.memory_space<vmem>> -> memref<1x200x128xf32, #tpu.memory_space<vmem>>
        %get3A_1290 = tpu.memref_squeeze %get3A_1289 : memref<1x200x128xf32, #tpu.memory_space<vmem>> -> memref<200x128xf32, #tpu.memory_space<vmem>>
        %get3A_1291 = arith.index_cast %add3A_1286 : i32 to index
        %get3A_1292 = arith.constant 32 : index
        %get3A_1293 = tpu.vector_load %get3A_1290[%get3A_1291, %get3A_1292] {strides = array<i32>} : memref<200x128xf32, #tpu.memory_space<vmem>>, vector<16xf32>,
        %add3A_1294 = arith.constant 13 : i32
        %add3A_1295 = arith.addi %mul3A_514, %add3A_1294 : i32
        %get3A_1296 = arith.constant 0 : i32
        %get3A_1297 = arith.constant 0 : i32
        %get3A_1298 = tpu.memref_slice %arg6[%rem3A_68, %get3A_1296, %get3A_1297] : memref<2x200x128xf32, #tpu.memory_space<vmem>> -> memref<1x200x128xf32, #tpu.memory_space<vmem>>
        %get3A_1299 = tpu.memref_squeeze %get3A_1298 : memref<1x200x128xf32, #tpu.memory_space<vmem>> -> memref<200x128xf32, #tpu.memory_space<vmem>>
        %get3A_1300 = arith.index_cast %add3A_1295 : i32 to index
        %get3A_1301 = arith.constant 32 : index
        %get3A_1302 = tpu.vector_load %get3A_1299[%get3A_1300, %get3A_1301] {strides = array<i32>} : memref<200x128xf32, #tpu.memory_space<vmem>>, vector<16xf32>,
        %add3A_1303 = arith.constant 14 : i32
        %add3A_1304 = arith.addi %mul3A_514, %add3A_1303 : i32
        %get3A_1305 = arith.constant 0 : i32
        %get3A_1306 = arith.constant 0 : i32
        %get3A_1307 = tpu.memref_slice %arg6[%rem3A_68, %get3A_1305, %get3A_1306] : memref<2x200x128xf32, #tpu.memory_space<vmem>> -> memref<1x200x128xf32, #tpu.memory_space<vmem>>
        %get3A_1308 = tpu.memref_squeeze %get3A_1307 : memref<1x200x128xf32, #tpu.memory_space<vmem>> -> memref<200x128xf32, #tpu.memory_space<vmem>>
        %get3A_1309 = arith.index_cast %add3A_1304 : i32 to index
        %get3A_1310 = arith.constant 32 : index
        %get3A_1311 = tpu.vector_load %get3A_1308[%get3A_1309, %get3A_1310] {strides = array<i32>} : memref<200x128xf32, #tpu.memory_space<vmem>>, vector<16xf32>,
        %add3A_1312 = arith.constant 15 : i32
        %add3A_1313 = arith.addi %mul3A_514, %add3A_1312 : i32
        %get3A_1314 = arith.constant 0 : i32
        %get3A_1315 = arith.constant 0 : i32
        %get3A_1316 = tpu.memref_slice %arg6[%rem3A_68, %get3A_1314, %get3A_1315] : memref<2x200x128xf32, #tpu.memory_space<vmem>> -> memref<1x200x128xf32, #tpu.memory_space<vmem>>
        %get3A_1317 = tpu.memref_squeeze %get3A_1316 : memref<1x200x128xf32, #tpu.memory_space<vmem>> -> memref<200x128xf32, #tpu.memory_space<vmem>>
        %get3A_1318 = arith.index_cast %add3A_1313 : i32 to index
        %get3A_1319 = arith.constant 32 : index
        %get3A_1320 = tpu.vector_load %get3A_1317[%get3A_1318, %get3A_1319] {strides = array<i32>} : memref<200x128xf32, #tpu.memory_space<vmem>>, vector<16xf32>,
        %add3A_1321 = arith.constant 16 : i32
        %add3A_1322 = arith.addi %mul3A_514, %add3A_1321 : i32
        %get3A_1323 = arith.constant 0 : i32
        %get3A_1324 = arith.constant 0 : i32
        %get3A_1325 = tpu.memref_slice %arg6[%rem3A_68, %get3A_1323, %get3A_1324] : memref<2x200x128xf32, #tpu.memory_space<vmem>> -> memref<1x200x128xf32, #tpu.memory_space<vmem>>
        %get3A_1326 = tpu.memref_squeeze %get3A_1325 : memref<1x200x128xf32, #tpu.memory_space<vmem>> -> memref<200x128xf32, #tpu.memory_space<vmem>>
        %get3A_1327 = arith.index_cast %add3A_1322 : i32 to index
        %get3A_1328 = arith.constant 32 : index
        %get3A_1329 = tpu.vector_load %get3A_1326[%get3A_1327, %get3A_1328] {strides = array<i32>} : memref<200x128xf32, #tpu.memory_space<vmem>>, vector<16xf32>,
        %add3A_1330 = arith.constant 17 : i32
        %add3A_1331 = arith.addi %mul3A_514, %add3A_1330 : i32
        %get3A_1332 = arith.constant 0 : i32
        %get3A_1333 = arith.constant 0 : i32
        %get3A_1334 = tpu.memref_slice %arg6[%rem3A_68, %get3A_1332, %get3A_1333] : memref<2x200x128xf32, #tpu.memory_space<vmem>> -> memref<1x200x128xf32, #tpu.memory_space<vmem>>
        %get3A_1335 = tpu.memref_squeeze %get3A_1334 : memref<1x200x128xf32, #tpu.memory_space<vmem>> -> memref<200x128xf32, #tpu.memory_space<vmem>>
        %get3A_1336 = arith.index_cast %add3A_1331 : i32 to index
        %get3A_1337 = arith.constant 32 : index
        %get3A_1338 = tpu.vector_load %get3A_1335[%get3A_1336, %get3A_1337] {strides = array<i32>} : memref<200x128xf32, #tpu.memory_space<vmem>>, vector<16xf32>,
        %add3A_1339 = arith.constant 18 : i32
        %add3A_1340 = arith.addi %mul3A_514, %add3A_1339 : i32
        %get3A_1341 = arith.constant 0 : i32
        %get3A_1342 = arith.constant 0 : i32
        %get3A_1343 = tpu.memref_slice %arg6[%rem3A_68, %get3A_1341, %get3A_1342] : memref<2x200x128xf32, #tpu.memory_space<vmem>> -> memref<1x200x128xf32, #tpu.memory_space<vmem>>
        %get3A_1344 = tpu.memref_squeeze %get3A_1343 : memref<1x200x128xf32, #tpu.memory_space<vmem>> -> memref<200x128xf32, #tpu.memory_space<vmem>>
        %get3A_1345 = arith.index_cast %add3A_1340 : i32 to index
        %get3A_1346 = arith.constant 32 : index
        %get3A_1347 = tpu.vector_load %get3A_1344[%get3A_1345, %get3A_1346] {strides = array<i32>} : memref<200x128xf32, #tpu.memory_space<vmem>>, vector<16xf32>,
        %add3A_1348 = arith.constant 19 : i32
        %add3A_1349 = arith.addi %mul3A_514, %add3A_1348 : i32
        %get3A_1350 = arith.constant 0 : i32
        %get3A_1351 = arith.constant 0 : i32
        %get3A_1352 = tpu.memref_slice %arg6[%rem3A_68, %get3A_1350, %get3A_1351] : memref<2x200x128xf32, #tpu.memory_space<vmem>> -> memref<1x200x128xf32, #tpu.memory_space<vmem>>
        %get3A_1353 = tpu.memref_squeeze %get3A_1352 : memref<1x200x128xf32, #tpu.memory_space<vmem>> -> memref<200x128xf32, #tpu.memory_space<vmem>>
        %get3A_1354 = arith.index_cast %add3A_1349 : i32 to index
        %get3A_1355 = arith.constant 32 : index
        %get3A_1356 = tpu.vector_load %get3A_1353[%get3A_1354, %get3A_1355] {strides = array<i32>} : memref<200x128xf32, #tpu.memory_space<vmem>>, vector<16xf32>,
        %add3A_1357 = arith.constant 20 : i32
        %add3A_1358 = arith.addi %mul3A_514, %add3A_1357 : i32
        %get3A_1359 = arith.constant 0 : i32
        %get3A_1360 = arith.constant 0 : i32
        %get3A_1361 = tpu.memref_slice %arg6[%rem3A_68, %get3A_1359, %get3A_1360] : memref<2x200x128xf32, #tpu.memory_space<vmem>> -> memref<1x200x128xf32, #tpu.memory_space<vmem>>
        %get3A_1362 = tpu.memref_squeeze %get3A_1361 : memref<1x200x128xf32, #tpu.memory_space<vmem>> -> memref<200x128xf32, #tpu.memory_space<vmem>>
        %get3A_1363 = arith.index_cast %add3A_1358 : i32 to index
        %get3A_1364 = arith.constant 32 : index
        %get3A_1365 = tpu.vector_load %get3A_1362[%get3A_1363, %get3A_1364] {strides = array<i32>} : memref<200x128xf32, #tpu.memory_space<vmem>>, vector<16xf32>,
        %add3A_1366 = arith.constant 21 : i32
        %add3A_1367 = arith.addi %mul3A_514, %add3A_1366 : i32
        %get3A_1368 = arith.constant 0 : i32
        %get3A_1369 = arith.constant 0 : i32
        %get3A_1370 = tpu.memref_slice %arg6[%rem3A_68, %get3A_1368, %get3A_1369] : memref<2x200x128xf32, #tpu.memory_space<vmem>> -> memref<1x200x128xf32, #tpu.memory_space<vmem>>
        %get3A_1371 = tpu.memref_squeeze %get3A_1370 : memref<1x200x128xf32, #tpu.memory_space<vmem>> -> memref<200x128xf32, #tpu.memory_space<vmem>>
        %get3A_1372 = arith.index_cast %add3A_1367 : i32 to index
        %get3A_1373 = arith.constant 32 : index
        %get3A_1374 = tpu.vector_load %get3A_1371[%get3A_1372, %get3A_1373] {strides = array<i32>} : memref<200x128xf32, #tpu.memory_space<vmem>>, vector<16xf32>,
        %add3A_1375 = arith.constant 22 : i32
        %add3A_1376 = arith.addi %mul3A_514, %add3A_1375 : i32
        %get3A_1377 = arith.constant 0 : i32
        %get3A_1378 = arith.constant 0 : i32
        %get3A_1379 = tpu.memref_slice %arg6[%rem3A_68, %get3A_1377, %get3A_1378] : memref<2x200x128xf32, #tpu.memory_space<vmem>> -> memref<1x200x128xf32, #tpu.memory_space<vmem>>
        %get3A_1380 = tpu.memref_squeeze %get3A_1379 : memref<1x200x128xf32, #tpu.memory_space<vmem>> -> memref<200x128xf32, #tpu.memory_space<vmem>>
        %get3A_1381 = arith.index_cast %add3A_1376 : i32 to index
        %get3A_1382 = arith.constant 32 : index
        %get3A_1383 = tpu.vector_load %get3A_1380[%get3A_1381, %get3A_1382] {strides = array<i32>} : memref<200x128xf32, #tpu.memory_space<vmem>>, vector<16xf32>,
        %add3A_1384 = arith.constant 23 : i32
        %add3A_1385 = arith.addi %mul3A_514, %add3A_1384 : i32
        %get3A_1386 = arith.constant 0 : i32
        %get3A_1387 = arith.constant 0 : i32
        %get3A_1388 = tpu.memref_slice %arg6[%rem3A_68, %get3A_1386, %get3A_1387] : memref<2x200x128xf32, #tpu.memory_space<vmem>> -> memref<1x200x128xf32, #tpu.memory_space<vmem>>
        %get3A_1389 = tpu.memref_squeeze %get3A_1388 : memref<1x200x128xf32, #tpu.memory_space<vmem>> -> memref<200x128xf32, #tpu.memory_space<vmem>>
        %get3A_1390 = arith.index_cast %add3A_1385 : i32 to index
        %get3A_1391 = arith.constant 32 : index
        %get3A_1392 = tpu.vector_load %get3A_1389[%get3A_1390, %get3A_1391] {strides = array<i32>} : memref<200x128xf32, #tpu.memory_space<vmem>>, vector<16xf32>,
        %add3A_1393 = arith.constant 24 : i32
        %add3A_1394 = arith.addi %mul3A_514, %add3A_1393 : i32
        %get3A_1395 = arith.constant 0 : i32
        %get3A_1396 = arith.constant 0 : i32
        %get3A_1397 = tpu.memref_slice %arg6[%rem3A_68, %get3A_1395, %get3A_1396] : memref<2x200x128xf32, #tpu.memory_space<vmem>> -> memref<1x200x128xf32, #tpu.memory_space<vmem>>
        %get3A_1398 = tpu.memref_squeeze %get3A_1397 : memref<1x200x128xf32, #tpu.memory_space<vmem>> -> memref<200x128xf32, #tpu.memory_space<vmem>>
        %get3A_1399 = arith.index_cast %add3A_1394 : i32 to index
        %get3A_1400 = arith.constant 32 : index
        %get3A_1401 = tpu.vector_load %get3A_1398[%get3A_1399, %get3A_1400] {strides = array<i32>} : memref<200x128xf32, #tpu.memory_space<vmem>>, vector<16xf32>,
        %max3A_1402 = arith.maximumf %get3A_1185, %get3A_1194 : vector<16xf32>
        %max3A_1403 = arith.maximumf %get3A_1203, %get3A_1212 : vector<16xf32>
        %max3A_1404 = arith.maximumf %get3A_1221, %get3A_1230 : vector<16xf32>
        %max3A_1405 = arith.maximumf %get3A_1239, %get3A_1248 : vector<16xf32>
        %max3A_1406 = arith.maximumf %get3A_1257, %get3A_1266 : vector<16xf32>
        %max3A_1407 = arith.maximumf %get3A_1275, %get3A_1284 : vector<16xf32>
        %max3A_1408 = arith.maximumf %get3A_1293, %get3A_1302 : vector<16xf32>
        %max3A_1409 = arith.maximumf %get3A_1311, %get3A_1320 : vector<16xf32>
        %max3A_1410 = arith.maximumf %get3A_1329, %get3A_1338 : vector<16xf32>
        %max3A_1411 = arith.maximumf %get3A_1347, %get3A_1356 : vector<16xf32>
        %max3A_1412 = arith.maximumf %get3A_1365, %get3A_1374 : vector<16xf32>
        %max3A_1413 = arith.maximumf %get3A_1383, %get3A_1392 : vector<16xf32>
        %max3A_1414 = arith.maximumf %max3A_1402, %max3A_1403 : vector<16xf32>
        %max3A_1415 = arith.maximumf %max3A_1404, %max3A_1405 : vector<16xf32>
        %max3A_1416 = arith.maximumf %max3A_1406, %max3A_1407 : vector<16xf32>
        %max3A_1417 = arith.maximumf %max3A_1408, %max3A_1409 : vector<16xf32>
        %max3A_1418 = arith.maximumf %max3A_1410, %max3A_1411 : vector<16xf32>
        %max3A_1419 = arith.maximumf %max3A_1412, %max3A_1413 : vector<16xf32>
        %max3A_1420 = arith.maximumf %max3A_1414, %max3A_1415 : vector<16xf32>
        %max3A_1421 = arith.maximumf %max3A_1416, %max3A_1417 : vector<16xf32>
        %max3A_1422 = arith.maximumf %max3A_1418, %max3A_1419 : vector<16xf32>
        %max3A_1423 = arith.maximumf %max3A_1420, %max3A_1421 : vector<16xf32>
        %max3A_1424 = arith.maximumf %max3A_1422, %get3A_1401 : vector<16xf32>
        %max3A_1425 = arith.maximumf %max3A_1423, %max3A_1424 : vector<16xf32>
        %sub3A_1426 = arith.subf %get3A_1185, %max3A_1425 : vector<16xf32>
        %exp3A_1427 = math.exp %sub3A_1426 : vector<16xf32>
        %sub3A_1428 = arith.subf %get3A_1194, %max3A_1425 : vector<16xf32>
        %exp3A_1429 = math.exp %sub3A_1428 : vector<16xf32>
        %sub3A_1430 = arith.subf %get3A_1203, %max3A_1425 : vector<16xf32>
        %exp3A_1431 = math.exp %sub3A_1430 : vector<16xf32>
        %sub3A_1432 = arith.subf %get3A_1212, %max3A_1425 : vector<16xf32>
        %exp3A_1433 = math.exp %sub3A_1432 : vector<16xf32>
        %add3A_1434 = arith.addf %exp3A_1427, %exp3A_1433 : vector<16xf32>
        %sub3A_1435 = arith.subf %get3A_1221, %max3A_1425 : vector<16xf32>
        %exp3A_1436 = math.exp %sub3A_1435 : vector<16xf32>
        %add3A_1437 = arith.addf %exp3A_1429, %exp3A_1436 : vector<16xf32>
        %sub3A_1438 = arith.subf %get3A_1230, %max3A_1425 : vector<16xf32>
        %exp3A_1439 = math.exp %sub3A_1438 : vector<16xf32>
        %add3A_1440 = arith.addf %exp3A_1431, %exp3A_1439 : vector<16xf32>
        %sub3A_1441 = arith.subf %get3A_1239, %max3A_1425 : vector<16xf32>
        %exp3A_1442 = math.exp %sub3A_1441 : vector<16xf32>
        %add3A_1443 = arith.addf %add3A_1434, %exp3A_1442 : vector<16xf32>
        %sub3A_1444 = arith.subf %get3A_1248, %max3A_1425 : vector<16xf32>
        %exp3A_1445 = math.exp %sub3A_1444 : vector<16xf32>
        %add3A_1446 = arith.addf %add3A_1437, %exp3A_1445 : vector<16xf32>
        %sub3A_1447 = arith.subf %get3A_1257, %max3A_1425 : vector<16xf32>
        %exp3A_1448 = math.exp %sub3A_1447 : vector<16xf32>
        %add3A_1449 = arith.addf %add3A_1440, %exp3A_1448 : vector<16xf32>
        %sub3A_1450 = arith.subf %get3A_1266, %max3A_1425 : vector<16xf32>
        %exp3A_1451 = math.exp %sub3A_1450 : vector<16xf32>
        %add3A_1452 = arith.addf %add3A_1443, %exp3A_1451 : vector<16xf32>
        %sub3A_1453 = arith.subf %get3A_1275, %max3A_1425 : vector<16xf32>
        %exp3A_1454 = math.exp %sub3A_1453 : vector<16xf32>
        %add3A_1455 = arith.addf %add3A_1446, %exp3A_1454 : vector<16xf32>
        %sub3A_1456 = arith.subf %get3A_1284, %max3A_1425 : vector<16xf32>
        %exp3A_1457 = math.exp %sub3A_1456 : vector<16xf32>
        %add3A_1458 = arith.addf %add3A_1449, %exp3A_1457 : vector<16xf32>
        %sub3A_1459 = arith.subf %get3A_1293, %max3A_1425 : vector<16xf32>
        %exp3A_1460 = math.exp %sub3A_1459 : vector<16xf32>
        %add3A_1461 = arith.addf %add3A_1452, %exp3A_1460 : vector<16xf32>
        %sub3A_1462 = arith.subf %get3A_1302, %max3A_1425 : vector<16xf32>
        %exp3A_1463 = math.exp %sub3A_1462 : vector<16xf32>
        %add3A_1464 = arith.addf %add3A_1455, %exp3A_1463 : vector<16xf32>
        %sub3A_1465 = arith.subf %get3A_1311, %max3A_1425 : vector<16xf32>
        %exp3A_1466 = math.exp %sub3A_1465 : vector<16xf32>
        %add3A_1467 = arith.addf %add3A_1458, %exp3A_1466 : vector<16xf32>
        %sub3A_1468 = arith.subf %get3A_1320, %max3A_1425 : vector<16xf32>
        %exp3A_1469 = math.exp %sub3A_1468 : vector<16xf32>
        %add3A_1470 = arith.addf %add3A_1461, %exp3A_1469 : vector<16xf32>
        %sub3A_1471 = arith.subf %get3A_1329, %max3A_1425 : vector<16xf32>
        %exp3A_1472 = math.exp %sub3A_1471 : vector<16xf32>
        %add3A_1473 = arith.addf %add3A_1464, %exp3A_1472 : vector<16xf32>
        %sub3A_1474 = arith.subf %get3A_1338, %max3A_1425 : vector<16xf32>
        %exp3A_1475 = math.exp %sub3A_1474 : vector<16xf32>
        %add3A_1476 = arith.addf %add3A_1467, %exp3A_1475 : vector<16xf32>
        %sub3A_1477 = arith.subf %get3A_1347, %max3A_1425 : vector<16xf32>
        %exp3A_1478 = math.exp %sub3A_1477 : vector<16xf32>
        %add3A_1479 = arith.addf %add3A_1470, %exp3A_1478 : vector<16xf32>
        %sub3A_1480 = arith.subf %get3A_1356, %max3A_1425 : vector<16xf32>
        %exp3A_1481 = math.exp %sub3A_1480 : vector<16xf32>
        %add3A_1482 = arith.addf %add3A_1473, %exp3A_1481 : vector<16xf32>
        %sub3A_1483 = arith.subf %get3A_1365, %max3A_1425 : vector<16xf32>
        %exp3A_1484 = math.exp %sub3A_1483 : vector<16xf32>
        %add3A_1485 = arith.addf %add3A_1476, %exp3A_1484 : vector<16xf32>
        %sub3A_1486 = arith.subf %get3A_1374, %max3A_1425 : vector<16xf32>
        %exp3A_1487 = math.exp %sub3A_1486 : vector<16xf32>
        %add3A_1488 = arith.addf %add3A_1479, %exp3A_1487 : vector<16xf32>
        %sub3A_1489 = arith.subf %get3A_1383, %max3A_1425 : vector<16xf32>
        %exp3A_1490 = math.exp %sub3A_1489 : vector<16xf32>
        %add3A_1491 = arith.addf %add3A_1482, %exp3A_1490 : vector<16xf32>
        %sub3A_1492 = arith.subf %get3A_1392, %max3A_1425 : vector<16xf32>
        %exp3A_1493 = math.exp %sub3A_1492 : vector<16xf32>
        %add3A_1494 = arith.addf %add3A_1485, %exp3A_1493 : vector<16xf32>
        %sub3A_1495 = arith.subf %get3A_1401, %max3A_1425 : vector<16xf32>
        %exp3A_1496 = math.exp %sub3A_1495 : vector<16xf32>
        %add3A_1497 = arith.addf %add3A_1488, %exp3A_1496 : vector<16xf32>
        %add3A_1498 = arith.addf %add3A_1497, %add3A_1491 : vector<16xf32>
        %add3A_1499 = arith.addf %add3A_1498, %add3A_1494 : vector<16xf32>
        %max3A_1500 = arith.maximumf %scan3A_499, %max3A_1425 : vector<16xf32>
        %sub3A_1501 = arith.subf %scan3A_499, %max3A_1500 : vector<16xf32>
        %exp3A_1502 = math.exp %sub3A_1501 : vector<16xf32>
        %mul3A_1503 = arith.mulf %scan3A_507, %exp3A_1502 : vector<16xf32>
        %sub3A_1504 = arith.subf %max3A_1425, %max3A_1500 : vector<16xf32>
        %exp3A_1505 = math.exp %sub3A_1504 : vector<16xf32>
        %mul3A_1506 = arith.mulf %add3A_1499, %exp3A_1505 : vector<16xf32>
        %add3A_1507 = arith.addf %mul3A_1503, %mul3A_1506 : vector<16xf32>
        %add3A_1508 = arith.constant 0 : i32
        %add3A_1509 = arith.addi %mul3A_514, %add3A_1508 : i32
        %get3A_1510 = arith.constant 0 : i32
        %get3A_1511 = arith.constant 0 : i32
        %get3A_1512 = tpu.memref_slice %arg6[%rem3A_68, %get3A_1510, %get3A_1511] : memref<2x200x128xf32, #tpu.memory_space<vmem>> -> memref<1x200x128xf32, #tpu.memory_space<vmem>>
        %get3A_1513 = tpu.memref_squeeze %get3A_1512 : memref<1x200x128xf32, #tpu.memory_space<vmem>> -> memref<200x128xf32, #tpu.memory_space<vmem>>
        %get3A_1514 = arith.index_cast %add3A_1509 : i32 to index
        %get3A_1515 = arith.constant 48 : index
        %get3A_1516 = tpu.vector_load %get3A_1513[%get3A_1514, %get3A_1515] {strides = array<i32>} : memref<200x128xf32, #tpu.memory_space<vmem>>, vector<16xf32>,
        %add3A_1517 = arith.constant 1 : i32
        %add3A_1518 = arith.addi %mul3A_514, %add3A_1517 : i32
        %get3A_1519 = arith.constant 0 : i32
        %get3A_1520 = arith.constant 0 : i32
        %get3A_1521 = tpu.memref_slice %arg6[%rem3A_68, %get3A_1519, %get3A_1520] : memref<2x200x128xf32, #tpu.memory_space<vmem>> -> memref<1x200x128xf32, #tpu.memory_space<vmem>>
        %get3A_1522 = tpu.memref_squeeze %get3A_1521 : memref<1x200x128xf32, #tpu.memory_space<vmem>> -> memref<200x128xf32, #tpu.memory_space<vmem>>
        %get3A_1523 = arith.index_cast %add3A_1518 : i32 to index
        %get3A_1524 = arith.constant 48 : index
        %get3A_1525 = tpu.vector_load %get3A_1522[%get3A_1523, %get3A_1524] {strides = array<i32>} : memref<200x128xf32, #tpu.memory_space<vmem>>, vector<16xf32>,
        %add3A_1526 = arith.constant 2 : i32
        %add3A_1527 = arith.addi %mul3A_514, %add3A_1526 : i32
        %get3A_1528 = arith.constant 0 : i32
        %get3A_1529 = arith.constant 0 : i32
        %get3A_1530 = tpu.memref_slice %arg6[%rem3A_68, %get3A_1528, %get3A_1529] : memref<2x200x128xf32, #tpu.memory_space<vmem>> -> memref<1x200x128xf32, #tpu.memory_space<vmem>>
        %get3A_1531 = tpu.memref_squeeze %get3A_1530 : memref<1x200x128xf32, #tpu.memory_space<vmem>> -> memref<200x128xf32, #tpu.memory_space<vmem>>
        %get3A_1532 = arith.index_cast %add3A_1527 : i32 to index
        %get3A_1533 = arith.constant 48 : index
        %get3A_1534 = tpu.vector_load %get3A_1531[%get3A_1532, %get3A_1533] {strides = array<i32>} : memref<200x128xf32, #tpu.memory_space<vmem>>, vector<16xf32>,
        %add3A_1535 = arith.constant 3 : i32
        %add3A_1536 = arith.addi %mul3A_514, %add3A_1535 : i32
        %get3A_1537 = arith.constant 0 : i32
        %get3A_1538 = arith.constant 0 : i32
        %get3A_1539 = tpu.memref_slice %arg6[%rem3A_68, %get3A_1537, %get3A_1538] : memref<2x200x128xf32, #tpu.memory_space<vmem>> -> memref<1x200x128xf32, #tpu.memory_space<vmem>>
        %get3A_1540 = tpu.memref_squeeze %get3A_1539 : memref<1x200x128xf32, #tpu.memory_space<vmem>> -> memref<200x128xf32, #tpu.memory_space<vmem>>
        %get3A_1541 = arith.index_cast %add3A_1536 : i32 to index
        %get3A_1542 = arith.constant 48 : index
        %get3A_1543 = tpu.vector_load %get3A_1540[%get3A_1541, %get3A_1542] {strides = array<i32>} : memref<200x128xf32, #tpu.memory_space<vmem>>, vector<16xf32>,
        %add3A_1544 = arith.constant 4 : i32
        %add3A_1545 = arith.addi %mul3A_514, %add3A_1544 : i32
        %get3A_1546 = arith.constant 0 : i32
        %get3A_1547 = arith.constant 0 : i32
        %get3A_1548 = tpu.memref_slice %arg6[%rem3A_68, %get3A_1546, %get3A_1547] : memref<2x200x128xf32, #tpu.memory_space<vmem>> -> memref<1x200x128xf32, #tpu.memory_space<vmem>>
        %get3A_1549 = tpu.memref_squeeze %get3A_1548 : memref<1x200x128xf32, #tpu.memory_space<vmem>> -> memref<200x128xf32, #tpu.memory_space<vmem>>
        %get3A_1550 = arith.index_cast %add3A_1545 : i32 to index
        %get3A_1551 = arith.constant 48 : index
        %get3A_1552 = tpu.vector_load %get3A_1549[%get3A_1550, %get3A_1551] {strides = array<i32>} : memref<200x128xf32, #tpu.memory_space<vmem>>, vector<16xf32>,
        %add3A_1553 = arith.constant 5 : i32
        %add3A_1554 = arith.addi %mul3A_514, %add3A_1553 : i32
        %get3A_1555 = arith.constant 0 : i32
        %get3A_1556 = arith.constant 0 : i32
        %get3A_1557 = tpu.memref_slice %arg6[%rem3A_68, %get3A_1555, %get3A_1556] : memref<2x200x128xf32, #tpu.memory_space<vmem>> -> memref<1x200x128xf32, #tpu.memory_space<vmem>>
        %get3A_1558 = tpu.memref_squeeze %get3A_1557 : memref<1x200x128xf32, #tpu.memory_space<vmem>> -> memref<200x128xf32, #tpu.memory_space<vmem>>
        %get3A_1559 = arith.index_cast %add3A_1554 : i32 to index
        %get3A_1560 = arith.constant 48 : index
        %get3A_1561 = tpu.vector_load %get3A_1558[%get3A_1559, %get3A_1560] {strides = array<i32>} : memref<200x128xf32, #tpu.memory_space<vmem>>, vector<16xf32>,
        %add3A_1562 = arith.constant 6 : i32
        %add3A_1563 = arith.addi %mul3A_514, %add3A_1562 : i32
        %get3A_1564 = arith.constant 0 : i32
        %get3A_1565 = arith.constant 0 : i32
        %get3A_1566 = tpu.memref_slice %arg6[%rem3A_68, %get3A_1564, %get3A_1565] : memref<2x200x128xf32, #tpu.memory_space<vmem>> -> memref<1x200x128xf32, #tpu.memory_space<vmem>>
        %get3A_1567 = tpu.memref_squeeze %get3A_1566 : memref<1x200x128xf32, #tpu.memory_space<vmem>> -> memref<200x128xf32, #tpu.memory_space<vmem>>
        %get3A_1568 = arith.index_cast %add3A_1563 : i32 to index
        %get3A_1569 = arith.constant 48 : index
        %get3A_1570 = tpu.vector_load %get3A_1567[%get3A_1568, %get3A_1569] {strides = array<i32>} : memref<200x128xf32, #tpu.memory_space<vmem>>, vector<16xf32>,
        %add3A_1571 = arith.constant 7 : i32
        %add3A_1572 = arith.addi %mul3A_514, %add3A_1571 : i32
        %get3A_1573 = arith.constant 0 : i32
        %get3A_1574 = arith.constant 0 : i32
        %get3A_1575 = tpu.memref_slice %arg6[%rem3A_68, %get3A_1573, %get3A_1574] : memref<2x200x128xf32, #tpu.memory_space<vmem>> -> memref<1x200x128xf32, #tpu.memory_space<vmem>>
        %get3A_1576 = tpu.memref_squeeze %get3A_1575 : memref<1x200x128xf32, #tpu.memory_space<vmem>> -> memref<200x128xf32, #tpu.memory_space<vmem>>
        %get3A_1577 = arith.index_cast %add3A_1572 : i32 to index
        %get3A_1578 = arith.constant 48 : index
        %get3A_1579 = tpu.vector_load %get3A_1576[%get3A_1577, %get3A_1578] {strides = array<i32>} : memref<200x128xf32, #tpu.memory_space<vmem>>, vector<16xf32>,
        %add3A_1580 = arith.constant 8 : i32
        %add3A_1581 = arith.addi %mul3A_514, %add3A_1580 : i32
        %get3A_1582 = arith.constant 0 : i32
        %get3A_1583 = arith.constant 0 : i32
        %get3A_1584 = tpu.memref_slice %arg6[%rem3A_68, %get3A_1582, %get3A_1583] : memref<2x200x128xf32, #tpu.memory_space<vmem>> -> memref<1x200x128xf32, #tpu.memory_space<vmem>>
        %get3A_1585 = tpu.memref_squeeze %get3A_1584 : memref<1x200x128xf32, #tpu.memory_space<vmem>> -> memref<200x128xf32, #tpu.memory_space<vmem>>
        %get3A_1586 = arith.index_cast %add3A_1581 : i32 to index
        %get3A_1587 = arith.constant 48 : index
        %get3A_1588 = tpu.vector_load %get3A_1585[%get3A_1586, %get3A_1587] {strides = array<i32>} : memref<200x128xf32, #tpu.memory_space<vmem>>, vector<16xf32>,
        %add3A_1589 = arith.constant 9 : i32
        %add3A_1590 = arith.addi %mul3A_514, %add3A_1589 : i32
        %get3A_1591 = arith.constant 0 : i32
        %get3A_1592 = arith.constant 0 : i32
        %get3A_1593 = tpu.memref_slice %arg6[%rem3A_68, %get3A_1591, %get3A_1592] : memref<2x200x128xf32, #tpu.memory_space<vmem>> -> memref<1x200x128xf32, #tpu.memory_space<vmem>>
        %get3A_1594 = tpu.memref_squeeze %get3A_1593 : memref<1x200x128xf32, #tpu.memory_space<vmem>> -> memref<200x128xf32, #tpu.memory_space<vmem>>
        %get3A_1595 = arith.index_cast %add3A_1590 : i32 to index
        %get3A_1596 = arith.constant 48 : index
        %get3A_1597 = tpu.vector_load %get3A_1594[%get3A_1595, %get3A_1596] {strides = array<i32>} : memref<200x128xf32, #tpu.memory_space<vmem>>, vector<16xf32>,
        %add3A_1598 = arith.constant 10 : i32
        %add3A_1599 = arith.addi %mul3A_514, %add3A_1598 : i32
        %get3A_1600 = arith.constant 0 : i32
        %get3A_1601 = arith.constant 0 : i32
        %get3A_1602 = tpu.memref_slice %arg6[%rem3A_68, %get3A_1600, %get3A_1601] : memref<2x200x128xf32, #tpu.memory_space<vmem>> -> memref<1x200x128xf32, #tpu.memory_space<vmem>>
        %get3A_1603 = tpu.memref_squeeze %get3A_1602 : memref<1x200x128xf32, #tpu.memory_space<vmem>> -> memref<200x128xf32, #tpu.memory_space<vmem>>
        %get3A_1604 = arith.index_cast %add3A_1599 : i32 to index
        %get3A_1605 = arith.constant 48 : index
        %get3A_1606 = tpu.vector_load %get3A_1603[%get3A_1604, %get3A_1605] {strides = array<i32>} : memref<200x128xf32, #tpu.memory_space<vmem>>, vector<16xf32>,
        %add3A_1607 = arith.constant 11 : i32
        %add3A_1608 = arith.addi %mul3A_514, %add3A_1607 : i32
        %get3A_1609 = arith.constant 0 : i32
        %get3A_1610 = arith.constant 0 : i32
        %get3A_1611 = tpu.memref_slice %arg6[%rem3A_68, %get3A_1609, %get3A_1610] : memref<2x200x128xf32, #tpu.memory_space<vmem>> -> memref<1x200x128xf32, #tpu.memory_space<vmem>>
        %get3A_1612 = tpu.memref_squeeze %get3A_1611 : memref<1x200x128xf32, #tpu.memory_space<vmem>> -> memref<200x128xf32, #tpu.memory_space<vmem>>
        %get3A_1613 = arith.index_cast %add3A_1608 : i32 to index
        %get3A_1614 = arith.constant 48 : index
        %get3A_1615 = tpu.vector_load %get3A_1612[%get3A_1613, %get3A_1614] {strides = array<i32>} : memref<200x128xf32, #tpu.memory_space<vmem>>, vector<16xf32>,
        %add3A_1616 = arith.constant 12 : i32
        %add3A_1617 = arith.addi %mul3A_514, %add3A_1616 : i32
        %get3A_1618 = arith.constant 0 : i32
        %get3A_1619 = arith.constant 0 : i32
        %get3A_1620 = tpu.memref_slice %arg6[%rem3A_68, %get3A_1618, %get3A_1619] : memref<2x200x128xf32, #tpu.memory_space<vmem>> -> memref<1x200x128xf32, #tpu.memory_space<vmem>>
        %get3A_1621 = tpu.memref_squeeze %get3A_1620 : memref<1x200x128xf32, #tpu.memory_space<vmem>> -> memref<200x128xf32, #tpu.memory_space<vmem>>
        %get3A_1622 = arith.index_cast %add3A_1617 : i32 to index
        %get3A_1623 = arith.constant 48 : index
        %get3A_1624 = tpu.vector_load %get3A_1621[%get3A_1622, %get3A_1623] {strides = array<i32>} : memref<200x128xf32, #tpu.memory_space<vmem>>, vector<16xf32>,
        %add3A_1625 = arith.constant 13 : i32
        %add3A_1626 = arith.addi %mul3A_514, %add3A_1625 : i32
        %get3A_1627 = arith.constant 0 : i32
        %get3A_1628 = arith.constant 0 : i32
        %get3A_1629 = tpu.memref_slice %arg6[%rem3A_68, %get3A_1627, %get3A_1628] : memref<2x200x128xf32, #tpu.memory_space<vmem>> -> memref<1x200x128xf32, #tpu.memory_space<vmem>>
        %get3A_1630 = tpu.memref_squeeze %get3A_1629 : memref<1x200x128xf32, #tpu.memory_space<vmem>> -> memref<200x128xf32, #tpu.memory_space<vmem>>
        %get3A_1631 = arith.index_cast %add3A_1626 : i32 to index
        %get3A_1632 = arith.constant 48 : index
        %get3A_1633 = tpu.vector_load %get3A_1630[%get3A_1631, %get3A_1632] {strides = array<i32>} : memref<200x128xf32, #tpu.memory_space<vmem>>, vector<16xf32>,
        %add3A_1634 = arith.constant 14 : i32
        %add3A_1635 = arith.addi %mul3A_514, %add3A_1634 : i32
        %get3A_1636 = arith.constant 0 : i32
        %get3A_1637 = arith.constant 0 : i32
        %get3A_1638 = tpu.memref_slice %arg6[%rem3A_68, %get3A_1636, %get3A_1637] : memref<2x200x128xf32, #tpu.memory_space<vmem>> -> memref<1x200x128xf32, #tpu.memory_space<vmem>>
        %get3A_1639 = tpu.memref_squeeze %get3A_1638 : memref<1x200x128xf32, #tpu.memory_space<vmem>> -> memref<200x128xf32, #tpu.memory_space<vmem>>
        %get3A_1640 = arith.index_cast %add3A_1635 : i32 to index
        %get3A_1641 = arith.constant 48 : index
        %get3A_1642 = tpu.vector_load %get3A_1639[%get3A_1640, %get3A_1641] {strides = array<i32>} : memref<200x128xf32, #tpu.memory_space<vmem>>, vector<16xf32>,
        %add3A_1643 = arith.constant 15 : i32
        %add3A_1644 = arith.addi %mul3A_514, %add3A_1643 : i32
        %get3A_1645 = arith.constant 0 : i32
        %get3A_1646 = arith.constant 0 : i32
        %get3A_1647 = tpu.memref_slice %arg6[%rem3A_68, %get3A_1645, %get3A_1646] : memref<2x200x128xf32, #tpu.memory_space<vmem>> -> memref<1x200x128xf32, #tpu.memory_space<vmem>>
        %get3A_1648 = tpu.memref_squeeze %get3A_1647 : memref<1x200x128xf32, #tpu.memory_space<vmem>> -> memref<200x128xf32, #tpu.memory_space<vmem>>
        %get3A_1649 = arith.index_cast %add3A_1644 : i32 to index
        %get3A_1650 = arith.constant 48 : index
        %get3A_1651 = tpu.vector_load %get3A_1648[%get3A_1649, %get3A_1650] {strides = array<i32>} : memref<200x128xf32, #tpu.memory_space<vmem>>, vector<16xf32>,
        %add3A_1652 = arith.constant 16 : i32
        %add3A_1653 = arith.addi %mul3A_514, %add3A_1652 : i32
        %get3A_1654 = arith.constant 0 : i32
        %get3A_1655 = arith.constant 0 : i32
        %get3A_1656 = tpu.memref_slice %arg6[%rem3A_68, %get3A_1654, %get3A_1655] : memref<2x200x128xf32, #tpu.memory_space<vmem>> -> memref<1x200x128xf32, #tpu.memory_space<vmem>>
        %get3A_1657 = tpu.memref_squeeze %get3A_1656 : memref<1x200x128xf32, #tpu.memory_space<vmem>> -> memref<200x128xf32, #tpu.memory_space<vmem>>
        %get3A_1658 = arith.index_cast %add3A_1653 : i32 to index
        %get3A_1659 = arith.constant 48 : index
        %get3A_1660 = tpu.vector_load %get3A_1657[%get3A_1658, %get3A_1659] {strides = array<i32>} : memref<200x128xf32, #tpu.memory_space<vmem>>, vector<16xf32>,
        %add3A_1661 = arith.constant 17 : i32
        %add3A_1662 = arith.addi %mul3A_514, %add3A_1661 : i32
        %get3A_1663 = arith.constant 0 : i32
        %get3A_1664 = arith.constant 0 : i32
        %get3A_1665 = tpu.memref_slice %arg6[%rem3A_68, %get3A_1663, %get3A_1664] : memref<2x200x128xf32, #tpu.memory_space<vmem>> -> memref<1x200x128xf32, #tpu.memory_space<vmem>>
        %get3A_1666 = tpu.memref_squeeze %get3A_1665 : memref<1x200x128xf32, #tpu.memory_space<vmem>> -> memref<200x128xf32, #tpu.memory_space<vmem>>
        %get3A_1667 = arith.index_cast %add3A_1662 : i32 to index
        %get3A_1668 = arith.constant 48 : index
        %get3A_1669 = tpu.vector_load %get3A_1666[%get3A_1667, %get3A_1668] {strides = array<i32>} : memref<200x128xf32, #tpu.memory_space<vmem>>, vector<16xf32>,
        %add3A_1670 = arith.constant 18 : i32
        %add3A_1671 = arith.addi %mul3A_514, %add3A_1670 : i32
        %get3A_1672 = arith.constant 0 : i32
        %get3A_1673 = arith.constant 0 : i32
        %get3A_1674 = tpu.memref_slice %arg6[%rem3A_68, %get3A_1672, %get3A_1673] : memref<2x200x128xf32, #tpu.memory_space<vmem>> -> memref<1x200x128xf32, #tpu.memory_space<vmem>>
        %get3A_1675 = tpu.memref_squeeze %get3A_1674 : memref<1x200x128xf32, #tpu.memory_space<vmem>> -> memref<200x128xf32, #tpu.memory_space<vmem>>
        %get3A_1676 = arith.index_cast %add3A_1671 : i32 to index
        %get3A_1677 = arith.constant 48 : index
        %get3A_1678 = tpu.vector_load %get3A_1675[%get3A_1676, %get3A_1677] {strides = array<i32>} : memref<200x128xf32, #tpu.memory_space<vmem>>, vector<16xf32>,
        %add3A_1679 = arith.constant 19 : i32
        %add3A_1680 = arith.addi %mul3A_514, %add3A_1679 : i32
        %get3A_1681 = arith.constant 0 : i32
        %get3A_1682 = arith.constant 0 : i32
        %get3A_1683 = tpu.memref_slice %arg6[%rem3A_68, %get3A_1681, %get3A_1682] : memref<2x200x128xf32, #tpu.memory_space<vmem>> -> memref<1x200x128xf32, #tpu.memory_space<vmem>>
        %get3A_1684 = tpu.memref_squeeze %get3A_1683 : memref<1x200x128xf32, #tpu.memory_space<vmem>> -> memref<200x128xf32, #tpu.memory_space<vmem>>
        %get3A_1685 = arith.index_cast %add3A_1680 : i32 to index
        %get3A_1686 = arith.constant 48 : index
        %get3A_1687 = tpu.vector_load %get3A_1684[%get3A_1685, %get3A_1686] {strides = array<i32>} : memref<200x128xf32, #tpu.memory_space<vmem>>, vector<16xf32>,
        %add3A_1688 = arith.constant 20 : i32
        %add3A_1689 = arith.addi %mul3A_514, %add3A_1688 : i32
        %get3A_1690 = arith.constant 0 : i32
        %get3A_1691 = arith.constant 0 : i32
        %get3A_1692 = tpu.memref_slice %arg6[%rem3A_68, %get3A_1690, %get3A_1691] : memref<2x200x128xf32, #tpu.memory_space<vmem>> -> memref<1x200x128xf32, #tpu.memory_space<vmem>>
        %get3A_1693 = tpu.memref_squeeze %get3A_1692 : memref<1x200x128xf32, #tpu.memory_space<vmem>> -> memref<200x128xf32, #tpu.memory_space<vmem>>
        %get3A_1694 = arith.index_cast %add3A_1689 : i32 to index
        %get3A_1695 = arith.constant 48 : index
        %get3A_1696 = tpu.vector_load %get3A_1693[%get3A_1694, %get3A_1695] {strides = array<i32>} : memref<200x128xf32, #tpu.memory_space<vmem>>, vector<16xf32>,
        %add3A_1697 = arith.constant 21 : i32
        %add3A_1698 = arith.addi %mul3A_514, %add3A_1697 : i32
        %get3A_1699 = arith.constant 0 : i32
        %get3A_1700 = arith.constant 0 : i32
        %get3A_1701 = tpu.memref_slice %arg6[%rem3A_68, %get3A_1699, %get3A_1700] : memref<2x200x128xf32, #tpu.memory_space<vmem>> -> memref<1x200x128xf32, #tpu.memory_space<vmem>>
        %get3A_1702 = tpu.memref_squeeze %get3A_1701 : memref<1x200x128xf32, #tpu.memory_space<vmem>> -> memref<200x128xf32, #tpu.memory_space<vmem>>
        %get3A_1703 = arith.index_cast %add3A_1698 : i32 to index
        %get3A_1704 = arith.constant 48 : index
        %get3A_1705 = tpu.vector_load %get3A_1702[%get3A_1703, %get3A_1704] {strides = array<i32>} : memref<200x128xf32, #tpu.memory_space<vmem>>, vector<16xf32>,
        %add3A_1706 = arith.constant 22 : i32
        %add3A_1707 = arith.addi %mul3A_514, %add3A_1706 : i32
        %get3A_1708 = arith.constant 0 : i32
        %get3A_1709 = arith.constant 0 : i32
        %get3A_1710 = tpu.memref_slice %arg6[%rem3A_68, %get3A_1708, %get3A_1709] : memref<2x200x128xf32, #tpu.memory_space<vmem>> -> memref<1x200x128xf32, #tpu.memory_space<vmem>>
        %get3A_1711 = tpu.memref_squeeze %get3A_1710 : memref<1x200x128xf32, #tpu.memory_space<vmem>> -> memref<200x128xf32, #tpu.memory_space<vmem>>
        %get3A_1712 = arith.index_cast %add3A_1707 : i32 to index
        %get3A_1713 = arith.constant 48 : index
        %get3A_1714 = tpu.vector_load %get3A_1711[%get3A_1712, %get3A_1713] {strides = array<i32>} : memref<200x128xf32, #tpu.memory_space<vmem>>, vector<16xf32>,
        %add3A_1715 = arith.constant 23 : i32
        %add3A_1716 = arith.addi %mul3A_514, %add3A_1715 : i32
        %get3A_1717 = arith.constant 0 : i32
        %get3A_1718 = arith.constant 0 : i32
        %get3A_1719 = tpu.memref_slice %arg6[%rem3A_68, %get3A_1717, %get3A_1718] : memref<2x200x128xf32, #tpu.memory_space<vmem>> -> memref<1x200x128xf32, #tpu.memory_space<vmem>>
        %get3A_1720 = tpu.memref_squeeze %get3A_1719 : memref<1x200x128xf32, #tpu.memory_space<vmem>> -> memref<200x128xf32, #tpu.memory_space<vmem>>
        %get3A_1721 = arith.index_cast %add3A_1716 : i32 to index
        %get3A_1722 = arith.constant 48 : index
        %get3A_1723 = tpu.vector_load %get3A_1720[%get3A_1721, %get3A_1722] {strides = array<i32>} : memref<200x128xf32, #tpu.memory_space<vmem>>, vector<16xf32>,
        %add3A_1724 = arith.constant 24 : i32
        %add3A_1725 = arith.addi %mul3A_514, %add3A_1724 : i32
        %get3A_1726 = arith.constant 0 : i32
        %get3A_1727 = arith.constant 0 : i32
        %get3A_1728 = tpu.memref_slice %arg6[%rem3A_68, %get3A_1726, %get3A_1727] : memref<2x200x128xf32, #tpu.memory_space<vmem>> -> memref<1x200x128xf32, #tpu.memory_space<vmem>>
        %get3A_1729 = tpu.memref_squeeze %get3A_1728 : memref<1x200x128xf32, #tpu.memory_space<vmem>> -> memref<200x128xf32, #tpu.memory_space<vmem>>
        %get3A_1730 = arith.index_cast %add3A_1725 : i32 to index
        %get3A_1731 = arith.constant 48 : index
        %get3A_1732 = tpu.vector_load %get3A_1729[%get3A_1730, %get3A_1731] {strides = array<i32>} : memref<200x128xf32, #tpu.memory_space<vmem>>, vector<16xf32>,
        %max3A_1733 = arith.maximumf %get3A_1516, %get3A_1525 : vector<16xf32>
        %max3A_1734 = arith.maximumf %get3A_1534, %get3A_1543 : vector<16xf32>
        %max3A_1735 = arith.maximumf %get3A_1552, %get3A_1561 : vector<16xf32>
        %max3A_1736 = arith.maximumf %get3A_1570, %get3A_1579 : vector<16xf32>
        %max3A_1737 = arith.maximumf %get3A_1588, %get3A_1597 : vector<16xf32>
        %max3A_1738 = arith.maximumf %get3A_1606, %get3A_1615 : vector<16xf32>
        %max3A_1739 = arith.maximumf %get3A_1624, %get3A_1633 : vector<16xf32>
        %max3A_1740 = arith.maximumf %get3A_1642, %get3A_1651 : vector<16xf32>
        %max3A_1741 = arith.maximumf %get3A_1660, %get3A_1669 : vector<16xf32>
        %max3A_1742 = arith.maximumf %get3A_1678, %get3A_1687 : vector<16xf32>
        %max3A_1743 = arith.maximumf %get3A_1696, %get3A_1705 : vector<16xf32>
        %max3A_1744 = arith.maximumf %get3A_1714, %get3A_1723 : vector<16xf32>
        %max3A_1745 = arith.maximumf %max3A_1733, %max3A_1734 : vector<16xf32>
        %max3A_1746 = arith.maximumf %max3A_1735, %max3A_1736 : vector<16xf32>
        %max3A_1747 = arith.maximumf %max3A_1737, %max3A_1738 : vector<16xf32>
        %max3A_1748 = arith.maximumf %max3A_1739, %max3A_1740 : vector<16xf32>
        %max3A_1749 = arith.maximumf %max3A_1741, %max3A_1742 : vector<16xf32>
        %max3A_1750 = arith.maximumf %max3A_1743, %max3A_1744 : vector<16xf32>
        %max3A_1751 = arith.maximumf %max3A_1745, %max3A_1746 : vector<16xf32>
        %max3A_1752 = arith.maximumf %max3A_1747, %max3A_1748 : vector<16xf32>
        %max3A_1753 = arith.maximumf %max3A_1749, %max3A_1750 : vector<16xf32>
        %max3A_1754 = arith.maximumf %max3A_1751, %max3A_1752 : vector<16xf32>
        %max3A_1755 = arith.maximumf %max3A_1753, %get3A_1732 : vector<16xf32>
        %max3A_1756 = arith.maximumf %max3A_1754, %max3A_1755 : vector<16xf32>
        %sub3A_1757 = arith.subf %get3A_1516, %max3A_1756 : vector<16xf32>
        %exp3A_1758 = math.exp %sub3A_1757 : vector<16xf32>
        %sub3A_1759 = arith.subf %get3A_1525, %max3A_1756 : vector<16xf32>
        %exp3A_1760 = math.exp %sub3A_1759 : vector<16xf32>
        %sub3A_1761 = arith.subf %get3A_1534, %max3A_1756 : vector<16xf32>
        %exp3A_1762 = math.exp %sub3A_1761 : vector<16xf32>
        %sub3A_1763 = arith.subf %get3A_1543, %max3A_1756 : vector<16xf32>
        %exp3A_1764 = math.exp %sub3A_1763 : vector<16xf32>
        %add3A_1765 = arith.addf %exp3A_1758, %exp3A_1764 : vector<16xf32>
        %sub3A_1766 = arith.subf %get3A_1552, %max3A_1756 : vector<16xf32>
        %exp3A_1767 = math.exp %sub3A_1766 : vector<16xf32>
        %add3A_1768 = arith.addf %exp3A_1760, %exp3A_1767 : vector<16xf32>
        %sub3A_1769 = arith.subf %get3A_1561, %max3A_1756 : vector<16xf32>
        %exp3A_1770 = math.exp %sub3A_1769 : vector<16xf32>
        %add3A_1771 = arith.addf %exp3A_1762, %exp3A_1770 : vector<16xf32>
        %sub3A_1772 = arith.subf %get3A_1570, %max3A_1756 : vector<16xf32>
        %exp3A_1773 = math.exp %sub3A_1772 : vector<16xf32>
        %add3A_1774 = arith.addf %add3A_1765, %exp3A_1773 : vector<16xf32>
        %sub3A_1775 = arith.subf %get3A_1579, %max3A_1756 : vector<16xf32>
        %exp3A_1776 = math.exp %sub3A_1775 : vector<16xf32>
        %add3A_1777 = arith.addf %add3A_1768, %exp3A_1776 : vector<16xf32>
        %sub3A_1778 = arith.subf %get3A_1588, %max3A_1756 : vector<16xf32>
        %exp3A_1779 = math.exp %sub3A_1778 : vector<16xf32>
        %add3A_1780 = arith.addf %add3A_1771, %exp3A_1779 : vector<16xf32>
        %sub3A_1781 = arith.subf %get3A_1597, %max3A_1756 : vector<16xf32>
        %exp3A_1782 = math.exp %sub3A_1781 : vector<16xf32>
        %add3A_1783 = arith.addf %add3A_1774, %exp3A_1782 : vector<16xf32>
        %sub3A_1784 = arith.subf %get3A_1606, %max3A_1756 : vector<16xf32>
        %exp3A_1785 = math.exp %sub3A_1784 : vector<16xf32>
        %add3A_1786 = arith.addf %add3A_1777, %exp3A_1785 : vector<16xf32>
        %sub3A_1787 = arith.subf %get3A_1615, %max3A_1756 : vector<16xf32>
        %exp3A_1788 = math.exp %sub3A_1787 : vector<16xf32>
        %add3A_1789 = arith.addf %add3A_1780, %exp3A_1788 : vector<16xf32>
        %sub3A_1790 = arith.subf %get3A_1624, %max3A_1756 : vector<16xf32>
        %exp3A_1791 = math.exp %sub3A_1790 : vector<16xf32>
        %add3A_1792 = arith.addf %add3A_1783, %exp3A_1791 : vector<16xf32>
        %sub3A_1793 = arith.subf %get3A_1633, %max3A_1756 : vector<16xf32>
        %exp3A_1794 = math.exp %sub3A_1793 : vector<16xf32>
        %add3A_1795 = arith.addf %add3A_1786, %exp3A_1794 : vector<16xf32>
        %sub3A_1796 = arith.subf %get3A_1642, %max3A_1756 : vector<16xf32>
        %exp3A_1797 = math.exp %sub3A_1796 : vector<16xf32>
        %add3A_1798 = arith.addf %add3A_1789, %exp3A_1797 : vector<16xf32>
        %sub3A_1799 = arith.subf %get3A_1651, %max3A_1756 : vector<16xf32>
        %exp3A_1800 = math.exp %sub3A_1799 : vector<16xf32>
        %add3A_1801 = arith.addf %add3A_1792, %exp3A_1800 : vector<16xf32>
        %sub3A_1802 = arith.subf %get3A_1660, %max3A_1756 : vector<16xf32>
        %exp3A_1803 = math.exp %sub3A_1802 : vector<16xf32>
        %add3A_1804 = arith.addf %add3A_1795, %exp3A_1803 : vector<16xf32>
        %sub3A_1805 = arith.subf %get3A_1669, %max3A_1756 : vector<16xf32>
        %exp3A_1806 = math.exp %sub3A_1805 : vector<16xf32>
        %add3A_1807 = arith.addf %add3A_1798, %exp3A_1806 : vector<16xf32>
        %sub3A_1808 = arith.subf %get3A_1678, %max3A_1756 : vector<16xf32>
        %exp3A_1809 = math.exp %sub3A_1808 : vector<16xf32>
        %add3A_1810 = arith.addf %add3A_1801, %exp3A_1809 : vector<16xf32>
        %sub3A_1811 = arith.subf %get3A_1687, %max3A_1756 : vector<16xf32>
        %exp3A_1812 = math.exp %sub3A_1811 : vector<16xf32>
        %add3A_1813 = arith.addf %add3A_1804, %exp3A_1812 : vector<16xf32>
        %sub3A_1814 = arith.subf %get3A_1696, %max3A_1756 : vector<16xf32>
        %exp3A_1815 = math.exp %sub3A_1814 : vector<16xf32>
        %add3A_1816 = arith.addf %add3A_1807, %exp3A_1815 : vector<16xf32>
        %sub3A_1817 = arith.subf %get3A_1705, %max3A_1756 : vector<16xf32>
        %exp3A_1818 = math.exp %sub3A_1817 : vector<16xf32>
        %add3A_1819 = arith.addf %add3A_1810, %exp3A_1818 : vector<16xf32>
        %sub3A_1820 = arith.subf %get3A_1714, %max3A_1756 : vector<16xf32>
        %exp3A_1821 = math.exp %sub3A_1820 : vector<16xf32>
        %add3A_1822 = arith.addf %add3A_1813, %exp3A_1821 : vector<16xf32>
        %sub3A_1823 = arith.subf %get3A_1723, %max3A_1756 : vector<16xf32>
        %exp3A_1824 = math.exp %sub3A_1823 : vector<16xf32>
        %add3A_1825 = arith.addf %add3A_1816, %exp3A_1824 : vector<16xf32>
        %sub3A_1826 = arith.subf %get3A_1732, %max3A_1756 : vector<16xf32>
        %exp3A_1827 = math.exp %sub3A_1826 : vector<16xf32>
        %add3A_1828 = arith.addf %add3A_1819, %exp3A_1827 : vector<16xf32>
        %add3A_1829 = arith.addf %add3A_1828, %add3A_1822 : vector<16xf32>
        %add3A_1830 = arith.addf %add3A_1829, %add3A_1825 : vector<16xf32>
        %max3A_1831 = arith.maximumf %scan3A_500, %max3A_1756 : vector<16xf32>
        %sub3A_1832 = arith.subf %scan3A_500, %max3A_1831 : vector<16xf32>
        %exp3A_1833 = math.exp %sub3A_1832 : vector<16xf32>
        %mul3A_1834 = arith.mulf %scan3A_508, %exp3A_1833 : vector<16xf32>
        %sub3A_1835 = arith.subf %max3A_1756, %max3A_1831 : vector<16xf32>
        %exp3A_1836 = math.exp %sub3A_1835 : vector<16xf32>
        %mul3A_1837 = arith.mulf %add3A_1830, %exp3A_1836 : vector<16xf32>
        %add3A_1838 = arith.addf %mul3A_1834, %mul3A_1837 : vector<16xf32>
        %add3A_1839 = arith.constant 0 : i32
        %add3A_1840 = arith.addi %mul3A_514, %add3A_1839 : i32
        %get3A_1841 = arith.constant 0 : i32
        %get3A_1842 = arith.constant 0 : i32
        %get3A_1843 = tpu.memref_slice %arg6[%rem3A_68, %get3A_1841, %get3A_1842] : memref<2x200x128xf32, #tpu.memory_space<vmem>> -> memref<1x200x128xf32, #tpu.memory_space<vmem>>
        %get3A_1844 = tpu.memref_squeeze %get3A_1843 : memref<1x200x128xf32, #tpu.memory_space<vmem>> -> memref<200x128xf32, #tpu.memory_space<vmem>>
        %get3A_1845 = arith.index_cast %add3A_1840 : i32 to index
        %get3A_1846 = arith.constant 64 : index
        %get3A_1847 = tpu.vector_load %get3A_1844[%get3A_1845, %get3A_1846] {strides = array<i32>} : memref<200x128xf32, #tpu.memory_space<vmem>>, vector<16xf32>,
        %add3A_1848 = arith.constant 1 : i32
        %add3A_1849 = arith.addi %mul3A_514, %add3A_1848 : i32
        %get3A_1850 = arith.constant 0 : i32
        %get3A_1851 = arith.constant 0 : i32
        %get3A_1852 = tpu.memref_slice %arg6[%rem3A_68, %get3A_1850, %get3A_1851] : memref<2x200x128xf32, #tpu.memory_space<vmem>> -> memref<1x200x128xf32, #tpu.memory_space<vmem>>
        %get3A_1853 = tpu.memref_squeeze %get3A_1852 : memref<1x200x128xf32, #tpu.memory_space<vmem>> -> memref<200x128xf32, #tpu.memory_space<vmem>>
        %get3A_1854 = arith.index_cast %add3A_1849 : i32 to index
        %get3A_1855 = arith.constant 64 : index
        %get3A_1856 = tpu.vector_load %get3A_1853[%get3A_1854, %get3A_1855] {strides = array<i32>} : memref<200x128xf32, #tpu.memory_space<vmem>>, vector<16xf32>,
        %add3A_1857 = arith.constant 2 : i32
        %add3A_1858 = arith.addi %mul3A_514, %add3A_1857 : i32
        %get3A_1859 = arith.constant 0 : i32
        %get3A_1860 = arith.constant 0 : i32
        %get3A_1861 = tpu.memref_slice %arg6[%rem3A_68, %get3A_1859, %get3A_1860] : memref<2x200x128xf32, #tpu.memory_space<vmem>> -> memref<1x200x128xf32, #tpu.memory_space<vmem>>
        %get3A_1862 = tpu.memref_squeeze %get3A_1861 : memref<1x200x128xf32, #tpu.memory_space<vmem>> -> memref<200x128xf32, #tpu.memory_space<vmem>>
        %get3A_1863 = arith.index_cast %add3A_1858 : i32 to index
        %get3A_1864 = arith.constant 64 : index
        %get3A_1865 = tpu.vector_load %get3A_1862[%get3A_1863, %get3A_1864] {strides = array<i32>} : memref<200x128xf32, #tpu.memory_space<vmem>>, vector<16xf32>,
        %add3A_1866 = arith.constant 3 : i32
        %add3A_1867 = arith.addi %mul3A_514, %add3A_1866 : i32
        %get3A_1868 = arith.constant 0 : i32
        %get3A_1869 = arith.constant 0 : i32
        %get3A_1870 = tpu.memref_slice %arg6[%rem3A_68, %get3A_1868, %get3A_1869] : memref<2x200x128xf32, #tpu.memory_space<vmem>> -> memref<1x200x128xf32, #tpu.memory_space<vmem>>
        %get3A_1871 = tpu.memref_squeeze %get3A_1870 : memref<1x200x128xf32, #tpu.memory_space<vmem>> -> memref<200x128xf32, #tpu.memory_space<vmem>>
        %get3A_1872 = arith.index_cast %add3A_1867 : i32 to index
        %get3A_1873 = arith.constant 64 : index
        %get3A_1874 = tpu.vector_load %get3A_1871[%get3A_1872, %get3A_1873] {strides = array<i32>} : memref<200x128xf32, #tpu.memory_space<vmem>>, vector<16xf32>,
        %add3A_1875 = arith.constant 4 : i32
        %add3A_1876 = arith.addi %mul3A_514, %add3A_1875 : i32
        %get3A_1877 = arith.constant 0 : i32
        %get3A_1878 = arith.constant 0 : i32
        %get3A_1879 = tpu.memref_slice %arg6[%rem3A_68, %get3A_1877, %get3A_1878] : memref<2x200x128xf32, #tpu.memory_space<vmem>> -> memref<1x200x128xf32, #tpu.memory_space<vmem>>
        %get3A_1880 = tpu.memref_squeeze %get3A_1879 : memref<1x200x128xf32, #tpu.memory_space<vmem>> -> memref<200x128xf32, #tpu.memory_space<vmem>>
        %get3A_1881 = arith.index_cast %add3A_1876 : i32 to index
        %get3A_1882 = arith.constant 64 : index
        %get3A_1883 = tpu.vector_load %get3A_1880[%get3A_1881, %get3A_1882] {strides = array<i32>} : memref<200x128xf32, #tpu.memory_space<vmem>>, vector<16xf32>,
        %add3A_1884 = arith.constant 5 : i32
        %add3A_1885 = arith.addi %mul3A_514, %add3A_1884 : i32
        %get3A_1886 = arith.constant 0 : i32
        %get3A_1887 = arith.constant 0 : i32
        %get3A_1888 = tpu.memref_slice %arg6[%rem3A_68, %get3A_1886, %get3A_1887] : memref<2x200x128xf32, #tpu.memory_space<vmem>> -> memref<1x200x128xf32, #tpu.memory_space<vmem>>
        %get3A_1889 = tpu.memref_squeeze %get3A_1888 : memref<1x200x128xf32, #tpu.memory_space<vmem>> -> memref<200x128xf32, #tpu.memory_space<vmem>>
        %get3A_1890 = arith.index_cast %add3A_1885 : i32 to index
        %get3A_1891 = arith.constant 64 : index
        %get3A_1892 = tpu.vector_load %get3A_1889[%get3A_1890, %get3A_1891] {strides = array<i32>} : memref<200x128xf32, #tpu.memory_space<vmem>>, vector<16xf32>,
        %add3A_1893 = arith.constant 6 : i32
        %add3A_1894 = arith.addi %mul3A_514, %add3A_1893 : i32
        %get3A_1895 = arith.constant 0 : i32
        %get3A_1896 = arith.constant 0 : i32
        %get3A_1897 = tpu.memref_slice %arg6[%rem3A_68, %get3A_1895, %get3A_1896] : memref<2x200x128xf32, #tpu.memory_space<vmem>> -> memref<1x200x128xf32, #tpu.memory_space<vmem>>
        %get3A_1898 = tpu.memref_squeeze %get3A_1897 : memref<1x200x128xf32, #tpu.memory_space<vmem>> -> memref<200x128xf32, #tpu.memory_space<vmem>>
        %get3A_1899 = arith.index_cast %add3A_1894 : i32 to index
        %get3A_1900 = arith.constant 64 : index
        %get3A_1901 = tpu.vector_load %get3A_1898[%get3A_1899, %get3A_1900] {strides = array<i32>} : memref<200x128xf32, #tpu.memory_space<vmem>>, vector<16xf32>,
        %add3A_1902 = arith.constant 7 : i32
        %add3A_1903 = arith.addi %mul3A_514, %add3A_1902 : i32
        %get3A_1904 = arith.constant 0 : i32
        %get3A_1905 = arith.constant 0 : i32
        %get3A_1906 = tpu.memref_slice %arg6[%rem3A_68, %get3A_1904, %get3A_1905] : memref<2x200x128xf32, #tpu.memory_space<vmem>> -> memref<1x200x128xf32, #tpu.memory_space<vmem>>
        %get3A_1907 = tpu.memref_squeeze %get3A_1906 : memref<1x200x128xf32, #tpu.memory_space<vmem>> -> memref<200x128xf32, #tpu.memory_space<vmem>>
        %get3A_1908 = arith.index_cast %add3A_1903 : i32 to index
        %get3A_1909 = arith.constant 64 : index
        %get3A_1910 = tpu.vector_load %get3A_1907[%get3A_1908, %get3A_1909] {strides = array<i32>} : memref<200x128xf32, #tpu.memory_space<vmem>>, vector<16xf32>,
        %add3A_1911 = arith.constant 8 : i32
        %add3A_1912 = arith.addi %mul3A_514, %add3A_1911 : i32
        %get3A_1913 = arith.constant 0 : i32
        %get3A_1914 = arith.constant 0 : i32
        %get3A_1915 = tpu.memref_slice %arg6[%rem3A_68, %get3A_1913, %get3A_1914] : memref<2x200x128xf32, #tpu.memory_space<vmem>> -> memref<1x200x128xf32, #tpu.memory_space<vmem>>
        %get3A_1916 = tpu.memref_squeeze %get3A_1915 : memref<1x200x128xf32, #tpu.memory_space<vmem>> -> memref<200x128xf32, #tpu.memory_space<vmem>>
        %get3A_1917 = arith.index_cast %add3A_1912 : i32 to index
        %get3A_1918 = arith.constant 64 : index
        %get3A_1919 = tpu.vector_load %get3A_1916[%get3A_1917, %get3A_1918] {strides = array<i32>} : memref<200x128xf32, #tpu.memory_space<vmem>>, vector<16xf32>,
        %add3A_1920 = arith.constant 9 : i32
        %add3A_1921 = arith.addi %mul3A_514, %add3A_1920 : i32
        %get3A_1922 = arith.constant 0 : i32
        %get3A_1923 = arith.constant 0 : i32
        %get3A_1924 = tpu.memref_slice %arg6[%rem3A_68, %get3A_1922, %get3A_1923] : memref<2x200x128xf32, #tpu.memory_space<vmem>> -> memref<1x200x128xf32, #tpu.memory_space<vmem>>
        %get3A_1925 = tpu.memref_squeeze %get3A_1924 : memref<1x200x128xf32, #tpu.memory_space<vmem>> -> memref<200x128xf32, #tpu.memory_space<vmem>>
        %get3A_1926 = arith.index_cast %add3A_1921 : i32 to index
        %get3A_1927 = arith.constant 64 : index
        %get3A_1928 = tpu.vector_load %get3A_1925[%get3A_1926, %get3A_1927] {strides = array<i32>} : memref<200x128xf32, #tpu.memory_space<vmem>>, vector<16xf32>,
        %add3A_1929 = arith.constant 10 : i32
        %add3A_1930 = arith.addi %mul3A_514, %add3A_1929 : i32
        %get3A_1931 = arith.constant 0 : i32
        %get3A_1932 = arith.constant 0 : i32
        %get3A_1933 = tpu.memref_slice %arg6[%rem3A_68, %get3A_1931, %get3A_1932] : memref<2x200x128xf32, #tpu.memory_space<vmem>> -> memref<1x200x128xf32, #tpu.memory_space<vmem>>
        %get3A_1934 = tpu.memref_squeeze %get3A_1933 : memref<1x200x128xf32, #tpu.memory_space<vmem>> -> memref<200x128xf32, #tpu.memory_space<vmem>>
        %get3A_1935 = arith.index_cast %add3A_1930 : i32 to index
        %get3A_1936 = arith.constant 64 : index
        %get3A_1937 = tpu.vector_load %get3A_1934[%get3A_1935, %get3A_1936] {strides = array<i32>} : memref<200x128xf32, #tpu.memory_space<vmem>>, vector<16xf32>,
        %add3A_1938 = arith.constant 11 : i32
        %add3A_1939 = arith.addi %mul3A_514, %add3A_1938 : i32
        %get3A_1940 = arith.constant 0 : i32
        %get3A_1941 = arith.constant 0 : i32
        %get3A_1942 = tpu.memref_slice %arg6[%rem3A_68, %get3A_1940, %get3A_1941] : memref<2x200x128xf32, #tpu.memory_space<vmem>> -> memref<1x200x128xf32, #tpu.memory_space<vmem>>
        %get3A_1943 = tpu.memref_squeeze %get3A_1942 : memref<1x200x128xf32, #tpu.memory_space<vmem>> -> memref<200x128xf32, #tpu.memory_space<vmem>>
        %get3A_1944 = arith.index_cast %add3A_1939 : i32 to index
        %get3A_1945 = arith.constant 64 : index
        %get3A_1946 = tpu.vector_load %get3A_1943[%get3A_1944, %get3A_1945] {strides = array<i32>} : memref<200x128xf32, #tpu.memory_space<vmem>>, vector<16xf32>,
        %add3A_1947 = arith.constant 12 : i32
        %add3A_1948 = arith.addi %mul3A_514, %add3A_1947 : i32
        %get3A_1949 = arith.constant 0 : i32
        %get3A_1950 = arith.constant 0 : i32
        %get3A_1951 = tpu.memref_slice %arg6[%rem3A_68, %get3A_1949, %get3A_1950] : memref<2x200x128xf32, #tpu.memory_space<vmem>> -> memref<1x200x128xf32, #tpu.memory_space<vmem>>
        %get3A_1952 = tpu.memref_squeeze %get3A_1951 : memref<1x200x128xf32, #tpu.memory_space<vmem>> -> memref<200x128xf32, #tpu.memory_space<vmem>>
        %get3A_1953 = arith.index_cast %add3A_1948 : i32 to index
        %get3A_1954 = arith.constant 64 : index
        %get3A_1955 = tpu.vector_load %get3A_1952[%get3A_1953, %get3A_1954] {strides = array<i32>} : memref<200x128xf32, #tpu.memory_space<vmem>>, vector<16xf32>,
        %add3A_1956 = arith.constant 13 : i32
        %add3A_1957 = arith.addi %mul3A_514, %add3A_1956 : i32
        %get3A_1958 = arith.constant 0 : i32
        %get3A_1959 = arith.constant 0 : i32
        %get3A_1960 = tpu.memref_slice %arg6[%rem3A_68, %get3A_1958, %get3A_1959] : memref<2x200x128xf32, #tpu.memory_space<vmem>> -> memref<1x200x128xf32, #tpu.memory_space<vmem>>
        %get3A_1961 = tpu.memref_squeeze %get3A_1960 : memref<1x200x128xf32, #tpu.memory_space<vmem>> -> memref<200x128xf32, #tpu.memory_space<vmem>>
        %get3A_1962 = arith.index_cast %add3A_1957 : i32 to index
        %get3A_1963 = arith.constant 64 : index
        %get3A_1964 = tpu.vector_load %get3A_1961[%get3A_1962, %get3A_1963] {strides = array<i32>} : memref<200x128xf32, #tpu.memory_space<vmem>>, vector<16xf32>,
        %add3A_1965 = arith.constant 14 : i32
        %add3A_1966 = arith.addi %mul3A_514, %add3A_1965 : i32
        %get3A_1967 = arith.constant 0 : i32
        %get3A_1968 = arith.constant 0 : i32
        %get3A_1969 = tpu.memref_slice %arg6[%rem3A_68, %get3A_1967, %get3A_1968] : memref<2x200x128xf32, #tpu.memory_space<vmem>> -> memref<1x200x128xf32, #tpu.memory_space<vmem>>
        %get3A_1970 = tpu.memref_squeeze %get3A_1969 : memref<1x200x128xf32, #tpu.memory_space<vmem>> -> memref<200x128xf32, #tpu.memory_space<vmem>>
        %get3A_1971 = arith.index_cast %add3A_1966 : i32 to index
        %get3A_1972 = arith.constant 64 : index
        %get3A_1973 = tpu.vector_load %get3A_1970[%get3A_1971, %get3A_1972] {strides = array<i32>} : memref<200x128xf32, #tpu.memory_space<vmem>>, vector<16xf32>,
        %add3A_1974 = arith.constant 15 : i32
        %add3A_1975 = arith.addi %mul3A_514, %add3A_1974 : i32
        %get3A_1976 = arith.constant 0 : i32
        %get3A_1977 = arith.constant 0 : i32
        %get3A_1978 = tpu.memref_slice %arg6[%rem3A_68, %get3A_1976, %get3A_1977] : memref<2x200x128xf32, #tpu.memory_space<vmem>> -> memref<1x200x128xf32, #tpu.memory_space<vmem>>
        %get3A_1979 = tpu.memref_squeeze %get3A_1978 : memref<1x200x128xf32, #tpu.memory_space<vmem>> -> memref<200x128xf32, #tpu.memory_space<vmem>>
        %get3A_1980 = arith.index_cast %add3A_1975 : i32 to index
        %get3A_1981 = arith.constant 64 : index
        %get3A_1982 = tpu.vector_load %get3A_1979[%get3A_1980, %get3A_1981] {strides = array<i32>} : memref<200x128xf32, #tpu.memory_space<vmem>>, vector<16xf32>,
        %add3A_1983 = arith.constant 16 : i32
        %add3A_1984 = arith.addi %mul3A_514, %add3A_1983 : i32
        %get3A_1985 = arith.constant 0 : i32
        %get3A_1986 = arith.constant 0 : i32
        %get3A_1987 = tpu.memref_slice %arg6[%rem3A_68, %get3A_1985, %get3A_1986] : memref<2x200x128xf32, #tpu.memory_space<vmem>> -> memref<1x200x128xf32, #tpu.memory_space<vmem>>
        %get3A_1988 = tpu.memref_squeeze %get3A_1987 : memref<1x200x128xf32, #tpu.memory_space<vmem>> -> memref<200x128xf32, #tpu.memory_space<vmem>>
        %get3A_1989 = arith.index_cast %add3A_1984 : i32 to index
        %get3A_1990 = arith.constant 64 : index
        %get3A_1991 = tpu.vector_load %get3A_1988[%get3A_1989, %get3A_1990] {strides = array<i32>} : memref<200x128xf32, #tpu.memory_space<vmem>>, vector<16xf32>,
        %add3A_1992 = arith.constant 17 : i32
        %add3A_1993 = arith.addi %mul3A_514, %add3A_1992 : i32
        %get3A_1994 = arith.constant 0 : i32
        %get3A_1995 = arith.constant 0 : i32
        %get3A_1996 = tpu.memref_slice %arg6[%rem3A_68, %get3A_1994, %get3A_1995] : memref<2x200x128xf32, #tpu.memory_space<vmem>> -> memref<1x200x128xf32, #tpu.memory_space<vmem>>
        %get3A_1997 = tpu.memref_squeeze %get3A_1996 : memref<1x200x128xf32, #tpu.memory_space<vmem>> -> memref<200x128xf32, #tpu.memory_space<vmem>>
        %get3A_1998 = arith.index_cast %add3A_1993 : i32 to index
        %get3A_1999 = arith.constant 64 : index
        %get3A_2000 = tpu.vector_load %get3A_1997[%get3A_1998, %get3A_1999] {strides = array<i32>} : memref<200x128xf32, #tpu.memory_space<vmem>>, vector<16xf32>,
        %add3A_2001 = arith.constant 18 : i32
        %add3A_2002 = arith.addi %mul3A_514, %add3A_2001 : i32
        %get3A_2003 = arith.constant 0 : i32
        %get3A_2004 = arith.constant 0 : i32
        %get3A_2005 = tpu.memref_slice %arg6[%rem3A_68, %get3A_2003, %get3A_2004] : memref<2x200x128xf32, #tpu.memory_space<vmem>> -> memref<1x200x128xf32, #tpu.memory_space<vmem>>
        %get3A_2006 = tpu.memref_squeeze %get3A_2005 : memref<1x200x128xf32, #tpu.memory_space<vmem>> -> memref<200x128xf32, #tpu.memory_space<vmem>>
        %get3A_2007 = arith.index_cast %add3A_2002 : i32 to index
        %get3A_2008 = arith.constant 64 : index
        %get3A_2009 = tpu.vector_load %get3A_2006[%get3A_2007, %get3A_2008] {strides = array<i32>} : memref<200x128xf32, #tpu.memory_space<vmem>>, vector<16xf32>,
        %add3A_2010 = arith.constant 19 : i32
        %add3A_2011 = arith.addi %mul3A_514, %add3A_2010 : i32
        %get3A_2012 = arith.constant 0 : i32
        %get3A_2013 = arith.constant 0 : i32
        %get3A_2014 = tpu.memref_slice %arg6[%rem3A_68, %get3A_2012, %get3A_2013] : memref<2x200x128xf32, #tpu.memory_space<vmem>> -> memref<1x200x128xf32, #tpu.memory_space<vmem>>
        %get3A_2015 = tpu.memref_squeeze %get3A_2014 : memref<1x200x128xf32, #tpu.memory_space<vmem>> -> memref<200x128xf32, #tpu.memory_space<vmem>>
        %get3A_2016 = arith.index_cast %add3A_2011 : i32 to index
        %get3A_2017 = arith.constant 64 : index
        %get3A_2018 = tpu.vector_load %get3A_2015[%get3A_2016, %get3A_2017] {strides = array<i32>} : memref<200x128xf32, #tpu.memory_space<vmem>>, vector<16xf32>,
        %add3A_2019 = arith.constant 20 : i32
        %add3A_2020 = arith.addi %mul3A_514, %add3A_2019 : i32
        %get3A_2021 = arith.constant 0 : i32
        %get3A_2022 = arith.constant 0 : i32
        %get3A_2023 = tpu.memref_slice %arg6[%rem3A_68, %get3A_2021, %get3A_2022] : memref<2x200x128xf32, #tpu.memory_space<vmem>> -> memref<1x200x128xf32, #tpu.memory_space<vmem>>
        %get3A_2024 = tpu.memref_squeeze %get3A_2023 : memref<1x200x128xf32, #tpu.memory_space<vmem>> -> memref<200x128xf32, #tpu.memory_space<vmem>>
        %get3A_2025 = arith.index_cast %add3A_2020 : i32 to index
        %get3A_2026 = arith.constant 64 : index
        %get3A_2027 = tpu.vector_load %get3A_2024[%get3A_2025, %get3A_2026] {strides = array<i32>} : memref<200x128xf32, #tpu.memory_space<vmem>>, vector<16xf32>,
        %add3A_2028 = arith.constant 21 : i32
        %add3A_2029 = arith.addi %mul3A_514, %add3A_2028 : i32
        %get3A_2030 = arith.constant 0 : i32
        %get3A_2031 = arith.constant 0 : i32
        %get3A_2032 = tpu.memref_slice %arg6[%rem3A_68, %get3A_2030, %get3A_2031] : memref<2x200x128xf32, #tpu.memory_space<vmem>> -> memref<1x200x128xf32, #tpu.memory_space<vmem>>
        %get3A_2033 = tpu.memref_squeeze %get3A_2032 : memref<1x200x128xf32, #tpu.memory_space<vmem>> -> memref<200x128xf32, #tpu.memory_space<vmem>>
        %get3A_2034 = arith.index_cast %add3A_2029 : i32 to index
        %get3A_2035 = arith.constant 64 : index
        %get3A_2036 = tpu.vector_load %get3A_2033[%get3A_2034, %get3A_2035] {strides = array<i32>} : memref<200x128xf32, #tpu.memory_space<vmem>>, vector<16xf32>,
        %add3A_2037 = arith.constant 22 : i32
        %add3A_2038 = arith.addi %mul3A_514, %add3A_2037 : i32
        %get3A_2039 = arith.constant 0 : i32
        %get3A_2040 = arith.constant 0 : i32
        %get3A_2041 = tpu.memref_slice %arg6[%rem3A_68, %get3A_2039, %get3A_2040] : memref<2x200x128xf32, #tpu.memory_space<vmem>> -> memref<1x200x128xf32, #tpu.memory_space<vmem>>
        %get3A_2042 = tpu.memref_squeeze %get3A_2041 : memref<1x200x128xf32, #tpu.memory_space<vmem>> -> memref<200x128xf32, #tpu.memory_space<vmem>>
        %get3A_2043 = arith.index_cast %add3A_2038 : i32 to index
        %get3A_2044 = arith.constant 64 : index
        %get3A_2045 = tpu.vector_load %get3A_2042[%get3A_2043, %get3A_2044] {strides = array<i32>} : memref<200x128xf32, #tpu.memory_space<vmem>>, vector<16xf32>,
        %add3A_2046 = arith.constant 23 : i32
        %add3A_2047 = arith.addi %mul3A_514, %add3A_2046 : i32
        %get3A_2048 = arith.constant 0 : i32
        %get3A_2049 = arith.constant 0 : i32
        %get3A_2050 = tpu.memref_slice %arg6[%rem3A_68, %get3A_2048, %get3A_2049] : memref<2x200x128xf32, #tpu.memory_space<vmem>> -> memref<1x200x128xf32, #tpu.memory_space<vmem>>
        %get3A_2051 = tpu.memref_squeeze %get3A_2050 : memref<1x200x128xf32, #tpu.memory_space<vmem>> -> memref<200x128xf32, #tpu.memory_space<vmem>>
        %get3A_2052 = arith.index_cast %add3A_2047 : i32 to index
        %get3A_2053 = arith.constant 64 : index
        %get3A_2054 = tpu.vector_load %get3A_2051[%get3A_2052, %get3A_2053] {strides = array<i32>} : memref<200x128xf32, #tpu.memory_space<vmem>>, vector<16xf32>,
        %add3A_2055 = arith.constant 24 : i32
        %add3A_2056 = arith.addi %mul3A_514, %add3A_2055 : i32
        %get3A_2057 = arith.constant 0 : i32
        %get3A_2058 = arith.constant 0 : i32
        %get3A_2059 = tpu.memref_slice %arg6[%rem3A_68, %get3A_2057, %get3A_2058] : memref<2x200x128xf32, #tpu.memory_space<vmem>> -> memref<1x200x128xf32, #tpu.memory_space<vmem>>
        %get3A_2060 = tpu.memref_squeeze %get3A_2059 : memref<1x200x128xf32, #tpu.memory_space<vmem>> -> memref<200x128xf32, #tpu.memory_space<vmem>>
        %get3A_2061 = arith.index_cast %add3A_2056 : i32 to index
        %get3A_2062 = arith.constant 64 : index
        %get3A_2063 = tpu.vector_load %get3A_2060[%get3A_2061, %get3A_2062] {strides = array<i32>} : memref<200x128xf32, #tpu.memory_space<vmem>>, vector<16xf32>,
        %max3A_2064 = arith.maximumf %get3A_1847, %get3A_1856 : vector<16xf32>
        %max3A_2065 = arith.maximumf %get3A_1865, %get3A_1874 : vector<16xf32>
        %max3A_2066 = arith.maximumf %get3A_1883, %get3A_1892 : vector<16xf32>
        %max3A_2067 = arith.maximumf %get3A_1901, %get3A_1910 : vector<16xf32>
        %max3A_2068 = arith.maximumf %get3A_1919, %get3A_1928 : vector<16xf32>
        %max3A_2069 = arith.maximumf %get3A_1937, %get3A_1946 : vector<16xf32>
        %max3A_2070 = arith.maximumf %get3A_1955, %get3A_1964 : vector<16xf32>
        %max3A_2071 = arith.maximumf %get3A_1973, %get3A_1982 : vector<16xf32>
        %max3A_2072 = arith.maximumf %get3A_1991, %get3A_2000 : vector<16xf32>
        %max3A_2073 = arith.maximumf %get3A_2009, %get3A_2018 : vector<16xf32>
        %max3A_2074 = arith.maximumf %get3A_2027, %get3A_2036 : vector<16xf32>
        %max3A_2075 = arith.maximumf %get3A_2045, %get3A_2054 : vector<16xf32>
        %max3A_2076 = arith.maximumf %max3A_2064, %max3A_2065 : vector<16xf32>
        %max3A_2077 = arith.maximumf %max3A_2066, %max3A_2067 : vector<16xf32>
        %max3A_2078 = arith.maximumf %max3A_2068, %max3A_2069 : vector<16xf32>
        %max3A_2079 = arith.maximumf %max3A_2070, %max3A_2071 : vector<16xf32>
        %max3A_2080 = arith.maximumf %max3A_2072, %max3A_2073 : vector<16xf32>
        %max3A_2081 = arith.maximumf %max3A_2074, %max3A_2075 : vector<16xf32>
        %max3A_2082 = arith.maximumf %max3A_2076, %max3A_2077 : vector<16xf32>
        %max3A_2083 = arith.maximumf %max3A_2078, %max3A_2079 : vector<16xf32>
        %max3A_2084 = arith.maximumf %max3A_2080, %max3A_2081 : vector<16xf32>
        %max3A_2085 = arith.maximumf %max3A_2082, %max3A_2083 : vector<16xf32>
        %max3A_2086 = arith.maximumf %max3A_2084, %get3A_2063 : vector<16xf32>
        %max3A_2087 = arith.maximumf %max3A_2085, %max3A_2086 : vector<16xf32>
        %sub3A_2088 = arith.subf %get3A_1847, %max3A_2087 : vector<16xf32>
        %exp3A_2089 = math.exp %sub3A_2088 : vector<16xf32>
        %sub3A_2090 = arith.subf %get3A_1856, %max3A_2087 : vector<16xf32>
        %exp3A_2091 = math.exp %sub3A_2090 : vector<16xf32>
        %sub3A_2092 = arith.subf %get3A_1865, %max3A_2087 : vector<16xf32>
        %exp3A_2093 = math.exp %sub3A_2092 : vector<16xf32>
        %sub3A_2094 = arith.subf %get3A_1874, %max3A_2087 : vector<16xf32>
        %exp3A_2095 = math.exp %sub3A_2094 : vector<16xf32>
        %add3A_2096 = arith.addf %exp3A_2089, %exp3A_2095 : vector<16xf32>
        %sub3A_2097 = arith.subf %get3A_1883, %max3A_2087 : vector<16xf32>
        %exp3A_2098 = math.exp %sub3A_2097 : vector<16xf32>
        %add3A_2099 = arith.addf %exp3A_2091, %exp3A_2098 : vector<16xf32>
        %sub3A_2100 = arith.subf %get3A_1892, %max3A_2087 : vector<16xf32>
        %exp3A_2101 = math.exp %sub3A_2100 : vector<16xf32>
        %add3A_2102 = arith.addf %exp3A_2093, %exp3A_2101 : vector<16xf32>
        %sub3A_2103 = arith.subf %get3A_1901, %max3A_2087 : vector<16xf32>
        %exp3A_2104 = math.exp %sub3A_2103 : vector<16xf32>
        %add3A_2105 = arith.addf %add3A_2096, %exp3A_2104 : vector<16xf32>
        %sub3A_2106 = arith.subf %get3A_1910, %max3A_2087 : vector<16xf32>
        %exp3A_2107 = math.exp %sub3A_2106 : vector<16xf32>
        %add3A_2108 = arith.addf %add3A_2099, %exp3A_2107 : vector<16xf32>
        %sub3A_2109 = arith.subf %get3A_1919, %max3A_2087 : vector<16xf32>
        %exp3A_2110 = math.exp %sub3A_2109 : vector<16xf32>
        %add3A_2111 = arith.addf %add3A_2102, %exp3A_2110 : vector<16xf32>
        %sub3A_2112 = arith.subf %get3A_1928, %max3A_2087 : vector<16xf32>
        %exp3A_2113 = math.exp %sub3A_2112 : vector<16xf32>
        %add3A_2114 = arith.addf %add3A_2105, %exp3A_2113 : vector<16xf32>
        %sub3A_2115 = arith.subf %get3A_1937, %max3A_2087 : vector<16xf32>
        %exp3A_2116 = math.exp %sub3A_2115 : vector<16xf32>
        %add3A_2117 = arith.addf %add3A_2108, %exp3A_2116 : vector<16xf32>
        %sub3A_2118 = arith.subf %get3A_1946, %max3A_2087 : vector<16xf32>
        %exp3A_2119 = math.exp %sub3A_2118 : vector<16xf32>
        %add3A_2120 = arith.addf %add3A_2111, %exp3A_2119 : vector<16xf32>
        %sub3A_2121 = arith.subf %get3A_1955, %max3A_2087 : vector<16xf32>
        %exp3A_2122 = math.exp %sub3A_2121 : vector<16xf32>
        %add3A_2123 = arith.addf %add3A_2114, %exp3A_2122 : vector<16xf32>
        %sub3A_2124 = arith.subf %get3A_1964, %max3A_2087 : vector<16xf32>
        %exp3A_2125 = math.exp %sub3A_2124 : vector<16xf32>
        %add3A_2126 = arith.addf %add3A_2117, %exp3A_2125 : vector<16xf32>
        %sub3A_2127 = arith.subf %get3A_1973, %max3A_2087 : vector<16xf32>
        %exp3A_2128 = math.exp %sub3A_2127 : vector<16xf32>
        %add3A_2129 = arith.addf %add3A_2120, %exp3A_2128 : vector<16xf32>
        %sub3A_2130 = arith.subf %get3A_1982, %max3A_2087 : vector<16xf32>
        %exp3A_2131 = math.exp %sub3A_2130 : vector<16xf32>
        %add3A_2132 = arith.addf %add3A_2123, %exp3A_2131 : vector<16xf32>
        %sub3A_2133 = arith.subf %get3A_1991, %max3A_2087 : vector<16xf32>
        %exp3A_2134 = math.exp %sub3A_2133 : vector<16xf32>
        %add3A_2135 = arith.addf %add3A_2126, %exp3A_2134 : vector<16xf32>
        %sub3A_2136 = arith.subf %get3A_2000, %max3A_2087 : vector<16xf32>
        %exp3A_2137 = math.exp %sub3A_2136 : vector<16xf32>
        %add3A_2138 = arith.addf %add3A_2129, %exp3A_2137 : vector<16xf32>
        %sub3A_2139 = arith.subf %get3A_2009, %max3A_2087 : vector<16xf32>
        %exp3A_2140 = math.exp %sub3A_2139 : vector<16xf32>
        %add3A_2141 = arith.addf %add3A_2132, %exp3A_2140 : vector<16xf32>
        %sub3A_2142 = arith.subf %get3A_2018, %max3A_2087 : vector<16xf32>
        %exp3A_2143 = math.exp %sub3A_2142 : vector<16xf32>
        %add3A_2144 = arith.addf %add3A_2135, %exp3A_2143 : vector<16xf32>
        %sub3A_2145 = arith.subf %get3A_2027, %max3A_2087 : vector<16xf32>
        %exp3A_2146 = math.exp %sub3A_2145 : vector<16xf32>
        %add3A_2147 = arith.addf %add3A_2138, %exp3A_2146 : vector<16xf32>
        %sub3A_2148 = arith.subf %get3A_2036, %max3A_2087 : vector<16xf32>
        %exp3A_2149 = math.exp %sub3A_2148 : vector<16xf32>
        %add3A_2150 = arith.addf %add3A_2141, %exp3A_2149 : vector<16xf32>
        %sub3A_2151 = arith.subf %get3A_2045, %max3A_2087 : vector<16xf32>
        %exp3A_2152 = math.exp %sub3A_2151 : vector<16xf32>
        %add3A_2153 = arith.addf %add3A_2144, %exp3A_2152 : vector<16xf32>
        %sub3A_2154 = arith.subf %get3A_2054, %max3A_2087 : vector<16xf32>
        %exp3A_2155 = math.exp %sub3A_2154 : vector<16xf32>
        %add3A_2156 = arith.addf %add3A_2147, %exp3A_2155 : vector<16xf32>
        %sub3A_2157 = arith.subf %get3A_2063, %max3A_2087 : vector<16xf32>
        %exp3A_2158 = math.exp %sub3A_2157 : vector<16xf32>
        %add3A_2159 = arith.addf %add3A_2150, %exp3A_2158 : vector<16xf32>
        %add3A_2160 = arith.addf %add3A_2159, %add3A_2153 : vector<16xf32>
        %add3A_2161 = arith.addf %add3A_2160, %add3A_2156 : vector<16xf32>
        %max3A_2162 = arith.maximumf %scan3A_501, %max3A_2087 : vector<16xf32>
        %sub3A_2163 = arith.subf %scan3A_501, %max3A_2162 : vector<16xf32>
        %exp3A_2164 = math.exp %sub3A_2163 : vector<16xf32>
        %mul3A_2165 = arith.mulf %scan3A_509, %exp3A_2164 : vector<16xf32>
        %sub3A_2166 = arith.subf %max3A_2087, %max3A_2162 : vector<16xf32>
        %exp3A_2167 = math.exp %sub3A_2166 : vector<16xf32>
        %mul3A_2168 = arith.mulf %add3A_2161, %exp3A_2167 : vector<16xf32>
        %add3A_2169 = arith.addf %mul3A_2165, %mul3A_2168 : vector<16xf32>
        %add3A_2170 = arith.constant 0 : i32
        %add3A_2171 = arith.addi %mul3A_514, %add3A_2170 : i32
        %get3A_2172 = arith.constant 0 : i32
        %get3A_2173 = arith.constant 0 : i32
        %get3A_2174 = tpu.memref_slice %arg6[%rem3A_68, %get3A_2172, %get3A_2173] : memref<2x200x128xf32, #tpu.memory_space<vmem>> -> memref<1x200x128xf32, #tpu.memory_space<vmem>>
        %get3A_2175 = tpu.memref_squeeze %get3A_2174 : memref<1x200x128xf32, #tpu.memory_space<vmem>> -> memref<200x128xf32, #tpu.memory_space<vmem>>
        %get3A_2176 = arith.index_cast %add3A_2171 : i32 to index
        %get3A_2177 = arith.constant 80 : index
        %get3A_2178 = tpu.vector_load %get3A_2175[%get3A_2176, %get3A_2177] {strides = array<i32>} : memref<200x128xf32, #tpu.memory_space<vmem>>, vector<16xf32>,
        %add3A_2179 = arith.constant 1 : i32
        %add3A_2180 = arith.addi %mul3A_514, %add3A_2179 : i32
        %get3A_2181 = arith.constant 0 : i32
        %get3A_2182 = arith.constant 0 : i32
        %get3A_2183 = tpu.memref_slice %arg6[%rem3A_68, %get3A_2181, %get3A_2182] : memref<2x200x128xf32, #tpu.memory_space<vmem>> -> memref<1x200x128xf32, #tpu.memory_space<vmem>>
        %get3A_2184 = tpu.memref_squeeze %get3A_2183 : memref<1x200x128xf32, #tpu.memory_space<vmem>> -> memref<200x128xf32, #tpu.memory_space<vmem>>
        %get3A_2185 = arith.index_cast %add3A_2180 : i32 to index
        %get3A_2186 = arith.constant 80 : index
        %get3A_2187 = tpu.vector_load %get3A_2184[%get3A_2185, %get3A_2186] {strides = array<i32>} : memref<200x128xf32, #tpu.memory_space<vmem>>, vector<16xf32>,
        %add3A_2188 = arith.constant 2 : i32
        %add3A_2189 = arith.addi %mul3A_514, %add3A_2188 : i32
        %get3A_2190 = arith.constant 0 : i32
        %get3A_2191 = arith.constant 0 : i32
        %get3A_2192 = tpu.memref_slice %arg6[%rem3A_68, %get3A_2190, %get3A_2191] : memref<2x200x128xf32, #tpu.memory_space<vmem>> -> memref<1x200x128xf32, #tpu.memory_space<vmem>>
        %get3A_2193 = tpu.memref_squeeze %get3A_2192 : memref<1x200x128xf32, #tpu.memory_space<vmem>> -> memref<200x128xf32, #tpu.memory_space<vmem>>
        %get3A_2194 = arith.index_cast %add3A_2189 : i32 to index
        %get3A_2195 = arith.constant 80 : index
        %get3A_2196 = tpu.vector_load %get3A_2193[%get3A_2194, %get3A_2195] {strides = array<i32>} : memref<200x128xf32, #tpu.memory_space<vmem>>, vector<16xf32>,
        %add3A_2197 = arith.constant 3 : i32
        %add3A_2198 = arith.addi %mul3A_514, %add3A_2197 : i32
        %get3A_2199 = arith.constant 0 : i32
        %get3A_2200 = arith.constant 0 : i32
        %get3A_2201 = tpu.memref_slice %arg6[%rem3A_68, %get3A_2199, %get3A_2200] : memref<2x200x128xf32, #tpu.memory_space<vmem>> -> memref<1x200x128xf32, #tpu.memory_space<vmem>>
        %get3A_2202 = tpu.memref_squeeze %get3A_2201 : memref<1x200x128xf32, #tpu.memory_space<vmem>> -> memref<200x128xf32, #tpu.memory_space<vmem>>
        %get3A_2203 = arith.index_cast %add3A_2198 : i32 to index
        %get3A_2204 = arith.constant 80 : index
        %get3A_2205 = tpu.vector_load %get3A_2202[%get3A_2203, %get3A_2204] {strides = array<i32>} : memref<200x128xf32, #tpu.memory_space<vmem>>, vector<16xf32>,
        %add3A_2206 = arith.constant 4 : i32
        %add3A_2207 = arith.addi %mul3A_514, %add3A_2206 : i32
        %get3A_2208 = arith.constant 0 : i32
        %get3A_2209 = arith.constant 0 : i32
        %get3A_2210 = tpu.memref_slice %arg6[%rem3A_68, %get3A_2208, %get3A_2209] : memref<2x200x128xf32, #tpu.memory_space<vmem>> -> memref<1x200x128xf32, #tpu.memory_space<vmem>>
        %get3A_2211 = tpu.memref_squeeze %get3A_2210 : memref<1x200x128xf32, #tpu.memory_space<vmem>> -> memref<200x128xf32, #tpu.memory_space<vmem>>
        %get3A_2212 = arith.index_cast %add3A_2207 : i32 to index
        %get3A_2213 = arith.constant 80 : index
        %get3A_2214 = tpu.vector_load %get3A_2211[%get3A_2212, %get3A_2213] {strides = array<i32>} : memref<200x128xf32, #tpu.memory_space<vmem>>, vector<16xf32>,
        %add3A_2215 = arith.constant 5 : i32
        %add3A_2216 = arith.addi %mul3A_514, %add3A_2215 : i32
        %get3A_2217 = arith.constant 0 : i32
        %get3A_2218 = arith.constant 0 : i32
        %get3A_2219 = tpu.memref_slice %arg6[%rem3A_68, %get3A_2217, %get3A_2218] : memref<2x200x128xf32, #tpu.memory_space<vmem>> -> memref<1x200x128xf32, #tpu.memory_space<vmem>>
        %get3A_2220 = tpu.memref_squeeze %get3A_2219 : memref<1x200x128xf32, #tpu.memory_space<vmem>> -> memref<200x128xf32, #tpu.memory_space<vmem>>
        %get3A_2221 = arith.index_cast %add3A_2216 : i32 to index
        %get3A_2222 = arith.constant 80 : index
        %get3A_2223 = tpu.vector_load %get3A_2220[%get3A_2221, %get3A_2222] {strides = array<i32>} : memref<200x128xf32, #tpu.memory_space<vmem>>, vector<16xf32>,
        %add3A_2224 = arith.constant 6 : i32
        %add3A_2225 = arith.addi %mul3A_514, %add3A_2224 : i32
        %get3A_2226 = arith.constant 0 : i32
        %get3A_2227 = arith.constant 0 : i32
        %get3A_2228 = tpu.memref_slice %arg6[%rem3A_68, %get3A_2226, %get3A_2227] : memref<2x200x128xf32, #tpu.memory_space<vmem>> -> memref<1x200x128xf32, #tpu.memory_space<vmem>>
        %get3A_2229 = tpu.memref_squeeze %get3A_2228 : memref<1x200x128xf32, #tpu.memory_space<vmem>> -> memref<200x128xf32, #tpu.memory_space<vmem>>
        %get3A_2230 = arith.index_cast %add3A_2225 : i32 to index
        %get3A_2231 = arith.constant 80 : index
        %get3A_2232 = tpu.vector_load %get3A_2229[%get3A_2230, %get3A_2231] {strides = array<i32>} : memref<200x128xf32, #tpu.memory_space<vmem>>, vector<16xf32>,
        %add3A_2233 = arith.constant 7 : i32
        %add3A_2234 = arith.addi %mul3A_514, %add3A_2233 : i32
        %get3A_2235 = arith.constant 0 : i32
        %get3A_2236 = arith.constant 0 : i32
        %get3A_2237 = tpu.memref_slice %arg6[%rem3A_68, %get3A_2235, %get3A_2236] : memref<2x200x128xf32, #tpu.memory_space<vmem>> -> memref<1x200x128xf32, #tpu.memory_space<vmem>>
        %get3A_2238 = tpu.memref_squeeze %get3A_2237 : memref<1x200x128xf32, #tpu.memory_space<vmem>> -> memref<200x128xf32, #tpu.memory_space<vmem>>
        %get3A_2239 = arith.index_cast %add3A_2234 : i32 to index
        %get3A_2240 = arith.constant 80 : index
        %get3A_2241 = tpu.vector_load %get3A_2238[%get3A_2239, %get3A_2240] {strides = array<i32>} : memref<200x128xf32, #tpu.memory_space<vmem>>, vector<16xf32>,
        %add3A_2242 = arith.constant 8 : i32
        %add3A_2243 = arith.addi %mul3A_514, %add3A_2242 : i32
        %get3A_2244 = arith.constant 0 : i32
        %get3A_2245 = arith.constant 0 : i32
        %get3A_2246 = tpu.memref_slice %arg6[%rem3A_68, %get3A_2244, %get3A_2245] : memref<2x200x128xf32, #tpu.memory_space<vmem>> -> memref<1x200x128xf32, #tpu.memory_space<vmem>>
        %get3A_2247 = tpu.memref_squeeze %get3A_2246 : memref<1x200x128xf32, #tpu.memory_space<vmem>> -> memref<200x128xf32, #tpu.memory_space<vmem>>
        %get3A_2248 = arith.index_cast %add3A_2243 : i32 to index
        %get3A_2249 = arith.constant 80 : index
        %get3A_2250 = tpu.vector_load %get3A_2247[%get3A_2248, %get3A_2249] {strides = array<i32>} : memref<200x128xf32, #tpu.memory_space<vmem>>, vector<16xf32>,
        %add3A_2251 = arith.constant 9 : i32
        %add3A_2252 = arith.addi %mul3A_514, %add3A_2251 : i32
        %get3A_2253 = arith.constant 0 : i32
        %get3A_2254 = arith.constant 0 : i32
        %get3A_2255 = tpu.memref_slice %arg6[%rem3A_68, %get3A_2253, %get3A_2254] : memref<2x200x128xf32, #tpu.memory_space<vmem>> -> memref<1x200x128xf32, #tpu.memory_space<vmem>>
        %get3A_2256 = tpu.memref_squeeze %get3A_2255 : memref<1x200x128xf32, #tpu.memory_space<vmem>> -> memref<200x128xf32, #tpu.memory_space<vmem>>
        %get3A_2257 = arith.index_cast %add3A_2252 : i32 to index
        %get3A_2258 = arith.constant 80 : index
        %get3A_2259 = tpu.vector_load %get3A_2256[%get3A_2257, %get3A_2258] {strides = array<i32>} : memref<200x128xf32, #tpu.memory_space<vmem>>, vector<16xf32>,
        %add3A_2260 = arith.constant 10 : i32
        %add3A_2261 = arith.addi %mul3A_514, %add3A_2260 : i32
        %get3A_2262 = arith.constant 0 : i32
        %get3A_2263 = arith.constant 0 : i32
        %get3A_2264 = tpu.memref_slice %arg6[%rem3A_68, %get3A_2262, %get3A_2263] : memref<2x200x128xf32, #tpu.memory_space<vmem>> -> memref<1x200x128xf32, #tpu.memory_space<vmem>>
        %get3A_2265 = tpu.memref_squeeze %get3A_2264 : memref<1x200x128xf32, #tpu.memory_space<vmem>> -> memref<200x128xf32, #tpu.memory_space<vmem>>
        %get3A_2266 = arith.index_cast %add3A_2261 : i32 to index
        %get3A_2267 = arith.constant 80 : index
        %get3A_2268 = tpu.vector_load %get3A_2265[%get3A_2266, %get3A_2267] {strides = array<i32>} : memref<200x128xf32, #tpu.memory_space<vmem>>, vector<16xf32>,
        %add3A_2269 = arith.constant 11 : i32
        %add3A_2270 = arith.addi %mul3A_514, %add3A_2269 : i32
        %get3A_2271 = arith.constant 0 : i32
        %get3A_2272 = arith.constant 0 : i32
        %get3A_2273 = tpu.memref_slice %arg6[%rem3A_68, %get3A_2271, %get3A_2272] : memref<2x200x128xf32, #tpu.memory_space<vmem>> -> memref<1x200x128xf32, #tpu.memory_space<vmem>>
        %get3A_2274 = tpu.memref_squeeze %get3A_2273 : memref<1x200x128xf32, #tpu.memory_space<vmem>> -> memref<200x128xf32, #tpu.memory_space<vmem>>
        %get3A_2275 = arith.index_cast %add3A_2270 : i32 to index
        %get3A_2276 = arith.constant 80 : index
        %get3A_2277 = tpu.vector_load %get3A_2274[%get3A_2275, %get3A_2276] {strides = array<i32>} : memref<200x128xf32, #tpu.memory_space<vmem>>, vector<16xf32>,
        %add3A_2278 = arith.constant 12 : i32
        %add3A_2279 = arith.addi %mul3A_514, %add3A_2278 : i32
        %get3A_2280 = arith.constant 0 : i32
        %get3A_2281 = arith.constant 0 : i32
        %get3A_2282 = tpu.memref_slice %arg6[%rem3A_68, %get3A_2280, %get3A_2281] : memref<2x200x128xf32, #tpu.memory_space<vmem>> -> memref<1x200x128xf32, #tpu.memory_space<vmem>>
        %get3A_2283 = tpu.memref_squeeze %get3A_2282 : memref<1x200x128xf32, #tpu.memory_space<vmem>> -> memref<200x128xf32, #tpu.memory_space<vmem>>
        %get3A_2284 = arith.index_cast %add3A_2279 : i32 to index
        %get3A_2285 = arith.constant 80 : index
        %get3A_2286 = tpu.vector_load %get3A_2283[%get3A_2284, %get3A_2285] {strides = array<i32>} : memref<200x128xf32, #tpu.memory_space<vmem>>, vector<16xf32>,
        %add3A_2287 = arith.constant 13 : i32
        %add3A_2288 = arith.addi %mul3A_514, %add3A_2287 : i32
        %get3A_2289 = arith.constant 0 : i32
        %get3A_2290 = arith.constant 0 : i32
        %get3A_2291 = tpu.memref_slice %arg6[%rem3A_68, %get3A_2289, %get3A_2290] : memref<2x200x128xf32, #tpu.memory_space<vmem>> -> memref<1x200x128xf32, #tpu.memory_space<vmem>>
        %get3A_2292 = tpu.memref_squeeze %get3A_2291 : memref<1x200x128xf32, #tpu.memory_space<vmem>> -> memref<200x128xf32, #tpu.memory_space<vmem>>
        %get3A_2293 = arith.index_cast %add3A_2288 : i32 to index
        %get3A_2294 = arith.constant 80 : index
        %get3A_2295 = tpu.vector_load %get3A_2292[%get3A_2293, %get3A_2294] {strides = array<i32>} : memref<200x128xf32, #tpu.memory_space<vmem>>, vector<16xf32>,
        %add3A_2296 = arith.constant 14 : i32
        %add3A_2297 = arith.addi %mul3A_514, %add3A_2296 : i32
        %get3A_2298 = arith.constant 0 : i32
        %get3A_2299 = arith.constant 0 : i32
        %get3A_2300 = tpu.memref_slice %arg6[%rem3A_68, %get3A_2298, %get3A_2299] : memref<2x200x128xf32, #tpu.memory_space<vmem>> -> memref<1x200x128xf32, #tpu.memory_space<vmem>>
        %get3A_2301 = tpu.memref_squeeze %get3A_2300 : memref<1x200x128xf32, #tpu.memory_space<vmem>> -> memref<200x128xf32, #tpu.memory_space<vmem>>
        %get3A_2302 = arith.index_cast %add3A_2297 : i32 to index
        %get3A_2303 = arith.constant 80 : index
        %get3A_2304 = tpu.vector_load %get3A_2301[%get3A_2302, %get3A_2303] {strides = array<i32>} : memref<200x128xf32, #tpu.memory_space<vmem>>, vector<16xf32>,
        %add3A_2305 = arith.constant 15 : i32
        %add3A_2306 = arith.addi %mul3A_514, %add3A_2305 : i32
        %get3A_2307 = arith.constant 0 : i32
        %get3A_2308 = arith.constant 0 : i32
        %get3A_2309 = tpu.memref_slice %arg6[%rem3A_68, %get3A_2307, %get3A_2308] : memref<2x200x128xf32, #tpu.memory_space<vmem>> -> memref<1x200x128xf32, #tpu.memory_space<vmem>>
        %get3A_2310 = tpu.memref_squeeze %get3A_2309 : memref<1x200x128xf32, #tpu.memory_space<vmem>> -> memref<200x128xf32, #tpu.memory_space<vmem>>
        %get3A_2311 = arith.index_cast %add3A_2306 : i32 to index
        %get3A_2312 = arith.constant 80 : index
        %get3A_2313 = tpu.vector_load %get3A_2310[%get3A_2311, %get3A_2312] {strides = array<i32>} : memref<200x128xf32, #tpu.memory_space<vmem>>, vector<16xf32>,
        %add3A_2314 = arith.constant 16 : i32
        %add3A_2315 = arith.addi %mul3A_514, %add3A_2314 : i32
        %get3A_2316 = arith.constant 0 : i32
        %get3A_2317 = arith.constant 0 : i32
        %get3A_2318 = tpu.memref_slice %arg6[%rem3A_68, %get3A_2316, %get3A_2317] : memref<2x200x128xf32, #tpu.memory_space<vmem>> -> memref<1x200x128xf32, #tpu.memory_space<vmem>>
        %get3A_2319 = tpu.memref_squeeze %get3A_2318 : memref<1x200x128xf32, #tpu.memory_space<vmem>> -> memref<200x128xf32, #tpu.memory_space<vmem>>
        %get3A_2320 = arith.index_cast %add3A_2315 : i32 to index
        %get3A_2321 = arith.constant 80 : index
        %get3A_2322 = tpu.vector_load %get3A_2319[%get3A_2320, %get3A_2321] {strides = array<i32>} : memref<200x128xf32, #tpu.memory_space<vmem>>, vector<16xf32>,
        %add3A_2323 = arith.constant 17 : i32
        %add3A_2324 = arith.addi %mul3A_514, %add3A_2323 : i32
        %get3A_2325 = arith.constant 0 : i32
        %get3A_2326 = arith.constant 0 : i32
        %get3A_2327 = tpu.memref_slice %arg6[%rem3A_68, %get3A_2325, %get3A_2326] : memref<2x200x128xf32, #tpu.memory_space<vmem>> -> memref<1x200x128xf32, #tpu.memory_space<vmem>>
        %get3A_2328 = tpu.memref_squeeze %get3A_2327 : memref<1x200x128xf32, #tpu.memory_space<vmem>> -> memref<200x128xf32, #tpu.memory_space<vmem>>
        %get3A_2329 = arith.index_cast %add3A_2324 : i32 to index
        %get3A_2330 = arith.constant 80 : index
        %get3A_2331 = tpu.vector_load %get3A_2328[%get3A_2329, %get3A_2330] {strides = array<i32>} : memref<200x128xf32, #tpu.memory_space<vmem>>, vector<16xf32>,
        %add3A_2332 = arith.constant 18 : i32
        %add3A_2333 = arith.addi %mul3A_514, %add3A_2332 : i32
        %get3A_2334 = arith.constant 0 : i32
        %get3A_2335 = arith.constant 0 : i32
        %get3A_2336 = tpu.memref_slice %arg6[%rem3A_68, %get3A_2334, %get3A_2335] : memref<2x200x128xf32, #tpu.memory_space<vmem>> -> memref<1x200x128xf32, #tpu.memory_space<vmem>>
        %get3A_2337 = tpu.memref_squeeze %get3A_2336 : memref<1x200x128xf32, #tpu.memory_space<vmem>> -> memref<200x128xf32, #tpu.memory_space<vmem>>
        %get3A_2338 = arith.index_cast %add3A_2333 : i32 to index
        %get3A_2339 = arith.constant 80 : index
        %get3A_2340 = tpu.vector_load %get3A_2337[%get3A_2338, %get3A_2339] {strides = array<i32>} : memref<200x128xf32, #tpu.memory_space<vmem>>, vector<16xf32>,
        %add3A_2341 = arith.constant 19 : i32
        %add3A_2342 = arith.addi %mul3A_514, %add3A_2341 : i32
        %get3A_2343 = arith.constant 0 : i32
        %get3A_2344 = arith.constant 0 : i32
        %get3A_2345 = tpu.memref_slice %arg6[%rem3A_68, %get3A_2343, %get3A_2344] : memref<2x200x128xf32, #tpu.memory_space<vmem>> -> memref<1x200x128xf32, #tpu.memory_space<vmem>>
        %get3A_2346 = tpu.memref_squeeze %get3A_2345 : memref<1x200x128xf32, #tpu.memory_space<vmem>> -> memref<200x128xf32, #tpu.memory_space<vmem>>
        %get3A_2347 = arith.index_cast %add3A_2342 : i32 to index
        %get3A_2348 = arith.constant 80 : index
        %get3A_2349 = tpu.vector_load %get3A_2346[%get3A_2347, %get3A_2348] {strides = array<i32>} : memref<200x128xf32, #tpu.memory_space<vmem>>, vector<16xf32>,
        %add3A_2350 = arith.constant 20 : i32
        %add3A_2351 = arith.addi %mul3A_514, %add3A_2350 : i32
        %get3A_2352 = arith.constant 0 : i32
        %get3A_2353 = arith.constant 0 : i32
        %get3A_2354 = tpu.memref_slice %arg6[%rem3A_68, %get3A_2352, %get3A_2353] : memref<2x200x128xf32, #tpu.memory_space<vmem>> -> memref<1x200x128xf32, #tpu.memory_space<vmem>>
        %get3A_2355 = tpu.memref_squeeze %get3A_2354 : memref<1x200x128xf32, #tpu.memory_space<vmem>> -> memref<200x128xf32, #tpu.memory_space<vmem>>
        %get3A_2356 = arith.index_cast %add3A_2351 : i32 to index
        %get3A_2357 = arith.constant 80 : index
        %get3A_2358 = tpu.vector_load %get3A_2355[%get3A_2356, %get3A_2357] {strides = array<i32>} : memref<200x128xf32, #tpu.memory_space<vmem>>, vector<16xf32>,
        %add3A_2359 = arith.constant 21 : i32
        %add3A_2360 = arith.addi %mul3A_514, %add3A_2359 : i32
        %get3A_2361 = arith.constant 0 : i32
        %get3A_2362 = arith.constant 0 : i32
        %get3A_2363 = tpu.memref_slice %arg6[%rem3A_68, %get3A_2361, %get3A_2362] : memref<2x200x128xf32, #tpu.memory_space<vmem>> -> memref<1x200x128xf32, #tpu.memory_space<vmem>>
        %get3A_2364 = tpu.memref_squeeze %get3A_2363 : memref<1x200x128xf32, #tpu.memory_space<vmem>> -> memref<200x128xf32, #tpu.memory_space<vmem>>
        %get3A_2365 = arith.index_cast %add3A_2360 : i32 to index
        %get3A_2366 = arith.constant 80 : index
        %get3A_2367 = tpu.vector_load %get3A_2364[%get3A_2365, %get3A_2366] {strides = array<i32>} : memref<200x128xf32, #tpu.memory_space<vmem>>, vector<16xf32>,
        %add3A_2368 = arith.constant 22 : i32
        %add3A_2369 = arith.addi %mul3A_514, %add3A_2368 : i32
        %get3A_2370 = arith.constant 0 : i32
        %get3A_2371 = arith.constant 0 : i32
        %get3A_2372 = tpu.memref_slice %arg6[%rem3A_68, %get3A_2370, %get3A_2371] : memref<2x200x128xf32, #tpu.memory_space<vmem>> -> memref<1x200x128xf32, #tpu.memory_space<vmem>>
        %get3A_2373 = tpu.memref_squeeze %get3A_2372 : memref<1x200x128xf32, #tpu.memory_space<vmem>> -> memref<200x128xf32, #tpu.memory_space<vmem>>
        %get3A_2374 = arith.index_cast %add3A_2369 : i32 to index
        %get3A_2375 = arith.constant 80 : index
        %get3A_2376 = tpu.vector_load %get3A_2373[%get3A_2374, %get3A_2375] {strides = array<i32>} : memref<200x128xf32, #tpu.memory_space<vmem>>, vector<16xf32>,
        %add3A_2377 = arith.constant 23 : i32
        %add3A_2378 = arith.addi %mul3A_514, %add3A_2377 : i32
        %get3A_2379 = arith.constant 0 : i32
        %get3A_2380 = arith.constant 0 : i32
        %get3A_2381 = tpu.memref_slice %arg6[%rem3A_68, %get3A_2379, %get3A_2380] : memref<2x200x128xf32, #tpu.memory_space<vmem>> -> memref<1x200x128xf32, #tpu.memory_space<vmem>>
        %get3A_2382 = tpu.memref_squeeze %get3A_2381 : memref<1x200x128xf32, #tpu.memory_space<vmem>> -> memref<200x128xf32, #tpu.memory_space<vmem>>
        %get3A_2383 = arith.index_cast %add3A_2378 : i32 to index
        %get3A_2384 = arith.constant 80 : index
        %get3A_2385 = tpu.vector_load %get3A_2382[%get3A_2383, %get3A_2384] {strides = array<i32>} : memref<200x128xf32, #tpu.memory_space<vmem>>, vector<16xf32>,
        %add3A_2386 = arith.constant 24 : i32
        %add3A_2387 = arith.addi %mul3A_514, %add3A_2386 : i32
        %get3A_2388 = arith.constant 0 : i32
        %get3A_2389 = arith.constant 0 : i32
        %get3A_2390 = tpu.memref_slice %arg6[%rem3A_68, %get3A_2388, %get3A_2389] : memref<2x200x128xf32, #tpu.memory_space<vmem>> -> memref<1x200x128xf32, #tpu.memory_space<vmem>>
        %get3A_2391 = tpu.memref_squeeze %get3A_2390 : memref<1x200x128xf32, #tpu.memory_space<vmem>> -> memref<200x128xf32, #tpu.memory_space<vmem>>
        %get3A_2392 = arith.index_cast %add3A_2387 : i32 to index
        %get3A_2393 = arith.constant 80 : index
        %get3A_2394 = tpu.vector_load %get3A_2391[%get3A_2392, %get3A_2393] {strides = array<i32>} : memref<200x128xf32, #tpu.memory_space<vmem>>, vector<16xf32>,
        %max3A_2395 = arith.maximumf %get3A_2178, %get3A_2187 : vector<16xf32>
        %max3A_2396 = arith.maximumf %get3A_2196, %get3A_2205 : vector<16xf32>
        %max3A_2397 = arith.maximumf %get3A_2214, %get3A_2223 : vector<16xf32>
        %max3A_2398 = arith.maximumf %get3A_2232, %get3A_2241 : vector<16xf32>
        %max3A_2399 = arith.maximumf %get3A_2250, %get3A_2259 : vector<16xf32>
        %max3A_2400 = arith.maximumf %get3A_2268, %get3A_2277 : vector<16xf32>
        %max3A_2401 = arith.maximumf %get3A_2286, %get3A_2295 : vector<16xf32>
        %max3A_2402 = arith.maximumf %get3A_2304, %get3A_2313 : vector<16xf32>
        %max3A_2403 = arith.maximumf %get3A_2322, %get3A_2331 : vector<16xf32>
        %max3A_2404 = arith.maximumf %get3A_2340, %get3A_2349 : vector<16xf32>
        %max3A_2405 = arith.maximumf %get3A_2358, %get3A_2367 : vector<16xf32>
        %max3A_2406 = arith.maximumf %get3A_2376, %get3A_2385 : vector<16xf32>
        %max3A_2407 = arith.maximumf %max3A_2395, %max3A_2396 : vector<16xf32>
        %max3A_2408 = arith.maximumf %max3A_2397, %max3A_2398 : vector<16xf32>
        %max3A_2409 = arith.maximumf %max3A_2399, %max3A_2400 : vector<16xf32>
        %max3A_2410 = arith.maximumf %max3A_2401, %max3A_2402 : vector<16xf32>
        %max3A_2411 = arith.maximumf %max3A_2403, %max3A_2404 : vector<16xf32>
        %max3A_2412 = arith.maximumf %max3A_2405, %max3A_2406 : vector<16xf32>
        %max3A_2413 = arith.maximumf %max3A_2407, %max3A_2408 : vector<16xf32>
        %max3A_2414 = arith.maximumf %max3A_2409, %max3A_2410 : vector<16xf32>
        %max3A_2415 = arith.maximumf %max3A_2411, %max3A_2412 : vector<16xf32>
        %max3A_2416 = arith.maximumf %max3A_2413, %max3A_2414 : vector<16xf32>
        %max3A_2417 = arith.maximumf %max3A_2415, %get3A_2394 : vector<16xf32>
        %max3A_2418 = arith.maximumf %max3A_2416, %max3A_2417 : vector<16xf32>
        %sub3A_2419 = arith.subf %get3A_2178, %max3A_2418 : vector<16xf32>
        %exp3A_2420 = math.exp %sub3A_2419 : vector<16xf32>
        %sub3A_2421 = arith.subf %get3A_2187, %max3A_2418 : vector<16xf32>
        %exp3A_2422 = math.exp %sub3A_2421 : vector<16xf32>
        %sub3A_2423 = arith.subf %get3A_2196, %max3A_2418 : vector<16xf32>
        %exp3A_2424 = math.exp %sub3A_2423 : vector<16xf32>
        %sub3A_2425 = arith.subf %get3A_2205, %max3A_2418 : vector<16xf32>
        %exp3A_2426 = math.exp %sub3A_2425 : vector<16xf32>
        %add3A_2427 = arith.addf %exp3A_2420, %exp3A_2426 : vector<16xf32>
        %sub3A_2428 = arith.subf %get3A_2214, %max3A_2418 : vector<16xf32>
        %exp3A_2429 = math.exp %sub3A_2428 : vector<16xf32>
        %add3A_2430 = arith.addf %exp3A_2422, %exp3A_2429 : vector<16xf32>
        %sub3A_2431 = arith.subf %get3A_2223, %max3A_2418 : vector<16xf32>
        %exp3A_2432 = math.exp %sub3A_2431 : vector<16xf32>
        %add3A_2433 = arith.addf %exp3A_2424, %exp3A_2432 : vector<16xf32>
        %sub3A_2434 = arith.subf %get3A_2232, %max3A_2418 : vector<16xf32>
        %exp3A_2435 = math.exp %sub3A_2434 : vector<16xf32>
        %add3A_2436 = arith.addf %add3A_2427, %exp3A_2435 : vector<16xf32>
        %sub3A_2437 = arith.subf %get3A_2241, %max3A_2418 : vector<16xf32>
        %exp3A_2438 = math.exp %sub3A_2437 : vector<16xf32>
        %add3A_2439 = arith.addf %add3A_2430, %exp3A_2438 : vector<16xf32>
        %sub3A_2440 = arith.subf %get3A_2250, %max3A_2418 : vector<16xf32>
        %exp3A_2441 = math.exp %sub3A_2440 : vector<16xf32>
        %add3A_2442 = arith.addf %add3A_2433, %exp3A_2441 : vector<16xf32>
        %sub3A_2443 = arith.subf %get3A_2259, %max3A_2418 : vector<16xf32>
        %exp3A_2444 = math.exp %sub3A_2443 : vector<16xf32>
        %add3A_2445 = arith.addf %add3A_2436, %exp3A_2444 : vector<16xf32>
        %sub3A_2446 = arith.subf %get3A_2268, %max3A_2418 : vector<16xf32>
        %exp3A_2447 = math.exp %sub3A_2446 : vector<16xf32>
        %add3A_2448 = arith.addf %add3A_2439, %exp3A_2447 : vector<16xf32>
        %sub3A_2449 = arith.subf %get3A_2277, %max3A_2418 : vector<16xf32>
        %exp3A_2450 = math.exp %sub3A_2449 : vector<16xf32>
        %add3A_2451 = arith.addf %add3A_2442, %exp3A_2450 : vector<16xf32>
        %sub3A_2452 = arith.subf %get3A_2286, %max3A_2418 : vector<16xf32>
        %exp3A_2453 = math.exp %sub3A_2452 : vector<16xf32>
        %add3A_2454 = arith.addf %add3A_2445, %exp3A_2453 : vector<16xf32>
        %sub3A_2455 = arith.subf %get3A_2295, %max3A_2418 : vector<16xf32>
        %exp3A_2456 = math.exp %sub3A_2455 : vector<16xf32>
        %add3A_2457 = arith.addf %add3A_2448, %exp3A_2456 : vector<16xf32>
        %sub3A_2458 = arith.subf %get3A_2304, %max3A_2418 : vector<16xf32>
        %exp3A_2459 = math.exp %sub3A_2458 : vector<16xf32>
        %add3A_2460 = arith.addf %add3A_2451, %exp3A_2459 : vector<16xf32>
        %sub3A_2461 = arith.subf %get3A_2313, %max3A_2418 : vector<16xf32>
        %exp3A_2462 = math.exp %sub3A_2461 : vector<16xf32>
        %add3A_2463 = arith.addf %add3A_2454, %exp3A_2462 : vector<16xf32>
        %sub3A_2464 = arith.subf %get3A_2322, %max3A_2418 : vector<16xf32>
        %exp3A_2465 = math.exp %sub3A_2464 : vector<16xf32>
        %add3A_2466 = arith.addf %add3A_2457, %exp3A_2465 : vector<16xf32>
        %sub3A_2467 = arith.subf %get3A_2331, %max3A_2418 : vector<16xf32>
        %exp3A_2468 = math.exp %sub3A_2467 : vector<16xf32>
        %add3A_2469 = arith.addf %add3A_2460, %exp3A_2468 : vector<16xf32>
        %sub3A_2470 = arith.subf %get3A_2340, %max3A_2418 : vector<16xf32>
        %exp3A_2471 = math.exp %sub3A_2470 : vector<16xf32>
        %add3A_2472 = arith.addf %add3A_2463, %exp3A_2471 : vector<16xf32>
        %sub3A_2473 = arith.subf %get3A_2349, %max3A_2418 : vector<16xf32>
        %exp3A_2474 = math.exp %sub3A_2473 : vector<16xf32>
        %add3A_2475 = arith.addf %add3A_2466, %exp3A_2474 : vector<16xf32>
        %sub3A_2476 = arith.subf %get3A_2358, %max3A_2418 : vector<16xf32>
        %exp3A_2477 = math.exp %sub3A_2476 : vector<16xf32>
        %add3A_2478 = arith.addf %add3A_2469, %exp3A_2477 : vector<16xf32>
        %sub3A_2479 = arith.subf %get3A_2367, %max3A_2418 : vector<16xf32>
        %exp3A_2480 = math.exp %sub3A_2479 : vector<16xf32>
        %add3A_2481 = arith.addf %add3A_2472, %exp3A_2480 : vector<16xf32>
        %sub3A_2482 = arith.subf %get3A_2376, %max3A_2418 : vector<16xf32>
        %exp3A_2483 = math.exp %sub3A_2482 : vector<16xf32>
        %add3A_2484 = arith.addf %add3A_2475, %exp3A_2483 : vector<16xf32>
        %sub3A_2485 = arith.subf %get3A_2385, %max3A_2418 : vector<16xf32>
        %exp3A_2486 = math.exp %sub3A_2485 : vector<16xf32>
        %add3A_2487 = arith.addf %add3A_2478, %exp3A_2486 : vector<16xf32>
        %sub3A_2488 = arith.subf %get3A_2394, %max3A_2418 : vector<16xf32>
        %exp3A_2489 = math.exp %sub3A_2488 : vector<16xf32>
        %add3A_2490 = arith.addf %add3A_2481, %exp3A_2489 : vector<16xf32>
        %add3A_2491 = arith.addf %add3A_2490, %add3A_2484 : vector<16xf32>
        %add3A_2492 = arith.addf %add3A_2491, %add3A_2487 : vector<16xf32>
        %max3A_2493 = arith.maximumf %scan3A_502, %max3A_2418 : vector<16xf32>
        %sub3A_2494 = arith.subf %scan3A_502, %max3A_2493 : vector<16xf32>
        %exp3A_2495 = math.exp %sub3A_2494 : vector<16xf32>
        %mul3A_2496 = arith.mulf %scan3A_510, %exp3A_2495 : vector<16xf32>
        %sub3A_2497 = arith.subf %max3A_2418, %max3A_2493 : vector<16xf32>
        %exp3A_2498 = math.exp %sub3A_2497 : vector<16xf32>
        %mul3A_2499 = arith.mulf %add3A_2492, %exp3A_2498 : vector<16xf32>
        %add3A_2500 = arith.addf %mul3A_2496, %mul3A_2499 : vector<16xf32>
        %add3A_2501 = arith.constant 0 : i32
        %add3A_2502 = arith.addi %mul3A_514, %add3A_2501 : i32
        %get3A_2503 = arith.constant 0 : i32
        %get3A_2504 = arith.constant 0 : i32
        %get3A_2505 = tpu.memref_slice %arg6[%rem3A_68, %get3A_2503, %get3A_2504] : memref<2x200x128xf32, #tpu.memory_space<vmem>> -> memref<1x200x128xf32, #tpu.memory_space<vmem>>
        %get3A_2506 = tpu.memref_squeeze %get3A_2505 : memref<1x200x128xf32, #tpu.memory_space<vmem>> -> memref<200x128xf32, #tpu.memory_space<vmem>>
        %get3A_2507 = arith.index_cast %add3A_2502 : i32 to index
        %get3A_2508 = arith.constant 96 : index
        %get3A_2509 = tpu.vector_load %get3A_2506[%get3A_2507, %get3A_2508] {strides = array<i32>} : memref<200x128xf32, #tpu.memory_space<vmem>>, vector<16xf32>,
        %add3A_2510 = arith.constant 1 : i32
        %add3A_2511 = arith.addi %mul3A_514, %add3A_2510 : i32
        %get3A_2512 = arith.constant 0 : i32
        %get3A_2513 = arith.constant 0 : i32
        %get3A_2514 = tpu.memref_slice %arg6[%rem3A_68, %get3A_2512, %get3A_2513] : memref<2x200x128xf32, #tpu.memory_space<vmem>> -> memref<1x200x128xf32, #tpu.memory_space<vmem>>
        %get3A_2515 = tpu.memref_squeeze %get3A_2514 : memref<1x200x128xf32, #tpu.memory_space<vmem>> -> memref<200x128xf32, #tpu.memory_space<vmem>>
        %get3A_2516 = arith.index_cast %add3A_2511 : i32 to index
        %get3A_2517 = arith.constant 96 : index
        %get3A_2518 = tpu.vector_load %get3A_2515[%get3A_2516, %get3A_2517] {strides = array<i32>} : memref<200x128xf32, #tpu.memory_space<vmem>>, vector<16xf32>,
        %add3A_2519 = arith.constant 2 : i32
        %add3A_2520 = arith.addi %mul3A_514, %add3A_2519 : i32
        %get3A_2521 = arith.constant 0 : i32
        %get3A_2522 = arith.constant 0 : i32
        %get3A_2523 = tpu.memref_slice %arg6[%rem3A_68, %get3A_2521, %get3A_2522] : memref<2x200x128xf32, #tpu.memory_space<vmem>> -> memref<1x200x128xf32, #tpu.memory_space<vmem>>
        %get3A_2524 = tpu.memref_squeeze %get3A_2523 : memref<1x200x128xf32, #tpu.memory_space<vmem>> -> memref<200x128xf32, #tpu.memory_space<vmem>>
        %get3A_2525 = arith.index_cast %add3A_2520 : i32 to index
        %get3A_2526 = arith.constant 96 : index
        %get3A_2527 = tpu.vector_load %get3A_2524[%get3A_2525, %get3A_2526] {strides = array<i32>} : memref<200x128xf32, #tpu.memory_space<vmem>>, vector<16xf32>,
        %add3A_2528 = arith.constant 3 : i32
        %add3A_2529 = arith.addi %mul3A_514, %add3A_2528 : i32
        %get3A_2530 = arith.constant 0 : i32
        %get3A_2531 = arith.constant 0 : i32
        %get3A_2532 = tpu.memref_slice %arg6[%rem3A_68, %get3A_2530, %get3A_2531] : memref<2x200x128xf32, #tpu.memory_space<vmem>> -> memref<1x200x128xf32, #tpu.memory_space<vmem>>
        %get3A_2533 = tpu.memref_squeeze %get3A_2532 : memref<1x200x128xf32, #tpu.memory_space<vmem>> -> memref<200x128xf32, #tpu.memory_space<vmem>>
        %get3A_2534 = arith.index_cast %add3A_2529 : i32 to index
        %get3A_2535 = arith.constant 96 : index
        %get3A_2536 = tpu.vector_load %get3A_2533[%get3A_2534, %get3A_2535] {strides = array<i32>} : memref<200x128xf32, #tpu.memory_space<vmem>>, vector<16xf32>,
        %add3A_2537 = arith.constant 4 : i32
        %add3A_2538 = arith.addi %mul3A_514, %add3A_2537 : i32
        %get3A_2539 = arith.constant 0 : i32
        %get3A_2540 = arith.constant 0 : i32
        %get3A_2541 = tpu.memref_slice %arg6[%rem3A_68, %get3A_2539, %get3A_2540] : memref<2x200x128xf32, #tpu.memory_space<vmem>> -> memref<1x200x128xf32, #tpu.memory_space<vmem>>
        %get3A_2542 = tpu.memref_squeeze %get3A_2541 : memref<1x200x128xf32, #tpu.memory_space<vmem>> -> memref<200x128xf32, #tpu.memory_space<vmem>>
        %get3A_2543 = arith.index_cast %add3A_2538 : i32 to index
        %get3A_2544 = arith.constant 96 : index
        %get3A_2545 = tpu.vector_load %get3A_2542[%get3A_2543, %get3A_2544] {strides = array<i32>} : memref<200x128xf32, #tpu.memory_space<vmem>>, vector<16xf32>,
        %add3A_2546 = arith.constant 5 : i32
        %add3A_2547 = arith.addi %mul3A_514, %add3A_2546 : i32
        %get3A_2548 = arith.constant 0 : i32
        %get3A_2549 = arith.constant 0 : i32
        %get3A_2550 = tpu.memref_slice %arg6[%rem3A_68, %get3A_2548, %get3A_2549] : memref<2x200x128xf32, #tpu.memory_space<vmem>> -> memref<1x200x128xf32, #tpu.memory_space<vmem>>
        %get3A_2551 = tpu.memref_squeeze %get3A_2550 : memref<1x200x128xf32, #tpu.memory_space<vmem>> -> memref<200x128xf32, #tpu.memory_space<vmem>>
        %get3A_2552 = arith.index_cast %add3A_2547 : i32 to index
        %get3A_2553 = arith.constant 96 : index
        %get3A_2554 = tpu.vector_load %get3A_2551[%get3A_2552, %get3A_2553] {strides = array<i32>} : memref<200x128xf32, #tpu.memory_space<vmem>>, vector<16xf32>,
        %add3A_2555 = arith.constant 6 : i32
        %add3A_2556 = arith.addi %mul3A_514, %add3A_2555 : i32
        %get3A_2557 = arith.constant 0 : i32
        %get3A_2558 = arith.constant 0 : i32
        %get3A_2559 = tpu.memref_slice %arg6[%rem3A_68, %get3A_2557, %get3A_2558] : memref<2x200x128xf32, #tpu.memory_space<vmem>> -> memref<1x200x128xf32, #tpu.memory_space<vmem>>
        %get3A_2560 = tpu.memref_squeeze %get3A_2559 : memref<1x200x128xf32, #tpu.memory_space<vmem>> -> memref<200x128xf32, #tpu.memory_space<vmem>>
        %get3A_2561 = arith.index_cast %add3A_2556 : i32 to index
        %get3A_2562 = arith.constant 96 : index
        %get3A_2563 = tpu.vector_load %get3A_2560[%get3A_2561, %get3A_2562] {strides = array<i32>} : memref<200x128xf32, #tpu.memory_space<vmem>>, vector<16xf32>,
        %add3A_2564 = arith.constant 7 : i32
        %add3A_2565 = arith.addi %mul3A_514, %add3A_2564 : i32
        %get3A_2566 = arith.constant 0 : i32
        %get3A_2567 = arith.constant 0 : i32
        %get3A_2568 = tpu.memref_slice %arg6[%rem3A_68, %get3A_2566, %get3A_2567] : memref<2x200x128xf32, #tpu.memory_space<vmem>> -> memref<1x200x128xf32, #tpu.memory_space<vmem>>
        %get3A_2569 = tpu.memref_squeeze %get3A_2568 : memref<1x200x128xf32, #tpu.memory_space<vmem>> -> memref<200x128xf32, #tpu.memory_space<vmem>>
        %get3A_2570 = arith.index_cast %add3A_2565 : i32 to index
        %get3A_2571 = arith.constant 96 : index
        %get3A_2572 = tpu.vector_load %get3A_2569[%get3A_2570, %get3A_2571] {strides = array<i32>} : memref<200x128xf32, #tpu.memory_space<vmem>>, vector<16xf32>,
        %add3A_2573 = arith.constant 8 : i32
        %add3A_2574 = arith.addi %mul3A_514, %add3A_2573 : i32
        %get3A_2575 = arith.constant 0 : i32
        %get3A_2576 = arith.constant 0 : i32
        %get3A_2577 = tpu.memref_slice %arg6[%rem3A_68, %get3A_2575, %get3A_2576] : memref<2x200x128xf32, #tpu.memory_space<vmem>> -> memref<1x200x128xf32, #tpu.memory_space<vmem>>
        %get3A_2578 = tpu.memref_squeeze %get3A_2577 : memref<1x200x128xf32, #tpu.memory_space<vmem>> -> memref<200x128xf32, #tpu.memory_space<vmem>>
        %get3A_2579 = arith.index_cast %add3A_2574 : i32 to index
        %get3A_2580 = arith.constant 96 : index
        %get3A_2581 = tpu.vector_load %get3A_2578[%get3A_2579, %get3A_2580] {strides = array<i32>} : memref<200x128xf32, #tpu.memory_space<vmem>>, vector<16xf32>,
        %add3A_2582 = arith.constant 9 : i32
        %add3A_2583 = arith.addi %mul3A_514, %add3A_2582 : i32
        %get3A_2584 = arith.constant 0 : i32
        %get3A_2585 = arith.constant 0 : i32
        %get3A_2586 = tpu.memref_slice %arg6[%rem3A_68, %get3A_2584, %get3A_2585] : memref<2x200x128xf32, #tpu.memory_space<vmem>> -> memref<1x200x128xf32, #tpu.memory_space<vmem>>
        %get3A_2587 = tpu.memref_squeeze %get3A_2586 : memref<1x200x128xf32, #tpu.memory_space<vmem>> -> memref<200x128xf32, #tpu.memory_space<vmem>>
        %get3A_2588 = arith.index_cast %add3A_2583 : i32 to index
        %get3A_2589 = arith.constant 96 : index
        %get3A_2590 = tpu.vector_load %get3A_2587[%get3A_2588, %get3A_2589] {strides = array<i32>} : memref<200x128xf32, #tpu.memory_space<vmem>>, vector<16xf32>,
        %add3A_2591 = arith.constant 10 : i32
        %add3A_2592 = arith.addi %mul3A_514, %add3A_2591 : i32
        %get3A_2593 = arith.constant 0 : i32
        %get3A_2594 = arith.constant 0 : i32
        %get3A_2595 = tpu.memref_slice %arg6[%rem3A_68, %get3A_2593, %get3A_2594] : memref<2x200x128xf32, #tpu.memory_space<vmem>> -> memref<1x200x128xf32, #tpu.memory_space<vmem>>
        %get3A_2596 = tpu.memref_squeeze %get3A_2595 : memref<1x200x128xf32, #tpu.memory_space<vmem>> -> memref<200x128xf32, #tpu.memory_space<vmem>>
        %get3A_2597 = arith.index_cast %add3A_2592 : i32 to index
        %get3A_2598 = arith.constant 96 : index
        %get3A_2599 = tpu.vector_load %get3A_2596[%get3A_2597, %get3A_2598] {strides = array<i32>} : memref<200x128xf32, #tpu.memory_space<vmem>>, vector<16xf32>,
        %add3A_2600 = arith.constant 11 : i32
        %add3A_2601 = arith.addi %mul3A_514, %add3A_2600 : i32
        %get3A_2602 = arith.constant 0 : i32
        %get3A_2603 = arith.constant 0 : i32
        %get3A_2604 = tpu.memref_slice %arg6[%rem3A_68, %get3A_2602, %get3A_2603] : memref<2x200x128xf32, #tpu.memory_space<vmem>> -> memref<1x200x128xf32, #tpu.memory_space<vmem>>
        %get3A_2605 = tpu.memref_squeeze %get3A_2604 : memref<1x200x128xf32, #tpu.memory_space<vmem>> -> memref<200x128xf32, #tpu.memory_space<vmem>>
        %get3A_2606 = arith.index_cast %add3A_2601 : i32 to index
        %get3A_2607 = arith.constant 96 : index
        %get3A_2608 = tpu.vector_load %get3A_2605[%get3A_2606, %get3A_2607] {strides = array<i32>} : memref<200x128xf32, #tpu.memory_space<vmem>>, vector<16xf32>,
        %add3A_2609 = arith.constant 12 : i32
        %add3A_2610 = arith.addi %mul3A_514, %add3A_2609 : i32
        %get3A_2611 = arith.constant 0 : i32
        %get3A_2612 = arith.constant 0 : i32
        %get3A_2613 = tpu.memref_slice %arg6[%rem3A_68, %get3A_2611, %get3A_2612] : memref<2x200x128xf32, #tpu.memory_space<vmem>> -> memref<1x200x128xf32, #tpu.memory_space<vmem>>
        %get3A_2614 = tpu.memref_squeeze %get3A_2613 : memref<1x200x128xf32, #tpu.memory_space<vmem>> -> memref<200x128xf32, #tpu.memory_space<vmem>>
        %get3A_2615 = arith.index_cast %add3A_2610 : i32 to index
        %get3A_2616 = arith.constant 96 : index
        %get3A_2617 = tpu.vector_load %get3A_2614[%get3A_2615, %get3A_2616] {strides = array<i32>} : memref<200x128xf32, #tpu.memory_space<vmem>>, vector<16xf32>,
        %add3A_2618 = arith.constant 13 : i32
        %add3A_2619 = arith.addi %mul3A_514, %add3A_2618 : i32
        %get3A_2620 = arith.constant 0 : i32
        %get3A_2621 = arith.constant 0 : i32
        %get3A_2622 = tpu.memref_slice %arg6[%rem3A_68, %get3A_2620, %get3A_2621] : memref<2x200x128xf32, #tpu.memory_space<vmem>> -> memref<1x200x128xf32, #tpu.memory_space<vmem>>
        %get3A_2623 = tpu.memref_squeeze %get3A_2622 : memref<1x200x128xf32, #tpu.memory_space<vmem>> -> memref<200x128xf32, #tpu.memory_space<vmem>>
        %get3A_2624 = arith.index_cast %add3A_2619 : i32 to index
        %get3A_2625 = arith.constant 96 : index
        %get3A_2626 = tpu.vector_load %get3A_2623[%get3A_2624, %get3A_2625] {strides = array<i32>} : memref<200x128xf32, #tpu.memory_space<vmem>>, vector<16xf32>,
        %add3A_2627 = arith.constant 14 : i32
        %add3A_2628 = arith.addi %mul3A_514, %add3A_2627 : i32
        %get3A_2629 = arith.constant 0 : i32
        %get3A_2630 = arith.constant 0 : i32
        %get3A_2631 = tpu.memref_slice %arg6[%rem3A_68, %get3A_2629, %get3A_2630] : memref<2x200x128xf32, #tpu.memory_space<vmem>> -> memref<1x200x128xf32, #tpu.memory_space<vmem>>
        %get3A_2632 = tpu.memref_squeeze %get3A_2631 : memref<1x200x128xf32, #tpu.memory_space<vmem>> -> memref<200x128xf32, #tpu.memory_space<vmem>>
        %get3A_2633 = arith.index_cast %add3A_2628 : i32 to index
        %get3A_2634 = arith.constant 96 : index
        %get3A_2635 = tpu.vector_load %get3A_2632[%get3A_2633, %get3A_2634] {strides = array<i32>} : memref<200x128xf32, #tpu.memory_space<vmem>>, vector<16xf32>,
        %add3A_2636 = arith.constant 15 : i32
        %add3A_2637 = arith.addi %mul3A_514, %add3A_2636 : i32
        %get3A_2638 = arith.constant 0 : i32
        %get3A_2639 = arith.constant 0 : i32
        %get3A_2640 = tpu.memref_slice %arg6[%rem3A_68, %get3A_2638, %get3A_2639] : memref<2x200x128xf32, #tpu.memory_space<vmem>> -> memref<1x200x128xf32, #tpu.memory_space<vmem>>
        %get3A_2641 = tpu.memref_squeeze %get3A_2640 : memref<1x200x128xf32, #tpu.memory_space<vmem>> -> memref<200x128xf32, #tpu.memory_space<vmem>>
        %get3A_2642 = arith.index_cast %add3A_2637 : i32 to index
        %get3A_2643 = arith.constant 96 : index
        %get3A_2644 = tpu.vector_load %get3A_2641[%get3A_2642, %get3A_2643] {strides = array<i32>} : memref<200x128xf32, #tpu.memory_space<vmem>>, vector<16xf32>,
        %add3A_2645 = arith.constant 16 : i32
        %add3A_2646 = arith.addi %mul3A_514, %add3A_2645 : i32
        %get3A_2647 = arith.constant 0 : i32
        %get3A_2648 = arith.constant 0 : i32
        %get3A_2649 = tpu.memref_slice %arg6[%rem3A_68, %get3A_2647, %get3A_2648] : memref<2x200x128xf32, #tpu.memory_space<vmem>> -> memref<1x200x128xf32, #tpu.memory_space<vmem>>
        %get3A_2650 = tpu.memref_squeeze %get3A_2649 : memref<1x200x128xf32, #tpu.memory_space<vmem>> -> memref<200x128xf32, #tpu.memory_space<vmem>>
        %get3A_2651 = arith.index_cast %add3A_2646 : i32 to index
        %get3A_2652 = arith.constant 96 : index
        %get3A_2653 = tpu.vector_load %get3A_2650[%get3A_2651, %get3A_2652] {strides = array<i32>} : memref<200x128xf32, #tpu.memory_space<vmem>>, vector<16xf32>,
        %add3A_2654 = arith.constant 17 : i32
        %add3A_2655 = arith.addi %mul3A_514, %add3A_2654 : i32
        %get3A_2656 = arith.constant 0 : i32
        %get3A_2657 = arith.constant 0 : i32
        %get3A_2658 = tpu.memref_slice %arg6[%rem3A_68, %get3A_2656, %get3A_2657] : memref<2x200x128xf32, #tpu.memory_space<vmem>> -> memref<1x200x128xf32, #tpu.memory_space<vmem>>
        %get3A_2659 = tpu.memref_squeeze %get3A_2658 : memref<1x200x128xf32, #tpu.memory_space<vmem>> -> memref<200x128xf32, #tpu.memory_space<vmem>>
        %get3A_2660 = arith.index_cast %add3A_2655 : i32 to index
        %get3A_2661 = arith.constant 96 : index
        %get3A_2662 = tpu.vector_load %get3A_2659[%get3A_2660, %get3A_2661] {strides = array<i32>} : memref<200x128xf32, #tpu.memory_space<vmem>>, vector<16xf32>,
        %add3A_2663 = arith.constant 18 : i32
        %add3A_2664 = arith.addi %mul3A_514, %add3A_2663 : i32
        %get3A_2665 = arith.constant 0 : i32
        %get3A_2666 = arith.constant 0 : i32
        %get3A_2667 = tpu.memref_slice %arg6[%rem3A_68, %get3A_2665, %get3A_2666] : memref<2x200x128xf32, #tpu.memory_space<vmem>> -> memref<1x200x128xf32, #tpu.memory_space<vmem>>
        %get3A_2668 = tpu.memref_squeeze %get3A_2667 : memref<1x200x128xf32, #tpu.memory_space<vmem>> -> memref<200x128xf32, #tpu.memory_space<vmem>>
        %get3A_2669 = arith.index_cast %add3A_2664 : i32 to index
        %get3A_2670 = arith.constant 96 : index
        %get3A_2671 = tpu.vector_load %get3A_2668[%get3A_2669, %get3A_2670] {strides = array<i32>} : memref<200x128xf32, #tpu.memory_space<vmem>>, vector<16xf32>,
        %add3A_2672 = arith.constant 19 : i32
        %add3A_2673 = arith.addi %mul3A_514, %add3A_2672 : i32
        %get3A_2674 = arith.constant 0 : i32
        %get3A_2675 = arith.constant 0 : i32
        %get3A_2676 = tpu.memref_slice %arg6[%rem3A_68, %get3A_2674, %get3A_2675] : memref<2x200x128xf32, #tpu.memory_space<vmem>> -> memref<1x200x128xf32, #tpu.memory_space<vmem>>
        %get3A_2677 = tpu.memref_squeeze %get3A_2676 : memref<1x200x128xf32, #tpu.memory_space<vmem>> -> memref<200x128xf32, #tpu.memory_space<vmem>>
        %get3A_2678 = arith.index_cast %add3A_2673 : i32 to index
        %get3A_2679 = arith.constant 96 : index
        %get3A_2680 = tpu.vector_load %get3A_2677[%get3A_2678, %get3A_2679] {strides = array<i32>} : memref<200x128xf32, #tpu.memory_space<vmem>>, vector<16xf32>,
        %add3A_2681 = arith.constant 20 : i32
        %add3A_2682 = arith.addi %mul3A_514, %add3A_2681 : i32
        %get3A_2683 = arith.constant 0 : i32
        %get3A_2684 = arith.constant 0 : i32
        %get3A_2685 = tpu.memref_slice %arg6[%rem3A_68, %get3A_2683, %get3A_2684] : memref<2x200x128xf32, #tpu.memory_space<vmem>> -> memref<1x200x128xf32, #tpu.memory_space<vmem>>
        %get3A_2686 = tpu.memref_squeeze %get3A_2685 : memref<1x200x128xf32, #tpu.memory_space<vmem>> -> memref<200x128xf32, #tpu.memory_space<vmem>>
        %get3A_2687 = arith.index_cast %add3A_2682 : i32 to index
        %get3A_2688 = arith.constant 96 : index
        %get3A_2689 = tpu.vector_load %get3A_2686[%get3A_2687, %get3A_2688] {strides = array<i32>} : memref<200x128xf32, #tpu.memory_space<vmem>>, vector<16xf32>,
        %add3A_2690 = arith.constant 21 : i32
        %add3A_2691 = arith.addi %mul3A_514, %add3A_2690 : i32
        %get3A_2692 = arith.constant 0 : i32
        %get3A_2693 = arith.constant 0 : i32
        %get3A_2694 = tpu.memref_slice %arg6[%rem3A_68, %get3A_2692, %get3A_2693] : memref<2x200x128xf32, #tpu.memory_space<vmem>> -> memref<1x200x128xf32, #tpu.memory_space<vmem>>
        %get3A_2695 = tpu.memref_squeeze %get3A_2694 : memref<1x200x128xf32, #tpu.memory_space<vmem>> -> memref<200x128xf32, #tpu.memory_space<vmem>>
        %get3A_2696 = arith.index_cast %add3A_2691 : i32 to index
        %get3A_2697 = arith.constant 96 : index
        %get3A_2698 = tpu.vector_load %get3A_2695[%get3A_2696, %get3A_2697] {strides = array<i32>} : memref<200x128xf32, #tpu.memory_space<vmem>>, vector<16xf32>,
        %add3A_2699 = arith.constant 22 : i32
        %add3A_2700 = arith.addi %mul3A_514, %add3A_2699 : i32
        %get3A_2701 = arith.constant 0 : i32
        %get3A_2702 = arith.constant 0 : i32
        %get3A_2703 = tpu.memref_slice %arg6[%rem3A_68, %get3A_2701, %get3A_2702] : memref<2x200x128xf32, #tpu.memory_space<vmem>> -> memref<1x200x128xf32, #tpu.memory_space<vmem>>
        %get3A_2704 = tpu.memref_squeeze %get3A_2703 : memref<1x200x128xf32, #tpu.memory_space<vmem>> -> memref<200x128xf32, #tpu.memory_space<vmem>>
        %get3A_2705 = arith.index_cast %add3A_2700 : i32 to index
        %get3A_2706 = arith.constant 96 : index
        %get3A_2707 = tpu.vector_load %get3A_2704[%get3A_2705, %get3A_2706] {strides = array<i32>} : memref<200x128xf32, #tpu.memory_space<vmem>>, vector<16xf32>,
        %add3A_2708 = arith.constant 23 : i32
        %add3A_2709 = arith.addi %mul3A_514, %add3A_2708 : i32
        %get3A_2710 = arith.constant 0 : i32
        %get3A_2711 = arith.constant 0 : i32
        %get3A_2712 = tpu.memref_slice %arg6[%rem3A_68, %get3A_2710, %get3A_2711] : memref<2x200x128xf32, #tpu.memory_space<vmem>> -> memref<1x200x128xf32, #tpu.memory_space<vmem>>
        %get3A_2713 = tpu.memref_squeeze %get3A_2712 : memref<1x200x128xf32, #tpu.memory_space<vmem>> -> memref<200x128xf32, #tpu.memory_space<vmem>>
        %get3A_2714 = arith.index_cast %add3A_2709 : i32 to index
        %get3A_2715 = arith.constant 96 : index
        %get3A_2716 = tpu.vector_load %get3A_2713[%get3A_2714, %get3A_2715] {strides = array<i32>} : memref<200x128xf32, #tpu.memory_space<vmem>>, vector<16xf32>,
        %add3A_2717 = arith.constant 24 : i32
        %add3A_2718 = arith.addi %mul3A_514, %add3A_2717 : i32
        %get3A_2719 = arith.constant 0 : i32
        %get3A_2720 = arith.constant 0 : i32
        %get3A_2721 = tpu.memref_slice %arg6[%rem3A_68, %get3A_2719, %get3A_2720] : memref<2x200x128xf32, #tpu.memory_space<vmem>> -> memref<1x200x128xf32, #tpu.memory_space<vmem>>
        %get3A_2722 = tpu.memref_squeeze %get3A_2721 : memref<1x200x128xf32, #tpu.memory_space<vmem>> -> memref<200x128xf32, #tpu.memory_space<vmem>>
        %get3A_2723 = arith.index_cast %add3A_2718 : i32 to index
        %get3A_2724 = arith.constant 96 : index
        %get3A_2725 = tpu.vector_load %get3A_2722[%get3A_2723, %get3A_2724] {strides = array<i32>} : memref<200x128xf32, #tpu.memory_space<vmem>>, vector<16xf32>,
        %max3A_2726 = arith.maximumf %get3A_2509, %get3A_2518 : vector<16xf32>
        %max3A_2727 = arith.maximumf %get3A_2527, %get3A_2536 : vector<16xf32>
        %max3A_2728 = arith.maximumf %get3A_2545, %get3A_2554 : vector<16xf32>
        %max3A_2729 = arith.maximumf %get3A_2563, %get3A_2572 : vector<16xf32>
        %max3A_2730 = arith.maximumf %get3A_2581, %get3A_2590 : vector<16xf32>
        %max3A_2731 = arith.maximumf %get3A_2599, %get3A_2608 : vector<16xf32>
        %max3A_2732 = arith.maximumf %get3A_2617, %get3A_2626 : vector<16xf32>
        %max3A_2733 = arith.maximumf %get3A_2635, %get3A_2644 : vector<16xf32>
        %max3A_2734 = arith.maximumf %get3A_2653, %get3A_2662 : vector<16xf32>
        %max3A_2735 = arith.maximumf %get3A_2671, %get3A_2680 : vector<16xf32>
        %max3A_2736 = arith.maximumf %get3A_2689, %get3A_2698 : vector<16xf32>
        %max3A_2737 = arith.maximumf %get3A_2707, %get3A_2716 : vector<16xf32>
        %max3A_2738 = arith.maximumf %max3A_2726, %max3A_2727 : vector<16xf32>
        %max3A_2739 = arith.maximumf %max3A_2728, %max3A_2729 : vector<16xf32>
        %max3A_2740 = arith.maximumf %max3A_2730, %max3A_2731 : vector<16xf32>
        %max3A_2741 = arith.maximumf %max3A_2732, %max3A_2733 : vector<16xf32>
        %max3A_2742 = arith.maximumf %max3A_2734, %max3A_2735 : vector<16xf32>
        %max3A_2743 = arith.maximumf %max3A_2736, %max3A_2737 : vector<16xf32>
        %max3A_2744 = arith.maximumf %max3A_2738, %max3A_2739 : vector<16xf32>
        %max3A_2745 = arith.maximumf %max3A_2740, %max3A_2741 : vector<16xf32>
        %max3A_2746 = arith.maximumf %max3A_2742, %max3A_2743 : vector<16xf32>
        %max3A_2747 = arith.maximumf %max3A_2744, %max3A_2745 : vector<16xf32>
        %max3A_2748 = arith.maximumf %max3A_2746, %get3A_2725 : vector<16xf32>
        %max3A_2749 = arith.maximumf %max3A_2747, %max3A_2748 : vector<16xf32>
        %sub3A_2750 = arith.subf %get3A_2509, %max3A_2749 : vector<16xf32>
        %exp3A_2751 = math.exp %sub3A_2750 : vector<16xf32>
        %sub3A_2752 = arith.subf %get3A_2518, %max3A_2749 : vector<16xf32>
        %exp3A_2753 = math.exp %sub3A_2752 : vector<16xf32>
        %sub3A_2754 = arith.subf %get3A_2527, %max3A_2749 : vector<16xf32>
        %exp3A_2755 = math.exp %sub3A_2754 : vector<16xf32>
        %sub3A_2756 = arith.subf %get3A_2536, %max3A_2749 : vector<16xf32>
        %exp3A_2757 = math.exp %sub3A_2756 : vector<16xf32>
        %add3A_2758 = arith.addf %exp3A_2751, %exp3A_2757 : vector<16xf32>
        %sub3A_2759 = arith.subf %get3A_2545, %max3A_2749 : vector<16xf32>
        %exp3A_2760 = math.exp %sub3A_2759 : vector<16xf32>
        %add3A_2761 = arith.addf %exp3A_2753, %exp3A_2760 : vector<16xf32>
        %sub3A_2762 = arith.subf %get3A_2554, %max3A_2749 : vector<16xf32>
        %exp3A_2763 = math.exp %sub3A_2762 : vector<16xf32>
        %add3A_2764 = arith.addf %exp3A_2755, %exp3A_2763 : vector<16xf32>
        %sub3A_2765 = arith.subf %get3A_2563, %max3A_2749 : vector<16xf32>
        %exp3A_2766 = math.exp %sub3A_2765 : vector<16xf32>
        %add3A_2767 = arith.addf %add3A_2758, %exp3A_2766 : vector<16xf32>
        %sub3A_2768 = arith.subf %get3A_2572, %max3A_2749 : vector<16xf32>
        %exp3A_2769 = math.exp %sub3A_2768 : vector<16xf32>
        %add3A_2770 = arith.addf %add3A_2761, %exp3A_2769 : vector<16xf32>
        %sub3A_2771 = arith.subf %get3A_2581, %max3A_2749 : vector<16xf32>
        %exp3A_2772 = math.exp %sub3A_2771 : vector<16xf32>
        %add3A_2773 = arith.addf %add3A_2764, %exp3A_2772 : vector<16xf32>
        %sub3A_2774 = arith.subf %get3A_2590, %max3A_2749 : vector<16xf32>
        %exp3A_2775 = math.exp %sub3A_2774 : vector<16xf32>
        %add3A_2776 = arith.addf %add3A_2767, %exp3A_2775 : vector<16xf32>
        %sub3A_2777 = arith.subf %get3A_2599, %max3A_2749 : vector<16xf32>
        %exp3A_2778 = math.exp %sub3A_2777 : vector<16xf32>
        %add3A_2779 = arith.addf %add3A_2770, %exp3A_2778 : vector<16xf32>
        %sub3A_2780 = arith.subf %get3A_2608, %max3A_2749 : vector<16xf32>
        %exp3A_2781 = math.exp %sub3A_2780 : vector<16xf32>
        %add3A_2782 = arith.addf %add3A_2773, %exp3A_2781 : vector<16xf32>
        %sub3A_2783 = arith.subf %get3A_2617, %max3A_2749 : vector<16xf32>
        %exp3A_2784 = math.exp %sub3A_2783 : vector<16xf32>
        %add3A_2785 = arith.addf %add3A_2776, %exp3A_2784 : vector<16xf32>
        %sub3A_2786 = arith.subf %get3A_2626, %max3A_2749 : vector<16xf32>
        %exp3A_2787 = math.exp %sub3A_2786 : vector<16xf32>
        %add3A_2788 = arith.addf %add3A_2779, %exp3A_2787 : vector<16xf32>
        %sub3A_2789 = arith.subf %get3A_2635, %max3A_2749 : vector<16xf32>
        %exp3A_2790 = math.exp %sub3A_2789 : vector<16xf32>
        %add3A_2791 = arith.addf %add3A_2782, %exp3A_2790 : vector<16xf32>
        %sub3A_2792 = arith.subf %get3A_2644, %max3A_2749 : vector<16xf32>
        %exp3A_2793 = math.exp %sub3A_2792 : vector<16xf32>
        %add3A_2794 = arith.addf %add3A_2785, %exp3A_2793 : vector<16xf32>
        %sub3A_2795 = arith.subf %get3A_2653, %max3A_2749 : vector<16xf32>
        %exp3A_2796 = math.exp %sub3A_2795 : vector<16xf32>
        %add3A_2797 = arith.addf %add3A_2788, %exp3A_2796 : vector<16xf32>
        %sub3A_2798 = arith.subf %get3A_2662, %max3A_2749 : vector<16xf32>
        %exp3A_2799 = math.exp %sub3A_2798 : vector<16xf32>
        %add3A_2800 = arith.addf %add3A_2791, %exp3A_2799 : vector<16xf32>
        %sub3A_2801 = arith.subf %get3A_2671, %max3A_2749 : vector<16xf32>
        %exp3A_2802 = math.exp %sub3A_2801 : vector<16xf32>
        %add3A_2803 = arith.addf %add3A_2794, %exp3A_2802 : vector<16xf32>
        %sub3A_2804 = arith.subf %get3A_2680, %max3A_2749 : vector<16xf32>
        %exp3A_2805 = math.exp %sub3A_2804 : vector<16xf32>
        %add3A_2806 = arith.addf %add3A_2797, %exp3A_2805 : vector<16xf32>
        %sub3A_2807 = arith.subf %get3A_2689, %max3A_2749 : vector<16xf32>
        %exp3A_2808 = math.exp %sub3A_2807 : vector<16xf32>
        %add3A_2809 = arith.addf %add3A_2800, %exp3A_2808 : vector<16xf32>
        %sub3A_2810 = arith.subf %get3A_2698, %max3A_2749 : vector<16xf32>
        %exp3A_2811 = math.exp %sub3A_2810 : vector<16xf32>
        %add3A_2812 = arith.addf %add3A_2803, %exp3A_2811 : vector<16xf32>
        %sub3A_2813 = arith.subf %get3A_2707, %max3A_2749 : vector<16xf32>
        %exp3A_2814 = math.exp %sub3A_2813 : vector<16xf32>
        %add3A_2815 = arith.addf %add3A_2806, %exp3A_2814 : vector<16xf32>
        %sub3A_2816 = arith.subf %get3A_2716, %max3A_2749 : vector<16xf32>
        %exp3A_2817 = math.exp %sub3A_2816 : vector<16xf32>
        %add3A_2818 = arith.addf %add3A_2809, %exp3A_2817 : vector<16xf32>
        %sub3A_2819 = arith.subf %get3A_2725, %max3A_2749 : vector<16xf32>
        %exp3A_2820 = math.exp %sub3A_2819 : vector<16xf32>
        %add3A_2821 = arith.addf %add3A_2812, %exp3A_2820 : vector<16xf32>
        %add3A_2822 = arith.addf %add3A_2821, %add3A_2815 : vector<16xf32>
        %add3A_2823 = arith.addf %add3A_2822, %add3A_2818 : vector<16xf32>
        %max3A_2824 = arith.maximumf %scan3A_503, %max3A_2749 : vector<16xf32>
        %sub3A_2825 = arith.subf %scan3A_503, %max3A_2824 : vector<16xf32>
        %exp3A_2826 = math.exp %sub3A_2825 : vector<16xf32>
        %mul3A_2827 = arith.mulf %scan3A_511, %exp3A_2826 : vector<16xf32>
        %sub3A_2828 = arith.subf %max3A_2749, %max3A_2824 : vector<16xf32>
        %exp3A_2829 = math.exp %sub3A_2828 : vector<16xf32>
        %mul3A_2830 = arith.mulf %add3A_2823, %exp3A_2829 : vector<16xf32>
        %add3A_2831 = arith.addf %mul3A_2827, %mul3A_2830 : vector<16xf32>
        %add3A_2832 = arith.constant 0 : i32
        %add3A_2833 = arith.addi %mul3A_514, %add3A_2832 : i32
        %get3A_2834 = arith.constant 0 : i32
        %get3A_2835 = arith.constant 0 : i32
        %get3A_2836 = tpu.memref_slice %arg6[%rem3A_68, %get3A_2834, %get3A_2835] : memref<2x200x128xf32, #tpu.memory_space<vmem>> -> memref<1x200x128xf32, #tpu.memory_space<vmem>>
        %get3A_2837 = tpu.memref_squeeze %get3A_2836 : memref<1x200x128xf32, #tpu.memory_space<vmem>> -> memref<200x128xf32, #tpu.memory_space<vmem>>
        %get3A_2838 = arith.index_cast %add3A_2833 : i32 to index
        %get3A_2839 = arith.constant 112 : index
        %get3A_2840 = tpu.vector_load %get3A_2837[%get3A_2838, %get3A_2839] {strides = array<i32>} : memref<200x128xf32, #tpu.memory_space<vmem>>, vector<16xf32>,
        %add3A_2841 = arith.constant 1 : i32
        %add3A_2842 = arith.addi %mul3A_514, %add3A_2841 : i32
        %get3A_2843 = arith.constant 0 : i32
        %get3A_2844 = arith.constant 0 : i32
        %get3A_2845 = tpu.memref_slice %arg6[%rem3A_68, %get3A_2843, %get3A_2844] : memref<2x200x128xf32, #tpu.memory_space<vmem>> -> memref<1x200x128xf32, #tpu.memory_space<vmem>>
        %get3A_2846 = tpu.memref_squeeze %get3A_2845 : memref<1x200x128xf32, #tpu.memory_space<vmem>> -> memref<200x128xf32, #tpu.memory_space<vmem>>
        %get3A_2847 = arith.index_cast %add3A_2842 : i32 to index
        %get3A_2848 = arith.constant 112 : index
        %get3A_2849 = tpu.vector_load %get3A_2846[%get3A_2847, %get3A_2848] {strides = array<i32>} : memref<200x128xf32, #tpu.memory_space<vmem>>, vector<16xf32>,
        %add3A_2850 = arith.constant 2 : i32
        %add3A_2851 = arith.addi %mul3A_514, %add3A_2850 : i32
        %get3A_2852 = arith.constant 0 : i32
        %get3A_2853 = arith.constant 0 : i32
        %get3A_2854 = tpu.memref_slice %arg6[%rem3A_68, %get3A_2852, %get3A_2853] : memref<2x200x128xf32, #tpu.memory_space<vmem>> -> memref<1x200x128xf32, #tpu.memory_space<vmem>>
        %get3A_2855 = tpu.memref_squeeze %get3A_2854 : memref<1x200x128xf32, #tpu.memory_space<vmem>> -> memref<200x128xf32, #tpu.memory_space<vmem>>
        %get3A_2856 = arith.index_cast %add3A_2851 : i32 to index
        %get3A_2857 = arith.constant 112 : index
        %get3A_2858 = tpu.vector_load %get3A_2855[%get3A_2856, %get3A_2857] {strides = array<i32>} : memref<200x128xf32, #tpu.memory_space<vmem>>, vector<16xf32>,
        %add3A_2859 = arith.constant 3 : i32
        %add3A_2860 = arith.addi %mul3A_514, %add3A_2859 : i32
        %get3A_2861 = arith.constant 0 : i32
        %get3A_2862 = arith.constant 0 : i32
        %get3A_2863 = tpu.memref_slice %arg6[%rem3A_68, %get3A_2861, %get3A_2862] : memref<2x200x128xf32, #tpu.memory_space<vmem>> -> memref<1x200x128xf32, #tpu.memory_space<vmem>>
        %get3A_2864 = tpu.memref_squeeze %get3A_2863 : memref<1x200x128xf32, #tpu.memory_space<vmem>> -> memref<200x128xf32, #tpu.memory_space<vmem>>
        %get3A_2865 = arith.index_cast %add3A_2860 : i32 to index
        %get3A_2866 = arith.constant 112 : index
        %get3A_2867 = tpu.vector_load %get3A_2864[%get3A_2865, %get3A_2866] {strides = array<i32>} : memref<200x128xf32, #tpu.memory_space<vmem>>, vector<16xf32>,
        %add3A_2868 = arith.constant 4 : i32
        %add3A_2869 = arith.addi %mul3A_514, %add3A_2868 : i32
        %get3A_2870 = arith.constant 0 : i32
        %get3A_2871 = arith.constant 0 : i32
        %get3A_2872 = tpu.memref_slice %arg6[%rem3A_68, %get3A_2870, %get3A_2871] : memref<2x200x128xf32, #tpu.memory_space<vmem>> -> memref<1x200x128xf32, #tpu.memory_space<vmem>>
        %get3A_2873 = tpu.memref_squeeze %get3A_2872 : memref<1x200x128xf32, #tpu.memory_space<vmem>> -> memref<200x128xf32, #tpu.memory_space<vmem>>
        %get3A_2874 = arith.index_cast %add3A_2869 : i32 to index
        %get3A_2875 = arith.constant 112 : index
        %get3A_2876 = tpu.vector_load %get3A_2873[%get3A_2874, %get3A_2875] {strides = array<i32>} : memref<200x128xf32, #tpu.memory_space<vmem>>, vector<16xf32>,
        %add3A_2877 = arith.constant 5 : i32
        %add3A_2878 = arith.addi %mul3A_514, %add3A_2877 : i32
        %get3A_2879 = arith.constant 0 : i32
        %get3A_2880 = arith.constant 0 : i32
        %get3A_2881 = tpu.memref_slice %arg6[%rem3A_68, %get3A_2879, %get3A_2880] : memref<2x200x128xf32, #tpu.memory_space<vmem>> -> memref<1x200x128xf32, #tpu.memory_space<vmem>>
        %get3A_2882 = tpu.memref_squeeze %get3A_2881 : memref<1x200x128xf32, #tpu.memory_space<vmem>> -> memref<200x128xf32, #tpu.memory_space<vmem>>
        %get3A_2883 = arith.index_cast %add3A_2878 : i32 to index
        %get3A_2884 = arith.constant 112 : index
        %get3A_2885 = tpu.vector_load %get3A_2882[%get3A_2883, %get3A_2884] {strides = array<i32>} : memref<200x128xf32, #tpu.memory_space<vmem>>, vector<16xf32>,
        %add3A_2886 = arith.constant 6 : i32
        %add3A_2887 = arith.addi %mul3A_514, %add3A_2886 : i32
        %get3A_2888 = arith.constant 0 : i32
        %get3A_2889 = arith.constant 0 : i32
        %get3A_2890 = tpu.memref_slice %arg6[%rem3A_68, %get3A_2888, %get3A_2889] : memref<2x200x128xf32, #tpu.memory_space<vmem>> -> memref<1x200x128xf32, #tpu.memory_space<vmem>>
        %get3A_2891 = tpu.memref_squeeze %get3A_2890 : memref<1x200x128xf32, #tpu.memory_space<vmem>> -> memref<200x128xf32, #tpu.memory_space<vmem>>
        %get3A_2892 = arith.index_cast %add3A_2887 : i32 to index
        %get3A_2893 = arith.constant 112 : index
        %get3A_2894 = tpu.vector_load %get3A_2891[%get3A_2892, %get3A_2893] {strides = array<i32>} : memref<200x128xf32, #tpu.memory_space<vmem>>, vector<16xf32>,
        %add3A_2895 = arith.constant 7 : i32
        %add3A_2896 = arith.addi %mul3A_514, %add3A_2895 : i32
        %get3A_2897 = arith.constant 0 : i32
        %get3A_2898 = arith.constant 0 : i32
        %get3A_2899 = tpu.memref_slice %arg6[%rem3A_68, %get3A_2897, %get3A_2898] : memref<2x200x128xf32, #tpu.memory_space<vmem>> -> memref<1x200x128xf32, #tpu.memory_space<vmem>>
        %get3A_2900 = tpu.memref_squeeze %get3A_2899 : memref<1x200x128xf32, #tpu.memory_space<vmem>> -> memref<200x128xf32, #tpu.memory_space<vmem>>
        %get3A_2901 = arith.index_cast %add3A_2896 : i32 to index
        %get3A_2902 = arith.constant 112 : index
        %get3A_2903 = tpu.vector_load %get3A_2900[%get3A_2901, %get3A_2902] {strides = array<i32>} : memref<200x128xf32, #tpu.memory_space<vmem>>, vector<16xf32>,
        %add3A_2904 = arith.constant 8 : i32
        %add3A_2905 = arith.addi %mul3A_514, %add3A_2904 : i32
        %get3A_2906 = arith.constant 0 : i32
        %get3A_2907 = arith.constant 0 : i32
        %get3A_2908 = tpu.memref_slice %arg6[%rem3A_68, %get3A_2906, %get3A_2907] : memref<2x200x128xf32, #tpu.memory_space<vmem>> -> memref<1x200x128xf32, #tpu.memory_space<vmem>>
        %get3A_2909 = tpu.memref_squeeze %get3A_2908 : memref<1x200x128xf32, #tpu.memory_space<vmem>> -> memref<200x128xf32, #tpu.memory_space<vmem>>
        %get3A_2910 = arith.index_cast %add3A_2905 : i32 to index
        %get3A_2911 = arith.constant 112 : index
        %get3A_2912 = tpu.vector_load %get3A_2909[%get3A_2910, %get3A_2911] {strides = array<i32>} : memref<200x128xf32, #tpu.memory_space<vmem>>, vector<16xf32>,
        %add3A_2913 = arith.constant 9 : i32
        %add3A_2914 = arith.addi %mul3A_514, %add3A_2913 : i32
        %get3A_2915 = arith.constant 0 : i32
        %get3A_2916 = arith.constant 0 : i32
        %get3A_2917 = tpu.memref_slice %arg6[%rem3A_68, %get3A_2915, %get3A_2916] : memref<2x200x128xf32, #tpu.memory_space<vmem>> -> memref<1x200x128xf32, #tpu.memory_space<vmem>>
        %get3A_2918 = tpu.memref_squeeze %get3A_2917 : memref<1x200x128xf32, #tpu.memory_space<vmem>> -> memref<200x128xf32, #tpu.memory_space<vmem>>
        %get3A_2919 = arith.index_cast %add3A_2914 : i32 to index
        %get3A_2920 = arith.constant 112 : index
        %get3A_2921 = tpu.vector_load %get3A_2918[%get3A_2919, %get3A_2920] {strides = array<i32>} : memref<200x128xf32, #tpu.memory_space<vmem>>, vector<16xf32>,
        %add3A_2922 = arith.constant 10 : i32
        %add3A_2923 = arith.addi %mul3A_514, %add3A_2922 : i32
        %get3A_2924 = arith.constant 0 : i32
        %get3A_2925 = arith.constant 0 : i32
        %get3A_2926 = tpu.memref_slice %arg6[%rem3A_68, %get3A_2924, %get3A_2925] : memref<2x200x128xf32, #tpu.memory_space<vmem>> -> memref<1x200x128xf32, #tpu.memory_space<vmem>>
        %get3A_2927 = tpu.memref_squeeze %get3A_2926 : memref<1x200x128xf32, #tpu.memory_space<vmem>> -> memref<200x128xf32, #tpu.memory_space<vmem>>
        %get3A_2928 = arith.index_cast %add3A_2923 : i32 to index
        %get3A_2929 = arith.constant 112 : index
        %get3A_2930 = tpu.vector_load %get3A_2927[%get3A_2928, %get3A_2929] {strides = array<i32>} : memref<200x128xf32, #tpu.memory_space<vmem>>, vector<16xf32>,
        %add3A_2931 = arith.constant 11 : i32
        %add3A_2932 = arith.addi %mul3A_514, %add3A_2931 : i32
        %get3A_2933 = arith.constant 0 : i32
        %get3A_2934 = arith.constant 0 : i32
        %get3A_2935 = tpu.memref_slice %arg6[%rem3A_68, %get3A_2933, %get3A_2934] : memref<2x200x128xf32, #tpu.memory_space<vmem>> -> memref<1x200x128xf32, #tpu.memory_space<vmem>>
        %get3A_2936 = tpu.memref_squeeze %get3A_2935 : memref<1x200x128xf32, #tpu.memory_space<vmem>> -> memref<200x128xf32, #tpu.memory_space<vmem>>
        %get3A_2937 = arith.index_cast %add3A_2932 : i32 to index
        %get3A_2938 = arith.constant 112 : index
        %get3A_2939 = tpu.vector_load %get3A_2936[%get3A_2937, %get3A_2938] {strides = array<i32>} : memref<200x128xf32, #tpu.memory_space<vmem>>, vector<16xf32>,
        %add3A_2940 = arith.constant 12 : i32
        %add3A_2941 = arith.addi %mul3A_514, %add3A_2940 : i32
        %get3A_2942 = arith.constant 0 : i32
        %get3A_2943 = arith.constant 0 : i32
        %get3A_2944 = tpu.memref_slice %arg6[%rem3A_68, %get3A_2942, %get3A_2943] : memref<2x200x128xf32, #tpu.memory_space<vmem>> -> memref<1x200x128xf32, #tpu.memory_space<vmem>>
        %get3A_2945 = tpu.memref_squeeze %get3A_2944 : memref<1x200x128xf32, #tpu.memory_space<vmem>> -> memref<200x128xf32, #tpu.memory_space<vmem>>
        %get3A_2946 = arith.index_cast %add3A_2941 : i32 to index
        %get3A_2947 = arith.constant 112 : index
        %get3A_2948 = tpu.vector_load %get3A_2945[%get3A_2946, %get3A_2947] {strides = array<i32>} : memref<200x128xf32, #tpu.memory_space<vmem>>, vector<16xf32>,
        %add3A_2949 = arith.constant 13 : i32
        %add3A_2950 = arith.addi %mul3A_514, %add3A_2949 : i32
        %get3A_2951 = arith.constant 0 : i32
        %get3A_2952 = arith.constant 0 : i32
        %get3A_2953 = tpu.memref_slice %arg6[%rem3A_68, %get3A_2951, %get3A_2952] : memref<2x200x128xf32, #tpu.memory_space<vmem>> -> memref<1x200x128xf32, #tpu.memory_space<vmem>>
        %get3A_2954 = tpu.memref_squeeze %get3A_2953 : memref<1x200x128xf32, #tpu.memory_space<vmem>> -> memref<200x128xf32, #tpu.memory_space<vmem>>
        %get3A_2955 = arith.index_cast %add3A_2950 : i32 to index
        %get3A_2956 = arith.constant 112 : index
        %get3A_2957 = tpu.vector_load %get3A_2954[%get3A_2955, %get3A_2956] {strides = array<i32>} : memref<200x128xf32, #tpu.memory_space<vmem>>, vector<16xf32>,
        %add3A_2958 = arith.constant 14 : i32
        %add3A_2959 = arith.addi %mul3A_514, %add3A_2958 : i32
        %get3A_2960 = arith.constant 0 : i32
        %get3A_2961 = arith.constant 0 : i32
        %get3A_2962 = tpu.memref_slice %arg6[%rem3A_68, %get3A_2960, %get3A_2961] : memref<2x200x128xf32, #tpu.memory_space<vmem>> -> memref<1x200x128xf32, #tpu.memory_space<vmem>>
        %get3A_2963 = tpu.memref_squeeze %get3A_2962 : memref<1x200x128xf32, #tpu.memory_space<vmem>> -> memref<200x128xf32, #tpu.memory_space<vmem>>
        %get3A_2964 = arith.index_cast %add3A_2959 : i32 to index
        %get3A_2965 = arith.constant 112 : index
        %get3A_2966 = tpu.vector_load %get3A_2963[%get3A_2964, %get3A_2965] {strides = array<i32>} : memref<200x128xf32, #tpu.memory_space<vmem>>, vector<16xf32>,
        %add3A_2967 = arith.constant 15 : i32
        %add3A_2968 = arith.addi %mul3A_514, %add3A_2967 : i32
        %get3A_2969 = arith.constant 0 : i32
        %get3A_2970 = arith.constant 0 : i32
        %get3A_2971 = tpu.memref_slice %arg6[%rem3A_68, %get3A_2969, %get3A_2970] : memref<2x200x128xf32, #tpu.memory_space<vmem>> -> memref<1x200x128xf32, #tpu.memory_space<vmem>>
        %get3A_2972 = tpu.memref_squeeze %get3A_2971 : memref<1x200x128xf32, #tpu.memory_space<vmem>> -> memref<200x128xf32, #tpu.memory_space<vmem>>
        %get3A_2973 = arith.index_cast %add3A_2968 : i32 to index
        %get3A_2974 = arith.constant 112 : index
        %get3A_2975 = tpu.vector_load %get3A_2972[%get3A_2973, %get3A_2974] {strides = array<i32>} : memref<200x128xf32, #tpu.memory_space<vmem>>, vector<16xf32>,
        %add3A_2976 = arith.constant 16 : i32
        %add3A_2977 = arith.addi %mul3A_514, %add3A_2976 : i32
        %get3A_2978 = arith.constant 0 : i32
        %get3A_2979 = arith.constant 0 : i32
        %get3A_2980 = tpu.memref_slice %arg6[%rem3A_68, %get3A_2978, %get3A_2979] : memref<2x200x128xf32, #tpu.memory_space<vmem>> -> memref<1x200x128xf32, #tpu.memory_space<vmem>>
        %get3A_2981 = tpu.memref_squeeze %get3A_2980 : memref<1x200x128xf32, #tpu.memory_space<vmem>> -> memref<200x128xf32, #tpu.memory_space<vmem>>
        %get3A_2982 = arith.index_cast %add3A_2977 : i32 to index
        %get3A_2983 = arith.constant 112 : index
        %get3A_2984 = tpu.vector_load %get3A_2981[%get3A_2982, %get3A_2983] {strides = array<i32>} : memref<200x128xf32, #tpu.memory_space<vmem>>, vector<16xf32>,
        %add3A_2985 = arith.constant 17 : i32
        %add3A_2986 = arith.addi %mul3A_514, %add3A_2985 : i32
        %get3A_2987 = arith.constant 0 : i32
        %get3A_2988 = arith.constant 0 : i32
        %get3A_2989 = tpu.memref_slice %arg6[%rem3A_68, %get3A_2987, %get3A_2988] : memref<2x200x128xf32, #tpu.memory_space<vmem>> -> memref<1x200x128xf32, #tpu.memory_space<vmem>>
        %get3A_2990 = tpu.memref_squeeze %get3A_2989 : memref<1x200x128xf32, #tpu.memory_space<vmem>> -> memref<200x128xf32, #tpu.memory_space<vmem>>
        %get3A_2991 = arith.index_cast %add3A_2986 : i32 to index
        %get3A_2992 = arith.constant 112 : index
        %get3A_2993 = tpu.vector_load %get3A_2990[%get3A_2991, %get3A_2992] {strides = array<i32>} : memref<200x128xf32, #tpu.memory_space<vmem>>, vector<16xf32>,
        %add3A_2994 = arith.constant 18 : i32
        %add3A_2995 = arith.addi %mul3A_514, %add3A_2994 : i32
        %get3A_2996 = arith.constant 0 : i32
        %get3A_2997 = arith.constant 0 : i32
        %get3A_2998 = tpu.memref_slice %arg6[%rem3A_68, %get3A_2996, %get3A_2997] : memref<2x200x128xf32, #tpu.memory_space<vmem>> -> memref<1x200x128xf32, #tpu.memory_space<vmem>>
        %get3A_2999 = tpu.memref_squeeze %get3A_2998 : memref<1x200x128xf32, #tpu.memory_space<vmem>> -> memref<200x128xf32, #tpu.memory_space<vmem>>
        %get3A_3000 = arith.index_cast %add3A_2995 : i32 to index
        %get3A_3001 = arith.constant 112 : index
        %get3A_3002 = tpu.vector_load %get3A_2999[%get3A_3000, %get3A_3001] {strides = array<i32>} : memref<200x128xf32, #tpu.memory_space<vmem>>, vector<16xf32>,
        %add3A_3003 = arith.constant 19 : i32
        %add3A_3004 = arith.addi %mul3A_514, %add3A_3003 : i32
        %get3A_3005 = arith.constant 0 : i32
        %get3A_3006 = arith.constant 0 : i32
        %get3A_3007 = tpu.memref_slice %arg6[%rem3A_68, %get3A_3005, %get3A_3006] : memref<2x200x128xf32, #tpu.memory_space<vmem>> -> memref<1x200x128xf32, #tpu.memory_space<vmem>>
        %get3A_3008 = tpu.memref_squeeze %get3A_3007 : memref<1x200x128xf32, #tpu.memory_space<vmem>> -> memref<200x128xf32, #tpu.memory_space<vmem>>
        %get3A_3009 = arith.index_cast %add3A_3004 : i32 to index
        %get3A_3010 = arith.constant 112 : index
        %get3A_3011 = tpu.vector_load %get3A_3008[%get3A_3009, %get3A_3010] {strides = array<i32>} : memref<200x128xf32, #tpu.memory_space<vmem>>, vector<16xf32>,
        %add3A_3012 = arith.constant 20 : i32
        %add3A_3013 = arith.addi %mul3A_514, %add3A_3012 : i32
        %get3A_3014 = arith.constant 0 : i32
        %get3A_3015 = arith.constant 0 : i32
        %get3A_3016 = tpu.memref_slice %arg6[%rem3A_68, %get3A_3014, %get3A_3015] : memref<2x200x128xf32, #tpu.memory_space<vmem>> -> memref<1x200x128xf32, #tpu.memory_space<vmem>>
        %get3A_3017 = tpu.memref_squeeze %get3A_3016 : memref<1x200x128xf32, #tpu.memory_space<vmem>> -> memref<200x128xf32, #tpu.memory_space<vmem>>
        %get3A_3018 = arith.index_cast %add3A_3013 : i32 to index
        %get3A_3019 = arith.constant 112 : index
        %get3A_3020 = tpu.vector_load %get3A_3017[%get3A_3018, %get3A_3019] {strides = array<i32>} : memref<200x128xf32, #tpu.memory_space<vmem>>, vector<16xf32>,
        %add3A_3021 = arith.constant 21 : i32
        %add3A_3022 = arith.addi %mul3A_514, %add3A_3021 : i32
        %get3A_3023 = arith.constant 0 : i32
        %get3A_3024 = arith.constant 0 : i32
        %get3A_3025 = tpu.memref_slice %arg6[%rem3A_68, %get3A_3023, %get3A_3024] : memref<2x200x128xf32, #tpu.memory_space<vmem>> -> memref<1x200x128xf32, #tpu.memory_space<vmem>>
        %get3A_3026 = tpu.memref_squeeze %get3A_3025 : memref<1x200x128xf32, #tpu.memory_space<vmem>> -> memref<200x128xf32, #tpu.memory_space<vmem>>
        %get3A_3027 = arith.index_cast %add3A_3022 : i32 to index
        %get3A_3028 = arith.constant 112 : index
        %get3A_3029 = tpu.vector_load %get3A_3026[%get3A_3027, %get3A_3028] {strides = array<i32>} : memref<200x128xf32, #tpu.memory_space<vmem>>, vector<16xf32>,
        %add3A_3030 = arith.constant 22 : i32
        %add3A_3031 = arith.addi %mul3A_514, %add3A_3030 : i32
        %get3A_3032 = arith.constant 0 : i32
        %get3A_3033 = arith.constant 0 : i32
        %get3A_3034 = tpu.memref_slice %arg6[%rem3A_68, %get3A_3032, %get3A_3033] : memref<2x200x128xf32, #tpu.memory_space<vmem>> -> memref<1x200x128xf32, #tpu.memory_space<vmem>>
        %get3A_3035 = tpu.memref_squeeze %get3A_3034 : memref<1x200x128xf32, #tpu.memory_space<vmem>> -> memref<200x128xf32, #tpu.memory_space<vmem>>
        %get3A_3036 = arith.index_cast %add3A_3031 : i32 to index
        %get3A_3037 = arith.constant 112 : index
        %get3A_3038 = tpu.vector_load %get3A_3035[%get3A_3036, %get3A_3037] {strides = array<i32>} : memref<200x128xf32, #tpu.memory_space<vmem>>, vector<16xf32>,
        %add3A_3039 = arith.constant 23 : i32
        %add3A_3040 = arith.addi %mul3A_514, %add3A_3039 : i32
        %get3A_3041 = arith.constant 0 : i32
        %get3A_3042 = arith.constant 0 : i32
        %get3A_3043 = tpu.memref_slice %arg6[%rem3A_68, %get3A_3041, %get3A_3042] : memref<2x200x128xf32, #tpu.memory_space<vmem>> -> memref<1x200x128xf32, #tpu.memory_space<vmem>>
        %get3A_3044 = tpu.memref_squeeze %get3A_3043 : memref<1x200x128xf32, #tpu.memory_space<vmem>> -> memref<200x128xf32, #tpu.memory_space<vmem>>
        %get3A_3045 = arith.index_cast %add3A_3040 : i32 to index
        %get3A_3046 = arith.constant 112 : index
        %get3A_3047 = tpu.vector_load %get3A_3044[%get3A_3045, %get3A_3046] {strides = array<i32>} : memref<200x128xf32, #tpu.memory_space<vmem>>, vector<16xf32>,
        %add3A_3048 = arith.constant 24 : i32
        %add3A_3049 = arith.addi %mul3A_514, %add3A_3048 : i32
        %get3A_3050 = arith.constant 0 : i32
        %get3A_3051 = arith.constant 0 : i32
        %get3A_3052 = tpu.memref_slice %arg6[%rem3A_68, %get3A_3050, %get3A_3051] : memref<2x200x128xf32, #tpu.memory_space<vmem>> -> memref<1x200x128xf32, #tpu.memory_space<vmem>>
        %get3A_3053 = tpu.memref_squeeze %get3A_3052 : memref<1x200x128xf32, #tpu.memory_space<vmem>> -> memref<200x128xf32, #tpu.memory_space<vmem>>
        %get3A_3054 = arith.index_cast %add3A_3049 : i32 to index
        %get3A_3055 = arith.constant 112 : index
        %get3A_3056 = tpu.vector_load %get3A_3053[%get3A_3054, %get3A_3055] {strides = array<i32>} : memref<200x128xf32, #tpu.memory_space<vmem>>, vector<16xf32>,
        %max3A_3057 = arith.maximumf %get3A_2840, %get3A_2849 : vector<16xf32>
        %max3A_3058 = arith.maximumf %get3A_2858, %get3A_2867 : vector<16xf32>
        %max3A_3059 = arith.maximumf %get3A_2876, %get3A_2885 : vector<16xf32>
        %max3A_3060 = arith.maximumf %get3A_2894, %get3A_2903 : vector<16xf32>
        %max3A_3061 = arith.maximumf %get3A_2912, %get3A_2921 : vector<16xf32>
        %max3A_3062 = arith.maximumf %get3A_2930, %get3A_2939 : vector<16xf32>
        %max3A_3063 = arith.maximumf %get3A_2948, %get3A_2957 : vector<16xf32>
        %max3A_3064 = arith.maximumf %get3A_2966, %get3A_2975 : vector<16xf32>
        %max3A_3065 = arith.maximumf %get3A_2984, %get3A_2993 : vector<16xf32>
        %max3A_3066 = arith.maximumf %get3A_3002, %get3A_3011 : vector<16xf32>
        %max3A_3067 = arith.maximumf %get3A_3020, %get3A_3029 : vector<16xf32>
        %max3A_3068 = arith.maximumf %get3A_3038, %get3A_3047 : vector<16xf32>
        %max3A_3069 = arith.maximumf %max3A_3057, %max3A_3058 : vector<16xf32>
        %max3A_3070 = arith.maximumf %max3A_3059, %max3A_3060 : vector<16xf32>
        %max3A_3071 = arith.maximumf %max3A_3061, %max3A_3062 : vector<16xf32>
        %max3A_3072 = arith.maximumf %max3A_3063, %max3A_3064 : vector<16xf32>
        %max3A_3073 = arith.maximumf %max3A_3065, %max3A_3066 : vector<16xf32>
        %max3A_3074 = arith.maximumf %max3A_3067, %max3A_3068 : vector<16xf32>
        %max3A_3075 = arith.maximumf %max3A_3069, %max3A_3070 : vector<16xf32>
        %max3A_3076 = arith.maximumf %max3A_3071, %max3A_3072 : vector<16xf32>
        %max3A_3077 = arith.maximumf %max3A_3073, %max3A_3074 : vector<16xf32>
        %max3A_3078 = arith.maximumf %max3A_3075, %max3A_3076 : vector<16xf32>
        %max3A_3079 = arith.maximumf %max3A_3077, %get3A_3056 : vector<16xf32>
        %max3A_3080 = arith.maximumf %max3A_3078, %max3A_3079 : vector<16xf32>
        %sub3A_3081 = arith.subf %get3A_2840, %max3A_3080 : vector<16xf32>
        %exp3A_3082 = math.exp %sub3A_3081 : vector<16xf32>
        %sub3A_3083 = arith.subf %get3A_2849, %max3A_3080 : vector<16xf32>
        %exp3A_3084 = math.exp %sub3A_3083 : vector<16xf32>
        %sub3A_3085 = arith.subf %get3A_2858, %max3A_3080 : vector<16xf32>
        %exp3A_3086 = math.exp %sub3A_3085 : vector<16xf32>
        %sub3A_3087 = arith.subf %get3A_2867, %max3A_3080 : vector<16xf32>
        %exp3A_3088 = math.exp %sub3A_3087 : vector<16xf32>
        %add3A_3089 = arith.addf %exp3A_3082, %exp3A_3088 : vector<16xf32>
        %sub3A_3090 = arith.subf %get3A_2876, %max3A_3080 : vector<16xf32>
        %exp3A_3091 = math.exp %sub3A_3090 : vector<16xf32>
        %add3A_3092 = arith.addf %exp3A_3084, %exp3A_3091 : vector<16xf32>
        %sub3A_3093 = arith.subf %get3A_2885, %max3A_3080 : vector<16xf32>
        %exp3A_3094 = math.exp %sub3A_3093 : vector<16xf32>
        %add3A_3095 = arith.addf %exp3A_3086, %exp3A_3094 : vector<16xf32>
        %sub3A_3096 = arith.subf %get3A_2894, %max3A_3080 : vector<16xf32>
        %exp3A_3097 = math.exp %sub3A_3096 : vector<16xf32>
        %add3A_3098 = arith.addf %add3A_3089, %exp3A_3097 : vector<16xf32>
        %sub3A_3099 = arith.subf %get3A_2903, %max3A_3080 : vector<16xf32>
        %exp3A_3100 = math.exp %sub3A_3099 : vector<16xf32>
        %add3A_3101 = arith.addf %add3A_3092, %exp3A_3100 : vector<16xf32>
        %sub3A_3102 = arith.subf %get3A_2912, %max3A_3080 : vector<16xf32>
        %exp3A_3103 = math.exp %sub3A_3102 : vector<16xf32>
        %add3A_3104 = arith.addf %add3A_3095, %exp3A_3103 : vector<16xf32>
        %sub3A_3105 = arith.subf %get3A_2921, %max3A_3080 : vector<16xf32>
        %exp3A_3106 = math.exp %sub3A_3105 : vector<16xf32>
        %add3A_3107 = arith.addf %add3A_3098, %exp3A_3106 : vector<16xf32>
        %sub3A_3108 = arith.subf %get3A_2930, %max3A_3080 : vector<16xf32>
        %exp3A_3109 = math.exp %sub3A_3108 : vector<16xf32>
        %add3A_3110 = arith.addf %add3A_3101, %exp3A_3109 : vector<16xf32>
        %sub3A_3111 = arith.subf %get3A_2939, %max3A_3080 : vector<16xf32>
        %exp3A_3112 = math.exp %sub3A_3111 : vector<16xf32>
        %add3A_3113 = arith.addf %add3A_3104, %exp3A_3112 : vector<16xf32>
        %sub3A_3114 = arith.subf %get3A_2948, %max3A_3080 : vector<16xf32>
        %exp3A_3115 = math.exp %sub3A_3114 : vector<16xf32>
        %add3A_3116 = arith.addf %add3A_3107, %exp3A_3115 : vector<16xf32>
        %sub3A_3117 = arith.subf %get3A_2957, %max3A_3080 : vector<16xf32>
        %exp3A_3118 = math.exp %sub3A_3117 : vector<16xf32>
        %add3A_3119 = arith.addf %add3A_3110, %exp3A_3118 : vector<16xf32>
        %sub3A_3120 = arith.subf %get3A_2966, %max3A_3080 : vector<16xf32>
        %exp3A_3121 = math.exp %sub3A_3120 : vector<16xf32>
        %add3A_3122 = arith.addf %add3A_3113, %exp3A_3121 : vector<16xf32>
        %sub3A_3123 = arith.subf %get3A_2975, %max3A_3080 : vector<16xf32>
        %exp3A_3124 = math.exp %sub3A_3123 : vector<16xf32>
        %add3A_3125 = arith.addf %add3A_3116, %exp3A_3124 : vector<16xf32>
        %sub3A_3126 = arith.subf %get3A_2984, %max3A_3080 : vector<16xf32>
        %exp3A_3127 = math.exp %sub3A_3126 : vector<16xf32>
        %add3A_3128 = arith.addf %add3A_3119, %exp3A_3127 : vector<16xf32>
        %sub3A_3129 = arith.subf %get3A_2993, %max3A_3080 : vector<16xf32>
        %exp3A_3130 = math.exp %sub3A_3129 : vector<16xf32>
        %add3A_3131 = arith.addf %add3A_3122, %exp3A_3130 : vector<16xf32>
        %sub3A_3132 = arith.subf %get3A_3002, %max3A_3080 : vector<16xf32>
        %exp3A_3133 = math.exp %sub3A_3132 : vector<16xf32>
        %add3A_3134 = arith.addf %add3A_3125, %exp3A_3133 : vector<16xf32>
        %sub3A_3135 = arith.subf %get3A_3011, %max3A_3080 : vector<16xf32>
        %exp3A_3136 = math.exp %sub3A_3135 : vector<16xf32>
        %add3A_3137 = arith.addf %add3A_3128, %exp3A_3136 : vector<16xf32>
        %sub3A_3138 = arith.subf %get3A_3020, %max3A_3080 : vector<16xf32>
        %exp3A_3139 = math.exp %sub3A_3138 : vector<16xf32>
        %add3A_3140 = arith.addf %add3A_3131, %exp3A_3139 : vector<16xf32>
        %sub3A_3141 = arith.subf %get3A_3029, %max3A_3080 : vector<16xf32>
        %exp3A_3142 = math.exp %sub3A_3141 : vector<16xf32>
        %add3A_3143 = arith.addf %add3A_3134, %exp3A_3142 : vector<16xf32>
        %sub3A_3144 = arith.subf %get3A_3038, %max3A_3080 : vector<16xf32>
        %exp3A_3145 = math.exp %sub3A_3144 : vector<16xf32>
        %add3A_3146 = arith.addf %add3A_3137, %exp3A_3145 : vector<16xf32>
        %sub3A_3147 = arith.subf %get3A_3047, %max3A_3080 : vector<16xf32>
        %exp3A_3148 = math.exp %sub3A_3147 : vector<16xf32>
        %add3A_3149 = arith.addf %add3A_3140, %exp3A_3148 : vector<16xf32>
        %sub3A_3150 = arith.subf %get3A_3056, %max3A_3080 : vector<16xf32>
        %exp3A_3151 = math.exp %sub3A_3150 : vector<16xf32>
        %add3A_3152 = arith.addf %add3A_3143, %exp3A_3151 : vector<16xf32>
        %add3A_3153 = arith.addf %add3A_3152, %add3A_3146 : vector<16xf32>
        %add3A_3154 = arith.addf %add3A_3153, %add3A_3149 : vector<16xf32>
        %max3A_3155 = arith.maximumf %scan3A_504, %max3A_3080 : vector<16xf32>
        %sub3A_3156 = arith.subf %scan3A_504, %max3A_3155 : vector<16xf32>
        %exp3A_3157 = math.exp %sub3A_3156 : vector<16xf32>
        %mul3A_3158 = arith.mulf %scan3A_512, %exp3A_3157 : vector<16xf32>
        %sub3A_3159 = arith.subf %max3A_3080, %max3A_3155 : vector<16xf32>
        %exp3A_3160 = math.exp %sub3A_3159 : vector<16xf32>
        %mul3A_3161 = arith.mulf %add3A_3154, %exp3A_3160 : vector<16xf32>
        %add3A_3162 = arith.addf %mul3A_3158, %mul3A_3161 : vector<16xf32>
        scf.yield %max3A_838, %max3A_1169, %max3A_1500, %max3A_1831, %max3A_2162, %max3A_2493, %max3A_2824, %max3A_3155, %add3A_845, %add3A_1176, %add3A_1507, %add3A_1838, %add3A_2169, %add3A_2500, %add3A_2831, %add3A_3162 : vector<16xf32>, vector<16xf32>, vector<16xf32>, vector<16xf32>, vector<16xf32>, vector<16xf32>, vector<16xf32>, vector<16xf32>, vector<16xf32>, vector<16xf32>, vector<16xf32>, vector<16xf32>, vector<16xf32>, vector<16xf32>, vector<16xf32>, vector<16xf32>
      }
      %scan3A_141 = arith.constant 8 : i32
      %max3A = arith.maximumf %scan3A_42, %scan3A_140#0 : vector<16xf32>
      %sub3A_142 = arith.subf %scan3A_42, %max3A : vector<16xf32>
      %exp3A = math.exp %sub3A_142 : vector<16xf32>
      %mul3A_143 = arith.mulf %scan3A_50, %exp3A : vector<16xf32>
      %sub3A_144 = arith.subf %scan3A_140#0, %max3A : vector<16xf32>
      %exp3A_145 = math.exp %sub3A_144 : vector<16xf32>
      %mul3A_146 = arith.mulf %scan3A_140#8, %exp3A_145 : vector<16xf32>
      %add3A_147 = arith.addf %mul3A_143, %mul3A_146 : vector<16xf32>
      %mul3A_148 = arith.constant 128 : i32
      %mul3A_149 = arith.muli %div3A_70, %mul3A_148 : i32
      %add3A_150 = arith.constant 0 : i32
      %add3A_151 = arith.addi %mul3A_149, %add3A_150 : i32
      %multiple_of3A = tpu.assume_multiple %add3A_151, 16 : i32
      %get3A = arith.index_cast %multiple_of3A : i32 to index
      %get3A_152 = tpu.vector_load %arg7[%get3A] {strides = array<i32>} : memref<256xi32, #tpu.memory_space<vmem>>, vector<16xi32>,
      %ne3A = arith.constant -1 : i32
      %ne3A_153 = vector.broadcast %ne3A : i32 to vector<16xi32>
      %ne3A_154 = arith.cmpi ne, %get3A_152, %ne3A_153 : vector<16xi32>
      %jit3A = arith.constant 0 : i32
      %broadcast_in_dim3A_155 = vector.broadcast %jit3A : i32 to vector<16xi32>
      %select_n3A = arith.select %ne3A_154, %get3A_152, %broadcast_in_dim3A_155 : vector<16xi1>, vector<16xi32>
      %ge3A = vector.broadcast %mul3A_75 : i32 to vector<16xi32>
      %ge3A_156 = arith.cmpi sge, %select_n3A, %ge3A : vector<16xi32>
      %add3A_157 = arith.constant 200 : i32
      %add3A_158 = arith.addi %mul3A_75, %add3A_157 : i32
      %lt3A_159 = vector.broadcast %add3A_158 : i32 to vector<16xi32>
      %lt3A_160 = arith.cmpi slt, %select_n3A, %lt3A_159 : vector<16xi32>
      %and3A = arith.andi %ge3A_156, %lt3A_160 : vector<16xi1>
      %sub3A_161 = vector.broadcast %mul3A_75 : i32 to vector<16xi32>
      %sub3A_162 = arith.subi %select_n3A, %sub3A_161 : vector<16xi32>
      %jit3A_163 = arith.constant 0 : i32
      %jit3A_164 = arith.constant 199 : i32
      %max3A_165 = vector.broadcast %jit3A_163 : i32 to vector<16xi32>
      %max3A_166 = arith.maxsi %max3A_165, %sub3A_162 : vector<16xi32>
      %min3A = vector.broadcast %jit3A_164 : i32 to vector<16xi32>
      %min3A_167 = arith.minsi %min3A, %max3A_166 : vector<16xi32>
      %add3A_168 = arith.constant 0 : i32
      %add3A_169 = vector.broadcast %add3A_168 : i32 to vector<16xi32>
      %add3A_170 = arith.addi %add3A_169, %iota3A : vector<16xi32>
      %gather3A = arith.constant 0 : i32
      %gather3A_171 = arith.constant 0 : i32
      %gather3A_172 = tpu.memref_slice %arg6[%rem3A_68, %gather3A, %gather3A_171] : memref<2x200x128xf32, #tpu.memory_space<vmem>> -> memref<1x200x128xf32, #tpu.memory_space<vmem>>
      %gather3A_173 = tpu.memref_squeeze %gather3A_172 : memref<1x200x128xf32, #tpu.memory_space<vmem>> -> memref<200x128xf32, #tpu.memory_space<vmem>>
      %gather3A_174 = tpu.vector_load_idx %gather3A_173[%min3A_167, %add3A_170] : memref<200x128xf32, #tpu.memory_space<vmem>>[vector<16xi32>, vector<16xi32>], vector<16xf32>,
      %select_n3A_175 = arith.select %and3A, %gather3A_174, %scan3A_58 : vector<16xi1>, vector<16xf32>
      %max3A_176 = arith.maximumf %scan3A_43, %scan3A_140#1 : vector<16xf32>
      %sub3A_177 = arith.subf %scan3A_43, %max3A_176 : vector<16xf32>
      %exp3A_178 = math.exp %sub3A_177 : vector<16xf32>
      %mul3A_179 = arith.mulf %scan3A_51, %exp3A_178 : vector<16xf32>
      %sub3A_180 = arith.subf %scan3A_140#1, %max3A_176 : vector<16xf32>
      %exp3A_181 = math.exp %sub3A_180 : vector<16xf32>
      %mul3A_182 = arith.mulf %scan3A_140#9, %exp3A_181 : vector<16xf32>
      %add3A_183 = arith.addf %mul3A_179, %mul3A_182 : vector<16xf32>
      %mul3A_184 = arith.constant 128 : i32
      %mul3A_185 = arith.muli %div3A_70, %mul3A_184 : i32
      %add3A_186 = arith.constant 16 : i32
      %add3A_187 = arith.addi %mul3A_185, %add3A_186 : i32
      %multiple_of3A_188 = tpu.assume_multiple %add3A_187, 16 : i32
      %get3A_189 = arith.index_cast %multiple_of3A_188 : i32 to index
      %get3A_190 = tpu.vector_load %arg7[%get3A_189] {strides = array<i32>} : memref<256xi32, #tpu.memory_space<vmem>>, vector<16xi32>,
      %ne3A_191 = arith.constant -1 : i32
      %ne3A_192 = vector.broadcast %ne3A_191 : i32 to vector<16xi32>
      %ne3A_193 = arith.cmpi ne, %get3A_190, %ne3A_192 : vector<16xi32>
      %jit3A_194 = arith.constant 0 : i32
      %broadcast_in_dim3A_195 = vector.broadcast %jit3A_194 : i32 to vector<16xi32>
      %select_n3A_196 = arith.select %ne3A_193, %get3A_190, %broadcast_in_dim3A_195 : vector<16xi1>, vector<16xi32>
      %ge3A_197 = vector.broadcast %mul3A_75 : i32 to vector<16xi32>
      %ge3A_198 = arith.cmpi sge, %select_n3A_196, %ge3A_197 : vector<16xi32>
      %add3A_199 = arith.constant 200 : i32
      %add3A_200 = arith.addi %mul3A_75, %add3A_199 : i32
      %lt3A_201 = vector.broadcast %add3A_200 : i32 to vector<16xi32>
      %lt3A_202 = arith.cmpi slt, %select_n3A_196, %lt3A_201 : vector<16xi32>
      %and3A_203 = arith.andi %ge3A_198, %lt3A_202 : vector<16xi1>
      %sub3A_204 = vector.broadcast %mul3A_75 : i32 to vector<16xi32>
      %sub3A_205 = arith.subi %select_n3A_196, %sub3A_204 : vector<16xi32>
      %jit3A_206 = arith.constant 0 : i32
      %jit3A_207 = arith.constant 199 : i32
      %max3A_208 = vector.broadcast %jit3A_206 : i32 to vector<16xi32>
      %max3A_209 = arith.maxsi %max3A_208, %sub3A_205 : vector<16xi32>
      %min3A_210 = vector.broadcast %jit3A_207 : i32 to vector<16xi32>
      %min3A_211 = arith.minsi %min3A_210, %max3A_209 : vector<16xi32>
      %add3A_212 = arith.constant 16 : i32
      %add3A_213 = vector.broadcast %add3A_212 : i32 to vector<16xi32>
      %add3A_214 = arith.addi %add3A_213, %iota3A : vector<16xi32>
      %gather3A_215 = arith.constant 0 : i32
      %gather3A_216 = arith.constant 0 : i32
      %gather3A_217 = tpu.memref_slice %arg6[%rem3A_68, %gather3A_215, %gather3A_216] : memref<2x200x128xf32, #tpu.memory_space<vmem>> -> memref<1x200x128xf32, #tpu.memory_space<vmem>>
      %gather3A_218 = tpu.memref_squeeze %gather3A_217 : memref<1x200x128xf32, #tpu.memory_space<vmem>> -> memref<200x128xf32, #tpu.memory_space<vmem>>
      %gather3A_219 = tpu.vector_load_idx %gather3A_218[%min3A_211, %add3A_214] : memref<200x128xf32, #tpu.memory_space<vmem>>[vector<16xi32>, vector<16xi32>], vector<16xf32>,
      %select_n3A_220 = arith.select %and3A_203, %gather3A_219, %scan3A_59 : vector<16xi1>, vector<16xf32>
      %max3A_221 = arith.maximumf %scan3A_44, %scan3A_140#2 : vector<16xf32>
      %sub3A_222 = arith.subf %scan3A_44, %max3A_221 : vector<16xf32>
      %exp3A_223 = math.exp %sub3A_222 : vector<16xf32>
      %mul3A_224 = arith.mulf %scan3A_52, %exp3A_223 : vector<16xf32>
      %sub3A_225 = arith.subf %scan3A_140#2, %max3A_221 : vector<16xf32>
      %exp3A_226 = math.exp %sub3A_225 : vector<16xf32>
      %mul3A_227 = arith.mulf %scan3A_140#10, %exp3A_226 : vector<16xf32>
      %add3A_228 = arith.addf %mul3A_224, %mul3A_227 : vector<16xf32>
      %mul3A_229 = arith.constant 128 : i32
      %mul3A_230 = arith.muli %div3A_70, %mul3A_229 : i32
      %add3A_231 = arith.constant 32 : i32
      %add3A_232 = arith.addi %mul3A_230, %add3A_231 : i32
      %multiple_of3A_233 = tpu.assume_multiple %add3A_232, 16 : i32
      %get3A_234 = arith.index_cast %multiple_of3A_233 : i32 to index
      %get3A_235 = tpu.vector_load %arg7[%get3A_234] {strides = array<i32>} : memref<256xi32, #tpu.memory_space<vmem>>, vector<16xi32>,
      %ne3A_236 = arith.constant -1 : i32
      %ne3A_237 = vector.broadcast %ne3A_236 : i32 to vector<16xi32>
      %ne3A_238 = arith.cmpi ne, %get3A_235, %ne3A_237 : vector<16xi32>
      %jit3A_239 = arith.constant 0 : i32
      %broadcast_in_dim3A_240 = vector.broadcast %jit3A_239 : i32 to vector<16xi32>
      %select_n3A_241 = arith.select %ne3A_238, %get3A_235, %broadcast_in_dim3A_240 : vector<16xi1>, vector<16xi32>
      %ge3A_242 = vector.broadcast %mul3A_75 : i32 to vector<16xi32>
      %ge3A_243 = arith.cmpi sge, %select_n3A_241, %ge3A_242 : vector<16xi32>
      %add3A_244 = arith.constant 200 : i32
      %add3A_245 = arith.addi %mul3A_75, %add3A_244 : i32
      %lt3A_246 = vector.broadcast %add3A_245 : i32 to vector<16xi32>
      %lt3A_247 = arith.cmpi slt, %select_n3A_241, %lt3A_246 : vector<16xi32>
      %and3A_248 = arith.andi %ge3A_243, %lt3A_247 : vector<16xi1>
      %sub3A_249 = vector.broadcast %mul3A_75 : i32 to vector<16xi32>
      %sub3A_250 = arith.subi %select_n3A_241, %sub3A_249 : vector<16xi32>
      %jit3A_251 = arith.constant 0 : i32
      %jit3A_252 = arith.constant 199 : i32
      %max3A_253 = vector.broadcast %jit3A_251 : i32 to vector<16xi32>
      %max3A_254 = arith.maxsi %max3A_253, %sub3A_250 : vector<16xi32>
      %min3A_255 = vector.broadcast %jit3A_252 : i32 to vector<16xi32>
      %min3A_256 = arith.minsi %min3A_255, %max3A_254 : vector<16xi32>
      %add3A_257 = arith.constant 32 : i32
      %add3A_258 = vector.broadcast %add3A_257 : i32 to vector<16xi32>
      %add3A_259 = arith.addi %add3A_258, %iota3A : vector<16xi32>
      %gather3A_260 = arith.constant 0 : i32
      %gather3A_261 = arith.constant 0 : i32
      %gather3A_262 = tpu.memref_slice %arg6[%rem3A_68, %gather3A_260, %gather3A_261] : memref<2x200x128xf32, #tpu.memory_space<vmem>> -> memref<1x200x128xf32, #tpu.memory_space<vmem>>
      %gather3A_263 = tpu.memref_squeeze %gather3A_262 : memref<1x200x128xf32, #tpu.memory_space<vmem>> -> memref<200x128xf32, #tpu.memory_space<vmem>>
      %gather3A_264 = tpu.vector_load_idx %gather3A_263[%min3A_256, %add3A_259] : memref<200x128xf32, #tpu.memory_space<vmem>>[vector<16xi32>, vector<16xi32>], vector<16xf32>,
      %select_n3A_265 = arith.select %and3A_248, %gather3A_264, %scan3A_60 : vector<16xi1>, vector<16xf32>
      %max3A_266 = arith.maximumf %scan3A_45, %scan3A_140#3 : vector<16xf32>
      %sub3A_267 = arith.subf %scan3A_45, %max3A_266 : vector<16xf32>
      %exp3A_268 = math.exp %sub3A_267 : vector<16xf32>
      %mul3A_269 = arith.mulf %scan3A_53, %exp3A_268 : vector<16xf32>
      %sub3A_270 = arith.subf %scan3A_140#3, %max3A_266 : vector<16xf32>
      %exp3A_271 = math.exp %sub3A_270 : vector<16xf32>
      %mul3A_272 = arith.mulf %scan3A_140#11, %exp3A_271 : vector<16xf32>
      %add3A_273 = arith.addf %mul3A_269, %mul3A_272 : vector<16xf32>
      %mul3A_274 = arith.constant 128 : i32
      %mul3A_275 = arith.muli %div3A_70, %mul3A_274 : i32
      %add3A_276 = arith.constant 48 : i32
      %add3A_277 = arith.addi %mul3A_275, %add3A_276 : i32
      %multiple_of3A_278 = tpu.assume_multiple %add3A_277, 16 : i32
      %get3A_279 = arith.index_cast %multiple_of3A_278 : i32 to index
      %get3A_280 = tpu.vector_load %arg7[%get3A_279] {strides = array<i32>} : memref<256xi32, #tpu.memory_space<vmem>>, vector<16xi32>,
      %ne3A_281 = arith.constant -1 : i32
      %ne3A_282 = vector.broadcast %ne3A_281 : i32 to vector<16xi32>
      %ne3A_283 = arith.cmpi ne, %get3A_280, %ne3A_282 : vector<16xi32>
      %jit3A_284 = arith.constant 0 : i32
      %broadcast_in_dim3A_285 = vector.broadcast %jit3A_284 : i32 to vector<16xi32>
      %select_n3A_286 = arith.select %ne3A_283, %get3A_280, %broadcast_in_dim3A_285 : vector<16xi1>, vector<16xi32>
      %ge3A_287 = vector.broadcast %mul3A_75 : i32 to vector<16xi32>
      %ge3A_288 = arith.cmpi sge, %select_n3A_286, %ge3A_287 : vector<16xi32>
      %add3A_289 = arith.constant 200 : i32
      %add3A_290 = arith.addi %mul3A_75, %add3A_289 : i32
      %lt3A_291 = vector.broadcast %add3A_290 : i32 to vector<16xi32>
      %lt3A_292 = arith.cmpi slt, %select_n3A_286, %lt3A_291 : vector<16xi32>
      %and3A_293 = arith.andi %ge3A_288, %lt3A_292 : vector<16xi1>
      %sub3A_294 = vector.broadcast %mul3A_75 : i32 to vector<16xi32>
      %sub3A_295 = arith.subi %select_n3A_286, %sub3A_294 : vector<16xi32>
      %jit3A_296 = arith.constant 0 : i32
      %jit3A_297 = arith.constant 199 : i32
      %max3A_298 = vector.broadcast %jit3A_296 : i32 to vector<16xi32>
      %max3A_299 = arith.maxsi %max3A_298, %sub3A_295 : vector<16xi32>
      %min3A_300 = vector.broadcast %jit3A_297 : i32 to vector<16xi32>
      %min3A_301 = arith.minsi %min3A_300, %max3A_299 : vector<16xi32>
      %add3A_302 = arith.constant 48 : i32
      %add3A_303 = vector.broadcast %add3A_302 : i32 to vector<16xi32>
      %add3A_304 = arith.addi %add3A_303, %iota3A : vector<16xi32>
      %gather3A_305 = arith.constant 0 : i32
      %gather3A_306 = arith.constant 0 : i32
      %gather3A_307 = tpu.memref_slice %arg6[%rem3A_68, %gather3A_305, %gather3A_306] : memref<2x200x128xf32, #tpu.memory_space<vmem>> -> memref<1x200x128xf32, #tpu.memory_space<vmem>>
      %gather3A_308 = tpu.memref_squeeze %gather3A_307 : memref<1x200x128xf32, #tpu.memory_space<vmem>> -> memref<200x128xf32, #tpu.memory_space<vmem>>
      %gather3A_309 = tpu.vector_load_idx %gather3A_308[%min3A_301, %add3A_304] : memref<200x128xf32, #tpu.memory_space<vmem>>[vector<16xi32>, vector<16xi32>], vector<16xf32>,
      %select_n3A_310 = arith.select %and3A_293, %gather3A_309, %scan3A_61 : vector<16xi1>, vector<16xf32>
      %max3A_311 = arith.maximumf %scan3A_46, %scan3A_140#4 : vector<16xf32>
      %sub3A_312 = arith.subf %scan3A_46, %max3A_311 : vector<16xf32>
      %exp3A_313 = math.exp %sub3A_312 : vector<16xf32>
      %mul3A_314 = arith.mulf %scan3A_54, %exp3A_313 : vector<16xf32>
      %sub3A_315 = arith.subf %scan3A_140#4, %max3A_311 : vector<16xf32>
      %exp3A_316 = math.exp %sub3A_315 : vector<16xf32>
      %mul3A_317 = arith.mulf %scan3A_140#12, %exp3A_316 : vector<16xf32>
      %add3A_318 = arith.addf %mul3A_314, %mul3A_317 : vector<16xf32>
      %mul3A_319 = arith.constant 128 : i32
      %mul3A_320 = arith.muli %div3A_70, %mul3A_319 : i32
      %add3A_321 = arith.constant 64 : i32
      %add3A_322 = arith.addi %mul3A_320, %add3A_321 : i32
      %multiple_of3A_323 = tpu.assume_multiple %add3A_322, 16 : i32
      %get3A_324 = arith.index_cast %multiple_of3A_323 : i32 to index
      %get3A_325 = tpu.vector_load %arg7[%get3A_324] {strides = array<i32>} : memref<256xi32, #tpu.memory_space<vmem>>, vector<16xi32>,
      %ne3A_326 = arith.constant -1 : i32
      %ne3A_327 = vector.broadcast %ne3A_326 : i32 to vector<16xi32>
      %ne3A_328 = arith.cmpi ne, %get3A_325, %ne3A_327 : vector<16xi32>
      %jit3A_329 = arith.constant 0 : i32
      %broadcast_in_dim3A_330 = vector.broadcast %jit3A_329 : i32 to vector<16xi32>
      %select_n3A_331 = arith.select %ne3A_328, %get3A_325, %broadcast_in_dim3A_330 : vector<16xi1>, vector<16xi32>
      %ge3A_332 = vector.broadcast %mul3A_75 : i32 to vector<16xi32>
      %ge3A_333 = arith.cmpi sge, %select_n3A_331, %ge3A_332 : vector<16xi32>
      %add3A_334 = arith.constant 200 : i32
      %add3A_335 = arith.addi %mul3A_75, %add3A_334 : i32
      %lt3A_336 = vector.broadcast %add3A_335 : i32 to vector<16xi32>
      %lt3A_337 = arith.cmpi slt, %select_n3A_331, %lt3A_336 : vector<16xi32>
      %and3A_338 = arith.andi %ge3A_333, %lt3A_337 : vector<16xi1>
      %sub3A_339 = vector.broadcast %mul3A_75 : i32 to vector<16xi32>
      %sub3A_340 = arith.subi %select_n3A_331, %sub3A_339 : vector<16xi32>
      %jit3A_341 = arith.constant 0 : i32
      %jit3A_342 = arith.constant 199 : i32
      %max3A_343 = vector.broadcast %jit3A_341 : i32 to vector<16xi32>
      %max3A_344 = arith.maxsi %max3A_343, %sub3A_340 : vector<16xi32>
      %min3A_345 = vector.broadcast %jit3A_342 : i32 to vector<16xi32>
      %min3A_346 = arith.minsi %min3A_345, %max3A_344 : vector<16xi32>
      %add3A_347 = arith.constant 64 : i32
      %add3A_348 = vector.broadcast %add3A_347 : i32 to vector<16xi32>
      %add3A_349 = arith.addi %add3A_348, %iota3A : vector<16xi32>
      %gather3A_350 = arith.constant 0 : i32
      %gather3A_351 = arith.constant 0 : i32
      %gather3A_352 = tpu.memref_slice %arg6[%rem3A_68, %gather3A_350, %gather3A_351] : memref<2x200x128xf32, #tpu.memory_space<vmem>> -> memref<1x200x128xf32, #tpu.memory_space<vmem>>
      %gather3A_353 = tpu.memref_squeeze %gather3A_352 : memref<1x200x128xf32, #tpu.memory_space<vmem>> -> memref<200x128xf32, #tpu.memory_space<vmem>>
      %gather3A_354 = tpu.vector_load_idx %gather3A_353[%min3A_346, %add3A_349] : memref<200x128xf32, #tpu.memory_space<vmem>>[vector<16xi32>, vector<16xi32>], vector<16xf32>,
      %select_n3A_355 = arith.select %and3A_338, %gather3A_354, %scan3A_62 : vector<16xi1>, vector<16xf32>
      %max3A_356 = arith.maximumf %scan3A_47, %scan3A_140#5 : vector<16xf32>
      %sub3A_357 = arith.subf %scan3A_47, %max3A_356 : vector<16xf32>
      %exp3A_358 = math.exp %sub3A_357 : vector<16xf32>
      %mul3A_359 = arith.mulf %scan3A_55, %exp3A_358 : vector<16xf32>
      %sub3A_360 = arith.subf %scan3A_140#5, %max3A_356 : vector<16xf32>
      %exp3A_361 = math.exp %sub3A_360 : vector<16xf32>
      %mul3A_362 = arith.mulf %scan3A_140#13, %exp3A_361 : vector<16xf32>
      %add3A_363 = arith.addf %mul3A_359, %mul3A_362 : vector<16xf32>
      %mul3A_364 = arith.constant 128 : i32
      %mul3A_365 = arith.muli %div3A_70, %mul3A_364 : i32
      %add3A_366 = arith.constant 80 : i32
      %add3A_367 = arith.addi %mul3A_365, %add3A_366 : i32
      %multiple_of3A_368 = tpu.assume_multiple %add3A_367, 16 : i32
      %get3A_369 = arith.index_cast %multiple_of3A_368 : i32 to index
      %get3A_370 = tpu.vector_load %arg7[%get3A_369] {strides = array<i32>} : memref<256xi32, #tpu.memory_space<vmem>>, vector<16xi32>,
      %ne3A_371 = arith.constant -1 : i32
      %ne3A_372 = vector.broadcast %ne3A_371 : i32 to vector<16xi32>
      %ne3A_373 = arith.cmpi ne, %get3A_370, %ne3A_372 : vector<16xi32>
      %jit3A_374 = arith.constant 0 : i32
      %broadcast_in_dim3A_375 = vector.broadcast %jit3A_374 : i32 to vector<16xi32>
      %select_n3A_376 = arith.select %ne3A_373, %get3A_370, %broadcast_in_dim3A_375 : vector<16xi1>, vector<16xi32>
      %ge3A_377 = vector.broadcast %mul3A_75 : i32 to vector<16xi32>
      %ge3A_378 = arith.cmpi sge, %select_n3A_376, %ge3A_377 : vector<16xi32>
      %add3A_379 = arith.constant 200 : i32
      %add3A_380 = arith.addi %mul3A_75, %add3A_379 : i32
      %lt3A_381 = vector.broadcast %add3A_380 : i32 to vector<16xi32>
      %lt3A_382 = arith.cmpi slt, %select_n3A_376, %lt3A_381 : vector<16xi32>
      %and3A_383 = arith.andi %ge3A_378, %lt3A_382 : vector<16xi1>
      %sub3A_384 = vector.broadcast %mul3A_75 : i32 to vector<16xi32>
      %sub3A_385 = arith.subi %select_n3A_376, %sub3A_384 : vector<16xi32>
      %jit3A_386 = arith.constant 0 : i32
      %jit3A_387 = arith.constant 199 : i32
      %max3A_388 = vector.broadcast %jit3A_386 : i32 to vector<16xi32>
      %max3A_389 = arith.maxsi %max3A_388, %sub3A_385 : vector<16xi32>
      %min3A_390 = vector.broadcast %jit3A_387 : i32 to vector<16xi32>
      %min3A_391 = arith.minsi %min3A_390, %max3A_389 : vector<16xi32>
      %add3A_392 = arith.constant 80 : i32
      %add3A_393 = vector.broadcast %add3A_392 : i32 to vector<16xi32>
      %add3A_394 = arith.addi %add3A_393, %iota3A : vector<16xi32>
      %gather3A_395 = arith.constant 0 : i32
      %gather3A_396 = arith.constant 0 : i32
      %gather3A_397 = tpu.memref_slice %arg6[%rem3A_68, %gather3A_395, %gather3A_396] : memref<2x200x128xf32, #tpu.memory_space<vmem>> -> memref<1x200x128xf32, #tpu.memory_space<vmem>>
      %gather3A_398 = tpu.memref_squeeze %gather3A_397 : memref<1x200x128xf32, #tpu.memory_space<vmem>> -> memref<200x128xf32, #tpu.memory_space<vmem>>
      %gather3A_399 = tpu.vector_load_idx %gather3A_398[%min3A_391, %add3A_394] : memref<200x128xf32, #tpu.memory_space<vmem>>[vector<16xi32>, vector<16xi32>], vector<16xf32>,
      %select_n3A_400 = arith.select %and3A_383, %gather3A_399, %scan3A_63 : vector<16xi1>, vector<16xf32>
      %max3A_401 = arith.maximumf %scan3A_48, %scan3A_140#6 : vector<16xf32>
      %sub3A_402 = arith.subf %scan3A_48, %max3A_401 : vector<16xf32>
      %exp3A_403 = math.exp %sub3A_402 : vector<16xf32>
      %mul3A_404 = arith.mulf %scan3A_56, %exp3A_403 : vector<16xf32>
      %sub3A_405 = arith.subf %scan3A_140#6, %max3A_401 : vector<16xf32>
      %exp3A_406 = math.exp %sub3A_405 : vector<16xf32>
      %mul3A_407 = arith.mulf %scan3A_140#14, %exp3A_406 : vector<16xf32>
      %add3A_408 = arith.addf %mul3A_404, %mul3A_407 : vector<16xf32>
      %mul3A_409 = arith.constant 128 : i32
      %mul3A_410 = arith.muli %div3A_70, %mul3A_409 : i32
      %add3A_411 = arith.constant 96 : i32
      %add3A_412 = arith.addi %mul3A_410, %add3A_411 : i32
      %multiple_of3A_413 = tpu.assume_multiple %add3A_412, 16 : i32
      %get3A_414 = arith.index_cast %multiple_of3A_413 : i32 to index
      %get3A_415 = tpu.vector_load %arg7[%get3A_414] {strides = array<i32>} : memref<256xi32, #tpu.memory_space<vmem>>, vector<16xi32>,
      %ne3A_416 = arith.constant -1 : i32
      %ne3A_417 = vector.broadcast %ne3A_416 : i32 to vector<16xi32>
      %ne3A_418 = arith.cmpi ne, %get3A_415, %ne3A_417 : vector<16xi32>
      %jit3A_419 = arith.constant 0 : i32
      %broadcast_in_dim3A_420 = vector.broadcast %jit3A_419 : i32 to vector<16xi32>
      %select_n3A_421 = arith.select %ne3A_418, %get3A_415, %broadcast_in_dim3A_420 : vector<16xi1>, vector<16xi32>
      %ge3A_422 = vector.broadcast %mul3A_75 : i32 to vector<16xi32>
      %ge3A_423 = arith.cmpi sge, %select_n3A_421, %ge3A_422 : vector<16xi32>
      %add3A_424 = arith.constant 200 : i32
      %add3A_425 = arith.addi %mul3A_75, %add3A_424 : i32
      %lt3A_426 = vector.broadcast %add3A_425 : i32 to vector<16xi32>
      %lt3A_427 = arith.cmpi slt, %select_n3A_421, %lt3A_426 : vector<16xi32>
      %and3A_428 = arith.andi %ge3A_423, %lt3A_427 : vector<16xi1>
      %sub3A_429 = vector.broadcast %mul3A_75 : i32 to vector<16xi32>
      %sub3A_430 = arith.subi %select_n3A_421, %sub3A_429 : vector<16xi32>
      %jit3A_431 = arith.constant 0 : i32
      %jit3A_432 = arith.constant 199 : i32
      %max3A_433 = vector.broadcast %jit3A_431 : i32 to vector<16xi32>
      %max3A_434 = arith.maxsi %max3A_433, %sub3A_430 : vector<16xi32>
      %min3A_435 = vector.broadcast %jit3A_432 : i32 to vector<16xi32>
      %min3A_436 = arith.minsi %min3A_435, %max3A_434 : vector<16xi32>
      %add3A_437 = arith.constant 96 : i32
      %add3A_438 = vector.broadcast %add3A_437 : i32 to vector<16xi32>
      %add3A_439 = arith.addi %add3A_438, %iota3A : vector<16xi32>
      %gather3A_440 = arith.constant 0 : i32
      %gather3A_441 = arith.constant 0 : i32
      %gather3A_442 = tpu.memref_slice %arg6[%rem3A_68, %gather3A_440, %gather3A_441] : memref<2x200x128xf32, #tpu.memory_space<vmem>> -> memref<1x200x128xf32, #tpu.memory_space<vmem>>
      %gather3A_443 = tpu.memref_squeeze %gather3A_442 : memref<1x200x128xf32, #tpu.memory_space<vmem>> -> memref<200x128xf32, #tpu.memory_space<vmem>>
      %gather3A_444 = tpu.vector_load_idx %gather3A_443[%min3A_436, %add3A_439] : memref<200x128xf32, #tpu.memory_space<vmem>>[vector<16xi32>, vector<16xi32>], vector<16xf32>,
      %select_n3A_445 = arith.select %and3A_428, %gather3A_444, %scan3A_64 : vector<16xi1>, vector<16xf32>
      %max3A_446 = arith.maximumf %scan3A_49, %scan3A_140#7 : vector<16xf32>
      %sub3A_447 = arith.subf %scan3A_49, %max3A_446 : vector<16xf32>
      %exp3A_448 = math.exp %sub3A_447 : vector<16xf32>
      %mul3A_449 = arith.mulf %scan3A_57, %exp3A_448 : vector<16xf32>
      %sub3A_450 = arith.subf %scan3A_140#7, %max3A_446 : vector<16xf32>
      %exp3A_451 = math.exp %sub3A_450 : vector<16xf32>
      %mul3A_452 = arith.mulf %scan3A_140#15, %exp3A_451 : vector<16xf32>
      %add3A_453 = arith.addf %mul3A_449, %mul3A_452 : vector<16xf32>
      %mul3A_454 = arith.constant 128 : i32
      %mul3A_455 = arith.muli %div3A_70, %mul3A_454 : i32
      %add3A_456 = arith.constant 112 : i32
      %add3A_457 = arith.addi %mul3A_455, %add3A_456 : i32
      %multiple_of3A_458 = tpu.assume_multiple %add3A_457, 16 : i32
      %get3A_459 = arith.index_cast %multiple_of3A_458 : i32 to index
      %get3A_460 = tpu.vector_load %arg7[%get3A_459] {strides = array<i32>} : memref<256xi32, #tpu.memory_space<vmem>>, vector<16xi32>,
      %ne3A_461 = arith.constant -1 : i32
      %ne3A_462 = vector.broadcast %ne3A_461 : i32 to vector<16xi32>
      %ne3A_463 = arith.cmpi ne, %get3A_460, %ne3A_462 : vector<16xi32>
      %jit3A_464 = arith.constant 0 : i32
      %broadcast_in_dim3A_465 = vector.broadcast %jit3A_464 : i32 to vector<16xi32>
      %select_n3A_466 = arith.select %ne3A_463, %get3A_460, %broadcast_in_dim3A_465 : vector<16xi1>, vector<16xi32>
      %ge3A_467 = vector.broadcast %mul3A_75 : i32 to vector<16xi32>
      %ge3A_468 = arith.cmpi sge, %select_n3A_466, %ge3A_467 : vector<16xi32>
      %add3A_469 = arith.constant 200 : i32
      %add3A_470 = arith.addi %mul3A_75, %add3A_469 : i32
      %lt3A_471 = vector.broadcast %add3A_470 : i32 to vector<16xi32>
      %lt3A_472 = arith.cmpi slt, %select_n3A_466, %lt3A_471 : vector<16xi32>
      %and3A_473 = arith.andi %ge3A_468, %lt3A_472 : vector<16xi1>
      %sub3A_474 = vector.broadcast %mul3A_75 : i32 to vector<16xi32>
      %sub3A_475 = arith.subi %select_n3A_466, %sub3A_474 : vector<16xi32>
      %jit3A_476 = arith.constant 0 : i32
      %jit3A_477 = arith.constant 199 : i32
      %max3A_478 = vector.broadcast %jit3A_476 : i32 to vector<16xi32>
      %max3A_479 = arith.maxsi %max3A_478, %sub3A_475 : vector<16xi32>
      %min3A_480 = vector.broadcast %jit3A_477 : i32 to vector<16xi32>
      %min3A_481 = arith.minsi %min3A_480, %max3A_479 : vector<16xi32>
      %add3A_482 = arith.constant 112 : i32
      %add3A_483 = vector.broadcast %add3A_482 : i32 to vector<16xi32>
      %add3A_484 = arith.addi %add3A_483, %iota3A : vector<16xi32>
      %gather3A_485 = arith.constant 0 : i32
      %gather3A_486 = arith.constant 0 : i32
      %gather3A_487 = tpu.memref_slice %arg6[%rem3A_68, %gather3A_485, %gather3A_486] : memref<2x200x128xf32, #tpu.memory_space<vmem>> -> memref<1x200x128xf32, #tpu.memory_space<vmem>>
      %gather3A_488 = tpu.memref_squeeze %gather3A_487 : memref<1x200x128xf32, #tpu.memory_space<vmem>> -> memref<200x128xf32, #tpu.memory_space<vmem>>
      %gather3A_489 = tpu.vector_load_idx %gather3A_488[%min3A_481, %add3A_484] : memref<200x128xf32, #tpu.memory_space<vmem>>[vector<16xi32>, vector<16xi32>], vector<16xf32>,
      %select_n3A_490 = arith.select %and3A_473, %gather3A_489, %scan3A_65 : vector<16xi1>, vector<16xf32>
      %eq3A = arith.constant 4 : i32
      %eq3A_491 = arith.cmpi eq, %sub3A_73, %eq3A : i32
      %convert_element_type3A_492 = arith.extui %eq3A_491 : i1 to i32
      %cond3A_493 = arith.constant 0 : i32
      %cond3A_494 = arith.cmpi ne, %convert_element_type3A_492, %cond3A_493 : i32
      %cond3A_495:26 = scf.if %cond3A_494 -> (vector<16xf32>, vector<16xf32>, vector<16xf32>, vector<16xf32>, vector<16xf32>, vector<16xf32>, vector<16xf32>, vector<16xf32>, vector<16xf32>, vector<16xf32>, vector<16xf32>, vector<16xf32>, vector<16xf32>, vector<16xf32>, vector<16xf32>, vector<16xf32>, vector<16xf32>, vector<16xf32>, vector<16xf32>, vector<16xf32>, vector<16xf32>, vector<16xf32>, vector<16xf32>, vector<16xf32>, vector<16xf32>, vector<16xf32>) {
        %mul3A_496 = arith.constant 128 : i32
        %mul3A_497 = arith.muli %div3A_70, %mul3A_496 : i32
        %add3A_498 = arith.constant 0 : i32
        %add3A_499 = arith.addi %mul3A_497, %add3A_498 : i32
        %multiple_of3A_500 = tpu.assume_multiple %add3A_499, 16 : i32
        %get3A_501 = arith.index_cast %multiple_of3A_500 : i32 to index
        %get3A_502 = tpu.vector_load %arg7[%get3A_501] {strides = array<i32>} : memref<256xi32, #tpu.memory_space<vmem>>, vector<16xi32>,
        %ne3A_503 = arith.constant -1 : i32
        %ne3A_504 = vector.broadcast %ne3A_503 : i32 to vector<16xi32>
        %ne3A_505 = arith.cmpi ne, %get3A_502, %ne3A_504 : vector<16xi32>
        %jit3A_506 = arith.constant 0 : i32
        %broadcast_in_dim3A_507 = vector.broadcast %jit3A_506 : i32 to vector<16xi32>
        %select_n3A_508 = arith.select %ne3A_505, %get3A_502, %broadcast_in_dim3A_507 : vector<16xi1>, vector<16xi32>
        %sub3A_509 = arith.subf %select_n3A_175, %max3A : vector<16xf32>
        %bitcast_convert_type3A = tpu.bitcast %add3A_147 : vector<16xf32> -> vector<16xi32>
        %shift_right_arithmetic3A = arith.constant 23 : i32
        %shift_right_arithmetic3A_510 = vector.broadcast %shift_right_arithmetic3A : i32 to vector<16xi32>
        %shift_right_arithmetic3A_511 = arith.shrsi %bitcast_convert_type3A, %shift_right_arithmetic3A_510 : vector<16xi32>
        %and3A_512 = arith.constant 255 : i32
        %and3A_513 = vector.broadcast %and3A_512 : i32 to vector<16xi32>
        %and3A_514 = arith.andi %shift_right_arithmetic3A_511, %and3A_513 : vector<16xi32>
        %sub3A_515 = arith.constant 127 : i32
        %sub3A_516 = vector.broadcast %sub3A_515 : i32 to vector<16xi32>
        %sub3A_517 = arith.subi %and3A_514, %sub3A_516 : vector<16xi32>
        %and3A_518 = arith.constant 8388607 : i32
        %and3A_519 = vector.broadcast %and3A_518 : i32 to vector<16xi32>
        %and3A_520 = arith.andi %bitcast_convert_type3A, %and3A_519 : vector<16xi32>
        %or3A = arith.constant 1065353216 : i32
        %or3A_521 = vector.broadcast %or3A : i32 to vector<16xi32>
        %or3A_522 = arith.ori %and3A_520, %or3A_521 : vector<16xi32>
        %bitcast_convert_type3A_523 = tpu.bitcast %or3A_522 : vector<16xi32> -> vector<16xf32>
        %gt3A = arith.constant 1.41421354 : f32
        %gt3A_524 = vector.broadcast %gt3A : f32 to vector<16xf32>
        %gt3A_525 = arith.cmpf ogt, %bitcast_convert_type3A_523, %gt3A_524 : vector<16xf32>
        %mul3A_526 = arith.constant 5.000000e-01 : f32
        %mul3A_527 = vector.broadcast %mul3A_526 : f32 to vector<16xf32>
        %mul3A_528 = arith.mulf %bitcast_convert_type3A_523, %mul3A_527 : vector<16xf32>
        %select_n3A_529 = arith.select %gt3A_525, %mul3A_528, %bitcast_convert_type3A_523 : vector<16xi1>, vector<16xf32>
        %jit3A_530 = arith.constant 1 : i32
        %jit3A_531 = arith.constant 0 : i32
        %broadcast_in_dim3A_532 = vector.broadcast %jit3A_530 : i32 to vector<16xi32>
        %broadcast_in_dim3A_533 = vector.broadcast %jit3A_531 : i32 to vector<16xi32>
        %select_n3A_534 = arith.select %gt3A_525, %broadcast_in_dim3A_532, %broadcast_in_dim3A_533 : vector<16xi1>, vector<16xi32>
        %add3A_535 = arith.addi %sub3A_517, %select_n3A_534 : vector<16xi32>
        %sub3A_536 = arith.constant 1.000000e+00 : f32
        %sub3A_537 = vector.broadcast %sub3A_536 : f32 to vector<16xf32>
        %sub3A_538 = arith.subf %select_n3A_529, %sub3A_537 : vector<16xf32>
        %add3A_539 = arith.constant 1.000000e+00 : f32
        %add3A_540 = vector.broadcast %add3A_539 : f32 to vector<16xf32>
        %add3A_541 = arith.addf %select_n3A_529, %add3A_540 : vector<16xf32>
        %div3A_542 = arith.divf %sub3A_538, %add3A_541 : vector<16xf32>
        %mul3A_543 = arith.mulf %div3A_542, %div3A_542 : vector<16xf32>
        %mul3A_544 = arith.constant 0.142857149 : f32
        %mul3A_545 = vector.broadcast %mul3A_544 : f32 to vector<16xf32>
        %mul3A_546 = arith.mulf %mul3A_543, %mul3A_545 : vector<16xf32>
        %add3A_547 = arith.constant 2.000000e-01 : f32
        %add3A_548 = vector.broadcast %add3A_547 : f32 to vector<16xf32>
        %add3A_549 = arith.addf %add3A_548, %mul3A_546 : vector<16xf32>
        %mul3A_550 = arith.mulf %mul3A_543, %add3A_549 : vector<16xf32>
        %add3A_551 = arith.constant 0.333333343 : f32
        %add3A_552 = vector.broadcast %add3A_551 : f32 to vector<16xf32>
        %add3A_553 = arith.addf %add3A_552, %mul3A_550 : vector<16xf32>
        %mul3A_554 = arith.mulf %mul3A_543, %add3A_553 : vector<16xf32>
        %add3A_555 = arith.constant 1.000000e+00 : f32
        %add3A_556 = vector.broadcast %add3A_555 : f32 to vector<16xf32>
        %add3A_557 = arith.addf %add3A_556, %mul3A_554 : vector<16xf32>
        %mul3A_558 = arith.constant 2.000000e+00 : f32
        %mul3A_559 = vector.broadcast %mul3A_558 : f32 to vector<16xf32>
        %mul3A_560 = arith.mulf %mul3A_559, %div3A_542 : vector<16xf32>
        %mul3A_561 = arith.mulf %mul3A_560, %add3A_557 : vector<16xf32>
        %convert_element_type3A_562 = arith.sitofp %add3A_535 : vector<16xi32> to vector<16xf32>
        %mul3A_563 = arith.constant 0.693147182 : f32
        %mul3A_564 = vector.broadcast %mul3A_563 : f32 to vector<16xf32>
        %mul3A_565 = arith.mulf %convert_element_type3A_562, %mul3A_564 : vector<16xf32>
        %add3A_566 = arith.addf %mul3A_565, %mul3A_561 : vector<16xf32>
        %sub3A_567 = arith.subf %sub3A_509, %add3A_566 : vector<16xf32>
        %exp3A_568 = math.exp %sub3A_567 : vector<16xf32>
        %gather3A_569 = tpu.vector_load_idx %arg8[%select_n3A_508] : memref<1000xf32, #tpu.memory_space<vmem>>[vector<16xi32>], vector<16xf32>,
        %sub3A_570 = arith.constant 1.000000e+00 : f32
        %sub3A_571 = vector.broadcast %sub3A_570 : f32 to vector<16xf32>
        %sub3A_572 = arith.subf %sub3A_571, %exp3A_568 : vector<16xf32>
        %neg3A = arith.constant 0.000000e+00 : f32
        %neg3A_573 = vector.broadcast %neg3A : f32 to vector<16xf32>
        %neg3A_574 = arith.subf %neg3A_573, %gather3A_569 : vector<16xf32>
        %mul3A_575 = arith.mulf %neg3A_574, %sub3A_572 : vector<16xf32>
        %mul3A_576 = arith.mulf %mul3A_575, %sub3A_572 : vector<16xf32>
        %mul3A_577 = arith.mulf %mul3A_576, %sub3A_567 : vector<16xf32>
        %jit3A_578 = arith.constant 0.000000e+00 : f32
        %broadcast_in_dim3A_579 = vector.broadcast %jit3A_578 : f32 to vector<16xf32>
        %select_n3A_580 = arith.select %ne3A_505, %mul3A_577, %broadcast_in_dim3A_579 : vector<16xi1>, vector<16xf32>
        %add3A_581 = arith.addf %scan3A_66, %select_n3A_580 : vector<16xf32>
        %jit3A_582 = arith.constant 1.000000e+00 : f32
        %jit3A_583 = arith.constant 0.000000e+00 : f32
        %broadcast_in_dim3A_584 = vector.broadcast %jit3A_582 : f32 to vector<16xf32>
        %broadcast_in_dim3A_585 = vector.broadcast %jit3A_583 : f32 to vector<16xf32>
        %select_n3A_586 = arith.select %ne3A_505, %broadcast_in_dim3A_584, %broadcast_in_dim3A_585 : vector<16xi1>, vector<16xf32>
        %add3A_587 = arith.addf %scan3A_67, %select_n3A_586 : vector<16xf32>
        %mul3A_588 = arith.constant 128 : i32
        %mul3A_589 = arith.muli %div3A_70, %mul3A_588 : i32
        %add3A_590 = arith.constant 16 : i32
        %add3A_591 = arith.addi %mul3A_589, %add3A_590 : i32
        %multiple_of3A_592 = tpu.assume_multiple %add3A_591, 16 : i32
        %get3A_593 = arith.index_cast %multiple_of3A_592 : i32 to index
        %get3A_594 = tpu.vector_load %arg7[%get3A_593] {strides = array<i32>} : memref<256xi32, #tpu.memory_space<vmem>>, vector<16xi32>,
        %ne3A_595 = arith.constant -1 : i32
        %ne3A_596 = vector.broadcast %ne3A_595 : i32 to vector<16xi32>
        %ne3A_597 = arith.cmpi ne, %get3A_594, %ne3A_596 : vector<16xi32>
        %jit3A_598 = arith.constant 0 : i32
        %broadcast_in_dim3A_599 = vector.broadcast %jit3A_598 : i32 to vector<16xi32>
        %select_n3A_600 = arith.select %ne3A_597, %get3A_594, %broadcast_in_dim3A_599 : vector<16xi1>, vector<16xi32>
        %sub3A_601 = arith.subf %select_n3A_220, %max3A_176 : vector<16xf32>
        %bitcast_convert_type3A_602 = tpu.bitcast %add3A_183 : vector<16xf32> -> vector<16xi32>
        %shift_right_arithmetic3A_603 = arith.constant 23 : i32
        %shift_right_arithmetic3A_604 = vector.broadcast %shift_right_arithmetic3A_603 : i32 to vector<16xi32>
        %shift_right_arithmetic3A_605 = arith.shrsi %bitcast_convert_type3A_602, %shift_right_arithmetic3A_604 : vector<16xi32>
        %and3A_606 = arith.constant 255 : i32
        %and3A_607 = vector.broadcast %and3A_606 : i32 to vector<16xi32>
        %and3A_608 = arith.andi %shift_right_arithmetic3A_605, %and3A_607 : vector<16xi32>
        %sub3A_609 = arith.constant 127 : i32
        %sub3A_610 = vector.broadcast %sub3A_609 : i32 to vector<16xi32>
        %sub3A_611 = arith.subi %and3A_608, %sub3A_610 : vector<16xi32>
        %and3A_612 = arith.constant 8388607 : i32
        %and3A_613 = vector.broadcast %and3A_612 : i32 to vector<16xi32>
        %and3A_614 = arith.andi %bitcast_convert_type3A_602, %and3A_613 : vector<16xi32>
        %or3A_615 = arith.constant 1065353216 : i32
        %or3A_616 = vector.broadcast %or3A_615 : i32 to vector<16xi32>
        %or3A_617 = arith.ori %and3A_614, %or3A_616 : vector<16xi32>
        %bitcast_convert_type3A_618 = tpu.bitcast %or3A_617 : vector<16xi32> -> vector<16xf32>
        %gt3A_619 = arith.constant 1.41421354 : f32
        %gt3A_620 = vector.broadcast %gt3A_619 : f32 to vector<16xf32>
        %gt3A_621 = arith.cmpf ogt, %bitcast_convert_type3A_618, %gt3A_620 : vector<16xf32>
        %mul3A_622 = arith.constant 5.000000e-01 : f32
        %mul3A_623 = vector.broadcast %mul3A_622 : f32 to vector<16xf32>
        %mul3A_624 = arith.mulf %bitcast_convert_type3A_618, %mul3A_623 : vector<16xf32>
        %select_n3A_625 = arith.select %gt3A_621, %mul3A_624, %bitcast_convert_type3A_618 : vector<16xi1>, vector<16xf32>
        %jit3A_626 = arith.constant 1 : i32
        %jit3A_627 = arith.constant 0 : i32
        %broadcast_in_dim3A_628 = vector.broadcast %jit3A_626 : i32 to vector<16xi32>
        %broadcast_in_dim3A_629 = vector.broadcast %jit3A_627 : i32 to vector<16xi32>
        %select_n3A_630 = arith.select %gt3A_621, %broadcast_in_dim3A_628, %broadcast_in_dim3A_629 : vector<16xi1>, vector<16xi32>
        %add3A_631 = arith.addi %sub3A_611, %select_n3A_630 : vector<16xi32>
        %sub3A_632 = arith.constant 1.000000e+00 : f32
        %sub3A_633 = vector.broadcast %sub3A_632 : f32 to vector<16xf32>
        %sub3A_634 = arith.subf %select_n3A_625, %sub3A_633 : vector<16xf32>
        %add3A_635 = arith.constant 1.000000e+00 : f32
        %add3A_636 = vector.broadcast %add3A_635 : f32 to vector<16xf32>
        %add3A_637 = arith.addf %select_n3A_625, %add3A_636 : vector<16xf32>
        %div3A_638 = arith.divf %sub3A_634, %add3A_637 : vector<16xf32>
        %mul3A_639 = arith.mulf %div3A_638, %div3A_638 : vector<16xf32>
        %mul3A_640 = arith.constant 0.142857149 : f32
        %mul3A_641 = vector.broadcast %mul3A_640 : f32 to vector<16xf32>
        %mul3A_642 = arith.mulf %mul3A_639, %mul3A_641 : vector<16xf32>
        %add3A_643 = arith.constant 2.000000e-01 : f32
        %add3A_644 = vector.broadcast %add3A_643 : f32 to vector<16xf32>
        %add3A_645 = arith.addf %add3A_644, %mul3A_642 : vector<16xf32>
        %mul3A_646 = arith.mulf %mul3A_639, %add3A_645 : vector<16xf32>
        %add3A_647 = arith.constant 0.333333343 : f32
        %add3A_648 = vector.broadcast %add3A_647 : f32 to vector<16xf32>
        %add3A_649 = arith.addf %add3A_648, %mul3A_646 : vector<16xf32>
        %mul3A_650 = arith.mulf %mul3A_639, %add3A_649 : vector<16xf32>
        %add3A_651 = arith.constant 1.000000e+00 : f32
        %add3A_652 = vector.broadcast %add3A_651 : f32 to vector<16xf32>
        %add3A_653 = arith.addf %add3A_652, %mul3A_650 : vector<16xf32>
        %mul3A_654 = arith.constant 2.000000e+00 : f32
        %mul3A_655 = vector.broadcast %mul3A_654 : f32 to vector<16xf32>
        %mul3A_656 = arith.mulf %mul3A_655, %div3A_638 : vector<16xf32>
        %mul3A_657 = arith.mulf %mul3A_656, %add3A_653 : vector<16xf32>
        %convert_element_type3A_658 = arith.sitofp %add3A_631 : vector<16xi32> to vector<16xf32>
        %mul3A_659 = arith.constant 0.693147182 : f32
        %mul3A_660 = vector.broadcast %mul3A_659 : f32 to vector<16xf32>
        %mul3A_661 = arith.mulf %convert_element_type3A_658, %mul3A_660 : vector<16xf32>
        %add3A_662 = arith.addf %mul3A_661, %mul3A_657 : vector<16xf32>
        %sub3A_663 = arith.subf %sub3A_601, %add3A_662 : vector<16xf32>
        %exp3A_664 = math.exp %sub3A_663 : vector<16xf32>
        %gather3A_665 = tpu.vector_load_idx %arg8[%select_n3A_600] : memref<1000xf32, #tpu.memory_space<vmem>>[vector<16xi32>], vector<16xf32>,
        %sub3A_666 = arith.constant 1.000000e+00 : f32
        %sub3A_667 = vector.broadcast %sub3A_666 : f32 to vector<16xf32>
        %sub3A_668 = arith.subf %sub3A_667, %exp3A_664 : vector<16xf32>
        %neg3A_669 = arith.constant 0.000000e+00 : f32
        %neg3A_670 = vector.broadcast %neg3A_669 : f32 to vector<16xf32>
        %neg3A_671 = arith.subf %neg3A_670, %gather3A_665 : vector<16xf32>
        %mul3A_672 = arith.mulf %neg3A_671, %sub3A_668 : vector<16xf32>
        %mul3A_673 = arith.mulf %mul3A_672, %sub3A_668 : vector<16xf32>
        %mul3A_674 = arith.mulf %mul3A_673, %sub3A_663 : vector<16xf32>
        %jit3A_675 = arith.constant 0.000000e+00 : f32
        %broadcast_in_dim3A_676 = vector.broadcast %jit3A_675 : f32 to vector<16xf32>
        %select_n3A_677 = arith.select %ne3A_597, %mul3A_674, %broadcast_in_dim3A_676 : vector<16xi1>, vector<16xf32>
        %add3A_678 = arith.addf %add3A_581, %select_n3A_677 : vector<16xf32>
        %jit3A_679 = arith.constant 1.000000e+00 : f32
        %jit3A_680 = arith.constant 0.000000e+00 : f32
        %broadcast_in_dim3A_681 = vector.broadcast %jit3A_679 : f32 to vector<16xf32>
        %broadcast_in_dim3A_682 = vector.broadcast %jit3A_680 : f32 to vector<16xf32>
        %select_n3A_683 = arith.select %ne3A_597, %broadcast_in_dim3A_681, %broadcast_in_dim3A_682 : vector<16xi1>, vector<16xf32>
        %add3A_684 = arith.addf %add3A_587, %select_n3A_683 : vector<16xf32>
        %mul3A_685 = arith.constant 128 : i32
        %mul3A_686 = arith.muli %div3A_70, %mul3A_685 : i32
        %add3A_687 = arith.constant 32 : i32
        %add3A_688 = arith.addi %mul3A_686, %add3A_687 : i32
        %multiple_of3A_689 = tpu.assume_multiple %add3A_688, 16 : i32
        %get3A_690 = arith.index_cast %multiple_of3A_689 : i32 to index
        %get3A_691 = tpu.vector_load %arg7[%get3A_690] {strides = array<i32>} : memref<256xi32, #tpu.memory_space<vmem>>, vector<16xi32>,
        %ne3A_692 = arith.constant -1 : i32
        %ne3A_693 = vector.broadcast %ne3A_692 : i32 to vector<16xi32>
        %ne3A_694 = arith.cmpi ne, %get3A_691, %ne3A_693 : vector<16xi32>
        %jit3A_695 = arith.constant 0 : i32
        %broadcast_in_dim3A_696 = vector.broadcast %jit3A_695 : i32 to vector<16xi32>
        %select_n3A_697 = arith.select %ne3A_694, %get3A_691, %broadcast_in_dim3A_696 : vector<16xi1>, vector<16xi32>
        %sub3A_698 = arith.subf %select_n3A_265, %max3A_221 : vector<16xf32>
        %bitcast_convert_type3A_699 = tpu.bitcast %add3A_228 : vector<16xf32> -> vector<16xi32>
        %shift_right_arithmetic3A_700 = arith.constant 23 : i32
        %shift_right_arithmetic3A_701 = vector.broadcast %shift_right_arithmetic3A_700 : i32 to vector<16xi32>
        %shift_right_arithmetic3A_702 = arith.shrsi %bitcast_convert_type3A_699, %shift_right_arithmetic3A_701 : vector<16xi32>
        %and3A_703 = arith.constant 255 : i32
        %and3A_704 = vector.broadcast %and3A_703 : i32 to vector<16xi32>
        %and3A_705 = arith.andi %shift_right_arithmetic3A_702, %and3A_704 : vector<16xi32>
        %sub3A_706 = arith.constant 127 : i32
        %sub3A_707 = vector.broadcast %sub3A_706 : i32 to vector<16xi32>
        %sub3A_708 = arith.subi %and3A_705, %sub3A_707 : vector<16xi32>
        %and3A_709 = arith.constant 8388607 : i32
        %and3A_710 = vector.broadcast %and3A_709 : i32 to vector<16xi32>
        %and3A_711 = arith.andi %bitcast_convert_type3A_699, %and3A_710 : vector<16xi32>
        %or3A_712 = arith.constant 1065353216 : i32
        %or3A_713 = vector.broadcast %or3A_712 : i32 to vector<16xi32>
        %or3A_714 = arith.ori %and3A_711, %or3A_713 : vector<16xi32>
        %bitcast_convert_type3A_715 = tpu.bitcast %or3A_714 : vector<16xi32> -> vector<16xf32>
        %gt3A_716 = arith.constant 1.41421354 : f32
        %gt3A_717 = vector.broadcast %gt3A_716 : f32 to vector<16xf32>
        %gt3A_718 = arith.cmpf ogt, %bitcast_convert_type3A_715, %gt3A_717 : vector<16xf32>
        %mul3A_719 = arith.constant 5.000000e-01 : f32
        %mul3A_720 = vector.broadcast %mul3A_719 : f32 to vector<16xf32>
        %mul3A_721 = arith.mulf %bitcast_convert_type3A_715, %mul3A_720 : vector<16xf32>
        %select_n3A_722 = arith.select %gt3A_718, %mul3A_721, %bitcast_convert_type3A_715 : vector<16xi1>, vector<16xf32>
        %jit3A_723 = arith.constant 1 : i32
        %jit3A_724 = arith.constant 0 : i32
        %broadcast_in_dim3A_725 = vector.broadcast %jit3A_723 : i32 to vector<16xi32>
        %broadcast_in_dim3A_726 = vector.broadcast %jit3A_724 : i32 to vector<16xi32>
        %select_n3A_727 = arith.select %gt3A_718, %broadcast_in_dim3A_725, %broadcast_in_dim3A_726 : vector<16xi1>, vector<16xi32>
        %add3A_728 = arith.addi %sub3A_708, %select_n3A_727 : vector<16xi32>
        %sub3A_729 = arith.constant 1.000000e+00 : f32
        %sub3A_730 = vector.broadcast %sub3A_729 : f32 to vector<16xf32>
        %sub3A_731 = arith.subf %select_n3A_722, %sub3A_730 : vector<16xf32>
        %add3A_732 = arith.constant 1.000000e+00 : f32
        %add3A_733 = vector.broadcast %add3A_732 : f32 to vector<16xf32>
        %add3A_734 = arith.addf %select_n3A_722, %add3A_733 : vector<16xf32>
        %div3A_735 = arith.divf %sub3A_731, %add3A_734 : vector<16xf32>
        %mul3A_736 = arith.mulf %div3A_735, %div3A_735 : vector<16xf32>
        %mul3A_737 = arith.constant 0.142857149 : f32
        %mul3A_738 = vector.broadcast %mul3A_737 : f32 to vector<16xf32>
        %mul3A_739 = arith.mulf %mul3A_736, %mul3A_738 : vector<16xf32>
        %add3A_740 = arith.constant 2.000000e-01 : f32
        %add3A_741 = vector.broadcast %add3A_740 : f32 to vector<16xf32>
        %add3A_742 = arith.addf %add3A_741, %mul3A_739 : vector<16xf32>
        %mul3A_743 = arith.mulf %mul3A_736, %add3A_742 : vector<16xf32>
        %add3A_744 = arith.constant 0.333333343 : f32
        %add3A_745 = vector.broadcast %add3A_744 : f32 to vector<16xf32>
        %add3A_746 = arith.addf %add3A_745, %mul3A_743 : vector<16xf32>
        %mul3A_747 = arith.mulf %mul3A_736, %add3A_746 : vector<16xf32>
        %add3A_748 = arith.constant 1.000000e+00 : f32
        %add3A_749 = vector.broadcast %add3A_748 : f32 to vector<16xf32>
        %add3A_750 = arith.addf %add3A_749, %mul3A_747 : vector<16xf32>
        %mul3A_751 = arith.constant 2.000000e+00 : f32
        %mul3A_752 = vector.broadcast %mul3A_751 : f32 to vector<16xf32>
        %mul3A_753 = arith.mulf %mul3A_752, %div3A_735 : vector<16xf32>
        %mul3A_754 = arith.mulf %mul3A_753, %add3A_750 : vector<16xf32>
        %convert_element_type3A_755 = arith.sitofp %add3A_728 : vector<16xi32> to vector<16xf32>
        %mul3A_756 = arith.constant 0.693147182 : f32
        %mul3A_757 = vector.broadcast %mul3A_756 : f32 to vector<16xf32>
        %mul3A_758 = arith.mulf %convert_element_type3A_755, %mul3A_757 : vector<16xf32>
        %add3A_759 = arith.addf %mul3A_758, %mul3A_754 : vector<16xf32>
        %sub3A_760 = arith.subf %sub3A_698, %add3A_759 : vector<16xf32>
        %exp3A_761 = math.exp %sub3A_760 : vector<16xf32>
        %gather3A_762 = tpu.vector_load_idx %arg8[%select_n3A_697] : memref<1000xf32, #tpu.memory_space<vmem>>[vector<16xi32>], vector<16xf32>,
        %sub3A_763 = arith.constant 1.000000e+00 : f32
        %sub3A_764 = vector.broadcast %sub3A_763 : f32 to vector<16xf32>
        %sub3A_765 = arith.subf %sub3A_764, %exp3A_761 : vector<16xf32>
        %neg3A_766 = arith.constant 0.000000e+00 : f32
        %neg3A_767 = vector.broadcast %neg3A_766 : f32 to vector<16xf32>
        %neg3A_768 = arith.subf %neg3A_767, %gather3A_762 : vector<16xf32>
        %mul3A_769 = arith.mulf %neg3A_768, %sub3A_765 : vector<16xf32>
        %mul3A_770 = arith.mulf %mul3A_769, %sub3A_765 : vector<16xf32>
        %mul3A_771 = arith.mulf %mul3A_770, %sub3A_760 : vector<16xf32>
        %jit3A_772 = arith.constant 0.000000e+00 : f32
        %broadcast_in_dim3A_773 = vector.broadcast %jit3A_772 : f32 to vector<16xf32>
        %select_n3A_774 = arith.select %ne3A_694, %mul3A_771, %broadcast_in_dim3A_773 : vector<16xi1>, vector<16xf32>
        %add3A_775 = arith.addf %add3A_678, %select_n3A_774 : vector<16xf32>
        %jit3A_776 = arith.constant 1.000000e+00 : f32
        %jit3A_777 = arith.constant 0.000000e+00 : f32
        %broadcast_in_dim3A_778 = vector.broadcast %jit3A_776 : f32 to vector<16xf32>
        %broadcast_in_dim3A_779 = vector.broadcast %jit3A_777 : f32 to vector<16xf32>
        %select_n3A_780 = arith.select %ne3A_694, %broadcast_in_dim3A_778, %broadcast_in_dim3A_779 : vector<16xi1>, vector<16xf32>
        %add3A_781 = arith.addf %add3A_684, %select_n3A_780 : vector<16xf32>
        %mul3A_782 = arith.constant 128 : i32
        %mul3A_783 = arith.muli %div3A_70, %mul3A_782 : i32
        %add3A_784 = arith.constant 48 : i32
        %add3A_785 = arith.addi %mul3A_783, %add3A_784 : i32
        %multiple_of3A_786 = tpu.assume_multiple %add3A_785, 16 : i32
        %get3A_787 = arith.index_cast %multiple_of3A_786 : i32 to index
        %get3A_788 = tpu.vector_load %arg7[%get3A_787] {strides = array<i32>} : memref<256xi32, #tpu.memory_space<vmem>>, vector<16xi32>,
        %ne3A_789 = arith.constant -1 : i32
        %ne3A_790 = vector.broadcast %ne3A_789 : i32 to vector<16xi32>
        %ne3A_791 = arith.cmpi ne, %get3A_788, %ne3A_790 : vector<16xi32>
        %jit3A_792 = arith.constant 0 : i32
        %broadcast_in_dim3A_793 = vector.broadcast %jit3A_792 : i32 to vector<16xi32>
        %select_n3A_794 = arith.select %ne3A_791, %get3A_788, %broadcast_in_dim3A_793 : vector<16xi1>, vector<16xi32>
        %sub3A_795 = arith.subf %select_n3A_310, %max3A_266 : vector<16xf32>
        %bitcast_convert_type3A_796 = tpu.bitcast %add3A_273 : vector<16xf32> -> vector<16xi32>
        %shift_right_arithmetic3A_797 = arith.constant 23 : i32
        %shift_right_arithmetic3A_798 = vector.broadcast %shift_right_arithmetic3A_797 : i32 to vector<16xi32>
        %shift_right_arithmetic3A_799 = arith.shrsi %bitcast_convert_type3A_796, %shift_right_arithmetic3A_798 : vector<16xi32>
        %and3A_800 = arith.constant 255 : i32
        %and3A_801 = vector.broadcast %and3A_800 : i32 to vector<16xi32>
        %and3A_802 = arith.andi %shift_right_arithmetic3A_799, %and3A_801 : vector<16xi32>
        %sub3A_803 = arith.constant 127 : i32
        %sub3A_804 = vector.broadcast %sub3A_803 : i32 to vector<16xi32>
        %sub3A_805 = arith.subi %and3A_802, %sub3A_804 : vector<16xi32>
        %and3A_806 = arith.constant 8388607 : i32
        %and3A_807 = vector.broadcast %and3A_806 : i32 to vector<16xi32>
        %and3A_808 = arith.andi %bitcast_convert_type3A_796, %and3A_807 : vector<16xi32>
        %or3A_809 = arith.constant 1065353216 : i32
        %or3A_810 = vector.broadcast %or3A_809 : i32 to vector<16xi32>
        %or3A_811 = arith.ori %and3A_808, %or3A_810 : vector<16xi32>
        %bitcast_convert_type3A_812 = tpu.bitcast %or3A_811 : vector<16xi32> -> vector<16xf32>
        %gt3A_813 = arith.constant 1.41421354 : f32
        %gt3A_814 = vector.broadcast %gt3A_813 : f32 to vector<16xf32>
        %gt3A_815 = arith.cmpf ogt, %bitcast_convert_type3A_812, %gt3A_814 : vector<16xf32>
        %mul3A_816 = arith.constant 5.000000e-01 : f32
        %mul3A_817 = vector.broadcast %mul3A_816 : f32 to vector<16xf32>
        %mul3A_818 = arith.mulf %bitcast_convert_type3A_812, %mul3A_817 : vector<16xf32>
        %select_n3A_819 = arith.select %gt3A_815, %mul3A_818, %bitcast_convert_type3A_812 : vector<16xi1>, vector<16xf32>
        %jit3A_820 = arith.constant 1 : i32
        %jit3A_821 = arith.constant 0 : i32
        %broadcast_in_dim3A_822 = vector.broadcast %jit3A_820 : i32 to vector<16xi32>
        %broadcast_in_dim3A_823 = vector.broadcast %jit3A_821 : i32 to vector<16xi32>
        %select_n3A_824 = arith.select %gt3A_815, %broadcast_in_dim3A_822, %broadcast_in_dim3A_823 : vector<16xi1>, vector<16xi32>
        %add3A_825 = arith.addi %sub3A_805, %select_n3A_824 : vector<16xi32>
        %sub3A_826 = arith.constant 1.000000e+00 : f32
        %sub3A_827 = vector.broadcast %sub3A_826 : f32 to vector<16xf32>
        %sub3A_828 = arith.subf %select_n3A_819, %sub3A_827 : vector<16xf32>
        %add3A_829 = arith.constant 1.000000e+00 : f32
        %add3A_830 = vector.broadcast %add3A_829 : f32 to vector<16xf32>
        %add3A_831 = arith.addf %select_n3A_819, %add3A_830 : vector<16xf32>
        %div3A_832 = arith.divf %sub3A_828, %add3A_831 : vector<16xf32>
        %mul3A_833 = arith.mulf %div3A_832, %div3A_832 : vector<16xf32>
        %mul3A_834 = arith.constant 0.142857149 : f32
        %mul3A_835 = vector.broadcast %mul3A_834 : f32 to vector<16xf32>
        %mul3A_836 = arith.mulf %mul3A_833, %mul3A_835 : vector<16xf32>
        %add3A_837 = arith.constant 2.000000e-01 : f32
        %add3A_838 = vector.broadcast %add3A_837 : f32 to vector<16xf32>
        %add3A_839 = arith.addf %add3A_838, %mul3A_836 : vector<16xf32>
        %mul3A_840 = arith.mulf %mul3A_833, %add3A_839 : vector<16xf32>
        %add3A_841 = arith.constant 0.333333343 : f32
        %add3A_842 = vector.broadcast %add3A_841 : f32 to vector<16xf32>
        %add3A_843 = arith.addf %add3A_842, %mul3A_840 : vector<16xf32>
        %mul3A_844 = arith.mulf %mul3A_833, %add3A_843 : vector<16xf32>
        %add3A_845 = arith.constant 1.000000e+00 : f32
        %add3A_846 = vector.broadcast %add3A_845 : f32 to vector<16xf32>
        %add3A_847 = arith.addf %add3A_846, %mul3A_844 : vector<16xf32>
        %mul3A_848 = arith.constant 2.000000e+00 : f32
        %mul3A_849 = vector.broadcast %mul3A_848 : f32 to vector<16xf32>
        %mul3A_850 = arith.mulf %mul3A_849, %div3A_832 : vector<16xf32>
        %mul3A_851 = arith.mulf %mul3A_850, %add3A_847 : vector<16xf32>
        %convert_element_type3A_852 = arith.sitofp %add3A_825 : vector<16xi32> to vector<16xf32>
        %mul3A_853 = arith.constant 0.693147182 : f32
        %mul3A_854 = vector.broadcast %mul3A_853 : f32 to vector<16xf32>
        %mul3A_855 = arith.mulf %convert_element_type3A_852, %mul3A_854 : vector<16xf32>
        %add3A_856 = arith.addf %mul3A_855, %mul3A_851 : vector<16xf32>
        %sub3A_857 = arith.subf %sub3A_795, %add3A_856 : vector<16xf32>
        %exp3A_858 = math.exp %sub3A_857 : vector<16xf32>
        %gather3A_859 = tpu.vector_load_idx %arg8[%select_n3A_794] : memref<1000xf32, #tpu.memory_space<vmem>>[vector<16xi32>], vector<16xf32>,
        %sub3A_860 = arith.constant 1.000000e+00 : f32
        %sub3A_861 = vector.broadcast %sub3A_860 : f32 to vector<16xf32>
        %sub3A_862 = arith.subf %sub3A_861, %exp3A_858 : vector<16xf32>
        %neg3A_863 = arith.constant 0.000000e+00 : f32
        %neg3A_864 = vector.broadcast %neg3A_863 : f32 to vector<16xf32>
        %neg3A_865 = arith.subf %neg3A_864, %gather3A_859 : vector<16xf32>
        %mul3A_866 = arith.mulf %neg3A_865, %sub3A_862 : vector<16xf32>
        %mul3A_867 = arith.mulf %mul3A_866, %sub3A_862 : vector<16xf32>
        %mul3A_868 = arith.mulf %mul3A_867, %sub3A_857 : vector<16xf32>
        %jit3A_869 = arith.constant 0.000000e+00 : f32
        %broadcast_in_dim3A_870 = vector.broadcast %jit3A_869 : f32 to vector<16xf32>
        %select_n3A_871 = arith.select %ne3A_791, %mul3A_868, %broadcast_in_dim3A_870 : vector<16xi1>, vector<16xf32>
        %add3A_872 = arith.addf %add3A_775, %select_n3A_871 : vector<16xf32>
        %jit3A_873 = arith.constant 1.000000e+00 : f32
        %jit3A_874 = arith.constant 0.000000e+00 : f32
        %broadcast_in_dim3A_875 = vector.broadcast %jit3A_873 : f32 to vector<16xf32>
        %broadcast_in_dim3A_876 = vector.broadcast %jit3A_874 : f32 to vector<16xf32>
        %select_n3A_877 = arith.select %ne3A_791, %broadcast_in_dim3A_875, %broadcast_in_dim3A_876 : vector<16xi1>, vector<16xf32>
        %add3A_878 = arith.addf %add3A_781, %select_n3A_877 : vector<16xf32>
        %mul3A_879 = arith.constant 128 : i32
        %mul3A_880 = arith.muli %div3A_70, %mul3A_879 : i32
        %add3A_881 = arith.constant 64 : i32
        %add3A_882 = arith.addi %mul3A_880, %add3A_881 : i32
        %multiple_of3A_883 = tpu.assume_multiple %add3A_882, 16 : i32
        %get3A_884 = arith.index_cast %multiple_of3A_883 : i32 to index
        %get3A_885 = tpu.vector_load %arg7[%get3A_884] {strides = array<i32>} : memref<256xi32, #tpu.memory_space<vmem>>, vector<16xi32>,
        %ne3A_886 = arith.constant -1 : i32
        %ne3A_887 = vector.broadcast %ne3A_886 : i32 to vector<16xi32>
        %ne3A_888 = arith.cmpi ne, %get3A_885, %ne3A_887 : vector<16xi32>
        %jit3A_889 = arith.constant 0 : i32
        %broadcast_in_dim3A_890 = vector.broadcast %jit3A_889 : i32 to vector<16xi32>
        %select_n3A_891 = arith.select %ne3A_888, %get3A_885, %broadcast_in_dim3A_890 : vector<16xi1>, vector<16xi32>
        %sub3A_892 = arith.subf %select_n3A_355, %max3A_311 : vector<16xf32>
        %bitcast_convert_type3A_893 = tpu.bitcast %add3A_318 : vector<16xf32> -> vector<16xi32>
        %shift_right_arithmetic3A_894 = arith.constant 23 : i32
        %shift_right_arithmetic3A_895 = vector.broadcast %shift_right_arithmetic3A_894 : i32 to vector<16xi32>
        %shift_right_arithmetic3A_896 = arith.shrsi %bitcast_convert_type3A_893, %shift_right_arithmetic3A_895 : vector<16xi32>
        %and3A_897 = arith.constant 255 : i32
        %and3A_898 = vector.broadcast %and3A_897 : i32 to vector<16xi32>
        %and3A_899 = arith.andi %shift_right_arithmetic3A_896, %and3A_898 : vector<16xi32>
        %sub3A_900 = arith.constant 127 : i32
        %sub3A_901 = vector.broadcast %sub3A_900 : i32 to vector<16xi32>
        %sub3A_902 = arith.subi %and3A_899, %sub3A_901 : vector<16xi32>
        %and3A_903 = arith.constant 8388607 : i32
        %and3A_904 = vector.broadcast %and3A_903 : i32 to vector<16xi32>
        %and3A_905 = arith.andi %bitcast_convert_type3A_893, %and3A_904 : vector<16xi32>
        %or3A_906 = arith.constant 1065353216 : i32
        %or3A_907 = vector.broadcast %or3A_906 : i32 to vector<16xi32>
        %or3A_908 = arith.ori %and3A_905, %or3A_907 : vector<16xi32>
        %bitcast_convert_type3A_909 = tpu.bitcast %or3A_908 : vector<16xi32> -> vector<16xf32>
        %gt3A_910 = arith.constant 1.41421354 : f32
        %gt3A_911 = vector.broadcast %gt3A_910 : f32 to vector<16xf32>
        %gt3A_912 = arith.cmpf ogt, %bitcast_convert_type3A_909, %gt3A_911 : vector<16xf32>
        %mul3A_913 = arith.constant 5.000000e-01 : f32
        %mul3A_914 = vector.broadcast %mul3A_913 : f32 to vector<16xf32>
        %mul3A_915 = arith.mulf %bitcast_convert_type3A_909, %mul3A_914 : vector<16xf32>
        %select_n3A_916 = arith.select %gt3A_912, %mul3A_915, %bitcast_convert_type3A_909 : vector<16xi1>, vector<16xf32>
        %jit3A_917 = arith.constant 1 : i32
        %jit3A_918 = arith.constant 0 : i32
        %broadcast_in_dim3A_919 = vector.broadcast %jit3A_917 : i32 to vector<16xi32>
        %broadcast_in_dim3A_920 = vector.broadcast %jit3A_918 : i32 to vector<16xi32>
        %select_n3A_921 = arith.select %gt3A_912, %broadcast_in_dim3A_919, %broadcast_in_dim3A_920 : vector<16xi1>, vector<16xi32>
        %add3A_922 = arith.addi %sub3A_902, %select_n3A_921 : vector<16xi32>
        %sub3A_923 = arith.constant 1.000000e+00 : f32
        %sub3A_924 = vector.broadcast %sub3A_923 : f32 to vector<16xf32>
        %sub3A_925 = arith.subf %select_n3A_916, %sub3A_924 : vector<16xf32>
        %add3A_926 = arith.constant 1.000000e+00 : f32
        %add3A_927 = vector.broadcast %add3A_926 : f32 to vector<16xf32>
        %add3A_928 = arith.addf %select_n3A_916, %add3A_927 : vector<16xf32>
        %div3A_929 = arith.divf %sub3A_925, %add3A_928 : vector<16xf32>
        %mul3A_930 = arith.mulf %div3A_929, %div3A_929 : vector<16xf32>
        %mul3A_931 = arith.constant 0.142857149 : f32
        %mul3A_932 = vector.broadcast %mul3A_931 : f32 to vector<16xf32>
        %mul3A_933 = arith.mulf %mul3A_930, %mul3A_932 : vector<16xf32>
        %add3A_934 = arith.constant 2.000000e-01 : f32
        %add3A_935 = vector.broadcast %add3A_934 : f32 to vector<16xf32>
        %add3A_936 = arith.addf %add3A_935, %mul3A_933 : vector<16xf32>
        %mul3A_937 = arith.mulf %mul3A_930, %add3A_936 : vector<16xf32>
        %add3A_938 = arith.constant 0.333333343 : f32
        %add3A_939 = vector.broadcast %add3A_938 : f32 to vector<16xf32>
        %add3A_940 = arith.addf %add3A_939, %mul3A_937 : vector<16xf32>
        %mul3A_941 = arith.mulf %mul3A_930, %add3A_940 : vector<16xf32>
        %add3A_942 = arith.constant 1.000000e+00 : f32
        %add3A_943 = vector.broadcast %add3A_942 : f32 to vector<16xf32>
        %add3A_944 = arith.addf %add3A_943, %mul3A_941 : vector<16xf32>
        %mul3A_945 = arith.constant 2.000000e+00 : f32
        %mul3A_946 = vector.broadcast %mul3A_945 : f32 to vector<16xf32>
        %mul3A_947 = arith.mulf %mul3A_946, %div3A_929 : vector<16xf32>
        %mul3A_948 = arith.mulf %mul3A_947, %add3A_944 : vector<16xf32>
        %convert_element_type3A_949 = arith.sitofp %add3A_922 : vector<16xi32> to vector<16xf32>
        %mul3A_950 = arith.constant 0.693147182 : f32
        %mul3A_951 = vector.broadcast %mul3A_950 : f32 to vector<16xf32>
        %mul3A_952 = arith.mulf %convert_element_type3A_949, %mul3A_951 : vector<16xf32>
        %add3A_953 = arith.addf %mul3A_952, %mul3A_948 : vector<16xf32>
        %sub3A_954 = arith.subf %sub3A_892, %add3A_953 : vector<16xf32>
        %exp3A_955 = math.exp %sub3A_954 : vector<16xf32>
        %gather3A_956 = tpu.vector_load_idx %arg8[%select_n3A_891] : memref<1000xf32, #tpu.memory_space<vmem>>[vector<16xi32>], vector<16xf32>,
        %sub3A_957 = arith.constant 1.000000e+00 : f32
        %sub3A_958 = vector.broadcast %sub3A_957 : f32 to vector<16xf32>
        %sub3A_959 = arith.subf %sub3A_958, %exp3A_955 : vector<16xf32>
        %neg3A_960 = arith.constant 0.000000e+00 : f32
        %neg3A_961 = vector.broadcast %neg3A_960 : f32 to vector<16xf32>
        %neg3A_962 = arith.subf %neg3A_961, %gather3A_956 : vector<16xf32>
        %mul3A_963 = arith.mulf %neg3A_962, %sub3A_959 : vector<16xf32>
        %mul3A_964 = arith.mulf %mul3A_963, %sub3A_959 : vector<16xf32>
        %mul3A_965 = arith.mulf %mul3A_964, %sub3A_954 : vector<16xf32>
        %jit3A_966 = arith.constant 0.000000e+00 : f32
        %broadcast_in_dim3A_967 = vector.broadcast %jit3A_966 : f32 to vector<16xf32>
        %select_n3A_968 = arith.select %ne3A_888, %mul3A_965, %broadcast_in_dim3A_967 : vector<16xi1>, vector<16xf32>
        %add3A_969 = arith.addf %add3A_872, %select_n3A_968 : vector<16xf32>
        %jit3A_970 = arith.constant 1.000000e+00 : f32
        %jit3A_971 = arith.constant 0.000000e+00 : f32
        %broadcast_in_dim3A_972 = vector.broadcast %jit3A_970 : f32 to vector<16xf32>
        %broadcast_in_dim3A_973 = vector.broadcast %jit3A_971 : f32 to vector<16xf32>
        %select_n3A_974 = arith.select %ne3A_888, %broadcast_in_dim3A_972, %broadcast_in_dim3A_973 : vector<16xi1>, vector<16xf32>
        %add3A_975 = arith.addf %add3A_878, %select_n3A_974 : vector<16xf32>
        %mul3A_976 = arith.constant 128 : i32
        %mul3A_977 = arith.muli %div3A_70, %mul3A_976 : i32
        %add3A_978 = arith.constant 80 : i32
        %add3A_979 = arith.addi %mul3A_977, %add3A_978 : i32
        %multiple_of3A_980 = tpu.assume_multiple %add3A_979, 16 : i32
        %get3A_981 = arith.index_cast %multiple_of3A_980 : i32 to index
        %get3A_982 = tpu.vector_load %arg7[%get3A_981] {strides = array<i32>} : memref<256xi32, #tpu.memory_space<vmem>>, vector<16xi32>,
        %ne3A_983 = arith.constant -1 : i32
        %ne3A_984 = vector.broadcast %ne3A_983 : i32 to vector<16xi32>
        %ne3A_985 = arith.cmpi ne, %get3A_982, %ne3A_984 : vector<16xi32>
        %jit3A_986 = arith.constant 0 : i32
        %broadcast_in_dim3A_987 = vector.broadcast %jit3A_986 : i32 to vector<16xi32>
        %select_n3A_988 = arith.select %ne3A_985, %get3A_982, %broadcast_in_dim3A_987 : vector<16xi1>, vector<16xi32>
        %sub3A_989 = arith.subf %select_n3A_400, %max3A_356 : vector<16xf32>
        %bitcast_convert_type3A_990 = tpu.bitcast %add3A_363 : vector<16xf32> -> vector<16xi32>
        %shift_right_arithmetic3A_991 = arith.constant 23 : i32
        %shift_right_arithmetic3A_992 = vector.broadcast %shift_right_arithmetic3A_991 : i32 to vector<16xi32>
        %shift_right_arithmetic3A_993 = arith.shrsi %bitcast_convert_type3A_990, %shift_right_arithmetic3A_992 : vector<16xi32>
        %and3A_994 = arith.constant 255 : i32
        %and3A_995 = vector.broadcast %and3A_994 : i32 to vector<16xi32>
        %and3A_996 = arith.andi %shift_right_arithmetic3A_993, %and3A_995 : vector<16xi32>
        %sub3A_997 = arith.constant 127 : i32
        %sub3A_998 = vector.broadcast %sub3A_997 : i32 to vector<16xi32>
        %sub3A_999 = arith.subi %and3A_996, %sub3A_998 : vector<16xi32>
        %and3A_1000 = arith.constant 8388607 : i32
        %and3A_1001 = vector.broadcast %and3A_1000 : i32 to vector<16xi32>
        %and3A_1002 = arith.andi %bitcast_convert_type3A_990, %and3A_1001 : vector<16xi32>
        %or3A_1003 = arith.constant 1065353216 : i32
        %or3A_1004 = vector.broadcast %or3A_1003 : i32 to vector<16xi32>
        %or3A_1005 = arith.ori %and3A_1002, %or3A_1004 : vector<16xi32>
        %bitcast_convert_type3A_1006 = tpu.bitcast %or3A_1005 : vector<16xi32> -> vector<16xf32>
        %gt3A_1007 = arith.constant 1.41421354 : f32
        %gt3A_1008 = vector.broadcast %gt3A_1007 : f32 to vector<16xf32>
        %gt3A_1009 = arith.cmpf ogt, %bitcast_convert_type3A_1006, %gt3A_1008 : vector<16xf32>
        %mul3A_1010 = arith.constant 5.000000e-01 : f32
        %mul3A_1011 = vector.broadcast %mul3A_1010 : f32 to vector<16xf32>
        %mul3A_1012 = arith.mulf %bitcast_convert_type3A_1006, %mul3A_1011 : vector<16xf32>
        %select_n3A_1013 = arith.select %gt3A_1009, %mul3A_1012, %bitcast_convert_type3A_1006 : vector<16xi1>, vector<16xf32>
        %jit3A_1014 = arith.constant 1 : i32
        %jit3A_1015 = arith.constant 0 : i32
        %broadcast_in_dim3A_1016 = vector.broadcast %jit3A_1014 : i32 to vector<16xi32>
        %broadcast_in_dim3A_1017 = vector.broadcast %jit3A_1015 : i32 to vector<16xi32>
        %select_n3A_1018 = arith.select %gt3A_1009, %broadcast_in_dim3A_1016, %broadcast_in_dim3A_1017 : vector<16xi1>, vector<16xi32>
        %add3A_1019 = arith.addi %sub3A_999, %select_n3A_1018 : vector<16xi32>
        %sub3A_1020 = arith.constant 1.000000e+00 : f32
        %sub3A_1021 = vector.broadcast %sub3A_1020 : f32 to vector<16xf32>
        %sub3A_1022 = arith.subf %select_n3A_1013, %sub3A_1021 : vector<16xf32>
        %add3A_1023 = arith.constant 1.000000e+00 : f32
        %add3A_1024 = vector.broadcast %add3A_1023 : f32 to vector<16xf32>
        %add3A_1025 = arith.addf %select_n3A_1013, %add3A_1024 : vector<16xf32>
        %div3A_1026 = arith.divf %sub3A_1022, %add3A_1025 : vector<16xf32>
        %mul3A_1027 = arith.mulf %div3A_1026, %div3A_1026 : vector<16xf32>
        %mul3A_1028 = arith.constant 0.142857149 : f32
        %mul3A_1029 = vector.broadcast %mul3A_1028 : f32 to vector<16xf32>
        %mul3A_1030 = arith.mulf %mul3A_1027, %mul3A_1029 : vector<16xf32>
        %add3A_1031 = arith.constant 2.000000e-01 : f32
        %add3A_1032 = vector.broadcast %add3A_1031 : f32 to vector<16xf32>
        %add3A_1033 = arith.addf %add3A_1032, %mul3A_1030 : vector<16xf32>
        %mul3A_1034 = arith.mulf %mul3A_1027, %add3A_1033 : vector<16xf32>
        %add3A_1035 = arith.constant 0.333333343 : f32
        %add3A_1036 = vector.broadcast %add3A_1035 : f32 to vector<16xf32>
        %add3A_1037 = arith.addf %add3A_1036, %mul3A_1034 : vector<16xf32>
        %mul3A_1038 = arith.mulf %mul3A_1027, %add3A_1037 : vector<16xf32>
        %add3A_1039 = arith.constant 1.000000e+00 : f32
        %add3A_1040 = vector.broadcast %add3A_1039 : f32 to vector<16xf32>
        %add3A_1041 = arith.addf %add3A_1040, %mul3A_1038 : vector<16xf32>
        %mul3A_1042 = arith.constant 2.000000e+00 : f32
        %mul3A_1043 = vector.broadcast %mul3A_1042 : f32 to vector<16xf32>
        %mul3A_1044 = arith.mulf %mul3A_1043, %div3A_1026 : vector<16xf32>
        %mul3A_1045 = arith.mulf %mul3A_1044, %add3A_1041 : vector<16xf32>
        %convert_element_type3A_1046 = arith.sitofp %add3A_1019 : vector<16xi32> to vector<16xf32>
        %mul3A_1047 = arith.constant 0.693147182 : f32
        %mul3A_1048 = vector.broadcast %mul3A_1047 : f32 to vector<16xf32>
        %mul3A_1049 = arith.mulf %convert_element_type3A_1046, %mul3A_1048 : vector<16xf32>
        %add3A_1050 = arith.addf %mul3A_1049, %mul3A_1045 : vector<16xf32>
        %sub3A_1051 = arith.subf %sub3A_989, %add3A_1050 : vector<16xf32>
        %exp3A_1052 = math.exp %sub3A_1051 : vector<16xf32>
        %gather3A_1053 = tpu.vector_load_idx %arg8[%select_n3A_988] : memref<1000xf32, #tpu.memory_space<vmem>>[vector<16xi32>], vector<16xf32>,
        %sub3A_1054 = arith.constant 1.000000e+00 : f32
        %sub3A_1055 = vector.broadcast %sub3A_1054 : f32 to vector<16xf32>
        %sub3A_1056 = arith.subf %sub3A_1055, %exp3A_1052 : vector<16xf32>
        %neg3A_1057 = arith.constant 0.000000e+00 : f32
        %neg3A_1058 = vector.broadcast %neg3A_1057 : f32 to vector<16xf32>
        %neg3A_1059 = arith.subf %neg3A_1058, %gather3A_1053 : vector<16xf32>
        %mul3A_1060 = arith.mulf %neg3A_1059, %sub3A_1056 : vector<16xf32>
        %mul3A_1061 = arith.mulf %mul3A_1060, %sub3A_1056 : vector<16xf32>
        %mul3A_1062 = arith.mulf %mul3A_1061, %sub3A_1051 : vector<16xf32>
        %jit3A_1063 = arith.constant 0.000000e+00 : f32
        %broadcast_in_dim3A_1064 = vector.broadcast %jit3A_1063 : f32 to vector<16xf32>
        %select_n3A_1065 = arith.select %ne3A_985, %mul3A_1062, %broadcast_in_dim3A_1064 : vector<16xi1>, vector<16xf32>
        %add3A_1066 = arith.addf %add3A_969, %select_n3A_1065 : vector<16xf32>
        %jit3A_1067 = arith.constant 1.000000e+00 : f32
        %jit3A_1068 = arith.constant 0.000000e+00 : f32
        %broadcast_in_dim3A_1069 = vector.broadcast %jit3A_1067 : f32 to vector<16xf32>
        %broadcast_in_dim3A_1070 = vector.broadcast %jit3A_1068 : f32 to vector<16xf32>
        %select_n3A_1071 = arith.select %ne3A_985, %broadcast_in_dim3A_1069, %broadcast_in_dim3A_1070 : vector<16xi1>, vector<16xf32>
        %add3A_1072 = arith.addf %add3A_975, %select_n3A_1071 : vector<16xf32>
        %mul3A_1073 = arith.constant 128 : i32
        %mul3A_1074 = arith.muli %div3A_70, %mul3A_1073 : i32
        %add3A_1075 = arith.constant 96 : i32
        %add3A_1076 = arith.addi %mul3A_1074, %add3A_1075 : i32
        %multiple_of3A_1077 = tpu.assume_multiple %add3A_1076, 16 : i32
        %get3A_1078 = arith.index_cast %multiple_of3A_1077 : i32 to index
        %get3A_1079 = tpu.vector_load %arg7[%get3A_1078] {strides = array<i32>} : memref<256xi32, #tpu.memory_space<vmem>>, vector<16xi32>,
        %ne3A_1080 = arith.constant -1 : i32
        %ne3A_1081 = vector.broadcast %ne3A_1080 : i32 to vector<16xi32>
        %ne3A_1082 = arith.cmpi ne, %get3A_1079, %ne3A_1081 : vector<16xi32>
        %jit3A_1083 = arith.constant 0 : i32
        %broadcast_in_dim3A_1084 = vector.broadcast %jit3A_1083 : i32 to vector<16xi32>
        %select_n3A_1085 = arith.select %ne3A_1082, %get3A_1079, %broadcast_in_dim3A_1084 : vector<16xi1>, vector<16xi32>
        %sub3A_1086 = arith.subf %select_n3A_445, %max3A_401 : vector<16xf32>
        %bitcast_convert_type3A_1087 = tpu.bitcast %add3A_408 : vector<16xf32> -> vector<16xi32>
        %shift_right_arithmetic3A_1088 = arith.constant 23 : i32
        %shift_right_arithmetic3A_1089 = vector.broadcast %shift_right_arithmetic3A_1088 : i32 to vector<16xi32>
        %shift_right_arithmetic3A_1090 = arith.shrsi %bitcast_convert_type3A_1087, %shift_right_arithmetic3A_1089 : vector<16xi32>
        %and3A_1091 = arith.constant 255 : i32
        %and3A_1092 = vector.broadcast %and3A_1091 : i32 to vector<16xi32>
        %and3A_1093 = arith.andi %shift_right_arithmetic3A_1090, %and3A_1092 : vector<16xi32>
        %sub3A_1094 = arith.constant 127 : i32
        %sub3A_1095 = vector.broadcast %sub3A_1094 : i32 to vector<16xi32>
        %sub3A_1096 = arith.subi %and3A_1093, %sub3A_1095 : vector<16xi32>
        %and3A_1097 = arith.constant 8388607 : i32
        %and3A_1098 = vector.broadcast %and3A_1097 : i32 to vector<16xi32>
        %and3A_1099 = arith.andi %bitcast_convert_type3A_1087, %and3A_1098 : vector<16xi32>
        %or3A_1100 = arith.constant 1065353216 : i32
        %or3A_1101 = vector.broadcast %or3A_1100 : i32 to vector<16xi32>
        %or3A_1102 = arith.ori %and3A_1099, %or3A_1101 : vector<16xi32>
        %bitcast_convert_type3A_1103 = tpu.bitcast %or3A_1102 : vector<16xi32> -> vector<16xf32>
        %gt3A_1104 = arith.constant 1.41421354 : f32
        %gt3A_1105 = vector.broadcast %gt3A_1104 : f32 to vector<16xf32>
        %gt3A_1106 = arith.cmpf ogt, %bitcast_convert_type3A_1103, %gt3A_1105 : vector<16xf32>
        %mul3A_1107 = arith.constant 5.000000e-01 : f32
        %mul3A_1108 = vector.broadcast %mul3A_1107 : f32 to vector<16xf32>
        %mul3A_1109 = arith.mulf %bitcast_convert_type3A_1103, %mul3A_1108 : vector<16xf32>
        %select_n3A_1110 = arith.select %gt3A_1106, %mul3A_1109, %bitcast_convert_type3A_1103 : vector<16xi1>, vector<16xf32>
        %jit3A_1111 = arith.constant 1 : i32
        %jit3A_1112 = arith.constant 0 : i32
        %broadcast_in_dim3A_1113 = vector.broadcast %jit3A_1111 : i32 to vector<16xi32>
        %broadcast_in_dim3A_1114 = vector.broadcast %jit3A_1112 : i32 to vector<16xi32>
        %select_n3A_1115 = arith.select %gt3A_1106, %broadcast_in_dim3A_1113, %broadcast_in_dim3A_1114 : vector<16xi1>, vector<16xi32>
        %add3A_1116 = arith.addi %sub3A_1096, %select_n3A_1115 : vector<16xi32>
        %sub3A_1117 = arith.constant 1.000000e+00 : f32
        %sub3A_1118 = vector.broadcast %sub3A_1117 : f32 to vector<16xf32>
        %sub3A_1119 = arith.subf %select_n3A_1110, %sub3A_1118 : vector<16xf32>
        %add3A_1120 = arith.constant 1.000000e+00 : f32
        %add3A_1121 = vector.broadcast %add3A_1120 : f32 to vector<16xf32>
        %add3A_1122 = arith.addf %select_n3A_1110, %add3A_1121 : vector<16xf32>
        %div3A_1123 = arith.divf %sub3A_1119, %add3A_1122 : vector<16xf32>
        %mul3A_1124 = arith.mulf %div3A_1123, %div3A_1123 : vector<16xf32>
        %mul3A_1125 = arith.constant 0.142857149 : f32
        %mul3A_1126 = vector.broadcast %mul3A_1125 : f32 to vector<16xf32>
        %mul3A_1127 = arith.mulf %mul3A_1124, %mul3A_1126 : vector<16xf32>
        %add3A_1128 = arith.constant 2.000000e-01 : f32
        %add3A_1129 = vector.broadcast %add3A_1128 : f32 to vector<16xf32>
        %add3A_1130 = arith.addf %add3A_1129, %mul3A_1127 : vector<16xf32>
        %mul3A_1131 = arith.mulf %mul3A_1124, %add3A_1130 : vector<16xf32>
        %add3A_1132 = arith.constant 0.333333343 : f32
        %add3A_1133 = vector.broadcast %add3A_1132 : f32 to vector<16xf32>
        %add3A_1134 = arith.addf %add3A_1133, %mul3A_1131 : vector<16xf32>
        %mul3A_1135 = arith.mulf %mul3A_1124, %add3A_1134 : vector<16xf32>
        %add3A_1136 = arith.constant 1.000000e+00 : f32
        %add3A_1137 = vector.broadcast %add3A_1136 : f32 to vector<16xf32>
        %add3A_1138 = arith.addf %add3A_1137, %mul3A_1135 : vector<16xf32>
        %mul3A_1139 = arith.constant 2.000000e+00 : f32
        %mul3A_1140 = vector.broadcast %mul3A_1139 : f32 to vector<16xf32>
        %mul3A_1141 = arith.mulf %mul3A_1140, %div3A_1123 : vector<16xf32>
        %mul3A_1142 = arith.mulf %mul3A_1141, %add3A_1138 : vector<16xf32>
        %convert_element_type3A_1143 = arith.sitofp %add3A_1116 : vector<16xi32> to vector<16xf32>
        %mul3A_1144 = arith.constant 0.693147182 : f32
        %mul3A_1145 = vector.broadcast %mul3A_1144 : f32 to vector<16xf32>
        %mul3A_1146 = arith.mulf %convert_element_type3A_1143, %mul3A_1145 : vector<16xf32>
        %add3A_1147 = arith.addf %mul3A_1146, %mul3A_1142 : vector<16xf32>
        %sub3A_1148 = arith.subf %sub3A_1086, %add3A_1147 : vector<16xf32>
        %exp3A_1149 = math.exp %sub3A_1148 : vector<16xf32>
        %gather3A_1150 = tpu.vector_load_idx %arg8[%select_n3A_1085] : memref<1000xf32, #tpu.memory_space<vmem>>[vector<16xi32>], vector<16xf32>,
        %sub3A_1151 = arith.constant 1.000000e+00 : f32
        %sub3A_1152 = vector.broadcast %sub3A_1151 : f32 to vector<16xf32>
        %sub3A_1153 = arith.subf %sub3A_1152, %exp3A_1149 : vector<16xf32>
        %neg3A_1154 = arith.constant 0.000000e+00 : f32
        %neg3A_1155 = vector.broadcast %neg3A_1154 : f32 to vector<16xf32>
        %neg3A_1156 = arith.subf %neg3A_1155, %gather3A_1150 : vector<16xf32>
        %mul3A_1157 = arith.mulf %neg3A_1156, %sub3A_1153 : vector<16xf32>
        %mul3A_1158 = arith.mulf %mul3A_1157, %sub3A_1153 : vector<16xf32>
        %mul3A_1159 = arith.mulf %mul3A_1158, %sub3A_1148 : vector<16xf32>
        %jit3A_1160 = arith.constant 0.000000e+00 : f32
        %broadcast_in_dim3A_1161 = vector.broadcast %jit3A_1160 : f32 to vector<16xf32>
        %select_n3A_1162 = arith.select %ne3A_1082, %mul3A_1159, %broadcast_in_dim3A_1161 : vector<16xi1>, vector<16xf32>
        %add3A_1163 = arith.addf %add3A_1066, %select_n3A_1162 : vector<16xf32>
        %jit3A_1164 = arith.constant 1.000000e+00 : f32
        %jit3A_1165 = arith.constant 0.000000e+00 : f32
        %broadcast_in_dim3A_1166 = vector.broadcast %jit3A_1164 : f32 to vector<16xf32>
        %broadcast_in_dim3A_1167 = vector.broadcast %jit3A_1165 : f32 to vector<16xf32>
        %select_n3A_1168 = arith.select %ne3A_1082, %broadcast_in_dim3A_1166, %broadcast_in_dim3A_1167 : vector<16xi1>, vector<16xf32>
        %add3A_1169 = arith.addf %add3A_1072, %select_n3A_1168 : vector<16xf32>
        %mul3A_1170 = arith.constant 128 : i32
        %mul3A_1171 = arith.muli %div3A_70, %mul3A_1170 : i32
        %add3A_1172 = arith.constant 112 : i32
        %add3A_1173 = arith.addi %mul3A_1171, %add3A_1172 : i32
        %multiple_of3A_1174 = tpu.assume_multiple %add3A_1173, 16 : i32
        %get3A_1175 = arith.index_cast %multiple_of3A_1174 : i32 to index
        %get3A_1176 = tpu.vector_load %arg7[%get3A_1175] {strides = array<i32>} : memref<256xi32, #tpu.memory_space<vmem>>, vector<16xi32>,
        %ne3A_1177 = arith.constant -1 : i32
        %ne3A_1178 = vector.broadcast %ne3A_1177 : i32 to vector<16xi32>
        %ne3A_1179 = arith.cmpi ne, %get3A_1176, %ne3A_1178 : vector<16xi32>
        %jit3A_1180 = arith.constant 0 : i32
        %broadcast_in_dim3A_1181 = vector.broadcast %jit3A_1180 : i32 to vector<16xi32>
        %select_n3A_1182 = arith.select %ne3A_1179, %get3A_1176, %broadcast_in_dim3A_1181 : vector<16xi1>, vector<16xi32>
        %sub3A_1183 = arith.subf %select_n3A_490, %max3A_446 : vector<16xf32>
        %bitcast_convert_type3A_1184 = tpu.bitcast %add3A_453 : vector<16xf32> -> vector<16xi32>
        %shift_right_arithmetic3A_1185 = arith.constant 23 : i32
        %shift_right_arithmetic3A_1186 = vector.broadcast %shift_right_arithmetic3A_1185 : i32 to vector<16xi32>
        %shift_right_arithmetic3A_1187 = arith.shrsi %bitcast_convert_type3A_1184, %shift_right_arithmetic3A_1186 : vector<16xi32>
        %and3A_1188 = arith.constant 255 : i32
        %and3A_1189 = vector.broadcast %and3A_1188 : i32 to vector<16xi32>
        %and3A_1190 = arith.andi %shift_right_arithmetic3A_1187, %and3A_1189 : vector<16xi32>
        %sub3A_1191 = arith.constant 127 : i32
        %sub3A_1192 = vector.broadcast %sub3A_1191 : i32 to vector<16xi32>
        %sub3A_1193 = arith.subi %and3A_1190, %sub3A_1192 : vector<16xi32>
        %and3A_1194 = arith.constant 8388607 : i32
        %and3A_1195 = vector.broadcast %and3A_1194 : i32 to vector<16xi32>
        %and3A_1196 = arith.andi %bitcast_convert_type3A_1184, %and3A_1195 : vector<16xi32>
        %or3A_1197 = arith.constant 1065353216 : i32
        %or3A_1198 = vector.broadcast %or3A_1197 : i32 to vector<16xi32>
        %or3A_1199 = arith.ori %and3A_1196, %or3A_1198 : vector<16xi32>
        %bitcast_convert_type3A_1200 = tpu.bitcast %or3A_1199 : vector<16xi32> -> vector<16xf32>
        %gt3A_1201 = arith.constant 1.41421354 : f32
        %gt3A_1202 = vector.broadcast %gt3A_1201 : f32 to vector<16xf32>
        %gt3A_1203 = arith.cmpf ogt, %bitcast_convert_type3A_1200, %gt3A_1202 : vector<16xf32>
        %mul3A_1204 = arith.constant 5.000000e-01 : f32
        %mul3A_1205 = vector.broadcast %mul3A_1204 : f32 to vector<16xf32>
        %mul3A_1206 = arith.mulf %bitcast_convert_type3A_1200, %mul3A_1205 : vector<16xf32>
        %select_n3A_1207 = arith.select %gt3A_1203, %mul3A_1206, %bitcast_convert_type3A_1200 : vector<16xi1>, vector<16xf32>
        %jit3A_1208 = arith.constant 1 : i32
        %jit3A_1209 = arith.constant 0 : i32
        %broadcast_in_dim3A_1210 = vector.broadcast %jit3A_1208 : i32 to vector<16xi32>
        %broadcast_in_dim3A_1211 = vector.broadcast %jit3A_1209 : i32 to vector<16xi32>
        %select_n3A_1212 = arith.select %gt3A_1203, %broadcast_in_dim3A_1210, %broadcast_in_dim3A_1211 : vector<16xi1>, vector<16xi32>
        %add3A_1213 = arith.addi %sub3A_1193, %select_n3A_1212 : vector<16xi32>
        %sub3A_1214 = arith.constant 1.000000e+00 : f32
        %sub3A_1215 = vector.broadcast %sub3A_1214 : f32 to vector<16xf32>
        %sub3A_1216 = arith.subf %select_n3A_1207, %sub3A_1215 : vector<16xf32>
        %add3A_1217 = arith.constant 1.000000e+00 : f32
        %add3A_1218 = vector.broadcast %add3A_1217 : f32 to vector<16xf32>
        %add3A_1219 = arith.addf %select_n3A_1207, %add3A_1218 : vector<16xf32>
        %div3A_1220 = arith.divf %sub3A_1216, %add3A_1219 : vector<16xf32>
        %mul3A_1221 = arith.mulf %div3A_1220, %div3A_1220 : vector<16xf32>
        %mul3A_1222 = arith.constant 0.142857149 : f32
        %mul3A_1223 = vector.broadcast %mul3A_1222 : f32 to vector<16xf32>
        %mul3A_1224 = arith.mulf %mul3A_1221, %mul3A_1223 : vector<16xf32>
        %add3A_1225 = arith.constant 2.000000e-01 : f32
        %add3A_1226 = vector.broadcast %add3A_1225 : f32 to vector<16xf32>
        %add3A_1227 = arith.addf %add3A_1226, %mul3A_1224 : vector<16xf32>
        %mul3A_1228 = arith.mulf %mul3A_1221, %add3A_1227 : vector<16xf32>
        %add3A_1229 = arith.constant 0.333333343 : f32
        %add3A_1230 = vector.broadcast %add3A_1229 : f32 to vector<16xf32>
        %add3A_1231 = arith.addf %add3A_1230, %mul3A_1228 : vector<16xf32>
        %mul3A_1232 = arith.mulf %mul3A_1221, %add3A_1231 : vector<16xf32>
        %add3A_1233 = arith.constant 1.000000e+00 : f32
        %add3A_1234 = vector.broadcast %add3A_1233 : f32 to vector<16xf32>
        %add3A_1235 = arith.addf %add3A_1234, %mul3A_1232 : vector<16xf32>
        %mul3A_1236 = arith.constant 2.000000e+00 : f32
        %mul3A_1237 = vector.broadcast %mul3A_1236 : f32 to vector<16xf32>
        %mul3A_1238 = arith.mulf %mul3A_1237, %div3A_1220 : vector<16xf32>
        %mul3A_1239 = arith.mulf %mul3A_1238, %add3A_1235 : vector<16xf32>
        %convert_element_type3A_1240 = arith.sitofp %add3A_1213 : vector<16xi32> to vector<16xf32>
        %mul3A_1241 = arith.constant 0.693147182 : f32
        %mul3A_1242 = vector.broadcast %mul3A_1241 : f32 to vector<16xf32>
        %mul3A_1243 = arith.mulf %convert_element_type3A_1240, %mul3A_1242 : vector<16xf32>
        %add3A_1244 = arith.addf %mul3A_1243, %mul3A_1239 : vector<16xf32>
        %sub3A_1245 = arith.subf %sub3A_1183, %add3A_1244 : vector<16xf32>
        %exp3A_1246 = math.exp %sub3A_1245 : vector<16xf32>
        %gather3A_1247 = tpu.vector_load_idx %arg8[%select_n3A_1182] : memref<1000xf32, #tpu.memory_space<vmem>>[vector<16xi32>], vector<16xf32>,
        %sub3A_1248 = arith.constant 1.000000e+00 : f32
        %sub3A_1249 = vector.broadcast %sub3A_1248 : f32 to vector<16xf32>
        %sub3A_1250 = arith.subf %sub3A_1249, %exp3A_1246 : vector<16xf32>
        %neg3A_1251 = arith.constant 0.000000e+00 : f32
        %neg3A_1252 = vector.broadcast %neg3A_1251 : f32 to vector<16xf32>
        %neg3A_1253 = arith.subf %neg3A_1252, %gather3A_1247 : vector<16xf32>
        %mul3A_1254 = arith.mulf %neg3A_1253, %sub3A_1250 : vector<16xf32>
        %mul3A_1255 = arith.mulf %mul3A_1254, %sub3A_1250 : vector<16xf32>
        %mul3A_1256 = arith.mulf %mul3A_1255, %sub3A_1245 : vector<16xf32>
        %jit3A_1257 = arith.constant 0.000000e+00 : f32
        %broadcast_in_dim3A_1258 = vector.broadcast %jit3A_1257 : f32 to vector<16xf32>
        %select_n3A_1259 = arith.select %ne3A_1179, %mul3A_1256, %broadcast_in_dim3A_1258 : vector<16xi1>, vector<16xf32>
        %add3A_1260 = arith.addf %add3A_1163, %select_n3A_1259 : vector<16xf32>
        %jit3A_1261 = arith.constant 1.000000e+00 : f32
        %jit3A_1262 = arith.constant 0.000000e+00 : f32
        %broadcast_in_dim3A_1263 = vector.broadcast %jit3A_1261 : f32 to vector<16xf32>
        %broadcast_in_dim3A_1264 = vector.broadcast %jit3A_1262 : f32 to vector<16xf32>
        %select_n3A_1265 = arith.select %ne3A_1179, %broadcast_in_dim3A_1263, %broadcast_in_dim3A_1264 : vector<16xi1>, vector<16xf32>
        %add3A_1266 = arith.addf %add3A_1169, %select_n3A_1265 : vector<16xf32>
        %broadcast_in_dim3A_1267 = arith.constant 0.000000e+00 : f32
        %broadcast_in_dim3A_1268 = vector.broadcast %broadcast_in_dim3A_1267 : f32 to vector<16xf32>
        %broadcast_in_dim3A_1269 = arith.constant -3.000000e+38 : f32
        %broadcast_in_dim3A_1270 = vector.broadcast %broadcast_in_dim3A_1269 : f32 to vector<16xf32>
        scf.yield %broadcast_in_dim3A_1270, %broadcast_in_dim3A_1270, %broadcast_in_dim3A_1270, %broadcast_in_dim3A_1270, %broadcast_in_dim3A_1270, %broadcast_in_dim3A_1270, %broadcast_in_dim3A_1270, %broadcast_in_dim3A_1270, %broadcast_in_dim3A_1268, %broadcast_in_dim3A_1268, %broadcast_in_dim3A_1268, %broadcast_in_dim3A_1268, %broadcast_in_dim3A_1268, %broadcast_in_dim3A_1268, %broadcast_in_dim3A_1268, %broadcast_in_dim3A_1268, %broadcast_in_dim3A_1268, %broadcast_in_dim3A_1268, %broadcast_in_dim3A_1268, %broadcast_in_dim3A_1268, %broadcast_in_dim3A_1268, %broadcast_in_dim3A_1268, %broadcast_in_dim3A_1268, %broadcast_in_dim3A_1268, %add3A_1260, %add3A_1266 : vector<16xf32>, vector<16xf32>, vector<16xf32>, vector<16xf32>, vector<16xf32>, vector<16xf32>, vector<16xf32>, vector<16xf32>, vector<16xf32>, vector<16xf32>, vector<16xf32>, vector<16xf32>, vector<16xf32>, vector<16xf32>, vector<16xf32>, vector<16xf32>, vector<16xf32>, vector<16xf32>, vector<16xf32>, vector<16xf32>, vector<16xf32>, vector<16xf32>, vector<16xf32>, vector<16xf32>, vector<16xf32>, vector<16xf32>
      } else {
        scf.yield %max3A, %max3A_176, %max3A_221, %max3A_266, %max3A_311, %max3A_356, %max3A_401, %max3A_446, %add3A_147, %add3A_183, %add3A_228, %add3A_273, %add3A_318, %add3A_363, %add3A_408, %add3A_453, %select_n3A_175, %select_n3A_220, %select_n3A_265, %select_n3A_310, %select_n3A_355, %select_n3A_400, %select_n3A_445, %select_n3A_490, %scan3A_66, %scan3A_67 : vector<16xf32>, vector<16xf32>, vector<16xf32>, vector<16xf32>, vector<16xf32>, vector<16xf32>, vector<16xf32>, vector<16xf32>, vector<16xf32>, vector<16xf32>, vector<16xf32>, vector<16xf32>, vector<16xf32>, vector<16xf32>, vector<16xf32>, vector<16xf32>, vector<16xf32>, vector<16xf32>, vector<16xf32>, vector<16xf32>, vector<16xf32>, vector<16xf32>, vector<16xf32>, vector<16xf32>, vector<16xf32>, vector<16xf32>
      }
      scf.yield %cond3A_495#0, %cond3A_495#1, %cond3A_495#2, %cond3A_495#3, %cond3A_495#4, %cond3A_495#5, %cond3A_495#6, %cond3A_495#7, %cond3A_495#8, %cond3A_495#9, %cond3A_495#10, %cond3A_495#11, %cond3A_495#12, %cond3A_495#13, %cond3A_495#14, %cond3A_495#15, %cond3A_495#16, %cond3A_495#17, %cond3A_495#18, %cond3A_495#19, %cond3A_495#20, %cond3A_495#21, %cond3A_495#22, %cond3A_495#23, %cond3A_495#24, %cond3A_495#25 : vector<16xf32>, vector<16xf32>, vector<16xf32>, vector<16xf32>, vector<16xf32>, vector<16xf32>, vector<16xf32>, vector<16xf32>, vector<16xf32>, vector<16xf32>, vector<16xf32>, vector<16xf32>, vector<16xf32>, vector<16xf32>, vector<16xf32>, vector<16xf32>, vector<16xf32>, vector<16xf32>, vector<16xf32>, vector<16xf32>, vector<16xf32>, vector<16xf32>, vector<16xf32>, vector<16xf32>, vector<16xf32>, vector<16xf32>
    }
    %scan3A_33 = arith.constant 10 : i32
    %swap3A = arith.constant 0 : i32
    %swap3A_34 = arith.index_cast %swap3A : i32 to index
    %swap3A_35 = arith.constant 0 : index
    %swap3A_36 = tpu.vector_load %arg9[%swap3A_34, %swap3A_35] {strides = array<i32>} : memref<2x16xf32, #tpu.memory_space<vmem>>, vector<16xf32>,
    tpu.vector_store %arg9[%swap3A_34, %swap3A_35], %scan3A_32#24 {strides = array<i32>} : memref<2x16xf32, #tpu.memory_space<vmem>>, vector<16xf32>,
    %swap3A_37 = arith.constant 1 : i32
    %swap3A_38 = arith.index_cast %swap3A_37 : i32 to index
    %swap3A_39 = arith.constant 0 : index
    %swap3A_40 = tpu.vector_load %arg9[%swap3A_38, %swap3A_39] {strides = array<i32>} : memref<2x16xf32, #tpu.memory_space<vmem>>, vector<16xf32>,
    tpu.vector_store %arg9[%swap3A_38, %swap3A_39], %scan3A_32#25 {strides = array<i32>} : memref<2x16xf32, #tpu.memory_space<vmem>>, vector<16xf32>,
    "tpu.region"() ({
      %run_scoped3A = tpu.sem_alloc : memref<!tpu.dma_semaphore, #tpu.memory_space<semaphore_mem>>
      %dma_start3A_41 = arith.constant 0 : i32
      %dma_start3A_42 = arith.constant 0 : i32
      %dma_start3A_43 = tpu.memref_slice %arg5[%add3A, %dma_start3A_41, %dma_start3A_42] : memref<32x2x16xf32, #tpu.memory_space<hbm>> -> memref<1x2x16xf32, #tpu.memory_space<hbm>>
      %dma_start3A_44 = tpu.memref_squeeze %dma_start3A_43 : memref<1x2x16xf32, #tpu.memory_space<hbm>> -> memref<2x16xf32, #tpu.memory_space<hbm>>
      %dma_start3A_45 = arith.constant 0 : i32
      %dma_start3A_46 = arith.constant 0 : i32
      %dma_start3A_47 = tpu.memref_slice %arg5[%add3A, %dma_start3A_45, %dma_start3A_46] : memref<32x2x16xf32, #tpu.memory_space<hbm>> -> memref<1x2x16xf32, #tpu.memory_space<hbm>>
      %dma_start3A_48 = tpu.memref_squeeze %dma_start3A_47 : memref<1x2x16xf32, #tpu.memory_space<hbm>> -> memref<2x16xf32, #tpu.memory_space<hbm>>
      tpu.enqueue_dma source(%arg9 : memref<2x16xf32, #tpu.memory_space<vmem>>) target(%dma_start3A_48 : memref<2x16xf32, #tpu.memory_space<hbm>>) target_semaphore(%run_scoped3A : memref<!tpu.dma_semaphore, #tpu.memory_space<semaphore_mem>>)
      %dma_wait3A = arith.constant 0 : i32
      %dma_wait3A_49 = arith.constant 0 : i32
      %dma_wait3A_50 = tpu.memref_slice %arg5[%add3A, %dma_wait3A, %dma_wait3A_49] : memref<32x2x16xf32, #tpu.memory_space<hbm>> -> memref<1x2x16xf32, #tpu.memory_space<hbm>>
      %dma_wait3A_51 = tpu.memref_squeeze %dma_wait3A_50 : memref<1x2x16xf32, #tpu.memory_space<hbm>> -> memref<2x16xf32, #tpu.memory_space<hbm>>
      %dma_wait3A_52 = arith.constant 0 : i32
      %dma_wait3A_53 = arith.constant 0 : i32
      %dma_wait3A_54 = tpu.memref_slice %arg5[%add3A, %dma_wait3A_52, %dma_wait3A_53] : memref<32x2x16xf32, #tpu.memory_space<hbm>> -> memref<1x2x16xf32, #tpu.memory_space<hbm>>
      %dma_wait3A_55 = tpu.memref_squeeze %dma_wait3A_54 : memref<1x2x16xf32, #tpu.memory_space<hbm>> -> memref<2x16xf32, #tpu.memory_space<hbm>>
      tpu.wait_dma2 semaphore(%run_scoped3A : memref<!tpu.dma_semaphore, #tpu.memory_space<semaphore_mem>>) src(%arg9 : memref<2x16xf32, #tpu.memory_space<vmem>>) dst(%dma_wait3A_55 : memref<2x16xf32, #tpu.memory_space<hbm>>)
      tpu.yield
    }) : () -> ()
    return
  }
}

module attributes {stable_mosaic.version = 14 : i64} {
  func.func @_tc_body(%arg0: i32, %arg1: memref<1000x1024xf32, #tpu.memory_space<vmem>>, %arg2: memref<1x1x1024xi32, #tpu.memory_space<vmem>>, %arg3: memref<1000x128xf32, #tpu.memory_space<vmem>>, %arg4: memref<1x1x1xf32, #tpu.memory_space<smem>>, %arg5: memref<1x1x1xf32, #tpu.memory_space<smem>>) attributes {dimension_semantics = [#tpu.dimension_semantics<arbitrary>], iteration_bounds = array<i64: 8>, scalar_prefetch = 0 : i64, scratch_operands = 0 : i64, tpu.core_type = #tpu.core_type<tc>, window_params = [{transform_indices = @transform_0, window_bounds = array<i64: 1000, 1024>}, {transform_indices = @transform_1, window_bounds = array<i64: 1, 1, 1024>}, {pipeline_mode = #tpu.pipeline_mode<synchronous>, transform_indices = @transform_2, window_bounds = array<i64: 1000, 128>}, {transform_indices = @transform_3, window_bounds = array<i64: 1, 1, 1>}, {transform_indices = @transform_4, window_bounds = array<i64: 1, 1, 1>}]} {
    %get3A = arith.constant 0 : index
    %get3A_0 = arith.constant 0 : index
    %get3A_1 = vector.load %arg1[%get3A, %get3A_0] : memref<1000x1024xf32, #tpu.memory_space<vmem>>, vector<1000x1024xf32>
    %get3A_2 = arith.constant 0 : index
    %get3A_3 = arith.constant 0 : index
    %get3A_4 = arith.constant 0 : index
    %get3A_5 = vector.load %arg2[%get3A_2, %get3A_3, %get3A_4] : memref<1x1x1024xi32, #tpu.memory_space<vmem>>, vector<1x1x1024xi32>
    %get3A_6 = vector.shape_cast %get3A_5 : vector<1x1x1024xi32> to vector<1024xi32>
    %ne3A = arith.constant -1 : i32
    %ne3A_7 = vector.broadcast %ne3A : i32 to vector<1024xi32>
    %ne3A_8 = arith.cmpi ne, %get3A_6, %ne3A_7 : vector<1024xi32>
    %jit3A = arith.constant 0 : i32
    %broadcast_in_dim3A = vector.broadcast %jit3A : i32 to vector<1024xi32>
    %select_n3A = arith.select %ne3A_8, %get3A_6, %broadcast_in_dim3A : vector<1024xi1>, vector<1024xi32>
    %iota3A = tpu.iota {dimensions = array<i32: 0>} : vector<1000x1024xi32>
    %broadcast_in_dim3A_9 = vector.shape_cast %select_n3A : vector<1024xi32> to vector<1x1024xi32>
    %eq3A = vector.broadcast %broadcast_in_dim3A_9 : vector<1x1024xi32> to vector<1000x1024xi32>
    %eq3A_10 = arith.cmpi eq, %iota3A, %eq3A : vector<1000x1024xi32>
    %reduce_max3A = arith.constant dense<0xFF800000> : vector<1024xf32>
    %reduce_max3A_11 = vector.multi_reduction <maximumf>, %get3A_1, %reduce_max3A [0] : vector<1000x1024xf32> to vector<1024xf32>
    %broadcast_in_dim3A_12 = vector.shape_cast %reduce_max3A_11 : vector<1024xf32> to vector<1x1024xf32>
    %sub3A = vector.broadcast %broadcast_in_dim3A_12 : vector<1x1024xf32> to vector<1000x1024xf32>
    %sub3A_13 = arith.subf %get3A_1, %sub3A : vector<1000x1024xf32>
    %exp3A = math.exp %sub3A_13 : vector<1000x1024xf32>
    %reduce_sum3A = arith.constant dense<0.000000e+00> : vector<1024xf32>
    %reduce_sum3A_14 = vector.multi_reduction <add>, %exp3A, %reduce_sum3A [0] : vector<1000x1024xf32> to vector<1024xf32>
    %jit3A_15 = arith.constant 0.000000e+00 : f32
    %broadcast_in_dim3A_16 = vector.broadcast %jit3A_15 : f32 to vector<1000x1024xf32>
    %select_n3A_17 = arith.select %eq3A_10, %get3A_1, %broadcast_in_dim3A_16 : vector<1000x1024xi1>, vector<1000x1024xf32>
    %reduce_sum3A_18 = arith.constant dense<0.000000e+00> : vector<1024xf32>
    %reduce_sum3A_19 = vector.multi_reduction <add>, %select_n3A_17, %reduce_sum3A_18 [0] : vector<1000x1024xf32> to vector<1024xf32>
    %get3A_20 = arith.constant 0 : index
    %get3A_21 = arith.constant 0 : index
    %get3A_22 = vector.load %arg3[%get3A_20, %get3A_21] : memref<1000x128xf32, #tpu.memory_space<vmem>>, vector<1000x1xf32>
    %broadcast_in_dim3A_23 = vector.shape_cast %get3A_22 : vector<1000x1xf32> to vector<1000x1xf32>
    %broadcast_in_dim3A_24 = vector.broadcast %broadcast_in_dim3A_23 : vector<1000x1xf32> to vector<1000x1024xf32>
    %jit3A_25 = arith.constant 0.000000e+00 : f32
    %broadcast_in_dim3A_26 = vector.broadcast %jit3A_25 : f32 to vector<1000x1024xf32>
    %select_n3A_27 = arith.select %eq3A_10, %broadcast_in_dim3A_24, %broadcast_in_dim3A_26 : vector<1000x1024xi1>, vector<1000x1024xf32>
    %reduce_sum3A_28 = arith.constant dense<0.000000e+00> : vector<1024xf32>
    %reduce_sum3A_29 = vector.multi_reduction <add>, %select_n3A_27, %reduce_sum3A_28 [0] : vector<1000x1024xf32> to vector<1024xf32>
    %sub3A_30 = arith.subf %reduce_sum3A_19, %reduce_max3A_11 : vector<1024xf32>
    %log3A = math.log %reduce_sum3A_14 : vector<1024xf32>
    %sub3A_31 = arith.subf %sub3A_30, %log3A : vector<1024xf32>
    %exp3A_32 = math.exp %sub3A_31 : vector<1024xf32>
    %sub3A_33 = arith.constant 1.000000e+00 : f32
    %sub3A_34 = vector.broadcast %sub3A_33 : f32 to vector<1024xf32>
    %sub3A_35 = arith.subf %sub3A_34, %exp3A_32 : vector<1024xf32>
    %neg3A = arith.constant 0.000000e+00 : f32
    %neg3A_36 = vector.broadcast %neg3A : f32 to vector<1024xf32>
    %neg3A_37 = arith.subf %neg3A_36, %reduce_sum3A_29 : vector<1024xf32>
    %mul3A = arith.mulf %neg3A_37, %sub3A_35 : vector<1024xf32>
    %mul3A_38 = arith.mulf %mul3A, %sub3A_35 : vector<1024xf32>
    %mul3A_39 = arith.mulf %mul3A_38, %sub3A_31 : vector<1024xf32>
    %convert_element_type3A = arith.extui %ne3A_8 : vector<1024xi1> to vector<1024xi32>
    %convert_element_type3A_40 = arith.sitofp %convert_element_type3A : vector<1024xi32> to vector<1024xf32>
    %mul3A_41 = arith.mulf %mul3A_39, %convert_element_type3A_40 : vector<1024xf32>
    %reduce_sum3A_42 = vector.shape_cast %mul3A_41 : vector<1024xf32> to vector<1x1024xf32>
    %reduce_sum3A_43 = arith.constant dense<0.000000e+00> : vector<1xf32>
    %reduce_sum3A_44 = vector.multi_reduction <add>, %reduce_sum3A_42, %reduce_sum3A_43 [1] : vector<1x1024xf32> to vector<1xf32>
    %reduce_sum3A_45 = vector.shape_cast %reduce_sum3A_44 : vector<1xf32> to vector<1x1xf32>
    %reduce_sum3A_46 = vector.extract %reduce_sum3A_45[0, 0] : f32 from vector<1x1xf32>
    %swap3A = arith.constant 0 : index
    %swap3A_47 = arith.constant 0 : index
    %swap3A_48 = arith.constant 0 : index
    %swap3A_49 = memref.load %arg4[%swap3A, %swap3A_47, %swap3A_48] : memref<1x1x1xf32, #tpu.memory_space<smem>>
    memref.store %reduce_sum3A_46, %arg4[%swap3A, %swap3A_47, %swap3A_48] : memref<1x1x1xf32, #tpu.memory_space<smem>>
    %reduce_sum3A_50 = vector.shape_cast %convert_element_type3A_40 : vector<1024xf32> to vector<1x1024xf32>
    %reduce_sum3A_51 = arith.constant dense<0.000000e+00> : vector<1xf32>
    %reduce_sum3A_52 = vector.multi_reduction <add>, %reduce_sum3A_50, %reduce_sum3A_51 [1] : vector<1x1024xf32> to vector<1xf32>
    %reduce_sum3A_53 = vector.shape_cast %reduce_sum3A_52 : vector<1xf32> to vector<1x1xf32>
    %reduce_sum3A_54 = vector.extract %reduce_sum3A_53[0, 0] : f32 from vector<1x1xf32>
    %swap3A_55 = arith.constant 0 : index
    %swap3A_56 = arith.constant 0 : index
    %swap3A_57 = arith.constant 0 : index
    %swap3A_58 = memref.load %arg5[%swap3A_55, %swap3A_56, %swap3A_57] : memref<1x1x1xf32, #tpu.memory_space<smem>>
    memref.store %reduce_sum3A_54, %arg5[%swap3A_55, %swap3A_56, %swap3A_57] : memref<1x1x1xf32, #tpu.memory_space<smem>>
    return
  }
  func.func @transform_0(%arg0: i32) -> (i32, i32) {
    %add3A = arith.constant 8 : i32
    %add3A_0 = arith.addi %arg0, %add3A : i32
    %c0_i32 = arith.constant 0 : i32
    %c0_i32_1 = arith.constant 0 : i32
    return %c0_i32, %add3A_0 : i32, i32
  }
  func.func @transform_1(%arg0: i32) -> (i32, i32, i32) {
    %c0_i32 = arith.constant 0 : i32
    %c0_i32_0 = arith.constant 0 : i32
    %c0_i32_1 = arith.constant 0 : i32
    return %arg0, %c0_i32, %c0_i32_0 : i32, i32, i32
  }
  func.func @transform_2(%arg0: i32) -> (i32, i32) {
    %c0_i32 = arith.constant 0 : i32
    %c0_i32_0 = arith.constant 0 : i32
    %c0_i32_1 = arith.constant 0 : i32
    return %c0_i32, %c0_i32_0 : i32, i32
  }
  func.func @transform_3(%arg0: i32) -> (i32, i32, i32) {
    %c0_i32 = arith.constant 0 : i32
    %c0_i32_0 = arith.constant 0 : i32
    %c0_i32_1 = arith.constant 0 : i32
    return %arg0, %c0_i32, %c0_i32_0 : i32, i32, i32
  }
  func.func @transform_4(%arg0: i32) -> (i32, i32, i32) {
    %c0_i32 = arith.constant 0 : i32
    %c0_i32_0 = arith.constant 0 : i32
    %c0_i32_1 = arith.constant 0 : i32
    return %arg0, %c0_i32, %c0_i32_0 : i32, i32, i32
  }
}

module attributes {stable_mosaic.version = 14 : i64} {
  func.func @_combine_body(%arg0: memref<32x2x16xf32, #tpu.memory_space<vmem>>, %arg1: memref<8x1x1xf32, #tpu.memory_space<vmem>>, %arg2: memref<8x1x1xf32, #tpu.memory_space<vmem>>, %arg3: memref<1x1xf32, #tpu.memory_space<smem>>) attributes {dimension_semantics = [], scalar_prefetch = 0 : i64, scratch_operands = 0 : i64, tpu.core_type = #tpu.core_type<tc>} {
    %get3A = arith.constant 0 : index
    %get3A_0 = arith.constant 0 : index
    %get3A_1 = arith.constant 0 : index
    %get3A_2 = vector.load %arg0[%get3A, %get3A_0, %get3A_1] : memref<32x2x16xf32, #tpu.memory_space<vmem>>, vector<32x1x16xf32>
    %get3A_3 = vector.shape_cast %get3A_2 : vector<32x1x16xf32> to vector<32x16xf32>
    %reduce_sum3A = vector.shape_cast %get3A_3 : vector<32x16xf32> to vector<1x32x16xf32>
    %reduce_sum3A_4 = arith.constant dense<0.000000e+00> : vector<1xf32>
    %reduce_sum3A_5 = vector.multi_reduction <add>, %reduce_sum3A, %reduce_sum3A_4 [1, 2] : vector<1x32x16xf32> to vector<1xf32>
    %reduce_sum3A_6 = vector.shape_cast %reduce_sum3A_5 : vector<1xf32> to vector<1x1x1xf32>
    %reduce_sum3A_7 = vector.extract %reduce_sum3A_6[0, 0, 0] : f32 from vector<1x1x1xf32>
    %get3A_8 = arith.constant 0 : index
    %get3A_9 = arith.constant 0 : index
    %get3A_10 = arith.constant 0 : index
    %get3A_11 = vector.load %arg1[%get3A_8, %get3A_9, %get3A_10] : memref<8x1x1xf32, #tpu.memory_space<vmem>>, vector<8x1x1xf32>
    %reduce_sum3A_12 = vector.shape_cast %get3A_11 : vector<8x1x1xf32> to vector<1x8x1x1xf32>
    %reduce_sum3A_13 = arith.constant dense<0.000000e+00> : vector<1xf32>
    %reduce_sum3A_14 = vector.multi_reduction <add>, %reduce_sum3A_12, %reduce_sum3A_13 [1, 2, 3] : vector<1x8x1x1xf32> to vector<1xf32>
    %reduce_sum3A_15 = vector.shape_cast %reduce_sum3A_14 : vector<1xf32> to vector<1x1x1x1xf32>
    %reduce_sum3A_16 = vector.extract %reduce_sum3A_15[0, 0, 0, 0] : f32 from vector<1x1x1x1xf32>
    %add3A = arith.addf %reduce_sum3A_7, %reduce_sum3A_16 : f32
    %get3A_17 = arith.constant 0 : index
    %get3A_18 = arith.constant 1 : index
    %get3A_19 = arith.constant 0 : index
    %get3A_20 = vector.load %arg0[%get3A_17, %get3A_18, %get3A_19] : memref<32x2x16xf32, #tpu.memory_space<vmem>>, vector<32x1x16xf32>
    %get3A_21 = vector.shape_cast %get3A_20 : vector<32x1x16xf32> to vector<32x16xf32>
    %reduce_sum3A_22 = vector.shape_cast %get3A_21 : vector<32x16xf32> to vector<1x32x16xf32>
    %reduce_sum3A_23 = arith.constant dense<0.000000e+00> : vector<1xf32>
    %reduce_sum3A_24 = vector.multi_reduction <add>, %reduce_sum3A_22, %reduce_sum3A_23 [1, 2] : vector<1x32x16xf32> to vector<1xf32>
    %reduce_sum3A_25 = vector.shape_cast %reduce_sum3A_24 : vector<1xf32> to vector<1x1x1xf32>
    %reduce_sum3A_26 = vector.extract %reduce_sum3A_25[0, 0, 0] : f32 from vector<1x1x1xf32>
    %get3A_27 = arith.constant 0 : index
    %get3A_28 = arith.constant 0 : index
    %get3A_29 = arith.constant 0 : index
    %get3A_30 = vector.load %arg2[%get3A_27, %get3A_28, %get3A_29] : memref<8x1x1xf32, #tpu.memory_space<vmem>>, vector<8x1x1xf32>
    %reduce_sum3A_31 = vector.shape_cast %get3A_30 : vector<8x1x1xf32> to vector<1x8x1x1xf32>
    %reduce_sum3A_32 = arith.constant dense<0.000000e+00> : vector<1xf32>
    %reduce_sum3A_33 = vector.multi_reduction <add>, %reduce_sum3A_31, %reduce_sum3A_32 [1, 2, 3] : vector<1x8x1x1xf32> to vector<1xf32>
    %reduce_sum3A_34 = vector.shape_cast %reduce_sum3A_33 : vector<1xf32> to vector<1x1x1x1xf32>
    %reduce_sum3A_35 = vector.extract %reduce_sum3A_34[0, 0, 0, 0] : f32 from vector<1x1x1x1xf32>
    %add3A_36 = arith.addf %reduce_sum3A_26, %reduce_sum3A_35 : f32
    %max3A = arith.constant 1.000000e+00 : f32
    %max3A_37 = arith.maximumf %add3A_36, %max3A : f32
    %div3A = arith.divf %add3A, %max3A_37 : f32
    %swap3A = arith.constant 0 : index
    %swap3A_38 = arith.constant 0 : index
    %swap3A_39 = memref.load %arg3[%swap3A, %swap3A_38] : memref<1x1xf32, #tpu.memory_space<smem>>
    memref.store %div3A, %arg3[%swap3A, %swap3A_38] : memref<1x1xf32, #tpu.memory_space<smem>>
    return
  }
}

</mosaic_0001>

<sc_bundles>
// kernel: kernel.5.cloned.1.call-start
scs
__scs_entry_jumppad:
0x0: {  	(pc) =	sbr.rel $0x88, $3  }
0x1: {  	(tag) =	ssettag $0x0;
	lr =	simm.s32 $0x1  }
0x2: {  	[smem:$0x3F9E] =	sst lr;
	_ =	strace $0xD0000000  }
0x3: {  	_ = 	snop  }
0x4: {  	_ = 	snop  }
0x5: {  	_ = 	snop  }
0x6: {  	_ = 	snop  }
0x7: {  	_ = 	snop  }
__scs_overlays_trampoline_lowered:
0x8: {  	[smem:$0x3FAD] =	sst s0  }
0x9: {  	[smem:$0x3FAE] =	sst s1  }
0xa: {  	[smem:$0x3FAF] =	sst s2  }
0xb: {  	[smem:$0x3FB0] =	sst s3  }
0xc: {  	[smem:$0x3FB1] =	sst s4  }
0xd: {  	[smem:$0x3FB2] =	sst s5  }
0xe: {  	[smem:$0x3FB3] =	sst s6  }
0xf: {  	[smem:$0x3FB4] =	sst s7  }
0x10: {  	[smem:$0x3FB5] =	sst s8  }
0x11: {  	[smem:$0x3FB6] =	sst s9;
	s0 =	simm.s32 @!p0 $0x0  }
0x12: {  	s1 =	sld [smem:$0x3F9C];
	s0 =	simm.s32 @p0 $0x1  }
0x13: {  	[smem:$0x3FB7] =	sst s0;
	s0 =	simm.s32 @!p1 $0x0  }
0x14: {  	s2 =	sld [smem:$0x3F9B];
	s0 =	simm.s32 @p1 $0x1  }
0x15: {  	[smem:$0x3FB8] =	sst s0;
	s0 =	simm.s32 @!p2 $0x0  }
0x16: {  	s3 =	sld [smem:$0x3FDB];
	s0 =	simm.s32 @p2 $0x1  }
0x17: {  	s4 =	simm.s32 $0x1BF5;
	[smem:$0x3FBA] =	sst s0  }
0x18: {  	s0 =	sld [smem:$0x3F9D];
	_ =	swait.ge [sflag:s4], $0x0  }
0x19: {  	s7 =	sld [smem:$0x3F9E]  }
0x1a: {  	s8 =	sadd.s32 $0xFFFFE003, lr  }
0x1b: {  	s9 =	sadd.s32 $0xFFFFFEF7, lr;
	s5 =	simm.s32 $0xFFFFFFFF;
	p2 =	slt.u32 s8, $0xFFFFF086  }
0x1c: {  	p1 =	slt.u32 s9, $0xF7A;
	s5 =	simm.s32 @!p2 $0x0  }
0x1d: {  	s5 =	simm.s32 @p1 $0x1;
	p0 =	seq.s32 s7, s2  }
0x1e: {  	s7 =	smul.u32 @!p0 $0xF7A, s2;
	p2 =	seq.s32 @!p0 s5, $0x0  }
0x1f: {  	s9 =	smul.u32 $0xF7A, s1;
	s8 =	simm.s32 @!p0 $0x1BF5;
	p2 =	por !p2, p0  }
0x20: {  	[sflag:s8] =	ssyncset.s32 @!p0 $0xFFFFF086;
	s6 =	sadd.s32 @!p0 s3, s7;
	s7 =	simm.s32 @!p0 $0x108  }
0x21: {  	s3 =	sadd.s32 s3, s9;
	s6 =	sadd.s32 @!p0 $0x88, s6;
	s7 =	simm.s32 @p2 $0x1082  }
0x22: {  	[simem:s7], [sflag:s8] =	dma.local @!p0 [hbm:s6], $0xF7A  }
0x23: {  	s9 =	sor.u32 $0xD0000000, s2;
	s6 =	simm.s32 $0x108;
	_ =	swait.ge @!p0 [sflag:s8], $0x0  }
0x24: {  	s3 =	sadd.s32 $0x88, s3;
	s6 =	simm.s32 @!p1 $0x1082;
	[sflag:s4] =	ssyncset.s32 $0xFFFFF086  }
0x25: {  	[simem:s6], [sflag:s4] =	dma.local [hbm:s3], $0xF7A  }
0x26: {  	[smem:$0x3F9E] =	sst s1;
	(tag) =	ssettag s2;
	_ =	strace s9  }
0x27: {  	s1 =	sld [smem:$0x3FAE]  }
0x28: {  	s2 =	sld [smem:$0x3FAF]  }
0x29: {  	s4 =	sld [smem:$0x3FB1]  }
0x2a: {  	p0 =	seq.s32 s5, $0x0;
	s5 =	sld [smem:$0x3FB2]  }
0x2b: {  	s6 =	sld [smem:$0x3FB3]  }
0x2c: {  	s7 =	sld [smem:$0x3FB4]  }
0x2d: {  	s3 =	simm.s32 $0x108;
	s8 =	sld [smem:$0x3FB5]  }
0x2e: {  	s3 =	simm.s32 @!p0 $0x1082;
	s9 =	sld [smem:$0x3FB6]  }
0x2f: {  	lr =	sadd.s32 s0, s3;
	s0 =	sld [smem:$0x3FAD]  }
0x30: {  	s3 =	sld [smem:$0x3FB0]  }
0x31: {  	[smem:$0x3FB9] =	sst s10  }
0x32: {  	s10 =	sld [smem:$0x3FB7];
	_ =	sdelay $0x3  }
0x33: {  	p0 =	seq.s32 s10, $0x1;
	s10 =	sld [smem:$0x3FB9];
	_ =	sdelay $0x3  }
0x34: {  	[smem:$0x3FB9] =	sst s10  }
0x35: {  	s10 =	sld [smem:$0x3FB8];
	_ =	sdelay $0x3  }
0x36: {  	p1 =	seq.s32 s10, $0x1;
	s10 =	sld [smem:$0x3FB9];
	_ =	sdelay $0x3  }
0x37: {  	[smem:$0x3FB9] =	sst s10  }
0x38: {  	s10 =	sld [smem:$0x3FBA]  }
0x39: {  	_ = 	snop;
	(pc) =	sbr.ind lr, $3  }
0x3a: {  	_ = 	snop  }
0x3b: {  	_ = 	snop  }
0x3c: {  	p2 =	seq.s32 s10, $0x1;
	s10 =	sld [smem:$0x3FB9]  }
0x3d: {  	_ =	shalt  }
0x3e: {  	_ =	shalt  }
0x3f: {  	_ =	shalt  }
0x40: {  	_ =	shalt  }
0x41: {  	_ =	shalt  }
0x42: {  	_ =	shalt  }
0x43: {  	_ =	shalt  }
0x44: {  	_ =	shalt  }
0x45: {  	_ =	shalt  }
0x46: {  	_ =	shalt  }
0x47: {  	_ =	shalt  }
0x48: {  	_ =	shalt  }
0x49: {  	_ =	shalt  }
0x4a: {  	_ =	shalt  }
0x4b: {  	_ =	shalt  }
0x4c: {  	_ =	shalt  }
0x4d: {  	_ =	shalt  }
0x4e: {  	_ =	shalt  }
0x4f: {  	_ =	shalt  }
0x50: {  	_ =	shalt  }
0x51: {  	_ =	shalt  }
0x52: {  	_ =	shalt  }
0x53: {  	_ =	shalt  }
0x54: {  	_ =	shalt  }
0x55: {  	_ =	shalt  }
0x56: {  	_ =	shalt  }
0x57: {  	_ =	shalt  }
0x58: {  	_ =	shalt  }
0x59: {  	_ =	shalt  }
0x5a: {  	_ =	shalt  }
0x5b: {  	_ =	shalt  }
0x5c: {  	_ =	shalt  }
0x5d: {  	_ =	shalt  }
0x5e: {  	_ =	shalt  }
0x5f: {  	_ =	shalt  }
0x60: {  	_ =	shalt  }
0x61: {  	_ =	shalt  }
0x62: {  	_ =	shalt  }
0x63: {  	_ =	shalt  }
0x64: {  	_ =	shalt  }
0x65: {  	_ =	shalt  }
0x66: {  	_ =	shalt  }
0x67: {  	_ =	shalt  }
0x68: {  	_ =	shalt  }
0x69: {  	_ =	shalt  }
0x6a: {  	_ =	shalt  }
0x6b: {  	_ =	shalt  }
0x6c: {  	_ =	shalt  }
0x6d: {  	_ =	shalt  }
0x6e: {  	_ =	shalt  }
0x6f: {  	_ =	shalt  }
0x70: {  	_ =	shalt  }
0x71: {  	_ =	shalt  }
0x72: {  	_ =	shalt  }
0x73: {  	_ =	shalt  }
0x74: {  	_ =	shalt  }
0x75: {  	_ =	shalt  }
0x76: {  	_ =	shalt  }
0x77: {  	_ =	shalt  }
0x78: {  	_ =	shalt  }
0x79: {  	_ =	shalt  }
0x7a: {  	_ =	shalt  }
0x7b: {  	_ =	shalt  }
0x7c: {  	_ =	shalt  }
0x7d: {  	_ =	shalt  }
0x7e: {  	_ =	shalt  }
0x7f: {  	_ =	shalt  }
0x80: {  	_ =	shalt  }
0x81: {  	_ =	shalt  }
0x82: {  	_ =	shalt  }
0x83: {  	_ =	shalt  }
0x84: {  	_ =	shalt  }
0x85: {  	_ =	shalt  }
0x86: {  	_ =	shalt  }
0x87: {  	_ =	shalt  }
.Lfunc_end0:
.L_simem_size_0:
called_computation_lowered:
.L_overlay_start_0:
0x88: {  	s2 =	sld [smem:$0x3FD9]  }
0x89: {  	s3 =	sld [smem:$0x3FFE];
	_ =	sdelay $0x1  }
0x8a: {  	s1 =	srdreg.scid  }
0x8b: {  	s0 =	sand.u32 $0x1, s1  }
0x8c: {  	s17 =	sshll.u32 s0, $0xA;
	s2 =	sadd.s32 s3, s2  }
0x8d: {  	s2 =	sadd.s32 s2, s17  }
0x8e: {  	[smem:$0x3FC5] =	sst s2  }
0x8f: {  	_ = 	snop  }
0x90: {  	s2 =	sld [smem:$0x3FC9]  }
0x91: {  	s18 =	sld [smem:$0x3FC8]  }
0x92: {  	s4 =	sld [smem:$0x3FC7];
	(tm) =	ssettm $0x1  }
0x93: {  	s5 =	sld [smem:$0x3FFB];
	_ =	sdelay $0x3  }
0x94: {  	_ =	strace s5  }
0x95: {  	s5 =	sld [smem:$0x3FFC];
	_ =	sdelay $0x3  }
0x96: {  	_ =	strace s5  }
0x97: {  	s5 =	sld [smem:$0x3FFD];
	_ =	sdelay $0x3  }
0x98: {  	_ =	strace s5  }
0x99: {  	_ =	strace $0x8FFFFFFF  }
0x9a: {  	s19 =	sld [smem:$0x3FDB];
	_ =	sdelay $0x1  }
0x9b: {  	s6 =	simm.s32 $_scs_section_size  }
0x9c: {  	s7 =	simm.s32 $_size__tile_overlayer_lowered;
	s8 =	simm.s32 $_tile_overlayer_lowered  }
0x9d: {  	s22 =	simm.s32 $0x1BFF;
	s21 =	sshll.u32 s8, $0x1;
	s5 =	sadd.s32 s6, s19  }
0x9e: {  	s9 =	simm.s32 $0x0;
	s20 =	sshll.u32 s7, $0x1;
	s7 =	sadd.s32 s21, s5  }
0x9f: {  	[timem:s9], [sflag:s22] =	dma.local [hbm:s7], s20  }
0xa0: {  	_ =	swait.ge [sflag:s22], s20  }
0xa1: {  	s6 =	ssub.s32 $0x0, s20;
	[sflag:s22] =	ssyncset.done $0x0  }
0xa2: {  	[sflag:s22] =	ssyncadd.s32 s6;
	_ =	sdelay $0x1  }
0xa3: {  	s23 =	simm.s32 $0x1B8B  }
0xa4: {  	_ =	swait.ge [sflag:s23], $0x1  }
0xa5: {  	[sflag:s23] =	ssyncset.done $0x0  }
0xa6: {  	s25 =	simm.s32 $0x1B8E;
	s24 =	sld [smem:$0x3FFE];
	[sflag:s23] =	ssyncadd.s32 $0xFFFFFFFF  }
0xa7: {  	s26 =	simm.s32 $execute0_lowered;
	[smem:$0x3FD2] =	sst s25  }
0xa8: {  	s7 =	sshll.u32 s26, $0x1;
	_ =	strace $0x80000046;
	[dreg:$0x1] =	wrdreg $0xFFFFFFFF  }
0xa9: {  	s28 =	simm.s32 $_size_execute0_lowered;
	s5 =	sadd.s32 s5, s7;
	[dreg:$0x0] =	wrdreg $0x0  }
0xaa: {  	s7 =	sshll.u32 s28, $0x1;
	[dreg:$0x2] =	wrdreg s5  }
0xab: {  	[dreg:$0x3] =	wrdreg s7  }
0xac: {  	[dreg:$0x4] =	wrdreg $0xC0  }
0xad: {  	_ =	task [dreg:s9], $0x5FFFF  }
0xae: {  	[dreg:$0x1] =	wrdreg $0xFFFFFFFF  }
0xaf: {  	[dreg:$0x0] =	wrdreg $0x60  }
0xb0: {  	[dreg:$0x2] =	wrdreg s2  }
0xb1: {  	[dreg:$0x3] =	wrdreg s18  }
0xb2: {  	[dreg:$0x4] =	wrdreg s4  }
0xb3: {  	[dreg:$0x5] =	wrdreg s24  }
0xb4: {  	[dreg:$0x6] =	wrdreg $0x9  }
0xb5: {  	_ =	task.clear_ibuf [dreg:s9], $0x7FFFF;
	_ =	strace $0x90000046  }
0xb6: {  	s29 =	simm.s32 $0x9;
	_ =	strace $0x80000048  }
0xb7: {  	_ =	swait.ge [sflag:s29], $0x1  }
0xb8: {  	[sflag:s29] =	ssyncadd.s32 $0xFFFFFFFF  }
0xb9: {  	_ =	strace $0x90000048  }
0xba: {  	_ =	sfence  }
0xbb: {  	s30 =	sld [smem:$0x0];
	_ =	sdelay $0x2  }
0xbc: {  	s31 =	sshll.u32 s1, $0xD;
	s1 =	sshrl.u32 s1, $0x2  }
0xbd: {  	s3 =	sand.u32 $0x4000, s31;
	s1 =	sadd.s32 s1, s30  }
0xbe: {  	s0 =	sor.u32 s3, s0;
	s1 =	sshll.u32 s1, $0x11  }
0xbf: {  	s0 =	sor.u32 s1, s0  }
0xc0: {  	s0 =	sadd.s32 $0x8F2B, s0  }
0xc1: {  	[sflag:s0] =	ssyncadd.remote.s32 $0x1  }
0xc2: {  	_ =	sfence.sel $0xFFFF  }
0xc3: {  	[dreg:$0x0] =	wrdreg $0xFFFFFFFF;
	(pc) =	sbr.abs _section_cstart, $3  }
0xc4: {  	[dreg:$0x1] =	wrdreg $0xFFFFFFFF  }
0xc5: {  	_ =	task.clear_ibuf [dreg:s9], $0x2FFFF;
	_ =	strace $0x9FFFFFFF  }
0xc6: {  	(tm) =	ssettm $0x7FFFFFFF  }
0xc7: {  	_ =	shalt  }
tec
execute0_lowered:
.L_overlay_start_1:
0x0: {  	(tag) =	ssettag $0x1  }
0x1: {  	s0 =	rddreg [dreg:$0x0]  }
0x2: {  	s5 =	rddreg [dreg:$0x1]  }
0x3: {  	s3 =	rddreg [dreg:$0x2]  }
0x4: {  	s1 =	srdreg.scid;
	s6 =	rddreg [dreg:$0x3]  }
0x5: {  	s2 =	stileid.u32;
	s4 =	simm.s32 $0x0;
	s12 =	simm.s32 $0xC900  }
0x6: {  	s13 =	simm.s32 $0x400;
	s14 =	simm.s32 $0x20000;
	s15 =	simm.s32 $0xCD00  }
0x7: {  	s16 =	simm.s32 $0x0;
	s7 =	sand.u32 $0x1, s1;
	s1 =	rddreg [dreg:$0x4]  }
0x8: {  	s8 =	sshll.u32 s2, $0x9;
	[smem:$0x7FF] =	sst s4;
	s9 =	sshll.u32 s7, $0x8  }
.Ltmp0:
0x9: {  	s7 =	ssub.s32 $0x2, s7;
	s8 =	sor.u32 s9, s8;
	(pc) =	sbr.rel .LBB2_1-.Ltmp0, $4  }
0xa: {  	_ =	strace $0x80000047;
	s10 =	sshrl.u32 s7, $0x1;
	s9 =	sshrl.u32 s8, $0x3  }
0xb: {  	s10 =	ssub.s32 s7, s10;
	s7 =	sshrl.u32 s8, $0x7;
	s11 =	sadd.s32 s9, s6  }
0xc: {  	s5 =	sadd.s32 s5, s9;
	s6 =	sadd.s32 s0, s8;
	s9 =	smax.u32 s10, $0x1  }
0xd: {  	s10 =	simm.s32 $0xC800;
	s8 =	sadd.s32 $0xC00, s11;
	s11 =	simm.s32 $0x3  }
.LBB2_7:
0xe: {  	v0 =	vld [tilespmem:$0x1FFF0]  }
0xf: {  	v63 =	vld [tilespmem:$0x1FFE0];
	_ =	sdelay $0x2  }
0x10: {  	s16 =	sadd.s32 $0x1, s16  }
0x11: {  	p0 =	sne.s32 s16, s9;
	[tilespmem:$0xCD00] =	vst v0  }
.Ltmp1:
0x12: {  	[tilespmem:$0xCD80] =	vst v63;
	(pc) =	sbr.rel @!p0 .LBB2_8-.Ltmp1, $4  }
0x13: {  	[hbm4b:s8+s4] =	stream.linear.scatter [tilespmem:s15], [sflag:$0x3], $0x100, $0x38;
	[tilespmem:$0xCE00] =	vst v63  }
0x14: {  	_ =	swait.ge [sflag:s11], $0x100  }
0x15: {  	[sflag:s11] =	ssyncset.done $0x0  }
0x16: {  	[sflag:s11] =	ssyncadd.s32 $0xFFFFFF00  }
.LBB2_1:
0x17: {  	[tilespmem:s10], [sflag:$0x3] =	stream.linear.gather [hbm4b:s5+s4], $0x100, $0x38;
	[tilespmem:$0xCE00] =	vst v63  }
0x18: {  	v15 =	vimm.f32 $-3.000000010e+38;
	v0 =	vimm.f32 $0.0e+00;
	_ =	swait.ge [sflag:s11], $0x100  }
0x19: {  	v2 =	vimm.f32 $0.0e+00;
	v4 =	vimm.f32 $0.0e+00;
	v10 =	vimm.f32 $0.0e+00;
	[sflag:s11] =	ssyncset.done $0x0  }
0x1a: {  	v13 =	vimm.f32 $0.0e+00;
	v16 =	vimm.f32 $0.0e+00;
	v17 =	vimm.f32 $0.0e+00;
	[tilespmem:$0x1FFE0] =	vst v0;
	[sflag:s11] =	ssyncadd.s32 $0xFFFFFF00  }
0x1b: {  	v26 =	vimm.f32 $0.0e+00;
	v1 =	vimm.f32 $0.0e+00;
	v0 =	vimm.f32 $0.0e+00;
	[tilespmem:s12], [sflag:$0x3] =	stream.linear.gather [hbm4b:s3+s4], $0x400, $0x38;
	[tilespmem:$0xCE00] =	vst v63  }
.Ltmp2:
0x1c: {  	v3 =	vimm.f32 $0.0e+00;
	v6 =	vimm.f32 $0.0e+00;
	v8 =	vimm.f32 $0.0e+00;
	[tilespmem:$0x1FFF0] =	vst v0;
	(pc) =	sbr.rel .LBB2_2-.Ltmp2, $4  }
0x1d: {  	v11 =	vimm.f32 $0.0e+00;
	v12 =	vimm.f32 $0.0e+00;
	v24 =	vimm.f32 $0.0e+00;
	_ =	swait.ge [sflag:s11], $0x400  }
0x1e: {  	v28 =	vimm.f32 $0.0e+00;
	v18 =	vimm.f32 $-3.000000010e+38;
	v19 =	vimm.f32 $-3.000000010e+38;
	[sflag:s11] =	ssyncset.done $0x0  }
0x1f: {  	v20 =	vimm.f32 $-3.000000010e+38;
	v21 =	vimm.f32 $-3.000000010e+38;
	v23 =	vimm.f32 $-3.000000010e+38;
	s17 =	simm.s32 $0x0;
	[sflag:s11] =	ssyncadd.s32 $0xFFFFFC00  }
0x20: {  	v29 =	vimm.f32 $-3.000000010e+38;
	v30 =	vimm.f32 $-3.000000010e+38;
	v0 =	vimm.f32 $0.0e+00;
	[tilespmem:s4], [sflag:$0x1] =	stream.strided.gather [hbm4b:s6+s13], $0x6400, s14, s13, $0x38;
	[tilespmem:$0xCE00] =	vst v63  }
.LBB2_6:
0x21: {  	p0 =	seq.s32 s18, $0x4  }
0x22: {  	v30 =	vpsel p0, $0xFF61B1E6, v43;
	v29 =	vpsel p0, $0xFF61B1E6, v45;
	v23 =	vpsel p0, $0xFF61B1E6, v31  }
0x23: {  	v21 =	vpsel p0, $0xFF61B1E6, v35;
	v20 =	vpsel p0, $0xFF61B1E6, v39;
	v19 =	vpsel p0, $0xFF61B1E6, v37  }
0x24: {  	p1 =	sne.s32 s17, $0xA;
	v18 =	vpsel p0, $0xFF61B1E6, v34;
	v15 =	vpsel p0, $0xFF61B1E6, v32;
	v28 =	vpsel p0, $0x0, v13  }
.Ltmp3:
0x25: {  	v24 =	vpsel p0, $0x0, v12;
	v12 =	vpsel p0, $0x0, v11;
	v11 =	vpsel p0, $0x0, v8;
	(pc) =	sbr.rel @!p1 .LBB2_7-.Ltmp3, $4  }
0x26: {  	v8 =	vpsel p0, $0x0, v6;
	v6 =	vpsel p0, $0x0, v10;
	v3 =	vpsel p0, $0x0, v16  }
0x27: {  	v1 =	vpsel p0, $0x0, v17;
	v26 =	vpsel p0, $0x0, v33;
	v17 =	vpsel p0, $0x0, v27  }
0x28: {  	v16 =	vpsel p0, $0x0, v25;
	v13 =	vpsel p0, $0x0, v22;
	v10 =	vpsel p0, $0x0, v14  }
0x29: {  	v4 =	vpsel p0, $0x0, v9;
	v2 =	vpsel p0, $0x0, v7;
	v0 =	vpsel p0, $0x0, v5  }
.LBB2_2:
0x2a: {  	[tilespmem:$0x1FE60] =	vst v30  }
0x2b: {  	[tilespmem:$0x1FE70] =	vst v29  }
0x2c: {  	[tilespmem:$0x1FE80] =	vst v28  }
0x2d: {  	[tilespmem:$0x1FE90] =	vst v26  }
0x2e: {  	[tilespmem:$0x1FEA0] =	vst v24  }
0x2f: {  	[tilespmem:$0x1FEB0] =	vst v23  }
0x30: {  	[tilespmem:$0x1FEC0] =	vst v21  }
0x31: {  	[tilespmem:$0x1FED0] =	vst v17  }
0x32: {  	[tilespmem:$0x1FEE0] =	vst v20  }
0x33: {  	[tilespmem:$0x1FEF0] =	vst v16  }
0x34: {  	[tilespmem:$0x1FF00] =	vst v13  }
0x35: {  	[tilespmem:$0x1FF10] =	vst v19  }
0x36: {  	[tilespmem:$0x1FF20] =	vst v18  }
0x37: {  	[tilespmem:$0x1FF30] =	vst v15  }
0x38: {  	[tilespmem:$0x1FF40] =	vst v10  }
0x39: {  	[tilespmem:$0x1FF50] =	vst v12  }
0x3a: {  	[tilespmem:$0x1FF60] =	vst v11  }
0x3b: {  	[tilespmem:$0x1FF70] =	vst v8  }
0x3c: {  	[tilespmem:$0x1FF80] =	vst v6  }
0x3d: {  	[tilespmem:$0x1FF90] =	vst v4  }
0x3e: {  	[tilespmem:$0x1FFA0] =	vst v3;
	s18 =	smov.u32 s17;
	s20 =	sand.u32 $0x1, s17;
	p0 =	sgt.u32 s17, $0x4  }
0x3f: {  	[tilespmem:$0x1FFB0] =	vst v2;
	s21 =	simm.s32 $0xFFFFFFFB;
	s31 =	smul.u32 $0x19000, s20;
	p1 =	seq.s32 s18, $0x9  }
0x40: {  	[tilespmem:$0x1FFC0] =	vst v1;
	s22 =	sadd.s32 $0x1, s20;
	s17 =	sadd.s32 $0x1, s18;
	p2 =	sgt.u32 @!p1 s18, $0x3  }
0x41: {  	[tilespmem:$0x1FFD0] =	vst v0;
	s21 =	simm.s32 @!p0 $0x0;
	s23 =	simm.s32 @!p1 $0xFFFFFFFB;
	p2 =	por !p2, p1  }
0x42: {  	s24 =	simm.s32 @!p1 $0x1;
	_ =	swait.ge [sflag:s22], $0x6400;
	s23 =	simm.s32 @p2 $0x0  }
0x43: {  	s20 =	sxor.u32 @!p1 $0x1, s20;
	s24 =	simm.s32 @p2 $0x0;
	s23 =	sadd.s32 @!p1 s17, s23  }
0x44: {  	s18 =	sadd.s32 s18, s21;
	s24 =	sor.u32 @!p1 s24, s7;
	s23 =	smul.u32 @!p1 $0x320000, s23  }
0x45: {  	v20 =	vimm.f32 $0.0e+00;
	v23 =	vimm.f32 $0.0e+00;
	[sflag:s22] =	ssyncset.done $0x0;
	s25 =	smul.u32 @!p1 $0x19000, s20;
	s24 =	sshll.u32 @!p1 s24, $0xA  }
0x46: {  	v24 =	vimm.f32 $0.0e+00;
	v28 =	vimm.f32 $0.0e+00;
	v29 =	vimm.f32 $0.0e+00;
	s19 =	sshrl.u32 s31, $0x2;
	[sflag:s22] =	ssyncadd.s32 $0xFFFF9C00;
	s22 =	sor.u32 @!p1 s24, s23  }
0x47: {  	v19 =	vimm.f32 $0.0e+00;
	v39 =	vimm.f32 $0.0e+00;
	v41 =	vimm.f32 $0.0e+00;
	s20 =	sadd.s32 @!p1 $0x1, s20;
	s23 =	sshrl.u32 @!p1 s25, $0x2;
	s22 =	sshrl.u32 @!p1 s22, $0x3  }
0x48: {  	v14 =	vimm.f32 $-3.000000010e+38;
	v40 =	vimm.f32 $-3.000000010e+38;
	v17 =	vimm.f32 $-3.000000010e+38;
	s24 =	simm.s32 @!p1 $0x400;
	s25 =	simm.s32 @!p1 $0x20000;
	s22 =	sadd.s32 @!p1 s0, s22  }
0x49: {  	v32 =	vimm.f32 $-3.000000010e+38;
	v34 =	vimm.f32 $-3.000000010e+38;
	v43 =	vmov s19;
	[tilespmem:s23], [sflag:s20] =	stream.strided.gather @!p1 [hbm4b:s22+s24], $0x6400, s25, s24, $0x38;
	[tilespmem:$0xCE00] =	vst v63  }
0x4a: {  	v37 =	vimm.f32 $-3.000000010e+38;
	v42 =	vimm.f32 $-3.000000010e+38;
	v45 =	vimm.f32 $-3.000000010e+38;
	s21 =	simm.s32 $0x0;
	s20 =	smul.u32 $0xC8, s18  }
.LBB2_3:
0x4b: {  	s22 =	smul.u32 $0x3200, s21;
	_ =	sdelay $0x1  }
0x4c: {  	s22 =	sshra.s32 s22, $0x2  }
0x4d: {  	v0 =	vld.idx.msk [tilespmem:v43+s22+$0x0 ss:$0x1], $0xffff  }
0x4e: {  	v1 =	vld.idx.msk [tilespmem:v43+s22+$0x80 ss:$0x1], $0xffff  }
0x4f: {  	v2 =	vld.idx.msk [tilespmem:v43+s22+$0x100 ss:$0x1], $0xffff  }
0x50: {  	v3 =	vld.idx.msk [tilespmem:v43+s22+$0x180 ss:$0x1], $0xffff  }
0x51: {  	v4 =	vld.idx.msk [tilespmem:v43+s22+$0x200 ss:$0x1], $0xffff  }
0x52: {  	v5 =	vld.idx.msk [tilespmem:v43+s22+$0x280 ss:$0x1], $0xffff  }
0x53: {  	v6 =	vld.idx.msk [tilespmem:v43+s22+$0x300 ss:$0x1], $0xffff  }
0x54: {  	v7 =	vld.idx.msk [tilespmem:v43+s22+$0x380 ss:$0x1], $0xffff  }
0x55: {  	v8 =	vld.idx.msk [tilespmem:v43+s22+$0x400 ss:$0x1], $0xffff  }
0x56: {  	v9 =	vld.idx.msk [tilespmem:v43+s22+$0x480 ss:$0x1], $0xffff  }
0x57: {  	v10 =	vld.idx.msk [tilespmem:v43+s22+$0x500 ss:$0x1], $0xffff  }
0x58: {  	v12 =	vld.idx.msk [tilespmem:v43+s22+$0x580 ss:$0x1], $0xffff  }
0x59: {  	v13 =	vld.idx.msk [tilespmem:v43+s22+$0x600 ss:$0x1], $0xffff  }
0x5a: {  	v30 =	vld.idx.msk [tilespmem:v43+s22+$0x680 ss:$0x1], $0xffff  }
0x5b: {  	v31 =	vld.idx.msk [tilespmem:v43+s22+$0x700 ss:$0x1], $0xffff  }
0x5c: {  	v33 =	vld.idx.msk [tilespmem:v43+s22+$0x780 ss:$0x1], $0xffff  }
0x5d: {  	v36 =	vld.idx.msk [tilespmem:v43+s22+$0x800 ss:$0x1], $0xffff  }
0x5e: {  	v38 =	vld.idx.msk [tilespmem:v43+s22+$0x880 ss:$0x1], $0xffff  }
0x5f: {  	v46 =	vld.idx.msk [tilespmem:v43+s22+$0x900 ss:$0x1], $0xffff  }
0x60: {  	v47 =	vld.idx.msk [tilespmem:v43+s22+$0x980 ss:$0x1], $0xffff  }
0x61: {  	v48 =	vld.idx.msk [tilespmem:v43+s22+$0xA00 ss:$0x1], $0xffff  }
0x62: {  	v49 =	vld.idx.msk [tilespmem:v43+s22+$0xA80 ss:$0x1], $0xffff  }
0x63: {  	v50 =	vld.idx.msk [tilespmem:v43+s22+$0xB00 ss:$0x1], $0xffff  }
0x64: {  	v52 =	vld.idx.msk [tilespmem:v43+s22+$0xB80 ss:$0x1], $0xffff;
	_ =	sdelay $0x1  }
0x65: {  	[tilespmem:$0x1FDD0] =	vst v14;
	v11 =	vmax.f32 v0, v1;
	v14 =	vmax.f32 v2, v3;
	v15 =	vmax.f32 v4, v5  }
0x66: {  	v18 =	vmax.f32 v6, v7;
	v21 =	vmax.f32 v8, v9;
	v22 =	vmax.f32 v10, v12  }
0x67: {  	v54 =	vld.idx.msk [tilespmem:v43+s22+$0xC00 ss:$0x1], $0xffff;
	v25 =	vmax.f32 v13, v30;
	v26 =	vmax.f32 v31, v33;
	v27 =	vmax.f32 v36, v38  }
0x68: {  	[tilespmem:$0x1FE40] =	vst v28;
	v28 =	vmax.f32 v46, v47;
	v35 =	vmax.f32 v48, v49;
	v51 =	vmax.f32 v50, v52  }
0x69: {  	v11 =	vmax.f32 v11, v14;
	v14 =	vmax.f32 v15, v18;
	v15 =	vmax.f32 v21, v22  }
0x6a: {  	v18 =	vmax.f32 v25, v26;
	v21 =	vmax.f32 v27, v28;
	v22 =	vmax.f32 v35, v51  }
0x6b: {  	v11 =	vmax.f32 v11, v14;
	v14 =	vmax.f32 v15, v18;
	v15 =	vmax.f32 v21, v22  }
0x6c: {  	v11 =	vmax.f32 v11, v14;
	v14 =	vmax.f32 v15, v54  }
0x6d: {  	v11 =	vmax.f32 v11, v14  }
0x6e: {  	v0 =	vsub.f32 v0, v11;
	v1 =	vsub.f32 v1, v11  }
0x6f: {  	v2 =	vsub.f32 v2, v11;
	v3 =	vsub.f32 v3, v11  }
0x70: {  	v57 =	vsub.f32 v4, v11;
	v59 =	vsub.f32 v5, v11  }
0x71: {  	v61 =	vsub.f32 v6, v11;
	v63 =	vsub.f32 v7, v11  }
0x72: {  	v7 =	vsub.f32 v8, v11;
	v0 =	vmul.f32 $1.442695020e+00, v0;
	v1 =	vmul.f32 $1.442695020e+00, v1  }
0x73: {  	v25 =	vld.idx.msk [tilespmem:v43+s22+$0x290 ss:$0x1], $0xffff;
	v35 =	vsub.f32 v9, v11;
	v56 =	vmul.f32 $1.442695020e+00, v2;
	v58 =	vmul.f32 $1.442695020e+00, v3  }
0x74: {  	v26 =	vld.idx.msk [tilespmem:v43+s22+$0x310 ss:$0x1], $0xffff;
	v51 =	vsub.f32 v10, v11;
	v60 =	vmul.f32 $1.442695020e+00, v57;
	v62 =	vmul.f32 $1.442695020e+00, v59  }
0x75: {  	v27 =	vld.idx.msk [tilespmem:v43+s22+$0x390 ss:$0x1], $0xffff;
	v55 =	vsub.f32 v12, v11;
	v6 =	vmul.f32 $1.442695020e+00, v61;
	v8 =	vmul.f32 $1.442695020e+00, v63  }
0x76: {  	v28 =	vld.idx.msk [tilespmem:v43+s22+$0x410 ss:$0x1], $0xffff;
	v44 =	vmul.f32 $1.442695020e+00, v7;
	v61 =	vsub.f32 v31, v11;
	(erf) = vpow2.f32 v0  }
0x77: {  	v18 =	vld.idx.msk [tilespmem:v43+s22+$0x110 ss:$0x1], $0xffff;
	v53 =	vmul.f32 $1.442695020e+00, v35;
	v57 =	vsub.f32 v13, v11;
	(erf) = vpow2.f32 v1  }
0x78: {  	v21 =	vld.idx.msk [tilespmem:v43+s22+$0x190 ss:$0x1], $0xffff;
	v63 =	vsub.f32 v33, v11;
	v33 =	vmul.f32 $1.442695020e+00, v61;
	(erf) = vpow2.f32 v56  }
0x79: {  	v22 =	vld.idx.msk [tilespmem:v43+s22+$0x210 ss:$0x1], $0xffff;
	v59 =	vsub.f32 v30, v11;
	v56 =	vmul.f32 $1.442695020e+00, v51;
	(erf) = vpow2.f32 v58  }
0x7a: {  	v15 =	vld.idx.msk [tilespmem:v43+s22+$0x90 ss:$0x1], $0xffff;
	v61 =	vsub.f32 v50, v11;
	v51 =	vmul.f32 $1.442695020e+00, v63;
	(erf) = vpow2.f32 v60  }
0x7b: {  	v14 =	vld.idx.msk [tilespmem:v43+s22+$0x10 ss:$0x1], $0xffff;
	v63 =	vsub.f32 v52, v11;
	v58 =	vmul.f32 $1.442695020e+00, v55;
	(erf) = vpow2.f32 v62  }
0x7c: {  	v9 =	vld.idx.msk [tilespmem:v43+s22+$0x710 ss:$0x1], $0xffff;
	v55 =	vsub.f32 v46, v11;
	v60 =	vmul.f32 $1.442695020e+00, v57;
	(erf) = vpow2.f32 v6  }
0x7d: {  	v5 =	vld.idx.msk [tilespmem:v43+s22+$0x910 ss:$0x1], $0xffff;
	v62 =	vmul.f32 $1.442695020e+00, v59;
	v59 =	vsub.f32 v49, v11;
	(erf) = vpow2.f32 v8  }
0x7e: {  	v30 =	vld.idx.msk [tilespmem:v43+s22+$0x490 ss:$0x1], $0xffff;
	v57 =	vmul.f32 $1.442695020e+00, v55;
	(erf) = vpow2.f32 v44;
	v44 =	vsub.f32 v36, v11  }
0x7f: {  	v31 =	vld.idx.msk [tilespmem:v43+s22+$0x510 ss:$0x1], $0xffff;
	v46 =	vmul.f32 $1.442695020e+00, v59;
	v59 =	vmax.f32 v26, v27;
	(erf) = vpow2.f32 v53  }
0x80: {  	v35 =	vld.idx.msk [tilespmem:v43+s22+$0x590 ss:$0x1], $0xffff;
	v53 =	vsub.f32 v38, v11;
	(erf) = vpow2.f32 v56;
	v2 =	vmul.f32 $1.442695020e+00, v44  }
0x81: {  	v0 =	vld.idx.msk [tilespmem:v43+s22+$0x790 ss:$0x1], $0xffff;
	v56 =	vsub.f32 v47, v11;
	v47 =	vsub.f32 v54, v11;
	v44 =	vmax.f32 v18, v21  }
0x82: {  	v50 =	vld.idx.msk [tilespmem:v43+s22+$0xB90 ss:$0x1], $0xffff;
	v4 =	vpop (erf);
	(erf) = vpow2.f32 v58;
	v3 =	vmul.f32 $1.442695020e+00, v53;
	v58 =	vsub.f32 v48, v11  }
0x83: {  	v1 =	vld.idx.msk [tilespmem:v43+s22+$0x810 ss:$0x1], $0xffff;
	v7 =	vpop (erf);
	v48 =	vmax.f32 v14, v15;
	(erf) = vpow2.f32 v60;
	v6 =	vmul.f32 $1.442695020e+00, v56  }
0x84: {  	v52 =	vld.idx.msk [tilespmem:v43+s22+$0xA90 ss:$0x1], $0xffff;
	v8 =	vpop (erf);
	v48 =	vmax.f32 v48, v44;
	v47 =	vmul.f32 $1.442695020e+00, v47;
	(erf) = vpow2.f32 v62  }
0x85: {  	v36 =	vld.idx.msk [tilespmem:v43+s22+$0x610 ss:$0x1], $0xffff;
	v10 =	vpop (erf);
	v44 =	vmax.f32 v45, v11;
	v60 =	vmul.f32 $1.442695020e+00, v58;
	(erf) = vpow2.f32 v33  }
0x86: {  	v38 =	vld.idx.msk [tilespmem:v43+s22+$0x690 ss:$0x1], $0xffff;
	v12 =	vpop (erf);
	v62 =	vmul.f32 $1.442695020e+00, v61;
	v58 =	vmax.f32 v22, v25;
	(erf) = vpow2.f32 v51  }
0x87: {  	v61 =	vmax.f32 v31, v35;
	v45 =	vsub.f32 v45, v44;
	v13 =	vpop (erf);
	v51 =	vld.idx.msk [tilespmem:v43+s22+$0xA10 ss:$0x1], $0xffff;
	(erf) = vpow2.f32 v2  }
0x88: {  	v11 =	vsub.f32 v11, v44;
	v4 =	vadd.f32 v10, v4;
	v33 =	vpop (erf);
	v2 =	vld.idx.msk [tilespmem:v43+s22+$0xB10 ss:$0x1], $0xffff;
	(erf) = vpow2.f32 v3  }
0x89: {  	v58 =	vmax.f32 v58, v59;
	v7 =	vadd.f32 v12, v7;
	v53 =	vpop (erf);
	v3 =	vld.idx.msk [tilespmem:v43+s22+$0x890 ss:$0x1], $0xffff;
	(erf) = vpow2.f32 v57  }
0x8a: {  	v48 =	vmax.f32 v48, v58;
	v8 =	vadd.f32 v13, v8;
	(erf) = vpow2.f32 v6;
	v6 =	vld.idx.msk [tilespmem:v43+s22+$0x990 ss:$0x1], $0xffff  }
0x8b: {  	v45 =	vmul.f32 $1.442695020e+00, v45;
	v4 =	vadd.f32 v4, v33;
	v7 =	vadd.f32 v7, v53  }
0x8c: {  	v55 =	vpop (erf);
	(erf) = vpow2.f32 v60;
	v60 =	vmax.f32 v28, v30;
	v59 =	vmax.f32 v51, v52  }
0x8d: {  	v49 =	vld.idx.msk [tilespmem:v43+s22+$0xC10 ss:$0x1], $0xffff;
	v56 =	vpop (erf);
	(erf) = vpow2.f32 v46;
	v46 =	vmul.f32 $1.442695020e+00, v63;
	v63 =	vmax.f32 v9, v0  }
0x8e: {  	v57 =	vpop (erf);
	v60 =	vmax.f32 v60, v61;
	v61 =	vmax.f32 v2, v50;
	(erf) = vpow2.f32 v62  }
0x8f: {  	v62 =	vmax.f32 v36, v38;
	v16 =	vmax.f32 v1, v3;
	v54 =	vmax.f32 v5, v6  }
0x90: {  	v61 =	vmax.f32 v59, v61;
	v62 =	vmax.f32 v62, v63;
	v16 =	vmax.f32 v16, v54  }
0x91: {  	v8 =	vadd.f32 v8, v55;
	v63 =	vmax.f32 v60, v62;
	v16 =	vmax.f32 v16, v61  }
0x92: {  	v4 =	vadd.f32 v4, v56;
	v59 =	vpop (erf);
	v48 =	vmax.f32 v48, v63;
	v16 =	vmax.f32 v16, v49  }
0x93: {  	v7 =	vadd.f32 v7, v57;
	v8 =	vadd.f32 v8, v59;
	v54 =	vpop (erf);
	v48 =	vmax.f32 v48, v16  }
0x94: {  	v11 =	vmul.f32 $1.442695020e+00, v11;
	v4 =	vadd.f32 v4, v54;
	v14 =	vsub.f32 v14, v48  }
0x95: {  	v58 =	vpop (erf);
	(erf) = vpow2.f32 v46;
	v15 =	vsub.f32 v15, v48;
	v18 =	vsub.f32 v18, v48  }
0x96: {  	v9 =	vsub.f32 v9, v48;
	v7 =	vadd.f32 v7, v58;
	v16 =	vpop (erf);
	(erf) = vpow2.f32 v47  }
0x97: {  	v0 =	vsub.f32 v0, v48;
	v1 =	vsub.f32 v1, v48;
	v60 =	vpop (erf);
	(erf) = vpow2.f32 v45  }
0x98: {  	[tilespmem:$0x1FD90] =	vst v44;
	v5 =	vsub.f32 v5, v48;
	v14 =	vmul.f32 $1.442695020e+00, v14;
	v44 =	vmul.f32 $1.442695020e+00, v15;
	v61 =	vpop (erf)  }
0x99: {  	v15 =	vsub.f32 v21, v48;
	v9 =	vmul.f32 $1.442695020e+00, v9;
	(erf) = vpow2.f32 v11;
	v45 =	vpop (erf)  }
0x9a: {  	(erf) = vpow2.f32 v14;
	v14 =	vmul.f32 $1.442695020e+00, v18;
	v18 =	vsub.f32 v22, v48;
	v21 =	vpop (erf)  }
0x9b: {  	v46 =	vmul.f32 $1.442695020e+00, v15;
	v15 =	vsub.f32 v25, v48;
	(erf) = vpow2.f32 v44;
	v22 =	vpop (erf)  }
0x9c: {  	v25 =	vpop (erf);
	(erf) = vpow2.f32 v14;
	v14 =	vmul.f32 $1.442695020e+00, v18;
	v18 =	vsub.f32 v26, v48  }
0x9d: {  	v47 =	vmul.f32 $1.442695020e+00, v15;
	v15 =	vsub.f32 v27, v48;
	v26 =	vpop (erf);
	(erf) = vpow2.f32 v46  }
0x9e: {  	v27 =	vpop (erf);
	(erf) = vpow2.f32 v14;
	v14 =	vmul.f32 $1.442695020e+00, v18;
	v18 =	vsub.f32 v28, v48  }
0x9f: {  	v62 =	vmul.f32 $1.442695020e+00, v15;
	v15 =	vsub.f32 v30, v48;
	(erf) = vpow2.f32 v47  }
0xa0: {  	v28 =	vpop (erf);
	(erf) = vpow2.f32 v14;
	v14 =	vmul.f32 $1.442695020e+00, v18;
	v18 =	vsub.f32 v31, v48  }
0xa1: {  	v63 =	vmul.f32 $1.442695020e+00, v15;
	v15 =	vsub.f32 v35, v48;
	v30 =	vpop (erf);
	(erf) = vpow2.f32 v62  }
0xa2: {  	v47 =	vpop (erf);
	(erf) = vpow2.f32 v14;
	v14 =	vmul.f32 $1.442695020e+00, v18;
	v18 =	vsub.f32 v36, v48  }
0xa3: {  	v46 =	vpop (erf);
	v36 =	vmul.f32 $1.442695020e+00, v15;
	v15 =	vsub.f32 v38, v48;
	(erf) = vpow2.f32 v63  }
0xa4: {  	v58 =	vsub.f32 v6, v48;
	v31 =	vpop (erf);
	(erf) = vpow2.f32 v14;
	v14 =	vmul.f32 $1.442695020e+00, v18  }
0xa5: {  	v6 =	vld.idx.msk [tilespmem:v43+s22+$0x320 ss:$0x1], $0xffff;
	v2 =	vsub.f32 v2, v48;
	v0 =	vmul.f32 $1.442695020e+00, v0;
	v1 =	vmul.f32 $1.442695020e+00, v1;
	v35 =	vpop (erf)  }
0xa6: {  	v8 =	vadd.f32 v8, v16;
	v16 =	vld.idx.msk [tilespmem:v43+s22+$0xA0 ss:$0x1], $0xffff;
	v44 =	vmul.f32 $1.442695020e+00, v15;
	v18 =	vpop (erf);
	(erf) = vpow2.f32 v36  }
0xa7: {  	v59 =	vmul.f32 $1.442695020e+00, v5;
	v5 =	vld.idx.msk [tilespmem:v43+s22+$0x4A0 ss:$0x1], $0xffff;
	v15 =	vpop (erf);
	(erf) = vpow2.f32 v14  }
0xa8: {  	v55 =	vmul.f32 $1.442695020e+00, v2;
	v2 =	vld.idx.msk [tilespmem:v43+s22+$0x5A0 ss:$0x1], $0xffff;
	v4 =	vadd.f32 v4, v60;
	v14 =	vpop (erf);
	(erf) = vpow2.f32 v44  }
0xa9: {  	v7 =	vadd.f32 v7, v61;
	v8 =	vadd.f32 v8, v45;
	v45 =	vld.idx.msk [tilespmem:v43+s22+$0x3A0 ss:$0x1], $0xffff;
	v11 =	vpop (erf);
	(erf) = vpow2.f32 v9  }
0xaa: {  	v3 =	vsub.f32 v3, v48;
	v4 =	vadd.f32 v4, v21;
	v21 =	vld.idx.msk [tilespmem:v43+s22+$0x120 ss:$0x1], $0xffff;
	v36 =	vpop (erf);
	(erf) = vpow2.f32 v0  }
0xab: {  	v7 =	vadd.f32 v7, v22;
	v22 =	vld.idx.msk [tilespmem:v43+s22+$0x1A0 ss:$0x1], $0xffff;
	v10 =	vpop (erf);
	(erf) = vpow2.f32 v1  }
0xac: {  	v57 =	vmul.f32 $1.442695020e+00, v3;
	v8 =	vadd.f32 v8, v25;
	v25 =	vld.idx.msk [tilespmem:v43+s22+$0x220 ss:$0x1], $0xffff;
	v12 =	vpop (erf)  }
0xad: {  	v60 =	vsub.f32 v51, v48;
	v4 =	vadd.f32 v4, v26;
	v26 =	vld.idx.msk [tilespmem:v43+s22+$0x2A0 ss:$0x1], $0xffff;
	v13 =	vpop (erf)  }
0xae: {  	v61 =	vmul.f32 $1.442695020e+00, v58;
	v62 =	vsub.f32 v52, v48;
	v52 =	vld.idx.msk [tilespmem:v43+s22+$0x420 ss:$0x1], $0xffff;
	(erf) = vpow2.f32 v57;
	v33 =	vpop (erf)  }
0xaf: {  	v63 =	vmul.f32 $1.442695020e+00, v60;
	v15 =	vadd.f32 v15, v31;
	v31 =	vld.idx.msk [tilespmem:v43+s22+$0x520 ss:$0x1], $0xffff;
	(erf) = vpow2.f32 v59;
	v38 =	vpop (erf)  }
0xb0: {  	v44 =	vmul.f32 $1.442695020e+00, v62;
	v9 =	vld.idx.msk [tilespmem:v43+s22+$0x20 ss:$0x1], $0xffff;
	v51 =	vadd.f32 v14, v35;
	(erf) = vpow2.f32 v61;
	v53 =	vpop (erf)  }
0xb1: {  	v14 =	vld.idx.msk [tilespmem:v43+s22+$0x620 ss:$0x1], $0xffff;
	v56 =	vadd.f32 v15, v36;
	(erf) = vpow2.f32 v63;
	v54 =	vpop (erf)  }
0xb2: {  	v11 =	vadd.f32 v11, v18;
	v15 =	vld.idx.msk [tilespmem:v43+s22+$0x7A0 ss:$0x1], $0xffff;
	v3 =	vadd.f32 v51, v10;
	(erf) = vpow2.f32 v44;
	v59 =	vpop (erf)  }
0xb3: {  	v10 =	vld.idx.msk [tilespmem:v43+s22+$0x6A0 ss:$0x1], $0xffff;
	v0 =	vadd.f32 v56, v13;
	(erf) = vpow2.f32 v55;
	v13 =	vpop (erf)  }
0xb4: {  	v58 =	vadd.f32 v11, v12;
	v12 =	vld.idx.msk [tilespmem:v43+s22+$0x720 ss:$0x1], $0xffff;
	v3 =	vadd.f32 v3, v33;
	v18 =	vpop (erf)  }
0xb5: {  	v7 =	vadd.f32 v7, v27;
	v4 =	vadd.f32 v4, v30;
	v27 =	vld.idx.msk [tilespmem:v43+s22+$0x820 ss:$0x1], $0xffff  }
0xb6: {  	v62 =	vsub.f32 v50, v48;
	v3 =	vadd.f32 v3, v54;
	v30 =	vld.idx.msk [tilespmem:v43+s22+$0x8A0 ss:$0x1], $0xffff  }
0xb7: {  	v57 =	vadd.f32 v8, v28;
	v8 =	vadd.f32 v58, v38;
	v11 =	vld.idx.msk [tilespmem:v43+s22+$0x920 ss:$0x1], $0xffff  }
0xb8: {  	v0 =	vadd.f32 v0, v53;
	v3 =	vadd.f32 v3, v18;
	v18 =	vld.idx.msk [tilespmem:v43+s22+$0x9A0 ss:$0x1], $0xffff  }
0xb9: {  	v4 =	vadd.f32 v4, v7;
	v38 =	vmul.f32 $1.442695020e+00, v62;
	v35 =	vld.idx.msk [tilespmem:v43+s22+$0xA20 ss:$0x1], $0xffff  }
0xba: {  	v53 =	vmax.f32 v52, v5;
	v60 =	vadd.f32 v8, v59;
	v0 =	vadd.f32 v0, v13;
	v28 =	vpop (erf);
	v36 =	vld.idx.msk [tilespmem:v43+s22+$0xAA0 ss:$0x1], $0xffff  }
0xbb: {  	v55 =	vmax.f32 v14, v10;
	v54 =	vmax.f32 v31, v2;
	v44 =	vmax.f32 v12, v15;
	v51 =	vld.idx.msk [tilespmem:v43+s22+$0xB20 ss:$0x1], $0xffff;
	v61 =	vpop (erf)  }
0xbc: {  	v44 =	vmax.f32 v55, v44;
	v50 =	vld.idx.msk [tilespmem:v43+s22+$0xBA0 ss:$0x1], $0xffff;
	v7 =	vadd.f32 v60, v28;
	v13 =	vpop (erf);
	v8 =	vadd.f32 v0, v61  }
0xbd: {  	(erf) = vpow2.f32 v38;
	v0 =	vadd.f32 v4, v57;
	v4 =	vsub.f32 v49, v48;
	v28 =	vpop (erf)  }
0xbe: {  	v38 =	vmax.f32 v6, v45;
	v3 =	vadd.f32 v3, v13;
	v13 =	vpop (erf);
	v1 =	vadd.f32 v7, v28  }
0xbf: {  	v28 =	vmovc v42;
	v42 =	vmax.f32 v42, v48;
	v7 =	vmax.f32 v9, v16;
	v33 =	vadd.f32 v8, v13  }
0xc0: {  	v49 =	vld.idx.msk [tilespmem:v43+s22+$0xC20 ss:$0x1], $0xffff;
	v8 =	vmax.f32 v21, v22;
	v13 =	vmax.f32 v25, v26;
	v57 =	vmax.f32 v27, v30  }
0xc1: {  	v63 =	vpop (erf);
	v58 =	vmax.f32 v11, v18;
	v59 =	vmax.f32 v35, v36;
	v60 =	vmax.f32 v51, v50  }
0xc2: {  	v3 =	vadd.f32 v3, v63;
	v7 =	vmax.f32 v7, v8;
	v63 =	vmax.f32 v13, v38  }
0xc3: {  	v13 =	vmax.f32 v53, v54;
	v58 =	vmax.f32 v57, v58;
	v61 =	vmax.f32 v59, v60  }
0xc4: {  	v7 =	vmax.f32 v7, v63;
	v62 =	vmax.f32 v13, v44;
	v13 =	vmax.f32 v58, v61  }
0xc5: {  	v4 =	vmul.f32 $1.442695020e+00, v4;
	v7 =	vmax.f32 v7, v62;
	v63 =	vmax.f32 v13, v49  }
0xc6: {  	v28 =	vsub.f32 v28, v42;
	v44 =	vsub.f32 v48, v42;
	v48 =	vmax.f32 v7, v63  }
0xc7: {  	v0 =	vmul.f32 v0, v46;
	(erf) = vpow2.f32 v4;
	v7 =	vsub.f32 v9, v48  }
0xc8: {  	v54 =	vmul.f32 $1.442695020e+00, v28;
	v8 =	vsub.f32 v16, v48;
	v57 =	vsub.f32 v21, v48  }
0xc9: {  	v55 =	vmul.f32 $1.442695020e+00, v44;
	v59 =	vsub.f32 v22, v48;
	v61 =	vsub.f32 v25, v48  }
0xca: {  	(erf) = vpow2.f32 v54;
	v63 =	vsub.f32 v26, v48;
	v6 =	vsub.f32 v6, v48  }
0xcb: {  	v44 =	vsub.f32 v45, v48;
	(erf) = vpow2.f32 v55;
	v56 =	vmul.f32 $1.442695020e+00, v7  }
0xcc: {  	v54 =	vsub.f32 v52, v48;
	v58 =	vmul.f32 $1.442695020e+00, v8;
	v60 =	vmul.f32 $1.442695020e+00, v57  }
0xcd: {  	v2 =	vsub.f32 v2, v48;
	v62 =	vmul.f32 $1.442695020e+00, v59;
	v38 =	vmul.f32 $1.442695020e+00, v61  }
0xce: {  	[tilespmem:$0x1FD80] =	vst v42;
	v11 =	vsub.f32 v11, v48;
	v42 =	vmul.f32 $1.442695020e+00, v63;
	v45 =	vmul.f32 $1.442695020e+00, v6  }
0xcf: {  	v18 =	vsub.f32 v18, v48;
	v55 =	vmul.f32 $1.442695020e+00, v44;
	v61 =	vmul.f32 $1.442695020e+00, v2  }
0xd0: {  	v57 =	vsub.f32 v31, v48;
	v11 =	vmul.f32 $1.442695020e+00, v11;
	(erf) = vpow2.f32 v56  }
0xd1: {  	v63 =	vsub.f32 v12, v48;
	v18 =	vmul.f32 $1.442695020e+00, v18;
	(erf) = vpow2.f32 v58  }
0xd2: {  	v12 =	vsub.f32 v27, v48;
	v56 =	vmul.f32 $1.442695020e+00, v54;
	(erf) = vpow2.f32 v60  }
0xd3: {  	v31 =	vsub.f32 v35, v48;
	v6 =	vmul.f32 $1.442695020e+00, v57;
	(erf) = vpow2.f32 v62  }
0xd4: {  	v5 =	vsub.f32 v5, v48;
	v12 =	vmul.f32 $1.442695020e+00, v12;
	(erf) = vpow2.f32 v38  }
0xd5: {  	v4 =	vld.idx.msk [tilespmem:v43+s22+$0x130 ss:$0x1], $0xffff;
	v13 =	vpop (erf);
	v52 =	vmul.f32 $1.442695020e+00, v31;
	(erf) = vpow2.f32 v42  }
0xd6: {  	v9 =	vld.idx.msk [tilespmem:v43+s22+$0x330 ss:$0x1], $0xffff;
	v53 =	vadd.f32 v1, v13;
	v16 =	vpop (erf);
	v58 =	vmul.f32 $1.442695020e+00, v5;
	(erf) = vpow2.f32 v45  }
0xd7: {  	v1 =	vld.idx.msk [tilespmem:v43+s22+$0x30 ss:$0x1], $0xffff;
	v60 =	vsub.f32 v14, v48;
	v16 =	vadd.f32 v33, v16;
	v21 =	vpop (erf);
	(erf) = vpow2.f32 v55  }
0xd8: {  	v2 =	vld.idx.msk [tilespmem:v43+s22+$0xB0 ss:$0x1], $0xffff;
	v62 =	vsub.f32 v10, v48;
	v10 =	vmul.f32 $1.442695020e+00, v63;
	v59 =	vpop (erf);
	(erf) = vpow2.f32 v56  }
0xd9: {  	v8 =	vld.idx.msk [tilespmem:v43+s22+$0x2B0 ss:$0x1], $0xffff;
	v7 =	vmul.f32 $1.442695020e+00, v60;
	v14 =	vpop (erf);
	(erf) = vpow2.f32 v58  }
0xda: {  	v35 =	vld.idx.msk [tilespmem:v43+s22+$0x7B0 ss:$0x1], $0xffff;
	v3 =	vadd.f32 v16, v3;
	v42 =	vsub.f32 v15, v48;
	v22 =	vpop (erf);
	(erf) = vpow2.f32 v6  }
0xdb: {  	v27 =	vsub.f32 v30, v48;
	v31 =	vld.idx.msk [tilespmem:v43+s22+$0x530 ss:$0x1], $0xffff;
	v38 =	vmul.f32 $1.442695020e+00, v62;
	v25 =	vpop (erf);
	(erf) = vpow2.f32 v61  }
0xdc: {  	v3 =	vadd.f32 v3, v53;
	v13 =	vmul.f32 $1.442695020e+00, v42;
	v6 =	vld.idx.msk [tilespmem:v43+s22+$0x1B0 ss:$0x1], $0xffff;
	v15 =	vpop (erf);
	(erf) = vpow2.f32 v7  }
0xdd: {  	v33 =	vld.idx.msk [tilespmem:v43+s22+$0x9B0 ss:$0x1], $0xffff;
	v56 =	vmul.f32 v21, v39;
	v26 =	vpop (erf);
	(erf) = vpow2.f32 v38  }
0xde: {  	v36 =	vsub.f32 v36, v48;
	v3 =	vmul.f32 v3, v59;
	v7 =	vld.idx.msk [tilespmem:v43+s22+$0x230 ss:$0x1], $0xffff;
	v28 =	vpop (erf);
	(erf) = vpow2.f32 v10  }
0xdf: {  	v16 =	vld.idx.msk [tilespmem:v43+s22+$0x6B0 ss:$0x1], $0xffff;
	v62 =	vsub.f32 v50, v48;
	v30 =	vpop (erf);
	(erf) = vpow2.f32 v13;
	v13 =	vmul.f32 $1.442695020e+00, v27  }
0xe0: {  	v14 =	vadd.f32 v15, v14;
	v10 =	vld.idx.msk [tilespmem:v43+s22+$0x3B0 ss:$0x1], $0xffff;
	v22 =	vadd.f32 v26, v22;
	v27 =	vpop (erf);
	(erf) = vpow2.f32 v12  }
0xe1: {  	v50 =	vld.idx.msk [tilespmem:v43+s22+$0xBB0 ss:$0x1], $0xffff;
	v25 =	vadd.f32 v28, v25;
	v38 =	vmax.f32 v4, v6;
	v44 =	vpop (erf);
	(erf) = vpow2.f32 v13  }
0xe2: {  	v28 =	vld.idx.msk [tilespmem:v43+s22+$0x630 ss:$0x1], $0xffff;
	v54 =	vadd.f32 v14, v30;
	v22 =	vadd.f32 v22, v27;
	v45 =	vpop (erf);
	(erf) = vpow2.f32 v11  }
0xe3: {  	v12 =	vld.idx.msk [tilespmem:v43+s22+$0x430 ss:$0x1], $0xffff;
	v63 =	vmax.f32 v7, v8;
	v25 =	vadd.f32 v25, v44;
	v15 =	vpop (erf);
	(erf) = vpow2.f32 v18  }
0xe4: {  	v30 =	vld.idx.msk [tilespmem:v43+s22+$0x730 ss:$0x1], $0xffff;
	v18 =	vmul.f32 $1.442695020e+00, v36;
	v11 =	vadd.f32 v54, v45;
	v45 =	vmovc v37;
	v37 =	vmax.f32 v37, v48  }
0xe5: {  	v13 =	vld.idx.msk [tilespmem:v43+s22+$0x4B0 ss:$0x1], $0xffff;
	v39 =	vmax.f32 v9, v10;
	v26 =	vpop (erf);
	(erf) = vpow2.f32 v52;
	v15 =	vadd.f32 v22, v15  }
0xe6: {  	v36 =	vld.idx.msk [tilespmem:v43+s22+$0x5B0 ss:$0x1], $0xffff;
	v45 =	vsub.f32 v45, v37;
	v14 =	vpop (erf);
	(erf) = vpow2.f32 v18;
	v18 =	vmul.f32 v47, v41  }
0xe7: {  	v53 =	vmax.f32 v28, v16;
	v22 =	vadd.f32 v25, v26;
	v26 =	vld.idx.msk [tilespmem:v43+s22+$0x830 ss:$0x1], $0xffff;
	v27 =	vpop (erf);
	v11 =	vadd.f32 v11, v14  }
0xe8: {  	v63 =	vmax.f32 v63, v39;
	v55 =	vpop (erf);
	v0 =	vadd.f32 v0, v18;
	v18 =	vld.idx.msk [tilespmem:v43+s22+$0x8B0 ss:$0x1], $0xffff;
	v57 =	vadd.f32 v15, v27  }
0xe9: {  	v42 =	vmax.f32 v30, v35;
	v27 =	vsub.f32 v51, v48;
	v25 =	vpop (erf);
	v15 =	vadd.f32 v22, v55;
	v22 =	vld.idx.msk [tilespmem:v43+s22+$0x930 ss:$0x1], $0xffff  }
0xea: {  	v44 =	vmax.f32 v12, v13;
	[tilespmem:$0x1FD70] =	vst v0;
	v14 =	vpop (erf);
	v0 =	vadd.f32 v3, v56;
	v3 =	vld.idx.msk [tilespmem:v43+s22+$0xB30 ss:$0x1], $0xffff  }
0xeb: {  	v42 =	vmax.f32 v53, v42;
	v27 =	vmul.f32 $1.442695020e+00, v27;
	v21 =	vpop (erf);
	v58 =	vadd.f32 v57, v14;
	v14 =	vld.idx.msk [tilespmem:v43+s22+$0xA30 ss:$0x1], $0xffff  }
0xec: {  	v41 =	vmax.f32 v31, v36;
	v11 =	vadd.f32 v11, v25;
	v25 =	vpop (erf);
	v60 =	vadd.f32 v15, v21;
	v15 =	vld.idx.msk [tilespmem:v43+s22+$0xAB0 ss:$0x1], $0xffff  }
0xed: {  	v41 =	vmax.f32 v44, v41;
	(erf) = vpow2.f32 v27;
	v27 =	vmax.f32 v1, v2;
	v59 =	vpop (erf)  }
0xee: {  	v21 =	vadd.f32 v11, v25;
	v55 =	vmax.f32 v26, v18;
	v27 =	vmax.f32 v27, v38;
	v25 =	vpop (erf)  }
0xef: {  	v51 =	vld.idx.msk [tilespmem:v43+s22+$0xC30 ss:$0x1], $0xffff;
	v11 =	vadd.f32 v58, v59;
	v27 =	vmax.f32 v27, v63;
	v61 =	vpop (erf);
	v5 =	vadd.f32 v60, v25  }
0xf0: {  	[tilespmem:$0x1FDA0] =	vst v0;
	v25 =	vsub.f32 v49, v48;
	v60 =	vmax.f32 v22, v33;
	v0 =	vadd.f32 v21, v61  }
0xf1: {  	v21 =	vmul.f32 $1.442695020e+00, v62;
	v62 =	vmax.f32 v3, v50;
	v61 =	vmax.f32 v14, v15  }
0xf2: {  	v63 =	vsub.f32 v48, v37;
	v56 =	vmax.f32 v55, v60;
	v59 =	vmax.f32 v61, v62  }
0xf3: {  	v60 =	vmax.f32 v41, v42;
	v25 =	vmul.f32 $1.442695020e+00, v25;
	v61 =	vmax.f32 v56, v59  }
0xf4: {  	v27 =	vmax.f32 v27, v60;
	(erf) = vpow2.f32 v21;
	v62 =	vmax.f32 v61, v51  }
0xf5: {  	v21 =	vmul.f32 $1.442695020e+00, v45;
	(erf) = vpow2.f32 v25;
	v49 =	vmax.f32 v27, v62  }
0xf6: {  	v25 =	vmul.f32 $1.442695020e+00, v63;
	v1 =	vsub.f32 v1, v49;
	v2 =	vsub.f32 v2, v49  }
0xf7: {  	(erf) = vpow2.f32 v21;
	v4 =	vsub.f32 v4, v49;
	v6 =	vsub.f32 v6, v49  }
0xf8: {  	(erf) = vpow2.f32 v25;
	v38 =	vsub.f32 v7, v49;
	v41 =	vsub.f32 v8, v49  }
0xf9: {  	v44 =	vsub.f32 v9, v49;
	v1 =	vmul.f32 $1.442695020e+00, v1;
	v2 =	vmul.f32 $1.442695020e+00, v2  }
0xfa: {  	[tilespmem:$0x1FDC0] =	vst v37;
	v46 =	vsub.f32 v10, v49;
	v37 =	vmul.f32 $1.442695020e+00, v4;
	v39 =	vmul.f32 $1.442695020e+00, v6  }
0xfb: {  	v48 =	vsub.f32 v12, v49;
	v42 =	vmul.f32 $1.442695020e+00, v38;
	v45 =	vmul.f32 $1.442695020e+00, v41  }
0xfc: {  	v53 =	vsub.f32 v13, v49;
	v47 =	vmul.f32 $1.442695020e+00, v44;
	(erf) = vpow2.f32 v1  }
0xfd: {  	v55 =	vsub.f32 v31, v49;
	v52 =	vmul.f32 $1.442695020e+00, v46;
	(erf) = vpow2.f32 v2  }
0xfe: {  	v58 =	vsub.f32 v36, v49;
	v54 =	vmul.f32 $1.442695020e+00, v48;
	(erf) = vpow2.f32 v37  }
0xff: {  	v61 =	vsub.f32 v28, v49;
	v57 =	vmul.f32 $1.442695020e+00, v53;
	(erf) = vpow2.f32 v39  }
0x100: {  	v21 =	vpop (erf);
	v63 =	vsub.f32 v16, v49;
	v60 =	vmul.f32 $1.442695020e+00, v55;
	(erf) = vpow2.f32 v42  }
0x101: {  	v7 =	vld.idx.msk [tilespmem:v43+s22+$0x140 ss:$0x1], $0xffff;
	v12 =	vsub.f32 v26, v49;
	v62 =	vmul.f32 $1.442695020e+00, v58;
	v25 =	vpop (erf);
	(erf) = vpow2.f32 v45  }
0x102: {  	v8 =	vld.idx.msk [tilespmem:v43+s22+$0x1C0 ss:$0x1], $0xffff;
	v18 =	vsub.f32 v18, v49;
	v36 =	vmul.f32 $1.442695020e+00, v61;
	v13 =	vpop (erf);
	(erf) = vpow2.f32 v47  }
0x103: {  	v9 =	vld.idx.msk [tilespmem:v43+s22+$0x240 ss:$0x1], $0xffff;
	v22 =	vsub.f32 v22, v49;
	v38 =	vmul.f32 $1.442695020e+00, v63;
	v56 =	vpop (erf);
	(erf) = vpow2.f32 v52  }
0x104: {  	v10 =	vld.idx.msk [tilespmem:v43+s22+$0x2C0 ss:$0x1], $0xffff;
	v15 =	vsub.f32 v15, v49;
	v44 =	vmul.f32 $1.442695020e+00, v12;
	v59 =	vpop (erf);
	(erf) = vpow2.f32 v54  }
0x105: {  	v4 =	vld.idx.msk [tilespmem:v43+s22+$0x40 ss:$0x1], $0xffff;
	v46 =	vmul.f32 $1.442695020e+00, v18;
	v18 =	vsub.f32 v33, v49;
	v27 =	vpop (erf);
	(erf) = vpow2.f32 v57  }
0x106: {  	v12 =	vld.idx.msk [tilespmem:v43+s22+$0x340 ss:$0x1], $0xffff;
	v48 =	vmul.f32 $1.442695020e+00, v22;
	v37 =	vsub.f32 v30, v49;
	v16 =	vpop (erf);
	(erf) = vpow2.f32 v60  }
0x107: {  	v33 =	vld.idx.msk [tilespmem:v43+s22+$0x3C0 ss:$0x1], $0xffff;
	v55 =	vmul.f32 $1.442695020e+00, v15;
	v39 =	vsub.f32 v35, v49;
	v28 =	vpop (erf);
	(erf) = vpow2.f32 v62  }
0x108: {  	v22 =	vld.idx.msk [tilespmem:v43+s22+$0x440 ss:$0x1], $0xffff;
	v41 =	vmul.f32 $1.442695020e+00, v37;
	v30 =	vpop (erf);
	(erf) = vpow2.f32 v36  }
0x109: {  	v15 =	vld.idx.msk [tilespmem:v43+s22+$0x5C0 ss:$0x1], $0xffff;
	v42 =	vmul.f32 $1.442695020e+00, v39;
	v26 =	vpop (erf);
	(erf) = vpow2.f32 v38  }
0x10a: {  	v14 =	vsub.f32 v14, v49;
	v53 =	vmul.f32 $1.442695020e+00, v18;
	v18 =	vld.idx.msk [tilespmem:v43+s22+$0x4C0 ss:$0x1], $0xffff;
	v31 =	vpop (erf);
	(erf) = vpow2.f32 v41  }
0x10b: {  	v3 =	vsub.f32 v3, v49;
	v11 =	vadd.f32 v11, v21;
	v35 =	vld.idx.msk [tilespmem:v43+s22+$0x740 ss:$0x1], $0xffff;
	v45 =	vpop (erf);
	(erf) = vpow2.f32 v42  }
0x10c: {  	v63 =	vsub.f32 v50, v49;
	v54 =	vmul.f32 $1.442695020e+00, v14;
	v14 =	vld.idx.msk [tilespmem:v43+s22+$0x540 ss:$0x1], $0xffff;
	v47 =	vpop (erf);
	(erf) = vpow2.f32 v44  }
0x10d: {  	v0 =	vadd.f32 v0, v13;
	v36 =	vld.idx.msk [tilespmem:v43+s22+$0x9C0 ss:$0x1], $0xffff;
	v27 =	vadd.f32 v30, v27;
	v52 =	vpop (erf);
	(erf) = vpow2.f32 v46  }
0x10e: {  	v16 =	vadd.f32 v26, v16;
	v26 =	vadd.f32 v31, v28;
	v31 =	vld.idx.msk [tilespmem:v43+s22+$0x640 ss:$0x1], $0xffff;
	v21 =	vpop (erf);
	(erf) = vpow2.f32 v48  }
0x10f: {  	v50 =	vmov v34;
	[tilespmem:$0x1FDE0] =	vst v56;
	v56 =	vadd.f32 v5, v25;
	v57 =	vadd.f32 v27, v45;
	v27 =	vld.idx.msk [tilespmem:v43+s22+$0x6C0 ss:$0x1], $0xffff;
	v30 =	vpop (erf)  }
0x110: {  	v34 =	vmax.f32 v34, v49;
	v45 =	vld.idx.msk [tilespmem:v43+s22+$0xB40 ss:$0x1], $0xffff;
	v58 =	vadd.f32 v16, v47;
	v16 =	vadd.f32 v26, v52;
	v28 =	vpop (erf)  }
0x111: {  	v0 =	vadd.f32 v0, v11;
	(erf) = vpow2.f32 v53;
	v5 =	vadd.f32 v57, v21;
	v21 =	vld.idx.msk [tilespmem:v43+s22+$0x7C0 ss:$0x1], $0xffff;
	v25 =	vpop (erf)  }
0x112: {  	(erf) = vpow2.f32 v54;
	v2 =	vadd.f32 v58, v30;
	v30 =	vld.idx.msk [tilespmem:v43+s22+$0x840 ss:$0x1], $0xffff;
	v16 =	vadd.f32 v16, v28;
	v26 =	vpop (erf)  }
0x113: {  	v50 =	vsub.f32 v50, v34;
	v37 =	vmax.f32 v12, v33;
	v54 =	vld.idx.msk [tilespmem:v43+s22+$0xBC0 ss:$0x1], $0xffff;
	(erf) = vpow2.f32 v55;
	v13 =	vpop (erf)  }
0x114: {  	v3 =	vmul.f32 $1.442695020e+00, v3;
	[tilespmem:$0x1FDF0] =	vst v59;
	v0 =	vadd.f32 v0, v56;
	v5 =	vadd.f32 v5, v25;
	v25 =	vld.idx.msk [tilespmem:v43+s22+$0x8C0 ss:$0x1], $0xffff;
	v28 =	vpop (erf)  }
0x115: {  	v39 =	vmax.f32 v22, v18;
	v56 =	vsub.f32 v49, v34;
	v2 =	vadd.f32 v2, v26;
	v26 =	vld.idx.msk [tilespmem:v43+s22+$0x940 ss:$0x1], $0xffff;
	v59 =	vpop (erf)  }
0x116: {  	v6 =	vld.idx.msk [tilespmem:v43+s22+$0xC0 ss:$0x1], $0xffff;
	v44 =	vmax.f32 v14, v15;
	v13 =	vadd.f32 v16, v13;
	v5 =	vadd.f32 v5, v28;
	v16 =	vpop (erf)  }
0x117: {  	v11 =	vld.idx.msk [tilespmem:v43+s22+$0xA40 ss:$0x1], $0xffff;
	v38 =	vmax.f32 v9, v10;
	v44 =	vmax.f32 v39, v44;
	v57 =	vmul.f32 $1.442695020e+00, v50;
	v28 =	vpop (erf)  }
0x118: {  	v48 =	vmax.f32 v31, v27;
	(erf) = vpow2.f32 v3;
	v5 =	vadd.f32 v5, v28;
	v28 =	vld.idx.msk [tilespmem:v43+s22+$0xAC0 ss:$0x1], $0xffff  }
0x119: {  	v3 =	vmul.f32 $1.442695020e+00, v63;
	v46 =	vmax.f32 v35, v21;
	v42 =	vmax.f32 v45, v54  }
0x11a: {  	v13 =	vadd.f32 v13, v16;
	v58 =	vmax.f32 v30, v25;
	v61 =	vpop (erf);
	v47 =	vmax.f32 v26, v36  }
0x11b: {  	v53 =	vld.idx.msk [tilespmem:v43+s22+$0xC40 ss:$0x1], $0xffff;
	v46 =	vmax.f32 v48, v46;
	v60 =	vadd.f32 v2, v59;
	v16 =	vpop (erf);
	v47 =	vmax.f32 v58, v47  }
0x11c: {  	v62 =	vpop (erf);
	v1 =	vadd.f32 v13, v16;
	v13 =	vmax.f32 v4, v6;
	v16 =	vmax.f32 v7, v8  }
0x11d: {  	[tilespmem:$0x1FE00] =	vst v0;
	v0 =	vadd.f32 v5, v62;
	v5 =	vsub.f32 v51, v49;
	v41 =	vmax.f32 v11, v28  }
0x11e: {  	v13 =	vmax.f32 v13, v16;
	v16 =	vmax.f32 v38, v37;
	v48 =	vmax.f32 v41, v42  }
0x11f: {  	v13 =	vmax.f32 v13, v16;
	v16 =	vmax.f32 v44, v46;
	v55 =	vmax.f32 v47, v48  }
0x120: {  	v13 =	vmax.f32 v13, v16;
	v5 =	vmul.f32 $1.442695020e+00, v5;
	v16 =	vmax.f32 v55, v53  }
0x121: {  	(erf) = vpow2.f32 v3;
	v2 =	vadd.f32 v60, v61;
	v52 =	vmax.f32 v13, v16  }
0x122: {  	v58 =	vmul.f32 $1.442695020e+00, v56;
	(erf) = vpow2.f32 v5;
	v4 =	vsub.f32 v4, v52  }
0x123: {  	(erf) = vpow2.f32 v57;
	v6 =	vsub.f32 v6, v52;
	v60 =	vsub.f32 v7, v52  }
0x124: {  	(erf) = vpow2.f32 v58;
	v62 =	vsub.f32 v8, v52;
	v9 =	vsub.f32 v9, v52  }
0x125: {  	v37 =	vsub.f32 v10, v52;
	v39 =	vsub.f32 v12, v52;
	v59 =	vmul.f32 $1.442695020e+00, v4  }
0x126: {  	v42 =	vsub.f32 v33, v52;
	v61 =	vmul.f32 $1.442695020e+00, v6;
	v63 =	vmul.f32 $1.442695020e+00, v60  }
0x127: {  	[tilespmem:$0x1FDB0] =	vst v34;
	v46 =	vsub.f32 v22, v52;
	v34 =	vmul.f32 $1.442695020e+00, v62;
	v38 =	vmul.f32 $1.442695020e+00, v9  }
0x128: {  	v48 =	vsub.f32 v18, v52;
	v41 =	vmul.f32 $1.442695020e+00, v37;
	v44 =	vmul.f32 $1.442695020e+00, v39  }
0x129: {  	v50 =	vsub.f32 v14, v52;
	v47 =	vmul.f32 $1.442695020e+00, v42;
	(erf) = vpow2.f32 v59  }
0x12a: {  	v56 =	vsub.f32 v15, v52;
	v49 =	vmul.f32 $1.442695020e+00, v46;
	(erf) = vpow2.f32 v61  }
0x12b: {  	v12 =	vpop (erf);
	v25 =	vsub.f32 v25, v52;
	v55 =	vmul.f32 $1.442695020e+00, v48;
	(erf) = vpow2.f32 v63  }
0x12c: {  	v2 =	vadd.f32 v2, v12;
	v58 =	vmul.f32 $1.442695020e+00, v50;
	(erf) = vpow2.f32 v34  }
0x12d: {  	v7 =	vld.idx.msk [tilespmem:v43+s22+$0xD0 ss:$0x1], $0xffff;
	v60 =	vmul.f32 $1.442695020e+00, v56;
	v37 =	vsub.f32 v30, v52;
	(erf) = vpow2.f32 v38  }
0x12e: {  	v8 =	vld.idx.msk [tilespmem:v43+s22+$0x150 ss:$0x1], $0xffff;
	v13 =	vpop (erf);
	v42 =	vmul.f32 $1.442695020e+00, v25;
	v25 =	vsub.f32 v36, v52;
	(erf) = vpow2.f32 v41  }
0x12f: {  	v10 =	vld.idx.msk [tilespmem:v43+s22+$0x250 ss:$0x1], $0xffff;
	v46 =	vsub.f32 v11, v52;
	v39 =	vmul.f32 $1.442695020e+00, v37;
	v16 =	vpop (erf);
	(erf) = vpow2.f32 v44  }
0x130: {  	v6 =	vld.idx.msk [tilespmem:v43+s22+$0x50 ss:$0x1], $0xffff;
	v59 =	vsub.f32 v31, v52;
	v48 =	vmul.f32 $1.442695020e+00, v25;
	v51 =	vpop (erf);
	(erf) = vpow2.f32 v47  }
0x131: {  	v9 =	vld.idx.msk [tilespmem:v43+s22+$0x1D0 ss:$0x1], $0xffff;
	v1 =	vadd.f32 v1, v13;
	v50 =	vmul.f32 $1.442695020e+00, v46;
	v57 =	vpop (erf);
	(erf) = vpow2.f32 v49  }
0x132: {  	v30 =	vld.idx.msk [tilespmem:v43+s22+$0x2D0 ss:$0x1], $0xffff;
	v61 =	vsub.f32 v27, v52;
	v62 =	vmul.f32 $1.442695020e+00, v59;
	v14 =	vpop (erf);
	(erf) = vpow2.f32 v55  }
0x133: {  	v11 =	vld.idx.msk [tilespmem:v43+s22+$0x350 ss:$0x1], $0xffff;
	v63 =	vsub.f32 v35, v52;
	v0 =	vadd.f32 v0, v16;
	v15 =	vpop (erf);
	(erf) = vpow2.f32 v58  }
0x134: {  	v36 =	vld.idx.msk [tilespmem:v43+s22+$0x450 ss:$0x1], $0xffff;
	v33 =	vmul.f32 $1.442695020e+00, v61;
	v34 =	vsub.f32 v21, v52;
	v18 =	vpop (erf);
	(erf) = vpow2.f32 v60  }
0x135: {  	v13 =	vld.idx.msk [tilespmem:v43+s22+$0x6D0 ss:$0x1], $0xffff;
	v35 =	vmul.f32 $1.442695020e+00, v63;
	v0 =	vadd.f32 v0, v2;
	v21 =	vpop (erf);
	(erf) = vpow2.f32 v62  }
0x136: {  	v25 =	vsub.f32 v28, v52;
	v28 =	vld.idx.msk [tilespmem:v43+s22+$0x3D0 ss:$0x1], $0xffff;
	v38 =	vmul.f32 $1.442695020e+00, v34;
	v22 =	vpop (erf);
	(erf) = vpow2.f32 v33  }
0x137: {  	v41 =	vsub.f32 v26, v52;
	v0 =	vadd.f32 v0, v1;
	v1 =	vld.idx.msk [tilespmem:v43+s22+$0xBD0 ss:$0x1], $0xffff;
	v27 =	vpop (erf);
	(erf) = vpow2.f32 v35  }
0x138: {  	[tilespmem:$0x1FE10] =	vst v51;
	v51 =	vsub.f32 v45, v52;
	v55 =	vmul.f32 $1.442695020e+00, v25;
	v25 =	vld.idx.msk [tilespmem:v43+s22+$0x4D0 ss:$0x1], $0xffff;
	v26 =	vpop (erf);
	(erf) = vpow2.f32 v38  }
0x139: {  	v44 =	vmul.f32 $1.442695020e+00, v41;
	[tilespmem:$0x1FE30] =	vst v0;
	v0 =	vld.idx.msk [tilespmem:v43+s22+$0xB50 ss:$0x1], $0xffff;
	v31 =	vpop (erf);
	(erf) = vpow2.f32 v39  }
0x13a: {  	v56 =	vmul.f32 $1.442695020e+00, v51;
	v33 =	vld.idx.msk [tilespmem:v43+s22+$0x8D0 ss:$0x1], $0xffff;
	v47 =	vpop (erf);
	(erf) = vpow2.f32 v42  }
0x13b: {  	[tilespmem:$0x1FE20] =	vst v57;
	v14 =	vadd.f32 v21, v14;
	v15 =	vadd.f32 v22, v15;
	v38 =	vld.idx.msk [tilespmem:v43+s22+$0x550 ss:$0x1], $0xffff;
	v49 =	vpop (erf);
	(erf) = vpow2.f32 v44  }
0x13c: {  	v41 =	vmax.f32 v8, v9;
	v35 =	vmax.f32 v6, v7;
	v57 =	vadd.f32 v27, v18;
	v18 =	vld.idx.msk [tilespmem:v43+s22+$0x5D0 ss:$0x1], $0xffff;
	v21 =	vpop (erf)  }
0x13d: {  	v27 =	vld.idx.msk [tilespmem:v43+s22+$0x750 ss:$0x1], $0xffff;
	v58 =	vadd.f32 v14, v26;
	v14 =	vadd.f32 v15, v31;
	(erf) = vpow2.f32 v48;
	v22 =	vpop (erf)  }
0x13e: {  	v35 =	vmax.f32 v35, v41;
	v26 =	vld.idx.msk [tilespmem:v43+s22+$0x650 ss:$0x1], $0xffff;
	v59 =	vadd.f32 v57, v47;
	(erf) = vpow2.f32 v50;
	v12 =	vpop (erf)  }
0x13f: {  	v31 =	vld.idx.msk [tilespmem:v43+s22+$0x850 ss:$0x1], $0xffff;
	v5 =	vadd.f32 v58, v49;
	v14 =	vadd.f32 v14, v21;
	(erf) = vpow2.f32 v55;
	v15 =	vpop (erf)  }
0x140: {  	v41 =	vmax.f32 v0, v1;
	v3 =	vadd.f32 v59, v22;
	v22 =	vld.idx.msk [tilespmem:v43+s22+$0x7D0 ss:$0x1], $0xffff;
	(erf) = vpow2.f32 v56;
	v60 =	vpop (erf)  }
0x141: {  	v42 =	vmax.f32 v11, v28;
	v47 =	vmax.f32 v32, v52;
	v5 =	vadd.f32 v5, v12;
	v21 =	vpop (erf)  }
0x142: {  	v4 =	vld.idx.msk [tilespmem:v43+s22+$0xA50 ss:$0x1], $0xffff;
	v44 =	vmax.f32 v36, v25;
	v46 =	vmax.f32 v38, v18;
	v12 =	vadd.f32 v14, v15;
	v16 =	vpop (erf)  }
0x143: {  	v48 =	vmax.f32 v26, v13;
	v61 =	vadd.f32 v3, v60;
	v3 =	vld.idx.msk [tilespmem:v43+s22+$0x9D0 ss:$0x1], $0xffff;
	v5 =	vadd.f32 v5, v21;
	v14 =	vpop (erf)  }
0x144: {  	v50 =	vmax.f32 v31, v33;
	v21 =	vsub.f32 v54, v52;
	v12 =	vadd.f32 v12, v16;
	v16 =	vld.idx.msk [tilespmem:v43+s22+$0x950 ss:$0x1], $0xffff;
	v62 =	vpop (erf)  }
0x145: {  	v54 =	vmax.f32 v10, v30;
	v49 =	vmax.f32 v27, v22;
	v63 =	vadd.f32 v5, v62;
	v5 =	vld.idx.msk [tilespmem:v43+s22+$0xAD0 ss:$0x1], $0xffff  }
0x146: {  	v54 =	vmax.f32 v54, v42;
	v42 =	vmax.f32 v44, v46;
	v2 =	vadd.f32 v61, v14;
	v15 =	vpop (erf)  }
0x147: {  	v39 =	vmul.f32 $1.442695020e+00, v21;
	v44 =	vmax.f32 v48, v49;
	v21 =	vsub.f32 v32, v47;
	v14 =	vpop (erf)  }
0x148: {  	v35 =	vmax.f32 v35, v54;
	v12 =	vadd.f32 v12, v15;
	v15 =	vpop (erf);
	v14 =	vadd.f32 v2, v14;
	v2 =	vld.idx.msk [tilespmem:v43+s22+$0xC50 ss:$0x1], $0xffff  }
0x149: {  	(erf) = vpow2.f32 v39;
	v37 =	vpop (erf);
	v45 =	vadd.f32 v63, v15;
	v15 =	vsub.f32 v53, v52  }
0x14a: {  	v12 =	vadd.f32 v12, v37;
	v37 =	vmax.f32 v16, v3;
	v39 =	vmax.f32 v4, v5  }
0x14b: {  	v48 =	vmax.f32 v42, v44;
	v46 =	vmax.f32 v50, v37;
	v53 =	vmax.f32 v39, v41  }
0x14c: {  	v52 =	vsub.f32 v52, v47;
	v15 =	vmul.f32 $1.442695020e+00, v15;
	v53 =	vmax.f32 v46, v53  }
0x14d: {  	v35 =	vmax.f32 v35, v48;
	v21 =	vmul.f32 $1.442695020e+00, v21;
	v53 =	vmax.f32 v53, v2  }
0x14e: {  	(erf) = vpow2.f32 v15;
	v15 =	vmul.f32 $1.442695020e+00, v52;
	v55 =	vmax.f32 v35, v53  }
0x14f: {  	(erf) = vpow2.f32 v21;
	v6 =	vsub.f32 v6, v55  }
0x150: {  	(erf) = vpow2.f32 v15;
	v7 =	vsub.f32 v7, v55;
	v8 =	vsub.f32 v8, v55  }
0x151: {  	v9 =	vsub.f32 v9, v55;
	v51 =	vsub.f32 v10, v55;
	v6 =	vmul.f32 $1.442695020e+00, v6  }
0x152: {  	v53 =	vsub.f32 v30, v55;
	v7 =	vmul.f32 $1.442695020e+00, v7;
	v50 =	vmul.f32 $1.442695020e+00, v8  }
0x153: {  	v56 =	vsub.f32 v11, v55;
	v52 =	vmul.f32 $1.442695020e+00, v9;
	v54 =	vmul.f32 $1.442695020e+00, v51  }
0x154: {  	v58 =	vsub.f32 v28, v55;
	v57 =	vmul.f32 $1.442695020e+00, v53;
	(erf) = vpow2.f32 v6  }
0x155: {  	v60 =	vsub.f32 v36, v55;
	v59 =	vmul.f32 $1.442695020e+00, v56;
	(erf) = vpow2.f32 v7  }
0x156: {  	v62 =	vsub.f32 v25, v55;
	v61 =	vmul.f32 $1.442695020e+00, v58;
	(erf) = vpow2.f32 v50  }
0x157: {  	v15 =	vsub.f32 v38, v55;
	v34 =	vmul.f32 $1.442695020e+00, v60;
	v8 =	vld.idx.msk [tilespmem:v43+s22+$0xE0 ss:$0x1], $0xffff;
	(erf) = vpow2.f32 v52  }
0x158: {  	v18 =	vsub.f32 v18, v55;
	v36 =	vmul.f32 $1.442695020e+00, v62;
	v9 =	vld.idx.msk [tilespmem:v43+s22+$0x160 ss:$0x1], $0xffff;
	(erf) = vpow2.f32 v54  }
0x159: {  	v49 =	vpop (erf);
	v21 =	vsub.f32 v26, v55;
	v37 =	vmul.f32 $1.442695020e+00, v15;
	v15 =	vld.idx.msk [tilespmem:v43+s22+$0x1E0 ss:$0x1], $0xffff;
	(erf) = vpow2.f32 v57  }
0x15a: {  	v38 =	vmul.f32 $1.442695020e+00, v18;
	v18 =	vld.idx.msk [tilespmem:v43+s22+$0x260 ss:$0x1], $0xffff;
	v63 =	vpop (erf);
	(erf) = vpow2.f32 v59  }
0x15b: {  	v39 =	vmul.f32 $1.442695020e+00, v21;
	v21 =	vsub.f32 v27, v55;
	v27 =	vld.idx.msk [tilespmem:v43+s22+$0x2E0 ss:$0x1], $0xffff;
	v35 =	vpop (erf);
	(erf) = vpow2.f32 v61  }
0x15c: {  	v13 =	vsub.f32 v13, v55;
	v16 =	vsub.f32 v16, v55;
	v58 =	vld.idx.msk [tilespmem:v43+s22+$0x4E0 ss:$0x1], $0xffff;
	v53 =	vpop (erf);
	(erf) = vpow2.f32 v34  }
0x15d: {  	v3 =	vsub.f32 v3, v55;
	v14 =	vadd.f32 v14, v49;
	v62 =	vld.idx.msk [tilespmem:v43+s22+$0x660 ss:$0x1], $0xffff;
	v25 =	vpop (erf);
	(erf) = vpow2.f32 v36  }
0x15e: {  	v41 =	vmul.f32 $1.442695020e+00, v13;
	v13 =	vsub.f32 v22, v55;
	v56 =	vld.idx.msk [tilespmem:v43+s22+$0x6E0 ss:$0x1], $0xffff;
	v26 =	vpop (erf);
	(erf) = vpow2.f32 v37  }
0x15f: {  	v6 =	vld.idx.msk [tilespmem:v43+s22+$0x60 ss:$0x1], $0xffff;
	v42 =	vmul.f32 $1.442695020e+00, v21;
	v21 =	vsub.f32 v31, v55;
	v28 =	vpop (erf);
	(erf) = vpow2.f32 v38  }
0x160: {  	v31 =	vld.idx.msk [tilespmem:v43+s22+$0x360 ss:$0x1], $0xffff;
	v44 =	vmul.f32 $1.442695020e+00, v13;
	v13 =	vsub.f32 v33, v55;
	v22 =	vpop (erf);
	(erf) = vpow2.f32 v39  }
0x161: {  	v33 =	vld.idx.msk [tilespmem:v43+s22+$0x3E0 ss:$0x1], $0xffff;
	v48 =	vmul.f32 $1.442695020e+00, v21;
	v10 =	vadd.f32 v45, v63;
	v30 =	vpop (erf);
	(erf) = vpow2.f32 v41  }
0x162: {  	v49 =	vmul.f32 $1.442695020e+00, v13;
	[tilespmem:$0x1FE50] =	vst v35;
	v35 =	vld.idx.msk [tilespmem:v43+s22+$0x460 ss:$0x1], $0xffff;
	v13 =	vadd.f32 v22, v25;
	v46 =	vpop (erf);
	(erf) = vpow2.f32 v42  }
0x163: {  	v4 =	vsub.f32 v4, v55;
	v10 =	vadd.f32 v10, v12;
	v59 =	vld.idx.msk [tilespmem:v43+s22+$0x560 ss:$0x1], $0xffff;
	v21 =	vpop (erf);
	(erf) = vpow2.f32 v44  }
0x164: {  	v0 =	vsub.f32 v0, v55;
	v61 =	vld.idx.msk [tilespmem:v43+s22+$0x5E0 ss:$0x1], $0xffff;
	v22 =	vpop (erf);
	(erf) = vpow2.f32 v48;
	v13 =	vadd.f32 v13, v21  }
0x165: {  	v50 =	vmul.f32 $1.442695020e+00, v16;
	v54 =	vadd.f32 v10, v14;
	v10 =	vld.idx.msk [tilespmem:v43+s22+$0x860 ss:$0x1], $0xffff;
	v12 =	vadd.f32 v30, v26;
	v16 =	vpop (erf)  }
0x166: {  	v1 =	vsub.f32 v1, v55;
	v3 =	vmul.f32 $1.442695020e+00, v3;
	v36 =	vld.idx.msk [tilespmem:v43+s22+$0xAE0 ss:$0x1], $0xffff;
	v51 =	vadd.f32 v46, v28;
	v21 =	vpop (erf)  }
0x167: {  	v4 =	vmul.f32 $1.442695020e+00, v4;
	v0 =	vmul.f32 $1.442695020e+00, v0;
	v38 =	vld.idx.msk [tilespmem:v43+s22+$0x760 ss:$0x1], $0xffff;
	v52 =	vadd.f32 v12, v22;
	v60 =	vpop (erf)  }
0x168: {  	v26 =	vld.idx.msk [tilespmem:v43+s22+$0x960 ss:$0x1], $0xffff;
	(erf) = vpow2.f32 v49;
	v7 =	vadd.f32 v51, v16;
	v12 =	vadd.f32 v13, v21;
	v13 =	vpop (erf)  }
0x169: {  	v39 =	vmul.f32 $1.442695020e+00, v1;
	v41 =	vsub.f32 v2, v55;
	v30 =	vld.idx.msk [tilespmem:v43+s22+$0xA60 ss:$0x1], $0xffff;
	(erf) = vpow2.f32 v50;
	v14 =	vpop (erf)  }
0x16a: {  	v25 =	vmax.f32 v59, v61;
	v28 =	vld.idx.msk [tilespmem:v43+s22+$0x9E0 ss:$0x1], $0xffff;
	v11 =	vadd.f32 v52, v60;
	v7 =	vadd.f32 v7, v13;
	v13 =	vpop (erf)  }
0x16b: {  	v42 =	vmax.f32 v6, v8;
	v16 =	vsub.f32 v5, v55;
	v5 =	vld.idx.msk [tilespmem:v43+s22+$0x8E0 ss:$0x1], $0xffff;
	v12 =	vadd.f32 v12, v14;
	v14 =	vpop (erf)  }
0x16c: {  	v46 =	vmax.f32 v17, v55;
	v1 =	vmul.f32 $1.442695020e+00, v41;
	v21 =	vld.idx.msk [tilespmem:v43+s22+$0x7E0 ss:$0x1], $0xffff;
	v11 =	vadd.f32 v11, v13;
	v13 =	vpop (erf)  }
0x16d: {  	v48 =	vmax.f32 v9, v15;
	v49 =	vmax.f32 v18, v27;
	v60 =	vld.idx.msk [tilespmem:v43+s22+$0xBE0 ss:$0x1], $0xffff;
	v7 =	vadd.f32 v7, v14;
	v14 =	vpop (erf)  }
0x16e: {  	v22 =	vmax.f32 v35, v58;
	v2 =	vmax.f32 v42, v48;
	v11 =	vadd.f32 v11, v14;
	v14 =	vld.idx.msk [tilespmem:v43+s22+$0xB60 ss:$0x1], $0xffff  }
0x16f: {  	v50 =	vmax.f32 v62, v56;
	v22 =	vmax.f32 v22, v25;
	v32 =	vmax.f32 v30, v36  }
0x170: {  	(erf) = vpow2.f32 v3;
	v63 =	vmul.f32 $1.442695020e+00, v16;
	v16 =	vmax.f32 v31, v33  }
0x171: {  	v3 =	vld.idx.msk [tilespmem:v43+s22+$0xC60 ss:$0x1], $0xffff;
	(erf) = vpow2.f32 v4;
	v52 =	vmax.f32 v10, v5;
	v13 =	vadd.f32 v12, v13;
	v12 =	vpop (erf)  }
0x172: {  	v51 =	vmax.f32 v38, v21;
	v34 =	vpop (erf);
	v12 =	vadd.f32 v7, v12;
	v7 =	vmax.f32 v49, v16  }
0x173: {  	v16 =	vmax.f32 v26, v28;
	v13 =	vadd.f32 v13, v34;
	v34 =	vmax.f32 v14, v60  }
0x174: {  	v45 =	vmax.f32 v50, v51;
	v4 =	vmax.f32 v52, v16;
	v16 =	vmax.f32 v32, v34  }
0x175: {  	v37 =	vmax.f32 v22, v45;
	v2 =	vmax.f32 v2, v7;
	v4 =	vmax.f32 v4, v16  }
0x176: {  	(erf) = vpow2.f32 v63;
	v2 =	vmax.f32 v2, v37;
	v4 =	vmax.f32 v4, v3  }
0x177: {  	(erf) = vpow2.f32 v0;
	v22 =	vsub.f32 v55, v46;
	v7 =	vmax.f32 v2, v4  }
0x178: {  	(erf) = vpow2.f32 v39;
	v16 =	vsub.f32 v17, v46;
	v2 =	vsub.f32 v6, v7  }
0x179: {  	(erf) = vpow2.f32 v1;
	v4 =	vsub.f32 v8, v7;
	v44 =	vsub.f32 v9, v7  }
0x17a: {  	v39 =	vmul.f32 $1.442695020e+00, v16;
	v48 =	vsub.f32 v15, v7;
	v50 =	vsub.f32 v18, v7  }
0x17b: {  	v41 =	vmul.f32 $1.442695020e+00, v22;
	v52 =	vsub.f32 v27, v7;
	v57 =	vsub.f32 v31, v7  }
0x17c: {  	v8 =	vsub.f32 v33, v7;
	(erf) = vpow2.f32 v39;
	v42 =	vmul.f32 $1.442695020e+00, v2  }
0x17d: {  	v32 =	vsub.f32 v35, v7;
	(erf) = vpow2.f32 v41;
	v45 =	vmul.f32 $1.442695020e+00, v4  }
0x17e: {  	v25 =	vld.idx.msk [tilespmem:v43+s22+$0xF0 ss:$0x1], $0xffff;
	v35 =	vsub.f32 v58, v7;
	v49 =	vmul.f32 $1.442695020e+00, v44;
	v51 =	vmul.f32 $1.442695020e+00, v48  }
0x17f: {  	v1 =	vld.idx.msk [tilespmem:v43+s22+$0x670 ss:$0x1], $0xffff;
	v10 =	vsub.f32 v10, v7;
	v55 =	vmul.f32 $1.442695020e+00, v50;
	(erf) = vpow2.f32 v42  }
0x180: {  	v22 =	vld.idx.msk [tilespmem:v43+s22+$0x70 ss:$0x1], $0xffff;
	v28 =	vsub.f32 v28, v7;
	v63 =	vmul.f32 $1.442695020e+00, v52;
	(erf) = vpow2.f32 v45  }
0x181: {  	v17 =	vld.idx.msk [tilespmem:v43+s22+$0x770 ss:$0x1], $0xffff;
	v30 =	vsub.f32 v30, v7;
	v9 =	vmul.f32 $1.442695020e+00, v57;
	(erf) = vpow2.f32 v49  }
0x182: {  	v27 =	vld.idx.msk [tilespmem:v43+s22+$0x170 ss:$0x1], $0xffff;
	v15 =	vpop (erf);
	v14 =	vsub.f32 v14, v7;
	v34 =	vmul.f32 $1.442695020e+00, v8;
	(erf) = vpow2.f32 v51  }
0x183: {  	v31 =	vld.idx.msk [tilespmem:v43+s22+$0x1F0 ss:$0x1], $0xffff;
	v16 =	vpop (erf);
	v39 =	vsub.f32 v59, v7;
	v37 =	vmul.f32 $1.442695020e+00, v32;
	(erf) = vpow2.f32 v55  }
0x184: {  	v33 =	vld.idx.msk [tilespmem:v43+s22+$0x270 ss:$0x1], $0xffff;
	v15 =	vadd.f32 v11, v15;
	v41 =	vmul.f32 $1.442695020e+00, v35;
	v45 =	vpop (erf);
	(erf) = vpow2.f32 v63  }
0x185: {  	v58 =	vld.idx.msk [tilespmem:v43+s22+$0x370 ss:$0x1], $0xffff;
	v50 =	vsub.f32 v56, v7;
	v52 =	vmov v19;
	v19 =	vpop (erf);
	(erf) = vpow2.f32 v9  }
0x186: {  	v59 =	vld.idx.msk [tilespmem:v43+s22+$0x3F0 ss:$0x1], $0xffff;
	v44 =	vmul.f32 $1.442695020e+00, v39;
	v42 =	vsub.f32 v61, v7;
	v18 =	vpop (erf);
	(erf) = vpow2.f32 v34  }
0x187: {  	v11 =	vld.idx.msk [tilespmem:v43+s22+$0xA70 ss:$0x1], $0xffff;
	v48 =	vsub.f32 v62, v7;
	v6 =	vmul.f32 $1.442695020e+00, v50;
	v35 =	vpop (erf);
	(erf) = vpow2.f32 v37  }
0x188: {  	v57 =	vld.idx.msk [tilespmem:v43+s22+$0x2F0 ss:$0x1], $0xffff;
	v32 =	vsub.f32 v38, v7;
	v49 =	vmul.f32 $1.442695020e+00, v42;
	v55 =	vpop (erf);
	(erf) = vpow2.f32 v41  }
0x189: {  	v62 =	vld.idx.msk [tilespmem:v43+s22+$0x4F0 ss:$0x1], $0xffff;
	v16 =	vadd.f32 v12, v16;
	v51 =	vmul.f32 $1.442695020e+00, v48;
	v56 =	vpop (erf);
	(erf) = vpow2.f32 v44  }
0x18a: {  	v4 =	vld.idx.msk [tilespmem:v43+s22+$0x5F0 ss:$0x1], $0xffff;
	v42 =	vmul.f32 $1.442695020e+00, v10;
	v34 =	vsub.f32 v21, v7;
	(erf) = vpow2.f32 v49  }
0x18b: {  	v2 =	vld.idx.msk [tilespmem:v43+s22+$0x6F0 ss:$0x1], $0xffff;
	v50 =	vmov v23;
	v37 =	vmul.f32 $1.442695020e+00, v32;
	v38 =	vpop (erf);
	(erf) = vpow2.f32 v51  }
0x18c: {  	v8 =	vld.idx.msk [tilespmem:v43+s22+$0x8F0 ss:$0x1], $0xffff;
	v39 =	vmul.f32 $1.442695020e+00, v34;
	v41 =	vsub.f32 v5, v7;
	v21 =	vpop (erf);
	(erf) = vpow2.f32 v6  }
0x18d: {  	v12 =	vld.idx.msk [tilespmem:v43+s22+$0xAF0 ss:$0x1], $0xffff;
	v44 =	vsub.f32 v26, v7;
	v51 =	vmov v20;
	v20 =	vpop (erf);
	(erf) = vpow2.f32 v37  }
0x18e: {  	v61 =	vld.idx.msk [tilespmem:v43+s22+$0x470 ss:$0x1], $0xffff;
	v45 =	vadd.f32 v13, v45;
	v23 =	vmul.f32 $1.442695020e+00, v41;
	v26 =	vpop (erf);
	(erf) = vpow2.f32 v39  }
0x18f: {  	v13 =	vld.idx.msk [tilespmem:v43+s22+$0xBF0 ss:$0x1], $0xffff;
	v49 =	vmov v24;
	v10 =	vmul.f32 $1.442695020e+00, v44;
	v24 =	vpop (erf);
	(erf) = vpow2.f32 v42  }
0x190: {  	v63 =	vld.idx.msk [tilespmem:v43+s22+$0x570 ss:$0x1], $0xffff;
	v41 =	vpop (erf);
	(erf) = vpow2.f32 v23;
	v23 =	vmul.f32 $1.442695020e+00, v28;
	v28 =	vsub.f32 v36, v7  }
0x191: {  	v30 =	vmul.f32 $1.442695020e+00, v30;
	v48 =	vmov v29;
	v5 =	vld.idx.msk [tilespmem:v43+s22+$0x7F0 ss:$0x1], $0xffff;
	v36 =	vpop (erf);
	(erf) = vpow2.f32 v10  }
0x192: {  	v0 =	vmax.f32 v33, v57;
	v9 =	vld.idx.msk [tilespmem:v43+s22+$0x970 ss:$0x1], $0xffff;
	v42 =	vpop (erf);
	(erf) = vpow2.f32 v23;
	v23 =	vmul.f32 $1.442695020e+00, v28  }
0x193: {  	v19 =	vadd.f32 v15, v19;
	v15 =	vmax.f32 v22, v25;
	v44 =	vmax.f32 v1, v2;
	v6 =	vld.idx.msk [tilespmem:v43+s22+$0x870 ss:$0x1], $0xffff  }
0x194: {  	v39 =	vmax.f32 v58, v59;
	v10 =	vld.idx.msk [tilespmem:v43+s22+$0x9F0 ss:$0x1], $0xffff;
	v28 =	vpop (erf);
	(erf) = vpow2.f32 v30;
	v30 =	vmul.f32 $1.442695020e+00, v14  }
0x195: {  	v26 =	vadd.f32 v26, v38;
	v32 =	vmax.f32 v0, v39;
	v14 =	vld.idx.msk [tilespmem:v43+s22+$0xB70 ss:$0x1], $0xffff;
	v29 =	vpop (erf);
	(erf) = vpow2.f32 v23  }
0x196: {  	v0 =	vmax.f32 v17, v5;
	v23 =	vpop (erf);
	(erf) = vpow2.f32 v30;
	v30 =	vmax.f32 v27, v31  }
0x197: {  	v38 =	vmax.f32 v63, v4;
	v30 =	vmax.f32 v15, v30;
	v15 =	vmax.f32 v61, v62  }
0x198: {  	v60 =	vsub.f32 v60, v7;
	v34 =	vmax.f32 v44, v0;
	v38 =	vmax.f32 v15, v38;
	v15 =	vld.idx.msk [tilespmem:v43+s22+$0xC70 ss:$0x1], $0xffff  }
0x199: {  	v37 =	vmax.f32 v6, v8;
	v0 =	vmovc v40;
	v40 =	vmax.f32 v11, v12;
	v39 =	vmax.f32 v9, v10  }
0x19a: {  	v37 =	vmax.f32 v37, v39;
	v30 =	vmax.f32 v30, v32;
	v44 =	vmax.f32 v14, v13  }
0x19b: {  	v32 =	vsub.f32 v3, v7;
	v39 =	vmax.f32 v40, v44;
	v44 =	vmax.f32 v38, v34  }
0x19c: {  	v40 =	vmax.f32 v0, v7;
	v38 =	vmul.f32 $1.442695020e+00, v60;
	v34 =	vmax.f32 v37, v39  }
0x19d: {  	v30 =	vmax.f32 v30, v44;
	v44 =	vsub.f32 v0, v40;
	v60 =	vmax.f32 v34, v15  }
0x19e: {  	v7 =	vsub.f32 v7, v40;
	v39 =	vpop (erf);
	v3 =	vmax.f32 v30, v60;
	v30 =	vmul.f32 $1.442695020e+00, v32  }
0x19f: {  	v37 =	vmul.f32 $1.442695020e+00, v44;
	v34 =	vpop (erf);
	(erf) = vpow2.f32 v38;
	v22 =	vsub.f32 v22, v3  }
0x1a0: {  	v7 =	vmul.f32 $1.442695020e+00, v7;
	v32 =	vpop (erf);
	v25 =	vsub.f32 v25, v3;
	(erf) = vpow2.f32 v30  }
0x1a1: {  	v27 =	vsub.f32 v27, v3;
	v38 =	vpop (erf);
	(erf) = vpow2.f32 v37;
	v22 =	vmul.f32 $1.442695020e+00, v22  }
0x1a2: {  	v44 =	vmul.f32 $1.442695020e+00, v25;
	v25 =	vsub.f32 v31, v3;
	v30 =	vpop (erf);
	(erf) = vpow2.f32 v7  }
0x1a3: {  	v37 =	vpop (erf);
	(erf) = vpow2.f32 v22;
	v22 =	vmul.f32 $1.442695020e+00, v27;
	v27 =	vsub.f32 v33, v3  }
0x1a4: {  	v31 =	vpop (erf)  }
0x1a5: {  	v21 =	vadd.f32 v24, v21;
	v0 =	vmul.f32 $1.442695020e+00, v25;
	(erf) = vpow2.f32 v44;
	v60 =	vpop (erf)  }
0x1a6: {  	v16 =	vadd.f32 v16, v18;
	(erf) = vpow2.f32 v22;
	v22 =	vmul.f32 $1.442695020e+00, v27;
	v24 =	vpop (erf)  }
0x1a7: {  	v20 =	vadd.f32 v41, v20;
	v18 =	vadd.f32 v26, v36;
	(erf) = vpow2.f32 v0;
	v27 =	vpop (erf)  }
0x1a8: {  	v36 =	vadd.f32 v21, v42;
	(erf) = vpow2.f32 v22;
	v22 =	vadd.f32 v45, v35;
	v26 =	vpop (erf)  }
0x1a9: {  	v20 =	vadd.f32 v20, v28;
	v18 =	vadd.f32 v18, v29;
	v21 =	vpop (erf)  }
0x1aa: {  	v23 =	vadd.f32 v36, v23;
	v19 =	vadd.f32 v22, v19;
	v25 =	vpop (erf)  }
0x1ab: {  	v20 =	vadd.f32 v20, v39;
	v29 =	vadd.f32 v18, v34;
	v28 =	vpop (erf)  }
0x1ac: {  	v58 =	vsub.f32 v58, v3;
	v61 =	vsub.f32 v61, v3;
	v7 =	vpop (erf)  }
0x1ad: {  	v4 =	vsub.f32 v4, v3;
	v23 =	vadd.f32 v23, v32;
	v18 =	vpop (erf)  }
0x1ae: {  	v20 =	vadd.f32 v20, v38;
	v22 =	vadd.f32 v19, v16;
	v19 =	vpop (erf)  }
0x1af: {  	v23 =	vadd.f32 v23, v37;
	v16 =	vadd.f32 v29, v30;
	v29 =	vpop (erf)  }
0x1b0: {  	v20 =	vadd.f32 v20, v31;
	v31 =	vsub.f32 v57, v3;
	v30 =	vpop (erf)  }
0x1b1: {  	v23 =	vadd.f32 v23, v24;
	v16 =	vadd.f32 v16, v60;
	v24 =	vpop (erf)  }
0x1b2: {  	v31 =	vmul.f32 $1.442695020e+00, v31;
	v60 =	vsub.f32 v59, v3;
	v19 =	vadd.f32 v24, v19;
	v24 =	vpop (erf)  }
0x1b3: {  	v4 =	vmul.f32 $1.442695020e+00, v4;
	v24 =	vadd.f32 v24, v29;
	v29 =	vmul.f32 $1.442695020e+00, v58  }
0x1b4: {  	v0 =	vsub.f32 v62, v3;
	(erf) = vpow2.f32 v31;
	v31 =	vmul.f32 $1.442695020e+00, v60  }
0x1b5: {  	v36 =	vsub.f32 v63, v3;
	(erf) = vpow2.f32 v29;
	v29 =	vmul.f32 $1.442695020e+00, v61  }
0x1b6: {  	v1 =	vsub.f32 v1, v3;
	(erf) = vpow2.f32 v31;
	v31 =	vmul.f32 $1.442695020e+00, v0  }
0x1b7: {  	v2 =	vsub.f32 v2, v3;
	(erf) = vpow2.f32 v29;
	v29 =	vmul.f32 $1.442695020e+00, v36  }
0x1b8: {  	v1 =	vmul.f32 $1.442695020e+00, v1;
	v44 =	vsub.f32 v5, v3;
	(erf) = vpow2.f32 v31  }
0x1b9: {  	v38 =	vsub.f32 v17, v3;
	v2 =	vmul.f32 $1.442695020e+00, v2;
	(erf) = vpow2.f32 v29  }
0x1ba: {  	v32 =	vmovc v47;
	v57 =	vsub.f32 v8, v3;
	v47 =	vmul.f32 $1.442695020e+00, v44;
	(erf) = vpow2.f32 v4  }
0x1bb: {  	v17 =	vmovc v46;
	v46 =	vsub.f32 v6, v3;
	v0 =	vmul.f32 $1.442695020e+00, v38;
	(erf) = vpow2.f32 v1  }
0x1bc: {  	v59 =	vsub.f32 v9, v3;
	v60 =	vmul.f32 $1.442695020e+00, v57;
	(erf) = vpow2.f32 v2  }
0x1bd: {  	v63 =	vsub.f32 v11, v3;
	v5 =	vpop (erf);
	v58 =	vmul.f32 $1.442695020e+00, v46;
	(erf) = vpow2.f32 v0  }
0x1be: {  	v62 =	vmul.f32 $1.442695020e+00, v59;
	v61 =	vsub.f32 v10, v3;
	v6 =	vpop (erf);
	(erf) = vpow2.f32 v47  }
0x1bf: {  	v59 =	vsub.f32 v15, v3;
	v38 =	vmul.f32 $1.442695020e+00, v63;
	v8 =	vpop (erf);
	(erf) = vpow2.f32 v58  }
0x1c0: {  	v35 =	vsub.f32 v12, v3;
	v33 =	vmul.f32 $1.442695020e+00, v61;
	v9 =	vpop (erf);
	(erf) = vpow2.f32 v60  }
0x1c1: {  	v44 =	vsub.f32 v14, v3;
	v63 =	vmul.f32 $1.442695020e+00, v59;
	v36 =	vpop (erf);
	(erf) = vpow2.f32 v62  }
0x1c2: {  	v57 =	vsub.f32 v13, v3;
	v47 =	vmul.f32 $1.442695020e+00, v35;
	v46 =	vpop (erf);
	(erf) = vpow2.f32 v33;
	v33 =	vld [tilespmem:$0x1FDD0]  }
0x1c3: {  	v5 =	vadd.f32 v5, v30;
	v58 =	vmul.f32 $1.442695020e+00, v44;
	v12 =	vpop (erf);
	(erf) = vpow2.f32 v38  }
0x1c4: {  	v61 =	vadd.f32 v19, v6;
	v60 =	vmul.f32 $1.442695020e+00, v57;
	v13 =	vpop (erf);
	(erf) = vpow2.f32 v47  }
0x1c5: {  	v8 =	vadd.f32 v24, v8;
	v57 =	vadd.f32 v16, v26;
	v62 =	vpop (erf);
	(erf) = vpow2.f32 v58  }
0x1c6: {  	v5 =	vadd.f32 v5, v9;
	v36 =	vadd.f32 v61, v36;
	v35 =	vpop (erf);
	(erf) = vpow2.f32 v60  }
0x1c7: {  	v8 =	vadd.f32 v8, v46;
	v38 =	vpop (erf);
	(erf) = vpow2.f32 v63;
	v14 =	vmax.f32 v33, v3  }
0x1c8: {  	v5 =	vadd.f32 v5, v12;
	v44 =	vpop (erf);
	v1 =	vsub.f32 v33, v14  }
0x1c9: {  	v2 =	vadd.f32 v36, v13;
	v3 =	vsub.f32 v3, v14;
	v46 =	vpop (erf)  }
0x1ca: {  	v4 =	vadd.f32 v57, v28;
	v57 =	vld [tilespmem:$0x1FE50];
	v6 =	vadd.f32 v8, v62;
	v47 =	vpop (erf);
	v1 =	vmul.f32 $1.442695020e+00, v1  }
0x1cb: {  	v5 =	vadd.f32 v5, v35;
	v35 =	vld [tilespmem:$0x1FDE0];
	v2 =	vadd.f32 v2, v38;
	v3 =	vmul.f32 $1.442695020e+00, v3;
	v12 =	vpop (erf)  }
0x1cc: {  	v62 =	vadd.f32 v23, v21;
	v0 =	vadd.f32 v6, v44;
	v44 =	vld [tilespmem:$0x1FE10];
	v58 =	vpop (erf);
	(erf) = vpow2.f32 v1  }
0x1cd: {  	v13 =	vadd.f32 v20, v27;
	v36 =	vld [tilespmem:$0x1FDF0];
	v59 =	vadd.f32 v2, v47;
	v60 =	vpop (erf);
	(erf) = vpow2.f32 v3  }
0x1ce: {  	v38 =	vld [tilespmem:$0x1FE00];
	v4 =	vadd.f32 v4, v62;
	v5 =	vadd.f32 v5, v46;
	v61 =	vpop (erf)  }
0x1cf: {  	v47 =	vld [tilespmem:$0x1FE20];
	v0 =	vadd.f32 v0, v12;
	v1 =	vadd.f32 v59, v60;
	v63 =	vpop (erf)  }
0x1d0: {  	v46 =	vadd.f32 v13, v25;
	v10 =	vmul.f32 v35, v52;
	v52 =	vld [tilespmem:$0x1FE40];
	v5 =	vadd.f32 v5, v58;
	v33 =	vpop (erf)  }
0x1d1: {  	v2 =	vmul.f32 v44, v48;
	v48 =	vld [tilespmem:$0x1FE30];
	v0 =	vadd.f32 v0, v61;
	v1 =	vadd.f32 v1, v33  }
0x1d2: {  	v12 =	vmul.f32 v22, v56;
	v3 =	vadd.f32 v4, v46  }
0x1d3: {  	v8 =	vmul.f32 v38, v36;
	v5 =	vadd.f32 v5, v63;
	v0 =	vadd.f32 v1, v0  }
0x1d4: {  	p1 =	sne.s32 s21, $0x7;
	v41 =	vld [tilespmem:$0x1FD70];
	v58 =	vmul.f32 v54, v53;
	v60 =	vmul.f32 v55, v49  }
.Ltmp4:
0x1d5: {  	v42 =	vld [tilespmem:$0x1FD80];
	v61 =	vmul.f32 v7, v50;
	v3 =	vmul.f32 v3, v18;
	v59 =	vpop (erf);
	v0 =	vadd.f32 v0, v5;
	(pc) =	sbr.rel @p1 .LBB2_3-.Ltmp4, $4  }
0x1d6: {  	v39 =	vld [tilespmem:$0x1FDA0];
	v19 =	vadd.f32 v8, v10;
	v6 =	vmul.f32 v48, v47;
	v1 =	vmul.f32 v57, v52;
	v62 =	vpop (erf)  }
0x1d7: {  	v34 =	vld [tilespmem:$0x1FDB0];
	v24 =	vadd.f32 v12, v60;
	v63 =	vmul.f32 v59, v51;
	v0 =	vmul.f32 v0, v62  }
0x1d8: {  	v37 =	vld [tilespmem:$0x1FDC0];
	v23 =	vadd.f32 v3, v61;
	v29 =	vadd.f32 v6, v2  }
0x1d9: {  	s21 =	sadd.s32 $0x1, s21;
	v45 =	vld [tilespmem:$0x1FD90];
	v28 =	vadd.f32 v58, v1;
	v20 =	vadd.f32 v0, v63  }
0x1da: {  	v1 =	vld [tilespmem:$0x1FE60];
	_ =	sdelay $0x2  }
0x1db: {  	s22 =	simm.s32 $0x80  }
0x1dc: {  	s22 =	simm.s32 @!p0 $0x0  }
0x1dd: {  	v0 =	vld [tilespmem:s22+$0xC800];
	v43 =	vmax.f32 v1, v45  }
0x1de: {  	v3 =	vld [tilespmem:$0x1FE70];
	v1 =	vsub.f32 v1, v43;
	_ =	sdelay $0x1  }
0x1df: {  	v2 =	vsub.f32 v45, v43;
	v1 =	vmul.f32 $1.442695020e+00, v1;
	_ =	sdelay $0x1  }
0x1e0: {  	v55 =	vld [tilespmem:s22+$0xC810];
	vm0 =	veq.s32 v0, $0xFFFFFFFF;
	v2 =	vmul.f32 $1.442695020e+00, v2;
	(erf) = vpow2.f32 v1  }
0x1e1: {  	v54 =	vmov s20;
	v45 =	vmax.f32 v3, v42;
	v38 =	vsel vm0, $0x0, v0  }
0x1e2: {  	v3 =	vsub.f32 v3, v45;
	v0 =	vsub.s32 v38, v54;
	(erf) = vpow2.f32 v2  }
0x1e3: {  	v4 =	vsub.f32 v42, v45;
	vm1 =	vgt.s32 v0, $0x0  }
0x1e4: {  	v12 =	vlaneseq.u32;
	v56 =	vmul.f32 $1.442695020e+00, v3;
	v3 =	vld [tilespmem:s22+$0xC820];
	v0 =	vnsel vm1, $0x0, v0  }
0x1e5: {  	v57 =	vld [tilespmem:$0x1FE80];
	v4 =	vmul.f32 $1.442695020e+00, v4;
	vm1 =	veq.s32 v55, $0xFFFFFFFF;
	v0 =	vmin.u32 v0, $0xC7  }
0x1e6: {  	(erf) = vpow2.f32 v56;
	v36 =	vsel vm1, $0x0, v55;
	v0 =	vshll.u32 v0, $0x7  }
0x1e7: {  	(erf) = vpow2.f32 v4;
	v4 =	vsub.s32 v36, v54;
	v5 =	vor.u32 v12, v0  }
0x1e8: {  	s21 =	sadd.s32 $0xC8, s20;
	vm3 =	vge.s32 v38, s20;
	vm4 =	vgt.s32 v4, $0x0  }
0x1e9: {  	vm5 =	vlt.s32 v38, s21;
	vm2 =	veq.s32 v3, $0xFFFFFFFF;
	v4 =	vnsel vm4, $0x0, v4;
	v6 =	vpop (erf)  }
0x1ea: {  	v42 =	vsel vm2, $0x0, v3;
	v3 =	vmin.u32 v4, $0xC7;
	v0 =	vmul.f32 v6, v57;
	v6 =	vld [tilespmem:s22+$0xC830]  }
0x1eb: {  	v9 =	vld [tilespmem:$0x1FEB0];
	vm4 =	vmand vm3, vm5;
	v4 =	vsub.s32 v42, v54;
	v3 =	vshll.u32 v3, $0x7;
	v7 =	vpop (erf)  }
0x1ec: {  	vm3 =	vgt.s32 v4, $0x0;
	v5 =	vld.idx.msk [tilespmem:v5+s19+$0x0], $0xffff;
	v58 =	vmul.f32 v41, v7;
	v7 =	vor.u32 $0x10, v12  }
0x1ed: {  	v7 =	vor.u32 v7, v3;
	v3 =	vnsel vm3, $0x0, v4;
	v4 =	vld [tilespmem:$0x1FE90]  }
0x1ee: {  	v11 =	vld [tilespmem:$0x1FEC0]  }
0x1ef: {  	vm3 =	veq.s32 v6, $0xFFFFFFFF  }
0x1f0: {  	v10 =	vor.u32 $0x30, v12;
	v31 =	vmax.f32 v9, v37;
	v44 =	vsel vm3, $0x0, v6  }
0x1f1: {  	v3 =	vmin.u32 v3, $0xC7;
	v6 =	vor.u32 $0x20, v12;
	v8 =	vsub.s32 v44, v54  }
0x1f2: {  	v13 =	vld [tilespmem:$0x1FED0];
	v33 =	vsel vm4, v5, v4;
	v5 =	vshll.u32 v3, $0x7;
	vm4 =	vgt.s32 v8, $0x0  }
0x1f3: {  	v35 =	vmax.f32 v11, v34;
	v7 =	vld.idx.msk [tilespmem:v7+s19+$0x0], $0xffff;
	v5 =	vor.u32 v6, v5;
	v6 =	vnsel vm4, $0x0, v8  }
0x1f4: {  	vm5 =	vlt.s32 v36, s21;
	v8 =	vsub.f32 v9, v31;
	v6 =	vmin.u32 v6, $0xC7  }
0x1f5: {  	vm4 =	vge.s32 v36, s20;
	v9 =	vsub.f32 v37, v31;
	v6 =	vshll.u32 v6, $0x7  }
0x1f6: {  	v3 =	vld [tilespmem:$0x1FEA0];
	v8 =	vmul.f32 $1.442695020e+00, v8;
	v6 =	vor.u32 v10, v6;
	v10 =	vsub.f32 v11, v35  }
0x1f7: {  	vm4 =	vmand vm4, vm5;
	v9 =	vmul.f32 $1.442695020e+00, v9;
	v11 =	vld [tilespmem:s22+$0xC840]  }
0x1f8: {  	v27 =	vsel vm4, v7, v13;
	v5 =	vld.idx.msk [tilespmem:v5+s19+$0x0], $0xffff;
	(erf) = vpow2.f32 v8;
	v7 =	vmul.f32 $1.442695020e+00, v10  }
0x1f9: {  	(erf) = vpow2.f32 v9;
	v9 =	vld [tilespmem:$0x1FEE0]  }
0x1fa: {  	(erf) = vpow2.f32 v7;
	v7 =	vld [tilespmem:$0x1FEF0]  }
0x1fb: {  	v4 =	vpop (erf);
	v10 =	vld [tilespmem:$0x1FF00]  }
0x1fc: {  	vm6 =	vlt.s32 v44, s21;
	vm5 =	vlt.s32 v42, s21;
	v3 =	vmul.f32 v4, v3;
	v4 =	vpop (erf);
	v6 =	vld.idx.msk [tilespmem:v6+s19+$0x0], $0xffff  }
0x1fd: {  	vm4 =	vge.s32 v42, s20;
	v4 =	vmul.f32 v39, v4;
	v8 =	vsub.f32 v34, v35  }
0x1fe: {  	vm4 =	vmand vm4, vm5;
	vm5 =	vge.s32 v44, s20;
	v39 =	vmax.f32 v9, v32  }
0x1ff: {  	v25 =	vsel vm4, v5, v7;
	v5 =	vsub.f32 v9, v39;
	vm4 =	veq.s32 v11, $0xFFFFFFFF  }
0x200: {  	vm5 =	vmand vm5, vm6;
	v8 =	vmul.f32 $1.442695020e+00, v8;
	v26 =	vsel vm4, $0x0, v11  }
0x201: {  	v22 =	vsel vm5, v6, v10;
	v6 =	vld [tilespmem:$0x1FF10];
	v5 =	vmul.f32 $1.442695020e+00, v5;
	v9 =	vsub.s32 v26, v54  }
0x202: {  	(erf) = vpow2.f32 v8;
	vm5 =	vgt.s32 v9, $0x0  }
0x203: {  	(erf) = vpow2.f32 v5;
	v5 =	vnsel vm5, $0x0, v9  }
0x204: {  	v8 =	vld [tilespmem:s22+$0xC850];
	v7 =	vsub.f32 v32, v39;
	v5 =	vmin.u32 v5, $0xC7  }
0x205: {  	v10 =	vor.u32 $0x40, v12;
	v5 =	vshll.u32 v5, $0x7  }
0x206: {  	v7 =	vmul.f32 $1.442695020e+00, v7;
	v37 =	vmax.f32 v6, v17;
	v5 =	vor.u32 v10, v5;
	v10 =	vld [tilespmem:$0x1FF20]  }
0x207: {  	v6 =	vsub.f32 v6, v37  }
0x208: {  	(erf) = vpow2.f32 v7;
	v7 =	vsub.f32 v17, v37  }
0x209: {  	vm5 =	veq.s32 v8, $0xFFFFFFFF;
	v6 =	vmul.f32 $1.442695020e+00, v6  }
0x20a: {  	v21 =	vsel vm5, $0x0, v8;
	v7 =	vmul.f32 $1.442695020e+00, v7  }
0x20b: {  	v8 =	vsub.s32 v21, v54;
	(erf) = vpow2.f32 v6;
	v34 =	vmax.f32 v10, v40  }
0x20c: {  	vm6 =	vgt.s32 v8, $0x0;
	(erf) = vpow2.f32 v7;
	v7 =	vsub.f32 v10, v34  }
0x20d: {  	v6 =	vnsel vm6, $0x0, v8;
	v8 =	vsub.f32 v40, v34  }
0x20e: {  	v7 =	vmul.f32 $1.442695020e+00, v7  }
0x20f: {  	v9 =	vld [tilespmem:s22+$0xC860];
	v8 =	vmul.f32 $1.442695020e+00, v8  }
0x210: {  	(erf) = vpow2.f32 v7  }
0x211: {  	(erf) = vpow2.f32 v8;
	v8 =	vld [tilespmem:$0x1FF30];
	_ =	sdelay $0x1  }
0x212: {  	v10 =	vld [tilespmem:s22+$0xC870]  }
0x213: {  	vm6 =	veq.s32 v9, $0xFFFFFFFF  }
0x214: {  	v6 =	vmin.u32 v6, $0xC7;
	v18 =	vsel vm6, $0x0, v9;
	v9 =	vor.u32 $0x50, v12  }
0x215: {  	v6 =	vshll.u32 v6, $0x7;
	v11 =	vsub.s32 v18, v54;
	v32 =	vmax.f32 v8, v14  }
0x216: {  	v13 =	vld [tilespmem:$0x1FF40];
	v6 =	vor.u32 v9, v6;
	vm7 =	vgt.s32 v11, $0x0;
	v8 =	vsub.f32 v8, v32  }
0x217: {  	v5 =	vld.idx.msk [tilespmem:v5+s19+$0x0], $0xffff;
	v7 =	vnsel vm7, $0x0, v11;
	vm7 =	veq.s32 v10, $0xFFFFFFFF;
	v9 =	vsub.f32 v14, v32  }
0x218: {  	v15 =	vsel vm7, $0x0, v10;
	v10 =	vor.u32 $0x60, v12;
	v8 =	vmul.f32 $1.442695020e+00, v8  }
0x219: {  	v7 =	vmin.u32 v7, $0xC7;
	v9 =	vmul.f32 $1.442695020e+00, v9  }
0x21a: {  	vm8 =	vge.s32 v26, s20;
	vm10 =	vlt.s32 v26, s21;
	v11 =	vpop (erf);
	v7 =	vshll.u32 v7, $0x7  }
0x21b: {  	vm8 =	vmand vm8, vm10;
	v2 =	vsub.s32 v15, v54;
	v7 =	vor.u32 v10, v7;
	v10 =	vpop (erf)  }
0x21c: {  	v14 =	vsel vm8, v5, v13;
	v5 =	vor.u32 $0x70, v12;
	v12 =	vld [tilespmem:$0x1FF50];
	(erf) = vpow2.f32 v8;
	v8 =	vpop (erf)  }
0x21d: {  	vm9 =	vgt.s32 v2, $0x0;
	(erf) = vpow2.f32 v9;
	v9 =	vpop (erf)  }
0x21e: {  	v2 =	vnsel vm9, $0x0, v2;
	v60 =	vmul.f32 v29, v9;
	v9 =	vld [tilespmem:$0x1FF80]  }
0x21f: {  	v2 =	vmin.u32 v2, $0xC7  }
0x220: {  	v2 =	vshll.u32 v2, $0x7;
	v16 =	vpop (erf)  }
0x221: {  	v10 =	vmul.f32 v19, v10;
	v2 =	vor.u32 v5, v2;
	v11 =	vmul.f32 v11, v12;
	v5 =	vpop (erf)  }
0x222: {  	v6 =	vld.idx.msk [tilespmem:v6+s19+$0x0], $0xffff;
	v17 =	vpop (erf)  }
0x223: {  	v11 =	vadd.f32 v10, v11;
	v10 =	vmul.f32 v17, v9;
	v9 =	vld [tilespmem:$0x1FF90];
	_ =	sdelay $0x2  }
0x224: {  	v59 =	vld [tilespmem:$0x1FF60];
	vm12 =	vlt.s32 v21, s21;
	vm8 =	vge.s32 v21, s20  }
0x225: {  	vm8 =	vmand vm8, vm12;
	v7 =	vld.idx.msk [tilespmem:v7+s19+$0x0], $0xffff  }
0x226: {  	v9 =	vsel vm8, v6, v9;
	v6 =	vld [tilespmem:$0x1FFB0];
	_ =	sdelay $0x1  }
0x227: {  	v12 =	vadd.f32 v4, v3;
	v3 =	vld [tilespmem:$0x1FF70]  }
0x228: {  	vm13 =	vge.s32 v18, s20;
	vm14 =	vlt.s32 v18, s21  }
0x229: {  	v62 =	vld [tilespmem:$0x1FFC0];
	vm9 =	vmand vm13, vm14;
	v19 =	vpop (erf)  }
0x22a: {  	v13 =	vadd.f32 v58, v0;
	v0 =	vmul.f32 v8, v59;
	v8 =	vpop (erf);
	v7 =	vsel vm9, v7, v6;
	v6 =	vld [tilespmem:$0x1FFA0]  }
0x22b: {  	v63 =	vld [tilespmem:$0x1FFD0];
	v4 =	vmul.f32 v28, v5;
	v5 =	vpop (erf)  }
0x22c: {  	p0 =	sne.s32 s18, $0x4;
	v2 =	vld.idx.msk [tilespmem:v2+s19+$0x0], $0xffff;
	v3 =	vmul.f32 v16, v3;
	v17 =	vpop (erf)  }
.Ltmp5:
0x22d: {  	v16 =	vmul.f32 v24, v19;
	v61 =	vmul.f32 v23, v5;
	v5 =	vpop (erf);
	(pc) =	sbr.rel @p0 .LBB2_6-.Ltmp5, $4  }
0x22e: {  	vm15 =	vlt.s32 v15, s21;
	v1 =	vmul.f32 v17, v62;
	v5 =	vmul.f32 v20, v5  }
0x22f: {  	v10 =	vadd.f32 v16, v10;
	vm8 =	vge.s32 v15, s20;
	v19 =	vmul.f32 v8, v6  }
0x230: {  	v17 =	vadd.f32 v5, v1;
	vm8 =	vmand vm8, vm15;
	v8 =	vadd.f32 v60, v0  }
0x231: {  	v5 =	vsel vm8, v2, v63;
	v6 =	vadd.f32 v4, v3;
	v16 =	vadd.f32 v61, v19  }
0x232: {  	v0 =	vand.u32 $0x7FFFFF, v13  }
0x233: {  	v0 =	vor.u32 $0x3F800000, v0  }
0x234: {  	v1 =	vmul.f32 $5.000000000e-01, v0  }
0x235: {  	vm8 =	vgt.f32 v0, $1.414213540e+00  }
0x236: {  	v0 =	vsel vm8, v1, v0  }
0x237: {  	v1 =	vadd.f32 $1.000000000e+00, v0;
	_ =	sdelay $0x1  }
0x238: {  	(erf) = vrcp.f32 v1;
	_ =	sdelay $0x7  }
0x239: {  	v0 =	vadd.f32 $-1.000000000e+00, v0  }
0x23a: {  	v1 =	vpop (erf)  }
0x23b: {  	v0 =	vmul.f32 v1, v0;
	_ =	sdelay $0x1  }
0x23c: {  	v1 =	vmul.f32 v0, v0;
	_ =	sdelay $0x1  }
0x23d: {  	v2 =	vmul.f32 $1.428571490e-01, v1;
	_ =	sdelay $0x1  }
0x23e: {  	v2 =	vadd.f32 $2.000000030e-01, v2;
	_ =	sdelay $0x1  }
0x23f: {  	v2 =	vmul.f32 v2, v1;
	_ =	sdelay $0x1  }
0x240: {  	v3 =	vshrl.u32 v13, $0x17;
	v50 =	vimm.s32 $0x0;
	v2 =	vadd.f32 $3.333333430e-01, v2  }
0x241: {  	v3 =	vand.u32 $0xFF, v3;
	v4 =	vsel vm8, $0x1, v50  }
0x242: {  	v3 =	vadd.s32 v4, v3;
	v1 =	vmul.f32 v2, v1  }
0x243: {  	v62 =	vadd.s32 $0xFFFFFF81, v3  }
0x244: {  	v0 =	vadd.f32 v0, v0;
	v2 =	vcvt.s32.f32 v62;
	v1 =	vadd.f32 $1.000000000e+00, v1;
	_ =	sdelay $0x1  }
0x245: {  	v63 =	vmul.f32 $6.931471820e-01, v2;
	v0 =	vmul.f32 v1, v0;
	_ =	sdelay $0x1  }
0x246: {  	v40 =	vsub.f32 v33, v43;
	v41 =	vand.u32 $0x7FFFFF, v12;
	v0 =	vadd.f32 v0, v63  }
0x247: {  	v1 =	vor.u32 $0x3F800000, v41  }
0x248: {  	v46 =	vmul.f32 $5.000000000e-01, v1;
	v19 =	vsub.f32 v40, v0  }
0x249: {  	vm13 =	vgt.f32 v1, $1.414213540e+00  }
0x24a: {  	v0 =	vsel vm13, v46, v1;
	v2 =	vmul.f32 $1.442695020e+00, v19  }
0x24b: {  	v1 =	vadd.f32 $1.000000000e+00, v0  }
0x24c: {  	(erf) = vpow2.f32 v2  }
0x24d: {  	(erf) = vrcp.f32 v1;
	_ =	sdelay $0x7  }
0x24e: {  	v0 =	vadd.f32 $-1.000000000e+00, v0;
	v23 =	vpop (erf)  }
0x24f: {  	v1 =	vpop (erf)  }
0x250: {  	v0 =	vmul.f32 v1, v0;
	_ =	sdelay $0x1  }
0x251: {  	v1 =	vmul.f32 v0, v0;
	_ =	sdelay $0x1  }
0x252: {  	v47 =	vmul.f32 $1.428571490e-01, v1;
	_ =	sdelay $0x1  }
0x253: {  	v2 =	vadd.f32 $2.000000030e-01, v47;
	_ =	sdelay $0x1  }
0x254: {  	v2 =	vmul.f32 v2, v1;
	_ =	sdelay $0x1  }
0x255: {  	v3 =	vshrl.u32 v12, $0x17;
	v2 =	vadd.f32 $3.333333430e-01, v2  }
0x256: {  	v3 =	vand.u32 $0xFF, v3;
	v4 =	vsel vm13, $0x1, v50  }
0x257: {  	v3 =	vadd.s32 v4, v3;
	v1 =	vmul.f32 v2, v1  }
0x258: {  	v48 =	vadd.s32 $0xFFFFFF81, v3  }
0x259: {  	v0 =	vadd.f32 v0, v0;
	v2 =	vcvt.s32.f32 v48;
	v1 =	vadd.f32 $1.000000000e+00, v1;
	_ =	sdelay $0x1  }
0x25a: {  	v49 =	vmul.f32 $6.931471820e-01, v2;
	v0 =	vmul.f32 v1, v0;
	_ =	sdelay $0x1  }
0x25b: {  	v51 =	vsub.f32 v27, v45;
	v52 =	vand.u32 $0x7FFFFF, v11;
	v0 =	vadd.f32 v0, v49  }
0x25c: {  	v1 =	vor.u32 $0x3F800000, v52  }
0x25d: {  	v53 =	vmul.f32 $5.000000000e-01, v1;
	v20 =	vsub.f32 v51, v0  }
0x25e: {  	vm14 =	vgt.f32 v1, $1.414213540e+00  }
0x25f: {  	v0 =	vsel vm14, v53, v1;
	v2 =	vmul.f32 $1.442695020e+00, v20  }
0x260: {  	v1 =	vadd.f32 $1.000000000e+00, v0  }
0x261: {  	(erf) = vpow2.f32 v2  }
0x262: {  	(erf) = vrcp.f32 v1;
	_ =	sdelay $0x7  }
0x263: {  	v0 =	vadd.f32 $-1.000000000e+00, v0;
	v28 =	vpop (erf)  }
0x264: {  	v1 =	vpop (erf)  }
0x265: {  	v0 =	vmul.f32 v1, v0;
	_ =	sdelay $0x1  }
0x266: {  	v1 =	vmul.f32 v0, v0;
	_ =	sdelay $0x1  }
0x267: {  	v54 =	vmul.f32 $1.428571490e-01, v1;
	_ =	sdelay $0x1  }
0x268: {  	v2 =	vadd.f32 $2.000000030e-01, v54;
	_ =	sdelay $0x1  }
0x269: {  	v2 =	vmul.f32 v2, v1;
	_ =	sdelay $0x1  }
0x26a: {  	v3 =	vshrl.u32 v11, $0x17;
	v2 =	vadd.f32 $3.333333430e-01, v2  }
0x26b: {  	v3 =	vand.u32 $0xFF, v3;
	v4 =	vsel vm14, $0x1, v50  }
0x26c: {  	v3 =	vadd.s32 v4, v3;
	v1 =	vmul.f32 v2, v1  }
0x26d: {  	v55 =	vadd.s32 $0xFFFFFF81, v3  }
0x26e: {  	v0 =	vadd.f32 v0, v0;
	v2 =	vcvt.s32.f32 v55;
	v1 =	vadd.f32 $1.000000000e+00, v1;
	_ =	sdelay $0x1  }
0x26f: {  	v56 =	vmul.f32 $6.931471820e-01, v2;
	v0 =	vmul.f32 v1, v0;
	_ =	sdelay $0x1  }
0x270: {  	v57 =	vsub.f32 v25, v31;
	v58 =	vand.u32 $0x7FFFFF, v8;
	v0 =	vadd.f32 v0, v56  }
0x271: {  	v1 =	vor.u32 $0x3F800000, v58  }
0x272: {  	v59 =	vmul.f32 $5.000000000e-01, v1;
	v24 =	vsub.f32 v57, v0  }
0x273: {  	vm15 =	vgt.f32 v1, $1.414213540e+00  }
0x274: {  	v1 =	vsel vm15, v59, v1;
	v2 =	vmul.f32 $1.442695020e+00, v24  }
0x275: {  	v0 =	vadd.f32 $1.000000000e+00, v1  }
0x276: {  	(erf) = vpow2.f32 v2  }
0x277: {  	(erf) = vrcp.f32 v0;
	_ =	sdelay $0x7  }
0x278: {  	v1 =	vadd.f32 $-1.000000000e+00, v1;
	v0 =	vpop (erf)  }
0x279: {  	v60 =	vpop (erf)  }
0x27a: {  	v1 =	vmul.f32 v60, v1;
	_ =	sdelay $0x1  }
0x27b: {  	v2 =	vmul.f32 v1, v1;
	_ =	sdelay $0x1  }
0x27c: {  	v3 =	vmul.f32 $1.428571490e-01, v2;
	_ =	sdelay $0x1  }
0x27d: {  	v3 =	vadd.f32 $2.000000030e-01, v3;
	_ =	sdelay $0x1  }
0x27e: {  	v3 =	vmul.f32 v3, v2;
	_ =	sdelay $0x1  }
0x27f: {  	v4 =	vshrl.u32 v8, $0x17;
	v3 =	vadd.f32 $3.333333430e-01, v3  }
0x280: {  	v4 =	vand.u32 $0xFF, v4;
	v29 =	vsel vm15, $0x1, v50  }
0x281: {  	v4 =	vadd.s32 v29, v4;
	v2 =	vmul.f32 v3, v2  }
0x282: {  	v3 =	vadd.s32 $0xFFFFFF81, v4  }
0x283: {  	v1 =	vadd.f32 v1, v1;
	v3 =	vcvt.s32.f32 v3;
	v2 =	vadd.f32 $1.000000000e+00, v2;
	_ =	sdelay $0x1  }
0x284: {  	v61 =	vmul.f32 $6.931471820e-01, v3;
	v1 =	vmul.f32 v2, v1;
	_ =	sdelay $0x1  }
0x285: {  	v62 =	vand.u32 $0x7FFFFF, v6;
	v3 =	vsub.f32 v22, v35;
	v1 =	vadd.f32 v1, v61  }
0x286: {  	v2 =	vor.u32 $0x3F800000, v62  }
0x287: {  	v1 =	vsub.f32 v3, v1;
	v3 =	vmul.f32 $5.000000000e-01, v2  }
0x288: {  	vm12 =	vgt.f32 v2, $1.414213540e+00  }
0x289: {  	v4 =	vmul.f32 $1.442695020e+00, v1;
	v2 =	vsel vm12, v3, v2  }
0x28a: {  	v3 =	vadd.f32 $1.000000000e+00, v2  }
0x28b: {  	(erf) = vpow2.f32 v4  }
0x28c: {  	(erf) = vrcp.f32 v3;
	_ =	sdelay $0x7  }
0x28d: {  	v2 =	vadd.f32 $-1.000000000e+00, v2;
	v3 =	vpop (erf)  }
0x28e: {  	v4 =	vpop (erf)  }
0x28f: {  	v2 =	vmul.f32 v4, v2;
	_ =	sdelay $0x1  }
0x290: {  	v4 =	vmul.f32 v2, v2;
	_ =	sdelay $0x1  }
0x291: {  	v29 =	vmul.f32 $1.428571490e-01, v4;
	_ =	sdelay $0x1  }
0x292: {  	v29 =	vadd.f32 $2.000000030e-01, v29;
	_ =	sdelay $0x1  }
0x293: {  	v29 =	vmul.f32 v29, v4;
	_ =	sdelay $0x1  }
0x294: {  	v30 =	vshrl.u32 v6, $0x17;
	v29 =	vadd.f32 $3.333333430e-01, v29  }
0x295: {  	v30 =	vand.u32 $0xFF, v30;
	v40 =	vsel vm12, $0x1, v50  }
0x296: {  	v30 =	vadd.s32 v40, v30;
	v4 =	vmul.f32 v29, v4  }
0x297: {  	v29 =	vadd.s32 $0xFFFFFF81, v30  }
0x298: {  	v2 =	vadd.f32 v2, v2;
	v29 =	vcvt.s32.f32 v29;
	v4 =	vadd.f32 $1.000000000e+00, v4;
	_ =	sdelay $0x1  }
0x299: {  	v2 =	vmul.f32 v4, v2;
	v4 =	vmul.f32 $6.931471820e-01, v29;
	_ =	sdelay $0x1  }
0x29a: {  	v29 =	vsub.f32 v14, v39;
	v2 =	vadd.f32 v2, v4;
	v4 =	vand.u32 $0x7FFFFF, v10  }
0x29b: {  	v4 =	vor.u32 $0x3F800000, v4  }
0x29c: {  	v2 =	vsub.f32 v29, v2;
	v29 =	vmul.f32 $5.000000000e-01, v4  }
0x29d: {  	vm13 =	vgt.f32 v4, $1.414213540e+00  }
0x29e: {  	v30 =	vmul.f32 $1.442695020e+00, v2;
	v4 =	vsel vm13, v29, v4  }
0x29f: {  	v29 =	vadd.f32 $1.000000000e+00, v4  }
0x2a0: {  	(erf) = vpow2.f32 v30  }
0x2a1: {  	(erf) = vrcp.f32 v29;
	_ =	sdelay $0x7  }
0x2a2: {  	v4 =	vadd.f32 $-1.000000000e+00, v4;
	v29 =	vpop (erf)  }
0x2a3: {  	v30 =	vpop (erf)  }
0x2a4: {  	v4 =	vmul.f32 v30, v4;
	_ =	sdelay $0x1  }
0x2a5: {  	v30 =	vmul.f32 v4, v4;
	_ =	sdelay $0x1  }
0x2a6: {  	v63 =	vmul.f32 $1.428571490e-01, v30;
	_ =	sdelay $0x1  }
0x2a7: {  	v40 =	vadd.f32 $2.000000030e-01, v63;
	_ =	sdelay $0x1  }
0x2a8: {  	v40 =	vmul.f32 v40, v30;
	_ =	sdelay $0x1  }
0x2a9: {  	v41 =	vshrl.u32 v10, $0x17;
	v40 =	vadd.f32 $3.333333430e-01, v40  }
0x2aa: {  	v41 =	vand.u32 $0xFF, v41;
	v46 =	vsel vm13, $0x1, v50  }
0x2ab: {  	v41 =	vadd.s32 v46, v41;
	v30 =	vmul.f32 v40, v30  }
0x2ac: {  	v46 =	vadd.s32 $0xFFFFFF81, v41  }
0x2ad: {  	v4 =	vadd.f32 v4, v4;
	v40 =	vcvt.s32.f32 v46;
	v30 =	vadd.f32 $1.000000000e+00, v30;
	_ =	sdelay $0x1  }
0x2ae: {  	v4 =	vmul.f32 v30, v4;
	v30 =	vmul.f32 $6.931471820e-01, v40;
	_ =	sdelay $0x1  }
0x2af: {  	v47 =	vsub.f32 v9, v37;
	v4 =	vadd.f32 v4, v30;
	v30 =	vand.u32 $0x7FFFFF, v16  }
0x2b0: {  	v30 =	vor.u32 $0x3F800000, v30  }
0x2b1: {  	v4 =	vsub.f32 v47, v4;
	v48 =	vmul.f32 $5.000000000e-01, v30  }
0x2b2: {  	vm14 =	vgt.f32 v30, $1.414213540e+00  }
0x2b3: {  	v49 =	vmul.f32 $1.442695020e+00, v4;
	v30 =	vsel vm14, v48, v30  }
0x2b4: {  	v40 =	vadd.f32 $1.000000000e+00, v30  }
0x2b5: {  	(erf) = vpow2.f32 v49  }
0x2b6: {  	(erf) = vrcp.f32 v40;
	_ =	sdelay $0x7  }
0x2b7: {  	v30 =	vadd.f32 $-1.000000000e+00, v30;
	v40 =	vpop (erf)  }
0x2b8: {  	v51 =	vpop (erf)  }
0x2b9: {  	v30 =	vmul.f32 v51, v30;
	_ =	sdelay $0x1  }
0x2ba: {  	v41 =	vmul.f32 v30, v30;
	_ =	sdelay $0x1  }
0x2bb: {  	v52 =	vmul.f32 $1.428571490e-01, v41;
	_ =	sdelay $0x1  }
0x2bc: {  	v46 =	vadd.f32 $2.000000030e-01, v52;
	_ =	sdelay $0x1  }
0x2bd: {  	v46 =	vmul.f32 v46, v41;
	_ =	sdelay $0x1  }
0x2be: {  	v47 =	vshrl.u32 v16, $0x17;
	v46 =	vadd.f32 $3.333333430e-01, v46  }
0x2bf: {  	v47 =	vand.u32 $0xFF, v47;
	v48 =	vsel vm14, $0x1, v50  }
0x2c0: {  	v47 =	vadd.s32 v48, v47;
	v41 =	vmul.f32 v46, v41  }
0x2c1: {  	v53 =	vadd.s32 $0xFFFFFF81, v47  }
0x2c2: {  	v30 =	vadd.f32 v30, v30;
	v46 =	vcvt.s32.f32 v53;
	v41 =	vadd.f32 $1.000000000e+00, v41;
	_ =	sdelay $0x1  }
0x2c3: {  	v54 =	vmul.f32 $6.931471820e-01, v46;
	v30 =	vmul.f32 v41, v30;
	_ =	sdelay $0x1  }
0x2c4: {  	v55 =	vsub.f32 v7, v34;
	v56 =	vand.u32 $0x7FFFFF, v17;
	v30 =	vadd.f32 v30, v54  }
0x2c5: {  	v41 =	vor.u32 $0x3F800000, v56  }
0x2c6: {  	v57 =	vmul.f32 $5.000000000e-01, v41;
	v30 =	vsub.f32 v55, v30  }
0x2c7: {  	vm15 =	vgt.f32 v41, $1.414213540e+00  }
0x2c8: {  	v41 =	vsel vm15, v57, v41;
	v58 =	vmul.f32 $1.442695020e+00, v30  }
0x2c9: {  	v46 =	vadd.f32 $1.000000000e+00, v41  }
0x2ca: {  	(erf) = vpow2.f32 v58  }
0x2cb: {  	(erf) = vrcp.f32 v46;
	_ =	sdelay $0x7  }
0x2cc: {  	v41 =	vadd.f32 $-1.000000000e+00, v41;
	v59 =	vpop (erf)  }
0x2cd: {  	v60 =	vpop (erf)  }
0x2ce: {  	v41 =	vmul.f32 v60, v41;
	_ =	sdelay $0x1  }
0x2cf: {  	v47 =	vmul.f32 v41, v41  }
0x2d0: {  	v38 =	vld.idx.msk [tilespmem:v38+s12+$0x0], $0xffff  }
0x2d1: {  	v36 =	vld.idx.msk [tilespmem:v36+s12+$0x0], $0xffff;
	v61 =	vmul.f32 $1.428571490e-01, v47;
	_ =	sdelay $0x1  }
0x2d2: {  	v48 =	vadd.f32 $2.000000030e-01, v61;
	_ =	sdelay $0x1  }
0x2d3: {  	v38 =	vsub.f32 $0.0e+00, v38;
	v23 =	vsub.f32 $1.000000000e+00, v23;
	v48 =	vmul.f32 v48, v47  }
0x2d4: {  	v36 =	vsub.f32 $0.0e+00, v36  }
0x2d5: {  	v38 =	vmul.f32 v38, v23;
	v49 =	vshrl.u32 v17, $0x17;
	v48 =	vadd.f32 $3.333333430e-01, v48  }
0x2d6: {  	v28 =	vsub.f32 $1.000000000e+00, v28;
	v49 =	vand.u32 $0xFF, v49;
	v50 =	vsel vm15, $0x1, v50  }
0x2d7: {  	v42 =	vld.idx.msk [tilespmem:v42+s12+$0x0], $0xffff;
	v49 =	vadd.s32 v50, v49;
	v47 =	vmul.f32 v48, v47  }
0x2d8: {  	v23 =	vmul.f32 v38, v23;
	v36 =	vmul.f32 v36, v28;
	v62 =	vadd.s32 $0xFFFFFF81, v49  }
0x2d9: {  	v26 =	vld.idx.msk [tilespmem:v26+s12+$0x0], $0xffff;
	v41 =	vadd.f32 v41, v41;
	v48 =	vcvt.s32.f32 v62;
	v47 =	vadd.f32 $1.000000000e+00, v47  }
0x2da: {  	v44 =	vld.idx.msk [tilespmem:v44+s12+$0x0], $0xffff;
	v19 =	vmul.f32 v23, v19;
	v28 =	vmul.f32 v36, v28  }
0x2db: {  	v51 =	vld [tilespmem:$0x1FFF0];
	v48 =	vmul.f32 $6.931471820e-01, v48;
	v63 =	vmul.f32 v47, v41  }
0x2dc: {  	v20 =	vmul.f32 v28, v20;
	v0 =	vsub.f32 $1.000000000e+00, v0;
	v50 =	vsub.f32 $0.0e+00, v42  }
0x2dd: {  	v56 =	vld [tilespmem:$0x1FFE0];
	v49 =	vsub.f32 v5, v32;
	v23 =	vadd.f32 v63, v48  }
0x2de: {  	v26 =	vsub.f32 $0.0e+00, v26;
	v19 =	vsel vm0, $0x0, v19;
	v20 =	vsel vm1, $0x0, v20  }
0x2df: {  	v3 =	vsub.f32 $1.000000000e+00, v3;
	v52 =	vmul.f32 v50, v0;
	v23 =	vsub.f32 v49, v23  }
0x2e0: {  	v21 =	vld.idx.msk [tilespmem:v21+s12+$0x0], $0xffff;
	v19 =	vadd.f32 v19, v51;
	v53 =	vsub.f32 $0.0e+00, v44;
	v55 =	vimm.f32 $1.000000000e+00  }
0x2e1: {  	v28 =	vsel vm0, $0x0, v55;
	v0 =	vmul.f32 v52, v0;
	v54 =	vmul.f32 $1.442695020e+00, v23  }
0x2e2: {  	v19 =	vadd.f32 v20, v19;
	v57 =	vmul.f32 v53, v3;
	v28 =	vadd.f32 v28, v56  }
0x2e3: {  	v0 =	vmul.f32 v0, v24;
	v24 =	vsel vm1, $0x0, v55;
	(erf) = vpow2.f32 v54  }
0x2e4: {  	v18 =	vld.idx.msk [tilespmem:v18+s12+$0x0], $0xffff;
	v20 =	vadd.f32 v24, v28;
	v24 =	vsub.f32 $1.000000000e+00, v29  }
0x2e5: {  	v15 =	vld.idx.msk [tilespmem:v15+s12+$0x0], $0xffff;
	v21 =	vsub.f32 $0.0e+00, v21;
	v3 =	vmul.f32 v57, v3;
	v0 =	vsel vm2, $0x0, v0  }
0x2e6: {  	v0 =	vadd.f32 v0, v19;
	v19 =	vmul.f32 v26, v24;
	v26 =	vsub.f32 $1.000000000e+00, v40  }
0x2e7: {  	v1 =	vmul.f32 v3, v1  }
0x2e8: {  	v58 =	vmul.f32 v19, v24;
	v19 =	vmul.f32 v21, v26  }
0x2e9: {  	v18 =	vsub.f32 $0.0e+00, v18;
	v3 =	vsel vm2, $0x0, v55  }
0x2ea: {  	v15 =	vsub.f32 $0.0e+00, v15;
	v1 =	vsel vm3, $0x0, v1;
	v3 =	vadd.f32 v3, v20  }
0x2eb: {  	v0 =	vadd.f32 v1, v0;
	v20 =	vsub.f32 $1.000000000e+00, v59  }
0x2ec: {  	v21 =	vsel vm3, $0x0, v55;
	v1 =	vmul.f32 v58, v2;
	v59 =	vmul.f32 v19, v26;
	v19 =	vpop (erf)  }
0x2ed: {  	v3 =	vadd.f32 v21, v3;
	v18 =	vmul.f32 v18, v20;
	v19 =	vsub.f32 $1.000000000e+00, v19  }
0x2ee: {  	v1 =	vsel vm4, $0x0, v1;
	v2 =	vmul.f32 v59, v4;
	v4 =	vsel vm4, $0x0, v55  }
0x2ef: {  	v60 =	vadd.f32 v4, v3;
	v18 =	vmul.f32 v18, v20;
	v15 =	vmul.f32 v15, v19  }
0x2f0: {  	v0 =	vadd.f32 v1, v0;
	v3 =	vsel vm5, $0x0, v55;
	v2 =	vsel vm5, $0x0, v2  }
0x2f1: {  	v1 =	vadd.f32 v3, v60;
	v4 =	vmul.f32 v18, v30;
	v15 =	vmul.f32 v15, v19  }
0x2f2: {  	v0 =	vadd.f32 v2, v0;
	v3 =	vsel vm6, $0x0, v55  }
0x2f3: {  	v1 =	vadd.f32 v3, v1;
	v61 =	vsel vm6, $0x0, v4;
	v4 =	vmul.f32 v15, v23  }
.Ltmp6:
0x2f4: {  	v3 =	vsel vm7, $0x0, v55;
	v0 =	vadd.f32 v61, v0;
	(pc) =	sbr.rel .LBB2_6-.Ltmp6, $4  }
0x2f5: {  	v63 =	vadd.f32 v3, v1;
	v62 =	vsel vm7, $0x0, v4  }
0x2f6: {  	v0 =	vadd.f32 v62, v0  }
0x2f7: {  	[tilespmem:$0x1FFE0] =	vst v63  }
0x2f8: {  	[tilespmem:$0x1FFF0] =	vst v0  }
.LBB2_8:
0x2f9: {  	_ =	sfence.sel $0x180000  }
0x2fa: {  	[bflag:$0x0] =	sbarrier.arrive $0xFFFF  }
0x2fb: {  	p0 =	sne.s32 s2, $0x0;
	_ =	strace $0x90000047  }
0x2fc: {  	s0 =	sadd.s32 @!p0 $0x100000, s1;
	[bflag:$0x2] =	sbarrier.arrive $0xFFFF  }
0x2fd: {  	[sflag:s0] =	ssyncadd.tile.s32 @!p0 $0x1;
	_ =	shalt  }
.Lfunc_end2:
_tile_overlayer_lowered:
.L_overlay_start_2:
0x2fe: {  	(tag) =	ssettag $0x2  }
0x2ff: {  	s0 =	rddreg [dreg:$0x0];
	s2 =	stileid.u32  }
0x300: {  	s1 =	rddreg [dreg:$0x1];
	p0 =	sne.s32 s2, $0x0  }
0x301: {  	s3 =	rddreg [dreg:$0x2];
	[bflag:$0x3] =	sbarrier.arrive $0xFFFF;
	s2 =	simm.s32 @!p0 $0x1C03  }
0x302: {  	[timem:s3], [sflag:s2] =	dma.local @!p0 [hbm:s0], s1  }
0x303: {  	s0 =	simm.s32 @!p0 $0x3  }
0x304: {  	_ =	swait.ge @!p0 [sflag:s0], s1  }
0x305: {  	s1 =	ssub.s32 @!p0 $0x0, s1;
	[sflag:s0] =	ssyncset.done @!p0 $0x0  }
0x306: {  	[sflag:s0] =	ssyncadd.s32 @!p0 s1  }
0x307: {  	[bflag:$0x3] =	sbarrier.arrive $0xFFFF  }
0x308: {  	_ =	shalt  }

</sc_bundles>
